<compile_context>
chip_gen: v7x
topology: tpu7x:2x2x1
jax: 0.10.2.dev20260603
libtpu: 0.0.44.dev20260713+nightly
codegen_flags: <defaults>
</compile_context>

<pallas_src>
import functools

import jax
import jax.numpy as jnp
from jax import lax
from jax.experimental import pallas as pl
from jax.experimental.pallas import tpu as pltpu
from jax.experimental.pallas import tpu_sc as plsc

N_NODES = 10000
IN_DIM = 128
HID = 64
OUT_DIM = 128

NC = 2
NS = 16
L = 16
CHUNK = 128
NBUF = 3
ROWS_PER_TILE = 640
NROWS = NS * ROWS_PER_TILE
DUMMY = N_NODES
DEGW = 16
CORE_RATIO = 1

_params = pltpu.CompilerParams(use_tc_tiling_on_sc=False)


def _mesh():
    return plsc.VectorSubcoreMesh(core_axis_name="c", subcore_axis_name="s")


def _splits(e):
    total = -(-e // CHUNK)
    t0 = -(-total // NS)
    k1 = max(NBUF, ((t0 + CORE_RATIO) // (CORE_RATIO + 1) + NBUF - 1) // NBUF * NBUF)
    k0 = (max(t0 - k1, NBUF) + NBUF - 1) // NBUF * NBUF
    return k0, k1


def _count(cid, k0, k1):
    return jnp.where(cid == 0, k0, k1)


@functools.lru_cache(maxsize=None)
def _deg_call(k0, k1):

    @functools.partial(
        pl.kernel,
        out_type=jax.ShapeDtypeStruct((NC, NROWS, DEGW), jnp.float32),
        mesh=_mesh(),
        scratch_types=[
            pltpu.VMEM((k0, CHUNK), jnp.int32),
            pltpu.VMEM((CHUNK, DEGW), jnp.float32),
            pltpu.VMEM((CHUNK, DEGW), jnp.float32),
            pltpu.VMEM_SHARED((NROWS, DEGW), jnp.float32),
        ],
        compiler_params=_params,
    )
    def deg_kernel(cols0_hbm, cols1_hbm, out_hbm, colbuf, zbuf, obuf, hist):
        cid = lax.axis_index("c")
        sid = lax.axis_index("s")

        def fill(i, _):
            zbuf[i, :] = jnp.zeros((L,), jnp.float32)
            obuf[i, :] = jnp.full((L,), 1.0, jnp.float32)
            return 0

        lax.fori_loop(0, CHUNK, fill, 0)

        for b in range(ROWS_PER_TILE // CHUNK):
            pltpu.sync_copy(zbuf, hist.at[pl.ds(sid * ROWS_PER_TILE + b * CHUNK, CHUNK)])
        plsc.subcore_barrier()

        @pl.when(cid == 0)
        def _():
            pltpu.sync_copy(cols0_hbm.at[sid], colbuf.at[pl.ds(0, k0)])

        @pl.when(cid == 1)
        def _():
            pltpu.sync_copy(cols1_hbm.at[sid], colbuf.at[pl.ds(0, k1)])

        def step(j, _):
            pltpu.sync_copy(obuf, hist.at[colbuf.at[j]], add=True)
            return 0

        lax.fori_loop(0, _count(cid, k0, k1), step, 0)
        plsc.subcore_barrier()

        for b in range(ROWS_PER_TILE // CHUNK):
            r0 = sid * ROWS_PER_TILE + b * CHUNK
            pltpu.sync_copy(hist.at[pl.ds(r0, CHUNK)], zbuf)
            pltpu.sync_copy(zbuf, out_hbm.at[cid, pl.ds(r0, CHUNK)])

    return deg_kernel


@functools.lru_cache(maxsize=None)
def _accum_call(d, k0, k1):
    kmax = max(k0, k1)

    @functools.partial(
        pl.kernel,
        out_type=jax.ShapeDtypeStruct((NC, NROWS, d), jnp.float32),
        mesh=_mesh(),
        scratch_types=[
            pltpu.VMEM((kmax, CHUNK), jnp.int32),
            pltpu.VMEM((kmax, CHUNK), jnp.int32),
            [pltpu.VMEM((CHUNK, d), jnp.float32) for _ in range(NBUF)],
            pltpu.SemaphoreType.DMA((NBUF,)),
            pltpu.VMEM_SHARED((NROWS, d), jnp.float32),
            pltpu.VMEM_SHARED((NROWS, d), jnp.float32),
        ],
        compiler_params=_params,
    )
    def accum_kernel(g_hbm, rows0_hbm, cols0_hbm, rows1_hbm, cols1_hbm, out_hbm,
                     rowbuf, colbuf, bufs, sem, gtab, accum):
        cid = lax.axis_index("c")
        sid = lax.axis_index("s")
        count = _count(cid, k0, k1)
        buf0 = bufs[0]

        def fill(i, _):
            for k in range(d // L):
                buf0[i, pl.ds(k * L, L)] = jnp.zeros((L,), jnp.float32)
            return 0

        lax.fori_loop(0, CHUNK, fill, 0)

        r_own = pl.ds(sid * ROWS_PER_TILE, ROWS_PER_TILE)
        pltpu.sync_copy(g_hbm.at[r_own], gtab.at[r_own])
        for b in range(ROWS_PER_TILE // CHUNK):
            pltpu.sync_copy(buf0, accum.at[pl.ds(sid * ROWS_PER_TILE + b * CHUNK, CHUNK)])
        plsc.subcore_barrier()

        @pl.when(cid == 0)
        def _():
            pltpu.sync_copy(rows0_hbm.at[sid], rowbuf.at[pl.ds(0, k0)])
            pltpu.sync_copy(cols0_hbm.at[sid], colbuf.at[pl.ds(0, k0)])

        @pl.when(cid == 1)
        def _():
            pltpu.sync_copy(rows1_hbm.at[sid], rowbuf.at[pl.ds(0, k1)])
            pltpu.sync_copy(cols1_hbm.at[sid], colbuf.at[pl.ds(0, k1)])

        for b in range(NBUF):
            pltpu.async_copy(gtab.at[rowbuf.at[b]], bufs[b], sem.at[b])

        def step(t, _):
            for b in range(NBUF):
                j = t * NBUF + b
                pltpu.make_async_copy(gtab.at[rowbuf.at[j]], bufs[b], sem.at[b]).wait()
                pltpu.sync_copy(bufs[b], accum.at[colbuf.at[j]], add=True)

                @pl.when(j + NBUF < count)
                def _():
                    pltpu.async_copy(
                        gtab.at[rowbuf.at[j + NBUF]], bufs[b], sem.at[b])
            return 0

        lax.fori_loop(0, count // NBUF, step, 0)
        plsc.subcore_barrier()

        for b in range(ROWS_PER_TILE // CHUNK):
            r0 = sid * ROWS_PER_TILE + b * CHUNK
            pltpu.sync_copy(accum.at[pl.ds(r0, CHUNK)], buf0)
            pltpu.sync_copy(buf0, out_hbm.at[cid, pl.ds(r0, CHUNK)])

    return accum_kernel


def _dinv_from_hist(hist):
    deg = hist[0, :N_NODES, 0] + hist[1, :N_NODES, 0] + 1.0
    return lax.rsqrt(deg)


def _t1_body(hist_ref, x_ref, w1_ref, g1_ref, dinv_ref):
    dinv = _dinv_from_hist(hist_ref[...])
    h = jnp.dot(x_ref[...], w1_ref[...].T, preferred_element_type=jnp.float32)
    g1_ref[...] = jnp.concatenate(
        [h * dinv[:, None], jnp.zeros((NROWS - N_NODES, HID), jnp.float32)], axis=0)
    dinv_ref[...] = dinv[:, None]


def _t2_body(dinv_ref, p_ref, g1_ref, b1_ref, gamma_ref, beta_ref, w2_ref, g2_ref):
    dinv = dinv_ref[...]
    p = p_ref[...]
    a = (p[0, :N_NODES] + p[1, :N_NODES] + g1_ref[:N_NODES]) * dinv + b1_ref[...]
    mean = jnp.mean(a, axis=0)
    var = jnp.mean((a - mean) ** 2, axis=0)
    bn = (a - mean) * lax.rsqrt(var + 1e-5) * gamma_ref[...] + beta_ref[...]
    r = jnp.maximum(bn, 0.0)
    h2 = jnp.dot(r, w2_ref[...].T, preferred_element_type=jnp.float32)
    g2 = h2 * dinv
    z = jnp.zeros((NROWS - N_NODES, HID), jnp.float32)
    g2_ref[0] = jnp.concatenate([g2[:, :HID], z], axis=0)
    g2_ref[1] = jnp.concatenate([g2[:, HID:], z], axis=0)


def _t3_body(dinv_ref, qa_ref, qb_ref, g2_ref, b2_ref, out_ref):
    dinv = dinv_ref[...]
    qa = qa_ref[...]
    qb = qb_ref[...]
    g2 = g2_ref[...]
    oa = (qa[0] + qa[1] + g2[0]) * dinv
    ob = (qb[0] + qb[1] + g2[1]) * dinv
    out_ref[...] = jnp.concatenate([oa, ob], axis=1) + b2_ref[...]


def kernel(x, edge_index, W1, b1, gamma, beta, W2, b2):
    e = edge_index.shape[1]
    k0, k1 = _splits(e)
    t = k0 + k1
    e_pad = NS * t * CHUNK
    pad = e_pad - e
    dummy_cols = DUMMY + (jnp.arange(pad, dtype=jnp.int32) % (NROWS - N_NODES))
    rows = jnp.concatenate(
        [edge_index[0], jnp.zeros((pad,), jnp.int32)]).reshape(NS, t, CHUNK)
    cols = jnp.concatenate(
        [edge_index[1], dummy_cols]).reshape(NS, t, CHUNK)
    rows0, rows1 = rows[:, :k0], rows[:, k0:]
    cols0, cols1 = cols[:, :k0], cols[:, k0:]

    hist = _deg_call(k0, k1)(cols0, cols1)

    g1, dinv = pl.pallas_call(
        _t1_body,
        out_shape=(jax.ShapeDtypeStruct((NROWS, HID), jnp.float32),
                   jax.ShapeDtypeStruct((N_NODES, 1), jnp.float32)),
    )(hist, x, W1)

    acc = _accum_call(HID, k0, k1)
    p1 = acc(g1, rows0, cols0, rows1, cols1)

    g2 = pl.pallas_call(
        _t2_body,
        out_shape=jax.ShapeDtypeStruct((2, NROWS, HID), jnp.float32),
    )(dinv, p1, g1, b1.reshape(1, HID), gamma.reshape(1, HID),
      beta.reshape(1, HID), W2)

    p2a = acc(g2[0], rows0, cols0, rows1, cols1)
    p2b = acc(g2[1], rows0, cols0, rows1, cols1)

    blk = 1000
    grid = N_NODES // blk
    out = pl.pallas_call(
        _t3_body,
        grid=(grid,),
        in_specs=[
            pl.BlockSpec((blk, 1), lambda i: (i, 0)),
            pl.BlockSpec((NC, blk, HID), lambda i: (0, i, 0)),
            pl.BlockSpec((NC, blk, HID), lambda i: (0, i, 0)),
            pl.BlockSpec((2, blk, HID), lambda i: (0, i, 0)),
            pl.BlockSpec((1, OUT_DIM), lambda i: (0, 0)),
        ],
        out_specs=pl.BlockSpec((blk, OUT_DIM), lambda i: (i, 0)),
        out_shape=jax.ShapeDtypeStruct((N_NODES, OUT_DIM), jnp.float32),
    )(dinv, p2a, p2b, g2, b2.reshape(1, OUT_DIM))

    return out

# --- scband reference (transcript-rebuilt; emitter-appended) ---
"""Pipeline reference for scband-gcnencoder-1683627180498 (READ-ONLY COPY).

The authoritative reference and input builder live on the scoring server;
editing this copy changes nothing except your own understanding.
"""

import jax, jax.numpy as jnp
import numpy as np

N_NODES = 10000
N_EDGES = 320000
IN_DIM = 128
HID = 64
OUT_DIM = 128


def gcn_conv(x, edge_index, W, b, num_nodes):
    # GCNConv with add_self_loops=True, normalize=True (PyG semantics)
    row = edge_index[0]
    col = edge_index[1]
    loop = jnp.arange(num_nodes, dtype=edge_index.dtype)
    row = jnp.concatenate([row, loop])
    col = jnp.concatenate([col, loop])
    ew = jnp.ones(row.shape[0], dtype=x.dtype)  # edge_weight=None -> ones (self-loop fill=1.0)
    # symmetric normalization: deg computed on destination (col)
    deg = jnp.zeros((num_nodes,), dtype=x.dtype).at[col].add(ew)
    dinv = jnp.where(deg > 0, jax.lax.rsqrt(jnp.maximum(deg, 1e-12)), 0.0)
    norm = dinv[row] * ew * dinv[col]
    # linear transform first (lin has no bias in GCNConv; bias added after aggregation)
    h = x @ W.T
    msg = norm[:, None] * jnp.take(h, row, axis=0)
    out = jax.ops.segment_sum(msg, col, num_segments=num_nodes)
    return out + b


def batch_norm(x, gamma, beta, eps=1e-5):
    # training-mode batch statistics over the node dimension (deterministic)
    mean = jnp.mean(x, axis=0)
    var = jnp.var(x, axis=0)
    return (x - mean) * jax.lax.rsqrt(var + eps) * gamma + beta


def setup_inputs(seed: int = 0) -> dict:
    key = jax.random.key(seed)
    ks = jax.random.split(key, 8)
    x = jax.random.normal(ks[0], (N_NODES, IN_DIM), dtype=jnp.float32)
    edge_index = jax.random.randint(ks[1], (2, N_EDGES), 0, N_NODES, dtype=jnp.int32)
    W1 = jax.random.normal(ks[2], (HID, IN_DIM), dtype=jnp.float32) * (1.0 / np.sqrt(IN_DIM))
    b1 = jnp.zeros((HID,), dtype=jnp.float32)
    gamma = jnp.ones((HID,), dtype=jnp.float32)
    beta = jnp.zeros((HID,), dtype=jnp.float32)
    W2 = jax.random.normal(ks[3], (OUT_DIM, HID), dtype=jnp.float32) * (1.0 / np.sqrt(HID))
    b2 = jnp.zeros((OUT_DIM,), dtype=jnp.float32)
    return {"x": x, "edge_index": edge_index, "W1": W1, "b1": b1, "gamma": gamma, "beta": beta, "W2": W2, "b2": b2}


def reference(x, edge_index, W1, b1, gamma, beta, W2, b2):
    h = gcn_conv(x, edge_index, W1, b1, N_NODES)
    h = batch_norm(h, gamma, beta)
    h = jax.nn.relu(h)
    # dropout in eval mode -> identity
    out = gcn_conv(h, edge_index, W2, b2, N_NODES)
    return out

if __name__ == "__main__":
    import jax
    _d = setup_inputs()
    print(jax.jit(kernel)(*tuple(_d.values())))

</pallas_src>

<mosaic_0001>
#map = affine_map<(d0, d1) -> (0, 0)>
#map1 = affine_map<(d0, d1) -> (0, 0, 0)>
module attributes {stable_mosaic.version = 14 : i64} {
  func.func @accum_kernel(%arg0: i32, %arg1: i32, %arg2: memref<10240x64xf32, #tpu.memory_space<hbm>>, %arg3: memref<16x78x128xi32, #tpu.memory_space<hbm>>, %arg4: memref<16x78x128xi32, #tpu.memory_space<hbm>>, %arg5: memref<16x81x128xi32, #tpu.memory_space<hbm>>, %arg6: memref<16x81x128xi32, #tpu.memory_space<hbm>>, %arg7: memref<2x10240x64xf32, #tpu.memory_space<hbm>>, %arg8: memref<81x128xi32, #tpu.memory_space<vmem>>, %arg9: memref<81x128xi32, #tpu.memory_space<vmem>>, %arg10: memref<128x64xf32, #tpu.memory_space<vmem>>, %arg11: memref<128x64xf32, #tpu.memory_space<vmem>>, %arg12: memref<128x64xf32, #tpu.memory_space<vmem>>, %arg13: memref<3x!tpu.dma_semaphore, #tpu.memory_space<semaphore_mem>>, %arg14: memref<10240x64xf32, #tpu.memory_space<vmem_shared>>, %arg15: memref<10240x64xf32, #tpu.memory_space<vmem_shared>>) attributes {dimension_semantics = [#tpu.dimension_semantics<core_parallel>, #tpu.dimension_semantics<subcore_parallel>], iteration_bounds = array<i64: 2, 16>, scalar_prefetch = 0 : i64, scratch_operands = 8 : i64, tpu.core_type = #tpu.core_type<sc_vector_subcore>, window_params = [{transform_indices = #map}, {transform_indices = #map1}, {transform_indices = #map1}, {transform_indices = #map1}, {transform_indices = #map1}, {transform_indices = #map1}]} {
    %eq3A = arith.constant 0 : i32
    %eq3A_0 = arith.cmpi eq, %arg0, %eq3A : i32
    %jit3A = arith.constant 78 : i32
    %jit3A_1 = arith.constant 81 : i32
    %select_n3A = arith.select %eq3A_0, %jit3A, %jit3A_1 : i32
    %scan3A = arith.constant 0 : i32
    %scan3A_2 = arith.constant 0 : i32
    %scan3A_3 = arith.constant 128 : i32
    %scan3A_4 = arith.addi %scan3A_2, %scan3A_3 : i32
    %scan3A_5 = arith.constant 1 : i32
    %scan3A_6 = scf.for %scan3A_115 = %scan3A_2 to %scan3A_4 step %scan3A_5 iter_args(%scan3A_116 = %scan3A) -> (i32)  : i32 {
      %broadcast_in_dim3A = arith.constant 0.000000e+00 : f32
      %broadcast_in_dim3A_117 = vector.broadcast %broadcast_in_dim3A : f32 to vector<16xf32>
      %swap3A = arith.index_cast %scan3A_115 : i32 to index
      %swap3A_118 = arith.constant 0 : index
      %swap3A_119 = tpu.vector_load %arg10[%swap3A, %swap3A_118] {strides = array<i32>} : memref<128x64xf32, #tpu.memory_space<vmem>>, vector<1x16xf32>,
      %swap3A_120 = vector.shape_cast %swap3A_119 : vector<1x16xf32> to vector<16xf32>
      %swap3A_121 = vector.shape_cast %broadcast_in_dim3A_117 : vector<16xf32> to vector<1x16xf32>
      tpu.vector_store %arg10[%swap3A, %swap3A_118], %swap3A_121 {strides = array<i32>} : memref<128x64xf32, #tpu.memory_space<vmem>>, vector<1x16xf32>,
      %broadcast_in_dim3A_122 = arith.constant 0.000000e+00 : f32
      %broadcast_in_dim3A_123 = vector.broadcast %broadcast_in_dim3A_122 : f32 to vector<16xf32>
      %swap3A_124 = arith.index_cast %scan3A_115 : i32 to index
      %swap3A_125 = arith.constant 16 : index
      %swap3A_126 = tpu.vector_load %arg10[%swap3A_124, %swap3A_125] {strides = array<i32>} : memref<128x64xf32, #tpu.memory_space<vmem>>, vector<1x16xf32>,
      %swap3A_127 = vector.shape_cast %swap3A_126 : vector<1x16xf32> to vector<16xf32>
      %swap3A_128 = vector.shape_cast %broadcast_in_dim3A_123 : vector<16xf32> to vector<1x16xf32>
      tpu.vector_store %arg10[%swap3A_124, %swap3A_125], %swap3A_128 {strides = array<i32>} : memref<128x64xf32, #tpu.memory_space<vmem>>, vector<1x16xf32>,
      %broadcast_in_dim3A_129 = arith.constant 0.000000e+00 : f32
      %broadcast_in_dim3A_130 = vector.broadcast %broadcast_in_dim3A_129 : f32 to vector<16xf32>
      %swap3A_131 = arith.index_cast %scan3A_115 : i32 to index
      %swap3A_132 = arith.constant 32 : index
      %swap3A_133 = tpu.vector_load %arg10[%swap3A_131, %swap3A_132] {strides = array<i32>} : memref<128x64xf32, #tpu.memory_space<vmem>>, vector<1x16xf32>,
      %swap3A_134 = vector.shape_cast %swap3A_133 : vector<1x16xf32> to vector<16xf32>
      %swap3A_135 = vector.shape_cast %broadcast_in_dim3A_130 : vector<16xf32> to vector<1x16xf32>
      tpu.vector_store %arg10[%swap3A_131, %swap3A_132], %swap3A_135 {strides = array<i32>} : memref<128x64xf32, #tpu.memory_space<vmem>>, vector<1x16xf32>,
      %broadcast_in_dim3A_136 = arith.constant 0.000000e+00 : f32
      %broadcast_in_dim3A_137 = vector.broadcast %broadcast_in_dim3A_136 : f32 to vector<16xf32>
      %swap3A_138 = arith.index_cast %scan3A_115 : i32 to index
      %swap3A_139 = arith.constant 48 : index
      %swap3A_140 = tpu.vector_load %arg10[%swap3A_138, %swap3A_139] {strides = array<i32>} : memref<128x64xf32, #tpu.memory_space<vmem>>, vector<1x16xf32>,
      %swap3A_141 = vector.shape_cast %swap3A_140 : vector<1x16xf32> to vector<16xf32>
      %swap3A_142 = vector.shape_cast %broadcast_in_dim3A_137 : vector<16xf32> to vector<1x16xf32>
      tpu.vector_store %arg10[%swap3A_138, %swap3A_139], %swap3A_142 {strides = array<i32>} : memref<128x64xf32, #tpu.memory_space<vmem>>, vector<1x16xf32>,
      %scan3A_143 = arith.constant 0 : i32
      scf.yield %scan3A_143 : i32
    }
    %scan3A_7 = arith.constant 128 : i32
    %mul3A = arith.constant 640 : i32
    %mul3A_8 = arith.muli %arg1, %mul3A : i32
    "tpu.region"() ({
      %run_scoped3A = tpu.sem_alloc : memref<!tpu.dma_semaphore, #tpu.memory_space<semaphore_mem>>
      %dma_start3A_115 = arith.constant 0 : i32
      %dma_start3A_116 = tpu.memref_slice %arg14[%mul3A_8, %dma_start3A_115] : memref<10240x64xf32, #tpu.memory_space<vmem_shared>> -> memref<640x64xf32, #tpu.memory_space<vmem_shared>>
      %dma_start3A_117 = arith.constant 0 : i32
      %dma_start3A_118 = tpu.memref_slice %arg2[%mul3A_8, %dma_start3A_117] : memref<10240x64xf32, #tpu.memory_space<hbm>> -> memref<640x64xf32, #tpu.memory_space<hbm>>
      tpu.enqueue_dma source(%dma_start3A_118 : memref<640x64xf32, #tpu.memory_space<hbm>>) target(%dma_start3A_116 : memref<640x64xf32, #tpu.memory_space<vmem_shared>>) target_semaphore(%run_scoped3A : memref<!tpu.dma_semaphore, #tpu.memory_space<semaphore_mem>>)
      %dma_wait3A = arith.constant 0 : i32
      %dma_wait3A_119 = tpu.memref_slice %arg14[%mul3A_8, %dma_wait3A] : memref<10240x64xf32, #tpu.memory_space<vmem_shared>> -> memref<640x64xf32, #tpu.memory_space<vmem_shared>>
      %dma_wait3A_120 = arith.constant 0 : i32
      %dma_wait3A_121 = tpu.memref_slice %arg2[%mul3A_8, %dma_wait3A_120] : memref<10240x64xf32, #tpu.memory_space<hbm>> -> memref<640x64xf32, #tpu.memory_space<hbm>>
      tpu.wait_dma2 semaphore(%run_scoped3A : memref<!tpu.dma_semaphore, #tpu.memory_space<semaphore_mem>>) src(%dma_wait3A_121 : memref<640x64xf32, #tpu.memory_space<hbm>>) dst(%dma_wait3A_119 : memref<640x64xf32, #tpu.memory_space<vmem_shared>>)
      tpu.yield
    }) : () -> ()
    %mul3A_9 = arith.constant 640 : i32
    %mul3A_10 = arith.muli %arg1, %mul3A_9 : i32
    %add3A = arith.constant 0 : i32
    %add3A_11 = arith.addi %mul3A_10, %add3A : i32
    "tpu.region"() ({
      %run_scoped3A = tpu.sem_alloc : memref<!tpu.dma_semaphore, #tpu.memory_space<semaphore_mem>>
      %dma_start3A_115 = arith.constant 0 : i32
      %dma_start3A_116 = tpu.memref_slice %arg15[%add3A_11, %dma_start3A_115] : memref<10240x64xf32, #tpu.memory_space<vmem_shared>> -> memref<128x64xf32, #tpu.memory_space<vmem_shared>>
      %dma_start3A_117 = arith.constant 0 : i32
      %dma_start3A_118 = tpu.memref_slice %arg15[%add3A_11, %dma_start3A_117] : memref<10240x64xf32, #tpu.memory_space<vmem_shared>> -> memref<128x64xf32, #tpu.memory_space<vmem_shared>>
      tpu.enqueue_dma source(%arg10 : memref<128x64xf32, #tpu.memory_space<vmem>>) target(%dma_start3A_118 : memref<128x64xf32, #tpu.memory_space<vmem_shared>>) target_semaphore(%run_scoped3A : memref<!tpu.dma_semaphore, #tpu.memory_space<semaphore_mem>>)
      %dma_wait3A = arith.constant 0 : i32
      %dma_wait3A_119 = tpu.memref_slice %arg15[%add3A_11, %dma_wait3A] : memref<10240x64xf32, #tpu.memory_space<vmem_shared>> -> memref<128x64xf32, #tpu.memory_space<vmem_shared>>
      %dma_wait3A_120 = arith.constant 0 : i32
      %dma_wait3A_121 = tpu.memref_slice %arg15[%add3A_11, %dma_wait3A_120] : memref<10240x64xf32, #tpu.memory_space<vmem_shared>> -> memref<128x64xf32, #tpu.memory_space<vmem_shared>>
      tpu.wait_dma2 semaphore(%run_scoped3A : memref<!tpu.dma_semaphore, #tpu.memory_space<semaphore_mem>>) src(%arg10 : memref<128x64xf32, #tpu.memory_space<vmem>>) dst(%dma_wait3A_121 : memref<128x64xf32, #tpu.memory_space<vmem_shared>>)
      tpu.yield
    }) : () -> ()
    %mul3A_12 = arith.constant 640 : i32
    %mul3A_13 = arith.muli %arg1, %mul3A_12 : i32
    %add3A_14 = arith.constant 128 : i32
    %add3A_15 = arith.addi %mul3A_13, %add3A_14 : i32
    "tpu.region"() ({
      %run_scoped3A = tpu.sem_alloc : memref<!tpu.dma_semaphore, #tpu.memory_space<semaphore_mem>>
      %dma_start3A_115 = arith.constant 0 : i32
      %dma_start3A_116 = tpu.memref_slice %arg15[%add3A_15, %dma_start3A_115] : memref<10240x64xf32, #tpu.memory_space<vmem_shared>> -> memref<128x64xf32, #tpu.memory_space<vmem_shared>>
      %dma_start3A_117 = arith.constant 0 : i32
      %dma_start3A_118 = tpu.memref_slice %arg15[%add3A_15, %dma_start3A_117] : memref<10240x64xf32, #tpu.memory_space<vmem_shared>> -> memref<128x64xf32, #tpu.memory_space<vmem_shared>>
      tpu.enqueue_dma source(%arg10 : memref<128x64xf32, #tpu.memory_space<vmem>>) target(%dma_start3A_118 : memref<128x64xf32, #tpu.memory_space<vmem_shared>>) target_semaphore(%run_scoped3A : memref<!tpu.dma_semaphore, #tpu.memory_space<semaphore_mem>>)
      %dma_wait3A = arith.constant 0 : i32
      %dma_wait3A_119 = tpu.memref_slice %arg15[%add3A_15, %dma_wait3A] : memref<10240x64xf32, #tpu.memory_space<vmem_shared>> -> memref<128x64xf32, #tpu.memory_space<vmem_shared>>
      %dma_wait3A_120 = arith.constant 0 : i32
      %dma_wait3A_121 = tpu.memref_slice %arg15[%add3A_15, %dma_wait3A_120] : memref<10240x64xf32, #tpu.memory_space<vmem_shared>> -> memref<128x64xf32, #tpu.memory_space<vmem_shared>>
      tpu.wait_dma2 semaphore(%run_scoped3A : memref<!tpu.dma_semaphore, #tpu.memory_space<semaphore_mem>>) src(%arg10 : memref<128x64xf32, #tpu.memory_space<vmem>>) dst(%dma_wait3A_121 : memref<128x64xf32, #tpu.memory_space<vmem_shared>>)
      tpu.yield
    }) : () -> ()
    %mul3A_16 = arith.constant 640 : i32
    %mul3A_17 = arith.muli %arg1, %mul3A_16 : i32
    %add3A_18 = arith.constant 256 : i32
    %add3A_19 = arith.addi %mul3A_17, %add3A_18 : i32
    "tpu.region"() ({
      %run_scoped3A = tpu.sem_alloc : memref<!tpu.dma_semaphore, #tpu.memory_space<semaphore_mem>>
      %dma_start3A_115 = arith.constant 0 : i32
      %dma_start3A_116 = tpu.memref_slice %arg15[%add3A_19, %dma_start3A_115] : memref<10240x64xf32, #tpu.memory_space<vmem_shared>> -> memref<128x64xf32, #tpu.memory_space<vmem_shared>>
      %dma_start3A_117 = arith.constant 0 : i32
      %dma_start3A_118 = tpu.memref_slice %arg15[%add3A_19, %dma_start3A_117] : memref<10240x64xf32, #tpu.memory_space<vmem_shared>> -> memref<128x64xf32, #tpu.memory_space<vmem_shared>>
      tpu.enqueue_dma source(%arg10 : memref<128x64xf32, #tpu.memory_space<vmem>>) target(%dma_start3A_118 : memref<128x64xf32, #tpu.memory_space<vmem_shared>>) target_semaphore(%run_scoped3A : memref<!tpu.dma_semaphore, #tpu.memory_space<semaphore_mem>>)
      %dma_wait3A = arith.constant 0 : i32
      %dma_wait3A_119 = tpu.memref_slice %arg15[%add3A_19, %dma_wait3A] : memref<10240x64xf32, #tpu.memory_space<vmem_shared>> -> memref<128x64xf32, #tpu.memory_space<vmem_shared>>
      %dma_wait3A_120 = arith.constant 0 : i32
      %dma_wait3A_121 = tpu.memref_slice %arg15[%add3A_19, %dma_wait3A_120] : memref<10240x64xf32, #tpu.memory_space<vmem_shared>> -> memref<128x64xf32, #tpu.memory_space<vmem_shared>>
      tpu.wait_dma2 semaphore(%run_scoped3A : memref<!tpu.dma_semaphore, #tpu.memory_space<semaphore_mem>>) src(%arg10 : memref<128x64xf32, #tpu.memory_space<vmem>>) dst(%dma_wait3A_121 : memref<128x64xf32, #tpu.memory_space<vmem_shared>>)
      tpu.yield
    }) : () -> ()
    %mul3A_20 = arith.constant 640 : i32
    %mul3A_21 = arith.muli %arg1, %mul3A_20 : i32
    %add3A_22 = arith.constant 384 : i32
    %add3A_23 = arith.addi %mul3A_21, %add3A_22 : i32
    "tpu.region"() ({
      %run_scoped3A = tpu.sem_alloc : memref<!tpu.dma_semaphore, #tpu.memory_space<semaphore_mem>>
      %dma_start3A_115 = arith.constant 0 : i32
      %dma_start3A_116 = tpu.memref_slice %arg15[%add3A_23, %dma_start3A_115] : memref<10240x64xf32, #tpu.memory_space<vmem_shared>> -> memref<128x64xf32, #tpu.memory_space<vmem_shared>>
      %dma_start3A_117 = arith.constant 0 : i32
      %dma_start3A_118 = tpu.memref_slice %arg15[%add3A_23, %dma_start3A_117] : memref<10240x64xf32, #tpu.memory_space<vmem_shared>> -> memref<128x64xf32, #tpu.memory_space<vmem_shared>>
      tpu.enqueue_dma source(%arg10 : memref<128x64xf32, #tpu.memory_space<vmem>>) target(%dma_start3A_118 : memref<128x64xf32, #tpu.memory_space<vmem_shared>>) target_semaphore(%run_scoped3A : memref<!tpu.dma_semaphore, #tpu.memory_space<semaphore_mem>>)
      %dma_wait3A = arith.constant 0 : i32
      %dma_wait3A_119 = tpu.memref_slice %arg15[%add3A_23, %dma_wait3A] : memref<10240x64xf32, #tpu.memory_space<vmem_shared>> -> memref<128x64xf32, #tpu.memory_space<vmem_shared>>
      %dma_wait3A_120 = arith.constant 0 : i32
      %dma_wait3A_121 = tpu.memref_slice %arg15[%add3A_23, %dma_wait3A_120] : memref<10240x64xf32, #tpu.memory_space<vmem_shared>> -> memref<128x64xf32, #tpu.memory_space<vmem_shared>>
      tpu.wait_dma2 semaphore(%run_scoped3A : memref<!tpu.dma_semaphore, #tpu.memory_space<semaphore_mem>>) src(%arg10 : memref<128x64xf32, #tpu.memory_space<vmem>>) dst(%dma_wait3A_121 : memref<128x64xf32, #tpu.memory_space<vmem_shared>>)
      tpu.yield
    }) : () -> ()
    %mul3A_24 = arith.constant 640 : i32
    %mul3A_25 = arith.muli %arg1, %mul3A_24 : i32
    %add3A_26 = arith.constant 512 : i32
    %add3A_27 = arith.addi %mul3A_25, %add3A_26 : i32
    "tpu.region"() ({
      %run_scoped3A = tpu.sem_alloc : memref<!tpu.dma_semaphore, #tpu.memory_space<semaphore_mem>>
      %dma_start3A_115 = arith.constant 0 : i32
      %dma_start3A_116 = tpu.memref_slice %arg15[%add3A_27, %dma_start3A_115] : memref<10240x64xf32, #tpu.memory_space<vmem_shared>> -> memref<128x64xf32, #tpu.memory_space<vmem_shared>>
      %dma_start3A_117 = arith.constant 0 : i32
      %dma_start3A_118 = tpu.memref_slice %arg15[%add3A_27, %dma_start3A_117] : memref<10240x64xf32, #tpu.memory_space<vmem_shared>> -> memref<128x64xf32, #tpu.memory_space<vmem_shared>>
      tpu.enqueue_dma source(%arg10 : memref<128x64xf32, #tpu.memory_space<vmem>>) target(%dma_start3A_118 : memref<128x64xf32, #tpu.memory_space<vmem_shared>>) target_semaphore(%run_scoped3A : memref<!tpu.dma_semaphore, #tpu.memory_space<semaphore_mem>>)
      %dma_wait3A = arith.constant 0 : i32
      %dma_wait3A_119 = tpu.memref_slice %arg15[%add3A_27, %dma_wait3A] : memref<10240x64xf32, #tpu.memory_space<vmem_shared>> -> memref<128x64xf32, #tpu.memory_space<vmem_shared>>
      %dma_wait3A_120 = arith.constant 0 : i32
      %dma_wait3A_121 = tpu.memref_slice %arg15[%add3A_27, %dma_wait3A_120] : memref<10240x64xf32, #tpu.memory_space<vmem_shared>> -> memref<128x64xf32, #tpu.memory_space<vmem_shared>>
      tpu.wait_dma2 semaphore(%run_scoped3A : memref<!tpu.dma_semaphore, #tpu.memory_space<semaphore_mem>>) src(%arg10 : memref<128x64xf32, #tpu.memory_space<vmem>>) dst(%dma_wait3A_121 : memref<128x64xf32, #tpu.memory_space<vmem_shared>>)
      tpu.yield
    }) : () -> ()
    %barrier3A = arith.constant 0 : index
    tpu.barrier barrier_id(%barrier3A)
    %eq3A_28 = arith.constant 0 : i32
    %eq3A_29 = arith.cmpi eq, %arg0, %eq3A_28 : i32
    %convert_element_type3A = arith.extui %eq3A_29 : i1 to i32
    %cond3A = arith.constant 0 : i32
    %cond3A_30 = arith.cmpi ne, %convert_element_type3A, %cond3A : i32
    scf.if %cond3A_30 {
      "tpu.region"() ({
        %run_scoped3A = tpu.sem_alloc : memref<!tpu.dma_semaphore, #tpu.memory_space<semaphore_mem>>
        %dma_start3A_115 = arith.constant 0 : i32
        %dma_start3A_116 = arith.constant 0 : i32
        %dma_start3A_117 = tpu.memref_slice %arg8[%dma_start3A_115, %dma_start3A_116] : memref<81x128xi32, #tpu.memory_space<vmem>> -> memref<78x128xi32, #tpu.memory_space<vmem>>
        %dma_start3A_118 = arith.constant 0 : i32
        %dma_start3A_119 = arith.constant 0 : i32
        %dma_start3A_120 = tpu.memref_slice %arg3[%arg1, %dma_start3A_118, %dma_start3A_119] : memref<16x78x128xi32, #tpu.memory_space<hbm>> -> memref<1x78x128xi32, #tpu.memory_space<hbm>>
        %dma_start3A_121 = tpu.memref_squeeze %dma_start3A_120 : memref<1x78x128xi32, #tpu.memory_space<hbm>> -> memref<78x128xi32, #tpu.memory_space<hbm>>
        %dma_start3A_122 = arith.constant 0 : i32
        %dma_start3A_123 = arith.constant 0 : i32
        %dma_start3A_124 = tpu.memref_slice %arg8[%dma_start3A_122, %dma_start3A_123] : memref<81x128xi32, #tpu.memory_space<vmem>> -> memref<78x128xi32, #tpu.memory_space<vmem>>
        %dma_start3A_125 = arith.constant 0 : i32
        %dma_start3A_126 = arith.constant 0 : i32
        %dma_start3A_127 = tpu.memref_slice %arg3[%arg1, %dma_start3A_125, %dma_start3A_126] : memref<16x78x128xi32, #tpu.memory_space<hbm>> -> memref<1x78x128xi32, #tpu.memory_space<hbm>>
        %dma_start3A_128 = tpu.memref_squeeze %dma_start3A_127 : memref<1x78x128xi32, #tpu.memory_space<hbm>> -> memref<78x128xi32, #tpu.memory_space<hbm>>
        tpu.enqueue_dma source(%dma_start3A_128 : memref<78x128xi32, #tpu.memory_space<hbm>>) target(%dma_start3A_124 : memref<78x128xi32, #tpu.memory_space<vmem>>) target_semaphore(%run_scoped3A : memref<!tpu.dma_semaphore, #tpu.memory_space<semaphore_mem>>)
        %dma_wait3A = arith.constant 0 : i32
        %dma_wait3A_129 = arith.constant 0 : i32
        %dma_wait3A_130 = tpu.memref_slice %arg8[%dma_wait3A, %dma_wait3A_129] : memref<81x128xi32, #tpu.memory_space<vmem>> -> memref<78x128xi32, #tpu.memory_space<vmem>>
        %dma_wait3A_131 = arith.constant 0 : i32
        %dma_wait3A_132 = arith.constant 0 : i32
        %dma_wait3A_133 = tpu.memref_slice %arg3[%arg1, %dma_wait3A_131, %dma_wait3A_132] : memref<16x78x128xi32, #tpu.memory_space<hbm>> -> memref<1x78x128xi32, #tpu.memory_space<hbm>>
        %dma_wait3A_134 = tpu.memref_squeeze %dma_wait3A_133 : memref<1x78x128xi32, #tpu.memory_space<hbm>> -> memref<78x128xi32, #tpu.memory_space<hbm>>
        %dma_wait3A_135 = arith.constant 0 : i32
        %dma_wait3A_136 = arith.constant 0 : i32
        %dma_wait3A_137 = tpu.memref_slice %arg8[%dma_wait3A_135, %dma_wait3A_136] : memref<81x128xi32, #tpu.memory_space<vmem>> -> memref<78x128xi32, #tpu.memory_space<vmem>>
        %dma_wait3A_138 = arith.constant 0 : i32
        %dma_wait3A_139 = arith.constant 0 : i32
        %dma_wait3A_140 = tpu.memref_slice %arg3[%arg1, %dma_wait3A_138, %dma_wait3A_139] : memref<16x78x128xi32, #tpu.memory_space<hbm>> -> memref<1x78x128xi32, #tpu.memory_space<hbm>>
        %dma_wait3A_141 = tpu.memref_squeeze %dma_wait3A_140 : memref<1x78x128xi32, #tpu.memory_space<hbm>> -> memref<78x128xi32, #tpu.memory_space<hbm>>
        tpu.wait_dma2 semaphore(%run_scoped3A : memref<!tpu.dma_semaphore, #tpu.memory_space<semaphore_mem>>) src(%dma_wait3A_141 : memref<78x128xi32, #tpu.memory_space<hbm>>) dst(%dma_wait3A_137 : memref<78x128xi32, #tpu.memory_space<vmem>>)
        tpu.yield
      }) : () -> ()
      "tpu.region"() ({
        %run_scoped3A = tpu.sem_alloc : memref<!tpu.dma_semaphore, #tpu.memory_space<semaphore_mem>>
        %dma_start3A_115 = arith.constant 0 : i32
        %dma_start3A_116 = arith.constant 0 : i32
        %dma_start3A_117 = tpu.memref_slice %arg9[%dma_start3A_115, %dma_start3A_116] : memref<81x128xi32, #tpu.memory_space<vmem>> -> memref<78x128xi32, #tpu.memory_space<vmem>>
        %dma_start3A_118 = arith.constant 0 : i32
        %dma_start3A_119 = arith.constant 0 : i32
        %dma_start3A_120 = tpu.memref_slice %arg4[%arg1, %dma_start3A_118, %dma_start3A_119] : memref<16x78x128xi32, #tpu.memory_space<hbm>> -> memref<1x78x128xi32, #tpu.memory_space<hbm>>
        %dma_start3A_121 = tpu.memref_squeeze %dma_start3A_120 : memref<1x78x128xi32, #tpu.memory_space<hbm>> -> memref<78x128xi32, #tpu.memory_space<hbm>>
        %dma_start3A_122 = arith.constant 0 : i32
        %dma_start3A_123 = arith.constant 0 : i32
        %dma_start3A_124 = tpu.memref_slice %arg9[%dma_start3A_122, %dma_start3A_123] : memref<81x128xi32, #tpu.memory_space<vmem>> -> memref<78x128xi32, #tpu.memory_space<vmem>>
        %dma_start3A_125 = arith.constant 0 : i32
        %dma_start3A_126 = arith.constant 0 : i32
        %dma_start3A_127 = tpu.memref_slice %arg4[%arg1, %dma_start3A_125, %dma_start3A_126] : memref<16x78x128xi32, #tpu.memory_space<hbm>> -> memref<1x78x128xi32, #tpu.memory_space<hbm>>
        %dma_start3A_128 = tpu.memref_squeeze %dma_start3A_127 : memref<1x78x128xi32, #tpu.memory_space<hbm>> -> memref<78x128xi32, #tpu.memory_space<hbm>>
        tpu.enqueue_dma source(%dma_start3A_128 : memref<78x128xi32, #tpu.memory_space<hbm>>) target(%dma_start3A_124 : memref<78x128xi32, #tpu.memory_space<vmem>>) target_semaphore(%run_scoped3A : memref<!tpu.dma_semaphore, #tpu.memory_space<semaphore_mem>>)
        %dma_wait3A = arith.constant 0 : i32
        %dma_wait3A_129 = arith.constant 0 : i32
        %dma_wait3A_130 = tpu.memref_slice %arg9[%dma_wait3A, %dma_wait3A_129] : memref<81x128xi32, #tpu.memory_space<vmem>> -> memref<78x128xi32, #tpu.memory_space<vmem>>
        %dma_wait3A_131 = arith.constant 0 : i32
        %dma_wait3A_132 = arith.constant 0 : i32
        %dma_wait3A_133 = tpu.memref_slice %arg4[%arg1, %dma_wait3A_131, %dma_wait3A_132] : memref<16x78x128xi32, #tpu.memory_space<hbm>> -> memref<1x78x128xi32, #tpu.memory_space<hbm>>
        %dma_wait3A_134 = tpu.memref_squeeze %dma_wait3A_133 : memref<1x78x128xi32, #tpu.memory_space<hbm>> -> memref<78x128xi32, #tpu.memory_space<hbm>>
        %dma_wait3A_135 = arith.constant 0 : i32
        %dma_wait3A_136 = arith.constant 0 : i32
        %dma_wait3A_137 = tpu.memref_slice %arg9[%dma_wait3A_135, %dma_wait3A_136] : memref<81x128xi32, #tpu.memory_space<vmem>> -> memref<78x128xi32, #tpu.memory_space<vmem>>
        %dma_wait3A_138 = arith.constant 0 : i32
        %dma_wait3A_139 = arith.constant 0 : i32
        %dma_wait3A_140 = tpu.memref_slice %arg4[%arg1, %dma_wait3A_138, %dma_wait3A_139] : memref<16x78x128xi32, #tpu.memory_space<hbm>> -> memref<1x78x128xi32, #tpu.memory_space<hbm>>
        %dma_wait3A_141 = tpu.memref_squeeze %dma_wait3A_140 : memref<1x78x128xi32, #tpu.memory_space<hbm>> -> memref<78x128xi32, #tpu.memory_space<hbm>>
        tpu.wait_dma2 semaphore(%run_scoped3A : memref<!tpu.dma_semaphore, #tpu.memory_space<semaphore_mem>>) src(%dma_wait3A_141 : memref<78x128xi32, #tpu.memory_space<hbm>>) dst(%dma_wait3A_137 : memref<78x128xi32, #tpu.memory_space<vmem>>)
        tpu.yield
      }) : () -> ()
    } else {
    }
    %eq3A_31 = arith.constant 1 : i32
    %eq3A_32 = arith.cmpi eq, %arg0, %eq3A_31 : i32
    %convert_element_type3A_33 = arith.extui %eq3A_32 : i1 to i32
    %cond3A_34 = arith.constant 0 : i32
    %cond3A_35 = arith.cmpi ne, %convert_element_type3A_33, %cond3A_34 : i32
    scf.if %cond3A_35 {
      "tpu.region"() ({
        %run_scoped3A = tpu.sem_alloc : memref<!tpu.dma_semaphore, #tpu.memory_space<semaphore_mem>>
        %dma_start3A_115 = arith.constant 0 : i32
        %dma_start3A_116 = arith.constant 0 : i32
        %dma_start3A_117 = tpu.memref_slice %arg8[%dma_start3A_115, %dma_start3A_116] : memref<81x128xi32, #tpu.memory_space<vmem>> -> memref<81x128xi32, #tpu.memory_space<vmem>>
        %dma_start3A_118 = arith.constant 0 : i32
        %dma_start3A_119 = arith.constant 0 : i32
        %dma_start3A_120 = tpu.memref_slice %arg5[%arg1, %dma_start3A_118, %dma_start3A_119] : memref<16x81x128xi32, #tpu.memory_space<hbm>> -> memref<1x81x128xi32, #tpu.memory_space<hbm>>
        %dma_start3A_121 = tpu.memref_squeeze %dma_start3A_120 : memref<1x81x128xi32, #tpu.memory_space<hbm>> -> memref<81x128xi32, #tpu.memory_space<hbm>>
        %dma_start3A_122 = arith.constant 0 : i32
        %dma_start3A_123 = arith.constant 0 : i32
        %dma_start3A_124 = tpu.memref_slice %arg8[%dma_start3A_122, %dma_start3A_123] : memref<81x128xi32, #tpu.memory_space<vmem>> -> memref<81x128xi32, #tpu.memory_space<vmem>>
        %dma_start3A_125 = arith.constant 0 : i32
        %dma_start3A_126 = arith.constant 0 : i32
        %dma_start3A_127 = tpu.memref_slice %arg5[%arg1, %dma_start3A_125, %dma_start3A_126] : memref<16x81x128xi32, #tpu.memory_space<hbm>> -> memref<1x81x128xi32, #tpu.memory_space<hbm>>
        %dma_start3A_128 = tpu.memref_squeeze %dma_start3A_127 : memref<1x81x128xi32, #tpu.memory_space<hbm>> -> memref<81x128xi32, #tpu.memory_space<hbm>>
        tpu.enqueue_dma source(%dma_start3A_128 : memref<81x128xi32, #tpu.memory_space<hbm>>) target(%dma_start3A_124 : memref<81x128xi32, #tpu.memory_space<vmem>>) target_semaphore(%run_scoped3A : memref<!tpu.dma_semaphore, #tpu.memory_space<semaphore_mem>>)
        %dma_wait3A = arith.constant 0 : i32
        %dma_wait3A_129 = arith.constant 0 : i32
        %dma_wait3A_130 = tpu.memref_slice %arg8[%dma_wait3A, %dma_wait3A_129] : memref<81x128xi32, #tpu.memory_space<vmem>> -> memref<81x128xi32, #tpu.memory_space<vmem>>
        %dma_wait3A_131 = arith.constant 0 : i32
        %dma_wait3A_132 = arith.constant 0 : i32
        %dma_wait3A_133 = tpu.memref_slice %arg5[%arg1, %dma_wait3A_131, %dma_wait3A_132] : memref<16x81x128xi32, #tpu.memory_space<hbm>> -> memref<1x81x128xi32, #tpu.memory_space<hbm>>
        %dma_wait3A_134 = tpu.memref_squeeze %dma_wait3A_133 : memref<1x81x128xi32, #tpu.memory_space<hbm>> -> memref<81x128xi32, #tpu.memory_space<hbm>>
        %dma_wait3A_135 = arith.constant 0 : i32
        %dma_wait3A_136 = arith.constant 0 : i32
        %dma_wait3A_137 = tpu.memref_slice %arg8[%dma_wait3A_135, %dma_wait3A_136] : memref<81x128xi32, #tpu.memory_space<vmem>> -> memref<81x128xi32, #tpu.memory_space<vmem>>
        %dma_wait3A_138 = arith.constant 0 : i32
        %dma_wait3A_139 = arith.constant 0 : i32
        %dma_wait3A_140 = tpu.memref_slice %arg5[%arg1, %dma_wait3A_138, %dma_wait3A_139] : memref<16x81x128xi32, #tpu.memory_space<hbm>> -> memref<1x81x128xi32, #tpu.memory_space<hbm>>
        %dma_wait3A_141 = tpu.memref_squeeze %dma_wait3A_140 : memref<1x81x128xi32, #tpu.memory_space<hbm>> -> memref<81x128xi32, #tpu.memory_space<hbm>>
        tpu.wait_dma2 semaphore(%run_scoped3A : memref<!tpu.dma_semaphore, #tpu.memory_space<semaphore_mem>>) src(%dma_wait3A_141 : memref<81x128xi32, #tpu.memory_space<hbm>>) dst(%dma_wait3A_137 : memref<81x128xi32, #tpu.memory_space<vmem>>)
        tpu.yield
      }) : () -> ()
      "tpu.region"() ({
        %run_scoped3A = tpu.sem_alloc : memref<!tpu.dma_semaphore, #tpu.memory_space<semaphore_mem>>
        %dma_start3A_115 = arith.constant 0 : i32
        %dma_start3A_116 = arith.constant 0 : i32
        %dma_start3A_117 = tpu.memref_slice %arg9[%dma_start3A_115, %dma_start3A_116] : memref<81x128xi32, #tpu.memory_space<vmem>> -> memref<81x128xi32, #tpu.memory_space<vmem>>
        %dma_start3A_118 = arith.constant 0 : i32
        %dma_start3A_119 = arith.constant 0 : i32
        %dma_start3A_120 = tpu.memref_slice %arg6[%arg1, %dma_start3A_118, %dma_start3A_119] : memref<16x81x128xi32, #tpu.memory_space<hbm>> -> memref<1x81x128xi32, #tpu.memory_space<hbm>>
        %dma_start3A_121 = tpu.memref_squeeze %dma_start3A_120 : memref<1x81x128xi32, #tpu.memory_space<hbm>> -> memref<81x128xi32, #tpu.memory_space<hbm>>
        %dma_start3A_122 = arith.constant 0 : i32
        %dma_start3A_123 = arith.constant 0 : i32
        %dma_start3A_124 = tpu.memref_slice %arg9[%dma_start3A_122, %dma_start3A_123] : memref<81x128xi32, #tpu.memory_space<vmem>> -> memref<81x128xi32, #tpu.memory_space<vmem>>
        %dma_start3A_125 = arith.constant 0 : i32
        %dma_start3A_126 = arith.constant 0 : i32
        %dma_start3A_127 = tpu.memref_slice %arg6[%arg1, %dma_start3A_125, %dma_start3A_126] : memref<16x81x128xi32, #tpu.memory_space<hbm>> -> memref<1x81x128xi32, #tpu.memory_space<hbm>>
        %dma_start3A_128 = tpu.memref_squeeze %dma_start3A_127 : memref<1x81x128xi32, #tpu.memory_space<hbm>> -> memref<81x128xi32, #tpu.memory_space<hbm>>
        tpu.enqueue_dma source(%dma_start3A_128 : memref<81x128xi32, #tpu.memory_space<hbm>>) target(%dma_start3A_124 : memref<81x128xi32, #tpu.memory_space<vmem>>) target_semaphore(%run_scoped3A : memref<!tpu.dma_semaphore, #tpu.memory_space<semaphore_mem>>)
        %dma_wait3A = arith.constant 0 : i32
        %dma_wait3A_129 = arith.constant 0 : i32
        %dma_wait3A_130 = tpu.memref_slice %arg9[%dma_wait3A, %dma_wait3A_129] : memref<81x128xi32, #tpu.memory_space<vmem>> -> memref<81x128xi32, #tpu.memory_space<vmem>>
        %dma_wait3A_131 = arith.constant 0 : i32
        %dma_wait3A_132 = arith.constant 0 : i32
        %dma_wait3A_133 = tpu.memref_slice %arg6[%arg1, %dma_wait3A_131, %dma_wait3A_132] : memref<16x81x128xi32, #tpu.memory_space<hbm>> -> memref<1x81x128xi32, #tpu.memory_space<hbm>>
        %dma_wait3A_134 = tpu.memref_squeeze %dma_wait3A_133 : memref<1x81x128xi32, #tpu.memory_space<hbm>> -> memref<81x128xi32, #tpu.memory_space<hbm>>
        %dma_wait3A_135 = arith.constant 0 : i32
        %dma_wait3A_136 = arith.constant 0 : i32
        %dma_wait3A_137 = tpu.memref_slice %arg9[%dma_wait3A_135, %dma_wait3A_136] : memref<81x128xi32, #tpu.memory_space<vmem>> -> memref<81x128xi32, #tpu.memory_space<vmem>>
        %dma_wait3A_138 = arith.constant 0 : i32
        %dma_wait3A_139 = arith.constant 0 : i32
        %dma_wait3A_140 = tpu.memref_slice %arg6[%arg1, %dma_wait3A_138, %dma_wait3A_139] : memref<16x81x128xi32, #tpu.memory_space<hbm>> -> memref<1x81x128xi32, #tpu.memory_space<hbm>>
        %dma_wait3A_141 = tpu.memref_squeeze %dma_wait3A_140 : memref<1x81x128xi32, #tpu.memory_space<hbm>> -> memref<81x128xi32, #tpu.memory_space<hbm>>
        tpu.wait_dma2 semaphore(%run_scoped3A : memref<!tpu.dma_semaphore, #tpu.memory_space<semaphore_mem>>) src(%dma_wait3A_141 : memref<81x128xi32, #tpu.memory_space<hbm>>) dst(%dma_wait3A_137 : memref<81x128xi32, #tpu.memory_space<vmem>>)
        tpu.yield
      }) : () -> ()
    } else {
    }
    %dma_start3A = arith.constant 0 : i32
    %dma_start3A_36 = arith.constant 0 : i32
    %dma_start3A_37 = arith.constant 0 : i32
    %dma_start3A_38 = tpu.memref_slice %arg8[%dma_start3A, %dma_start3A_37] : memref<81x128xi32, #tpu.memory_space<vmem>> -> memref<1x128xi32, #tpu.memory_space<vmem>>
    %dma_start3A_39 = tpu.memref_squeeze %dma_start3A_38 : memref<1x128xi32, #tpu.memory_space<vmem>> -> memref<128xi32, #tpu.memory_space<vmem>>
    %dma_start3A_40 = arith.constant 0 : i32
    %dma_start3A_41 = arith.constant 0 : i32
    %dma_start3A_42 = tpu.memref_slice %arg14[%dma_start3A_40, %dma_start3A_41] : memref<10240x64xf32, #tpu.memory_space<vmem_shared>> -> memref<10240x64xf32, #tpu.memory_space<vmem_shared>>
    %dma_start3A_43 = tpu.memref_slice %arg13[%dma_start3A_36] : memref<3x!tpu.dma_semaphore, #tpu.memory_space<semaphore_mem>> -> memref<1x!tpu.dma_semaphore, #tpu.memory_space<semaphore_mem>>
    %dma_start3A_44 = tpu.memref_squeeze %dma_start3A_43 : memref<1x!tpu.dma_semaphore, #tpu.memory_space<semaphore_mem>> -> memref<!tpu.dma_semaphore, #tpu.memory_space<semaphore_mem>>
    tpu.enqueue_indirect_dma source(%dma_start3A_42 : memref<10240x64xf32, #tpu.memory_space<vmem_shared>>) target(%arg10 : memref<128x64xf32, #tpu.memory_space<vmem>>) offsets(%dma_start3A_39 : memref<128xi32, #tpu.memory_space<vmem>>) semaphore(%dma_start3A_44 : memref<!tpu.dma_semaphore, #tpu.memory_space<semaphore_mem>>)
    %dma_start3A_45 = arith.constant 1 : i32
    %dma_start3A_46 = arith.constant 1 : i32
    %dma_start3A_47 = arith.constant 0 : i32
    %dma_start3A_48 = tpu.memref_slice %arg8[%dma_start3A_45, %dma_start3A_47] : memref<81x128xi32, #tpu.memory_space<vmem>> -> memref<1x128xi32, #tpu.memory_space<vmem>>
    %dma_start3A_49 = tpu.memref_squeeze %dma_start3A_48 : memref<1x128xi32, #tpu.memory_space<vmem>> -> memref<128xi32, #tpu.memory_space<vmem>>
    %dma_start3A_50 = arith.constant 0 : i32
    %dma_start3A_51 = arith.constant 0 : i32
    %dma_start3A_52 = tpu.memref_slice %arg14[%dma_start3A_50, %dma_start3A_51] : memref<10240x64xf32, #tpu.memory_space<vmem_shared>> -> memref<10240x64xf32, #tpu.memory_space<vmem_shared>>
    %dma_start3A_53 = tpu.memref_slice %arg13[%dma_start3A_46] : memref<3x!tpu.dma_semaphore, #tpu.memory_space<semaphore_mem>> -> memref<1x!tpu.dma_semaphore, #tpu.memory_space<semaphore_mem>>
    %dma_start3A_54 = tpu.memref_squeeze %dma_start3A_53 : memref<1x!tpu.dma_semaphore, #tpu.memory_space<semaphore_mem>> -> memref<!tpu.dma_semaphore, #tpu.memory_space<semaphore_mem>>
    tpu.enqueue_indirect_dma source(%dma_start3A_52 : memref<10240x64xf32, #tpu.memory_space<vmem_shared>>) target(%arg11 : memref<128x64xf32, #tpu.memory_space<vmem>>) offsets(%dma_start3A_49 : memref<128xi32, #tpu.memory_space<vmem>>) semaphore(%dma_start3A_54 : memref<!tpu.dma_semaphore, #tpu.memory_space<semaphore_mem>>)
    %dma_start3A_55 = arith.constant 2 : i32
    %dma_start3A_56 = arith.constant 2 : i32
    %dma_start3A_57 = arith.constant 0 : i32
    %dma_start3A_58 = tpu.memref_slice %arg8[%dma_start3A_55, %dma_start3A_57] : memref<81x128xi32, #tpu.memory_space<vmem>> -> memref<1x128xi32, #tpu.memory_space<vmem>>
    %dma_start3A_59 = tpu.memref_squeeze %dma_start3A_58 : memref<1x128xi32, #tpu.memory_space<vmem>> -> memref<128xi32, #tpu.memory_space<vmem>>
    %dma_start3A_60 = arith.constant 0 : i32
    %dma_start3A_61 = arith.constant 0 : i32
    %dma_start3A_62 = tpu.memref_slice %arg14[%dma_start3A_60, %dma_start3A_61] : memref<10240x64xf32, #tpu.memory_space<vmem_shared>> -> memref<10240x64xf32, #tpu.memory_space<vmem_shared>>
    %dma_start3A_63 = tpu.memref_slice %arg13[%dma_start3A_56] : memref<3x!tpu.dma_semaphore, #tpu.memory_space<semaphore_mem>> -> memref<1x!tpu.dma_semaphore, #tpu.memory_space<semaphore_mem>>
    %dma_start3A_64 = tpu.memref_squeeze %dma_start3A_63 : memref<1x!tpu.dma_semaphore, #tpu.memory_space<semaphore_mem>> -> memref<!tpu.dma_semaphore, #tpu.memory_space<semaphore_mem>>
    tpu.enqueue_indirect_dma source(%dma_start3A_62 : memref<10240x64xf32, #tpu.memory_space<vmem_shared>>) target(%arg12 : memref<128x64xf32, #tpu.memory_space<vmem>>) offsets(%dma_start3A_59 : memref<128xi32, #tpu.memory_space<vmem>>) semaphore(%dma_start3A_64 : memref<!tpu.dma_semaphore, #tpu.memory_space<semaphore_mem>>)
    %jit3A_65 = arith.constant 3 : i32
    %div3A = arith.divsi %select_n3A, %jit3A_65 : i32
    %sign3A = arith.constant 0 : i32
    %sign3A_66 = arith.cmpi sgt, %select_n3A, %sign3A : i32
    %sign3A_67 = arith.extui %sign3A_66 : i1 to i32
    %sign3A_68 = arith.constant 0 : i32
    %sign3A_69 = arith.cmpi slt, %select_n3A, %sign3A_68 : i32
    %sign3A_70 = arith.extui %sign3A_69 : i1 to i32
    %sign3A_71 = arith.subi %sign3A_67, %sign3A_70 : i32
    %sign3A_72 = arith.constant 0 : i32
    %sign3A_73 = arith.cmpi sgt, %jit3A_65, %sign3A_72 : i32
    %sign3A_74 = arith.extui %sign3A_73 : i1 to i32
    %sign3A_75 = arith.constant 0 : i32
    %sign3A_76 = arith.cmpi slt, %jit3A_65, %sign3A_75 : i32
    %sign3A_77 = arith.extui %sign3A_76 : i1 to i32
    %sign3A_78 = arith.subi %sign3A_74, %sign3A_77 : i32
    %ne3A = arith.cmpi ne, %sign3A_71, %sign3A_78 : i32
    %rem3A = arith.remsi %select_n3A, %jit3A_65 : i32
    %ne3A_79 = arith.constant 0 : i32
    %ne3A_80 = arith.cmpi ne, %rem3A, %ne3A_79 : i32
    %and3A = arith.andi %ne3A, %ne3A_80 : i1
    %sub3A = arith.constant 1 : i32
    %sub3A_81 = arith.subi %div3A, %sub3A : i32
    %select_n3A_82 = arith.select %and3A, %sub3A_81, %div3A : i32
    %while3A = arith.constant 0 : i32
    %while3A_83 = arith.constant 0 : i32
    %while3A_84 = arith.subi %select_n3A_82, %while3A : i32
    %while3A_85 = arith.addi %while3A, %while3A_84 : i32
    %while3A_86 = arith.constant 1 : i32
    %while3A_87 = arith.divsi %while3A_84, %while3A_86 : i32
    %while3A_88 = arith.muli %while3A_87, %while3A_86 : i32
    %while3A_89 = arith.addi %while3A, %while3A_88 : i32
    %while3A_90 = arith.constant 1 : i32
    %while3A_91 = scf.for %while3A_115 = %while3A to %while3A_89 step %while3A_90 iter_args(%while3A_116 = %while3A_83) -> (i32)  : i32 {
      %mul3A_117 = arith.constant 3 : i32
      %mul3A_118 = arith.muli %while3A_115, %mul3A_117 : i32
      %add3A_119 = arith.constant 0 : i32
      %add3A_120 = arith.addi %mul3A_118, %add3A_119 : i32
      %dma_wait3A = arith.constant 0 : i32
      %dma_wait3A_121 = arith.constant 0 : i32
      %dma_wait3A_122 = tpu.memref_slice %arg8[%add3A_120, %dma_wait3A_121] : memref<81x128xi32, #tpu.memory_space<vmem>> -> memref<1x128xi32, #tpu.memory_space<vmem>>
      %dma_wait3A_123 = tpu.memref_squeeze %dma_wait3A_122 : memref<1x128xi32, #tpu.memory_space<vmem>> -> memref<128xi32, #tpu.memory_space<vmem>>
      %dma_wait3A_124 = arith.constant 0 : i32
      %dma_wait3A_125 = arith.constant 0 : i32
      %dma_wait3A_126 = tpu.memref_slice %arg14[%dma_wait3A_124, %dma_wait3A_125] : memref<10240x64xf32, #tpu.memory_space<vmem_shared>> -> memref<10240x64xf32, #tpu.memory_space<vmem_shared>>
      %dma_wait3A_127 = tpu.memref_slice %arg13[%dma_wait3A] : memref<3x!tpu.dma_semaphore, #tpu.memory_space<semaphore_mem>> -> memref<1x!tpu.dma_semaphore, #tpu.memory_space<semaphore_mem>>
      %dma_wait3A_128 = tpu.memref_squeeze %dma_wait3A_127 : memref<1x!tpu.dma_semaphore, #tpu.memory_space<semaphore_mem>> -> memref<!tpu.dma_semaphore, #tpu.memory_space<semaphore_mem>>
      tpu.wait_indirect_dma semaphore(%dma_wait3A_128 : memref<!tpu.dma_semaphore, #tpu.memory_space<semaphore_mem>>) src(%dma_wait3A_126 : memref<10240x64xf32, #tpu.memory_space<vmem_shared>>) dst(%arg10 : memref<128x64xf32, #tpu.memory_space<vmem>>)
      "tpu.region"() ({
        %run_scoped3A = tpu.sem_alloc : memref<!tpu.dma_semaphore, #tpu.memory_space<semaphore_mem>>
        %dma_start3A_173 = arith.constant 0 : i32
        %dma_start3A_174 = tpu.memref_slice %arg9[%add3A_120, %dma_start3A_173] : memref<81x128xi32, #tpu.memory_space<vmem>> -> memref<1x128xi32, #tpu.memory_space<vmem>>
        %dma_start3A_175 = tpu.memref_squeeze %dma_start3A_174 : memref<1x128xi32, #tpu.memory_space<vmem>> -> memref<128xi32, #tpu.memory_space<vmem>>
        %dma_start3A_176 = arith.constant 0 : i32
        %dma_start3A_177 = arith.constant 0 : i32
        %dma_start3A_178 = tpu.memref_slice %arg15[%dma_start3A_176, %dma_start3A_177] : memref<10240x64xf32, #tpu.memory_space<vmem_shared>> -> memref<10240x64xf32, #tpu.memory_space<vmem_shared>>
        tpu.enqueue_indirect_dma source(%arg10 : memref<128x64xf32, #tpu.memory_space<vmem>>) target(%dma_start3A_178 : memref<10240x64xf32, #tpu.memory_space<vmem_shared>>) offsets(%dma_start3A_175 : memref<128xi32, #tpu.memory_space<vmem>>) semaphore(%run_scoped3A : memref<!tpu.dma_semaphore, #tpu.memory_space<semaphore_mem>>) {add = true}
        %dma_wait3A_179 = arith.constant 0 : i32
        %dma_wait3A_180 = tpu.memref_slice %arg9[%add3A_120, %dma_wait3A_179] : memref<81x128xi32, #tpu.memory_space<vmem>> -> memref<1x128xi32, #tpu.memory_space<vmem>>
        %dma_wait3A_181 = tpu.memref_squeeze %dma_wait3A_180 : memref<1x128xi32, #tpu.memory_space<vmem>> -> memref<128xi32, #tpu.memory_space<vmem>>
        %dma_wait3A_182 = arith.constant 0 : i32
        %dma_wait3A_183 = arith.constant 0 : i32
        %dma_wait3A_184 = tpu.memref_slice %arg15[%dma_wait3A_182, %dma_wait3A_183] : memref<10240x64xf32, #tpu.memory_space<vmem_shared>> -> memref<10240x64xf32, #tpu.memory_space<vmem_shared>>
        tpu.wait_indirect_dma semaphore(%run_scoped3A : memref<!tpu.dma_semaphore, #tpu.memory_space<semaphore_mem>>) src(%arg10 : memref<128x64xf32, #tpu.memory_space<vmem>>) dst(%dma_wait3A_184 : memref<10240x64xf32, #tpu.memory_space<vmem_shared>>)
        tpu.yield
      }) : () -> ()
      %add3A_129 = arith.constant 3 : i32
      %add3A_130 = arith.addi %add3A_120, %add3A_129 : i32
      %lt3A = arith.cmpi slt, %add3A_130, %select_n3A : i32
      %convert_element_type3A_131 = arith.extui %lt3A : i1 to i32
      %cond3A_132 = arith.constant 0 : i32
      %cond3A_133 = arith.cmpi ne, %convert_element_type3A_131, %cond3A_132 : i32
      scf.if %cond3A_133 {
        %add3A_173 = arith.constant 3 : i32
        %add3A_174 = arith.addi %add3A_120, %add3A_173 : i32
        %dma_start3A_175 = arith.constant 0 : i32
        %dma_start3A_176 = arith.constant 0 : i32
        %dma_start3A_177 = tpu.memref_slice %arg8[%add3A_174, %dma_start3A_176] : memref<81x128xi32, #tpu.memory_space<vmem>> -> memref<1x128xi32, #tpu.memory_space<vmem>>
        %dma_start3A_178 = tpu.memref_squeeze %dma_start3A_177 : memref<1x128xi32, #tpu.memory_space<vmem>> -> memref<128xi32, #tpu.memory_space<vmem>>
        %dma_start3A_179 = arith.constant 0 : i32
        %dma_start3A_180 = arith.constant 0 : i32
        %dma_start3A_181 = tpu.memref_slice %arg14[%dma_start3A_179, %dma_start3A_180] : memref<10240x64xf32, #tpu.memory_space<vmem_shared>> -> memref<10240x64xf32, #tpu.memory_space<vmem_shared>>
        %dma_start3A_182 = tpu.memref_slice %arg13[%dma_start3A_175] : memref<3x!tpu.dma_semaphore, #tpu.memory_space<semaphore_mem>> -> memref<1x!tpu.dma_semaphore, #tpu.memory_space<semaphore_mem>>
        %dma_start3A_183 = tpu.memref_squeeze %dma_start3A_182 : memref<1x!tpu.dma_semaphore, #tpu.memory_space<semaphore_mem>> -> memref<!tpu.dma_semaphore, #tpu.memory_space<semaphore_mem>>
        tpu.enqueue_indirect_dma source(%dma_start3A_181 : memref<10240x64xf32, #tpu.memory_space<vmem_shared>>) target(%arg10 : memref<128x64xf32, #tpu.memory_space<vmem>>) offsets(%dma_start3A_178 : memref<128xi32, #tpu.memory_space<vmem>>) semaphore(%dma_start3A_183 : memref<!tpu.dma_semaphore, #tpu.memory_space<semaphore_mem>>)
      } else {
      }
      %mul3A_134 = arith.constant 3 : i32
      %mul3A_135 = arith.muli %while3A_115, %mul3A_134 : i32
      %add3A_136 = arith.constant 1 : i32
      %add3A_137 = arith.addi %mul3A_135, %add3A_136 : i32
      %dma_wait3A_138 = arith.constant 1 : i32
      %dma_wait3A_139 = arith.constant 0 : i32
      %dma_wait3A_140 = tpu.memref_slice %arg8[%add3A_137, %dma_wait3A_139] : memref<81x128xi32, #tpu.memory_space<vmem>> -> memref<1x128xi32, #tpu.memory_space<vmem>>
      %dma_wait3A_141 = tpu.memref_squeeze %dma_wait3A_140 : memref<1x128xi32, #tpu.memory_space<vmem>> -> memref<128xi32, #tpu.memory_space<vmem>>
      %dma_wait3A_142 = arith.constant 0 : i32
      %dma_wait3A_143 = arith.constant 0 : i32
      %dma_wait3A_144 = tpu.memref_slice %arg14[%dma_wait3A_142, %dma_wait3A_143] : memref<10240x64xf32, #tpu.memory_space<vmem_shared>> -> memref<10240x64xf32, #tpu.memory_space<vmem_shared>>
      %dma_wait3A_145 = tpu.memref_slice %arg13[%dma_wait3A_138] : memref<3x!tpu.dma_semaphore, #tpu.memory_space<semaphore_mem>> -> memref<1x!tpu.dma_semaphore, #tpu.memory_space<semaphore_mem>>
      %dma_wait3A_146 = tpu.memref_squeeze %dma_wait3A_145 : memref<1x!tpu.dma_semaphore, #tpu.memory_space<semaphore_mem>> -> memref<!tpu.dma_semaphore, #tpu.memory_space<semaphore_mem>>
      tpu.wait_indirect_dma semaphore(%dma_wait3A_146 : memref<!tpu.dma_semaphore, #tpu.memory_space<semaphore_mem>>) src(%dma_wait3A_144 : memref<10240x64xf32, #tpu.memory_space<vmem_shared>>) dst(%arg11 : memref<128x64xf32, #tpu.memory_space<vmem>>)
      "tpu.region"() ({
        %run_scoped3A = tpu.sem_alloc : memref<!tpu.dma_semaphore, #tpu.memory_space<semaphore_mem>>
        %dma_start3A_173 = arith.constant 0 : i32
        %dma_start3A_174 = tpu.memref_slice %arg9[%add3A_137, %dma_start3A_173] : memref<81x128xi32, #tpu.memory_space<vmem>> -> memref<1x128xi32, #tpu.memory_space<vmem>>
        %dma_start3A_175 = tpu.memref_squeeze %dma_start3A_174 : memref<1x128xi32, #tpu.memory_space<vmem>> -> memref<128xi32, #tpu.memory_space<vmem>>
        %dma_start3A_176 = arith.constant 0 : i32
        %dma_start3A_177 = arith.constant 0 : i32
        %dma_start3A_178 = tpu.memref_slice %arg15[%dma_start3A_176, %dma_start3A_177] : memref<10240x64xf32, #tpu.memory_space<vmem_shared>> -> memref<10240x64xf32, #tpu.memory_space<vmem_shared>>
        tpu.enqueue_indirect_dma source(%arg11 : memref<128x64xf32, #tpu.memory_space<vmem>>) target(%dma_start3A_178 : memref<10240x64xf32, #tpu.memory_space<vmem_shared>>) offsets(%dma_start3A_175 : memref<128xi32, #tpu.memory_space<vmem>>) semaphore(%run_scoped3A : memref<!tpu.dma_semaphore, #tpu.memory_space<semaphore_mem>>) {add = true}
        %dma_wait3A_179 = arith.constant 0 : i32
        %dma_wait3A_180 = tpu.memref_slice %arg9[%add3A_137, %dma_wait3A_179] : memref<81x128xi32, #tpu.memory_space<vmem>> -> memref<1x128xi32, #tpu.memory_space<vmem>>
        %dma_wait3A_181 = tpu.memref_squeeze %dma_wait3A_180 : memref<1x128xi32, #tpu.memory_space<vmem>> -> memref<128xi32, #tpu.memory_space<vmem>>
        %dma_wait3A_182 = arith.constant 0 : i32
        %dma_wait3A_183 = arith.constant 0 : i32
        %dma_wait3A_184 = tpu.memref_slice %arg15[%dma_wait3A_182, %dma_wait3A_183] : memref<10240x64xf32, #tpu.memory_space<vmem_shared>> -> memref<10240x64xf32, #tpu.memory_space<vmem_shared>>
        tpu.wait_indirect_dma semaphore(%run_scoped3A : memref<!tpu.dma_semaphore, #tpu.memory_space<semaphore_mem>>) src(%arg11 : memref<128x64xf32, #tpu.memory_space<vmem>>) dst(%dma_wait3A_184 : memref<10240x64xf32, #tpu.memory_space<vmem_shared>>)
        tpu.yield
      }) : () -> ()
      %add3A_147 = arith.constant 3 : i32
      %add3A_148 = arith.addi %add3A_137, %add3A_147 : i32
      %lt3A_149 = arith.cmpi slt, %add3A_148, %select_n3A : i32
      %convert_element_type3A_150 = arith.extui %lt3A_149 : i1 to i32
      %cond3A_151 = arith.constant 0 : i32
      %cond3A_152 = arith.cmpi ne, %convert_element_type3A_150, %cond3A_151 : i32
      scf.if %cond3A_152 {
        %add3A_173 = arith.constant 3 : i32
        %add3A_174 = arith.addi %add3A_137, %add3A_173 : i32
        %dma_start3A_175 = arith.constant 1 : i32
        %dma_start3A_176 = arith.constant 0 : i32
        %dma_start3A_177 = tpu.memref_slice %arg8[%add3A_174, %dma_start3A_176] : memref<81x128xi32, #tpu.memory_space<vmem>> -> memref<1x128xi32, #tpu.memory_space<vmem>>
        %dma_start3A_178 = tpu.memref_squeeze %dma_start3A_177 : memref<1x128xi32, #tpu.memory_space<vmem>> -> memref<128xi32, #tpu.memory_space<vmem>>
        %dma_start3A_179 = arith.constant 0 : i32
        %dma_start3A_180 = arith.constant 0 : i32
        %dma_start3A_181 = tpu.memref_slice %arg14[%dma_start3A_179, %dma_start3A_180] : memref<10240x64xf32, #tpu.memory_space<vmem_shared>> -> memref<10240x64xf32, #tpu.memory_space<vmem_shared>>
        %dma_start3A_182 = tpu.memref_slice %arg13[%dma_start3A_175] : memref<3x!tpu.dma_semaphore, #tpu.memory_space<semaphore_mem>> -> memref<1x!tpu.dma_semaphore, #tpu.memory_space<semaphore_mem>>
        %dma_start3A_183 = tpu.memref_squeeze %dma_start3A_182 : memref<1x!tpu.dma_semaphore, #tpu.memory_space<semaphore_mem>> -> memref<!tpu.dma_semaphore, #tpu.memory_space<semaphore_mem>>
        tpu.enqueue_indirect_dma source(%dma_start3A_181 : memref<10240x64xf32, #tpu.memory_space<vmem_shared>>) target(%arg11 : memref<128x64xf32, #tpu.memory_space<vmem>>) offsets(%dma_start3A_178 : memref<128xi32, #tpu.memory_space<vmem>>) semaphore(%dma_start3A_183 : memref<!tpu.dma_semaphore, #tpu.memory_space<semaphore_mem>>)
      } else {
      }
      %mul3A_153 = arith.constant 3 : i32
      %mul3A_154 = arith.muli %while3A_115, %mul3A_153 : i32
      %add3A_155 = arith.constant 2 : i32
      %add3A_156 = arith.addi %mul3A_154, %add3A_155 : i32
      %dma_wait3A_157 = arith.constant 2 : i32
      %dma_wait3A_158 = arith.constant 0 : i32
      %dma_wait3A_159 = tpu.memref_slice %arg8[%add3A_156, %dma_wait3A_158] : memref<81x128xi32, #tpu.memory_space<vmem>> -> memref<1x128xi32, #tpu.memory_space<vmem>>
      %dma_wait3A_160 = tpu.memref_squeeze %dma_wait3A_159 : memref<1x128xi32, #tpu.memory_space<vmem>> -> memref<128xi32, #tpu.memory_space<vmem>>
      %dma_wait3A_161 = arith.constant 0 : i32
      %dma_wait3A_162 = arith.constant 0 : i32
      %dma_wait3A_163 = tpu.memref_slice %arg14[%dma_wait3A_161, %dma_wait3A_162] : memref<10240x64xf32, #tpu.memory_space<vmem_shared>> -> memref<10240x64xf32, #tpu.memory_space<vmem_shared>>
      %dma_wait3A_164 = tpu.memref_slice %arg13[%dma_wait3A_157] : memref<3x!tpu.dma_semaphore, #tpu.memory_space<semaphore_mem>> -> memref<1x!tpu.dma_semaphore, #tpu.memory_space<semaphore_mem>>
      %dma_wait3A_165 = tpu.memref_squeeze %dma_wait3A_164 : memref<1x!tpu.dma_semaphore, #tpu.memory_space<semaphore_mem>> -> memref<!tpu.dma_semaphore, #tpu.memory_space<semaphore_mem>>
      tpu.wait_indirect_dma semaphore(%dma_wait3A_165 : memref<!tpu.dma_semaphore, #tpu.memory_space<semaphore_mem>>) src(%dma_wait3A_163 : memref<10240x64xf32, #tpu.memory_space<vmem_shared>>) dst(%arg12 : memref<128x64xf32, #tpu.memory_space<vmem>>)
      "tpu.region"() ({
        %run_scoped3A = tpu.sem_alloc : memref<!tpu.dma_semaphore, #tpu.memory_space<semaphore_mem>>
        %dma_start3A_173 = arith.constant 0 : i32
        %dma_start3A_174 = tpu.memref_slice %arg9[%add3A_156, %dma_start3A_173] : memref<81x128xi32, #tpu.memory_space<vmem>> -> memref<1x128xi32, #tpu.memory_space<vmem>>
        %dma_start3A_175 = tpu.memref_squeeze %dma_start3A_174 : memref<1x128xi32, #tpu.memory_space<vmem>> -> memref<128xi32, #tpu.memory_space<vmem>>
        %dma_start3A_176 = arith.constant 0 : i32
        %dma_start3A_177 = arith.constant 0 : i32
        %dma_start3A_178 = tpu.memref_slice %arg15[%dma_start3A_176, %dma_start3A_177] : memref<10240x64xf32, #tpu.memory_space<vmem_shared>> -> memref<10240x64xf32, #tpu.memory_space<vmem_shared>>
        tpu.enqueue_indirect_dma source(%arg12 : memref<128x64xf32, #tpu.memory_space<vmem>>) target(%dma_start3A_178 : memref<10240x64xf32, #tpu.memory_space<vmem_shared>>) offsets(%dma_start3A_175 : memref<128xi32, #tpu.memory_space<vmem>>) semaphore(%run_scoped3A : memref<!tpu.dma_semaphore, #tpu.memory_space<semaphore_mem>>) {add = true}
        %dma_wait3A_179 = arith.constant 0 : i32
        %dma_wait3A_180 = tpu.memref_slice %arg9[%add3A_156, %dma_wait3A_179] : memref<81x128xi32, #tpu.memory_space<vmem>> -> memref<1x128xi32, #tpu.memory_space<vmem>>
        %dma_wait3A_181 = tpu.memref_squeeze %dma_wait3A_180 : memref<1x128xi32, #tpu.memory_space<vmem>> -> memref<128xi32, #tpu.memory_space<vmem>>
        %dma_wait3A_182 = arith.constant 0 : i32
        %dma_wait3A_183 = arith.constant 0 : i32
        %dma_wait3A_184 = tpu.memref_slice %arg15[%dma_wait3A_182, %dma_wait3A_183] : memref<10240x64xf32, #tpu.memory_space<vmem_shared>> -> memref<10240x64xf32, #tpu.memory_space<vmem_shared>>
        tpu.wait_indirect_dma semaphore(%run_scoped3A : memref<!tpu.dma_semaphore, #tpu.memory_space<semaphore_mem>>) src(%arg12 : memref<128x64xf32, #tpu.memory_space<vmem>>) dst(%dma_wait3A_184 : memref<10240x64xf32, #tpu.memory_space<vmem_shared>>)
        tpu.yield
      }) : () -> ()
      %add3A_166 = arith.constant 3 : i32
      %add3A_167 = arith.addi %add3A_156, %add3A_166 : i32
      %lt3A_168 = arith.cmpi slt, %add3A_167, %select_n3A : i32
      %convert_element_type3A_169 = arith.extui %lt3A_168 : i1 to i32
      %cond3A_170 = arith.constant 0 : i32
      %cond3A_171 = arith.cmpi ne, %convert_element_type3A_169, %cond3A_170 : i32
      scf.if %cond3A_171 {
        %add3A_173 = arith.constant 3 : i32
        %add3A_174 = arith.addi %add3A_156, %add3A_173 : i32
        %dma_start3A_175 = arith.constant 2 : i32
        %dma_start3A_176 = arith.constant 0 : i32
        %dma_start3A_177 = tpu.memref_slice %arg8[%add3A_174, %dma_start3A_176] : memref<81x128xi32, #tpu.memory_space<vmem>> -> memref<1x128xi32, #tpu.memory_space<vmem>>
        %dma_start3A_178 = tpu.memref_squeeze %dma_start3A_177 : memref<1x128xi32, #tpu.memory_space<vmem>> -> memref<128xi32, #tpu.memory_space<vmem>>
        %dma_start3A_179 = arith.constant 0 : i32
        %dma_start3A_180 = arith.constant 0 : i32
        %dma_start3A_181 = tpu.memref_slice %arg14[%dma_start3A_179, %dma_start3A_180] : memref<10240x64xf32, #tpu.memory_space<vmem_shared>> -> memref<10240x64xf32, #tpu.memory_space<vmem_shared>>
        %dma_start3A_182 = tpu.memref_slice %arg13[%dma_start3A_175] : memref<3x!tpu.dma_semaphore, #tpu.memory_space<semaphore_mem>> -> memref<1x!tpu.dma_semaphore, #tpu.memory_space<semaphore_mem>>
        %dma_start3A_183 = tpu.memref_squeeze %dma_start3A_182 : memref<1x!tpu.dma_semaphore, #tpu.memory_space<semaphore_mem>> -> memref<!tpu.dma_semaphore, #tpu.memory_space<semaphore_mem>>
        tpu.enqueue_indirect_dma source(%dma_start3A_181 : memref<10240x64xf32, #tpu.memory_space<vmem_shared>>) target(%arg12 : memref<128x64xf32, #tpu.memory_space<vmem>>) offsets(%dma_start3A_178 : memref<128xi32, #tpu.memory_space<vmem>>) semaphore(%dma_start3A_183 : memref<!tpu.dma_semaphore, #tpu.memory_space<semaphore_mem>>)
      } else {
      }
      %while3A_172 = arith.constant 0 : i32
      scf.yield %while3A_172 : i32
    }
    %while3A_92 = arith.constant 1 : i32
    %while3A_93 = scf.for %while3A_115 = %while3A_89 to %while3A_85 step %while3A_92 iter_args(%while3A_116 = %while3A_91) -> (i32)  : i32 {
      %mul3A_117 = arith.constant 3 : i32
      %mul3A_118 = arith.muli %while3A_115, %mul3A_117 : i32
      %add3A_119 = arith.constant 0 : i32
      %add3A_120 = arith.addi %mul3A_118, %add3A_119 : i32
      %dma_wait3A = arith.constant 0 : i32
      %dma_wait3A_121 = arith.constant 0 : i32
      %dma_wait3A_122 = tpu.memref_slice %arg8[%add3A_120, %dma_wait3A_121] : memref<81x128xi32, #tpu.memory_space<vmem>> -> memref<1x128xi32, #tpu.memory_space<vmem>>
      %dma_wait3A_123 = tpu.memref_squeeze %dma_wait3A_122 : memref<1x128xi32, #tpu.memory_space<vmem>> -> memref<128xi32, #tpu.memory_space<vmem>>
      %dma_wait3A_124 = arith.constant 0 : i32
      %dma_wait3A_125 = arith.constant 0 : i32
      %dma_wait3A_126 = tpu.memref_slice %arg14[%dma_wait3A_124, %dma_wait3A_125] : memref<10240x64xf32, #tpu.memory_space<vmem_shared>> -> memref<10240x64xf32, #tpu.memory_space<vmem_shared>>
      %dma_wait3A_127 = tpu.memref_slice %arg13[%dma_wait3A] : memref<3x!tpu.dma_semaphore, #tpu.memory_space<semaphore_mem>> -> memref<1x!tpu.dma_semaphore, #tpu.memory_space<semaphore_mem>>
      %dma_wait3A_128 = tpu.memref_squeeze %dma_wait3A_127 : memref<1x!tpu.dma_semaphore, #tpu.memory_space<semaphore_mem>> -> memref<!tpu.dma_semaphore, #tpu.memory_space<semaphore_mem>>
      tpu.wait_indirect_dma semaphore(%dma_wait3A_128 : memref<!tpu.dma_semaphore, #tpu.memory_space<semaphore_mem>>) src(%dma_wait3A_126 : memref<10240x64xf32, #tpu.memory_space<vmem_shared>>) dst(%arg10 : memref<128x64xf32, #tpu.memory_space<vmem>>)
      "tpu.region"() ({
        %run_scoped3A = tpu.sem_alloc : memref<!tpu.dma_semaphore, #tpu.memory_space<semaphore_mem>>
        %dma_start3A_173 = arith.constant 0 : i32
        %dma_start3A_174 = tpu.memref_slice %arg9[%add3A_120, %dma_start3A_173] : memref<81x128xi32, #tpu.memory_space<vmem>> -> memref<1x128xi32, #tpu.memory_space<vmem>>
        %dma_start3A_175 = tpu.memref_squeeze %dma_start3A_174 : memref<1x128xi32, #tpu.memory_space<vmem>> -> memref<128xi32, #tpu.memory_space<vmem>>
        %dma_start3A_176 = arith.constant 0 : i32
        %dma_start3A_177 = arith.constant 0 : i32
        %dma_start3A_178 = tpu.memref_slice %arg15[%dma_start3A_176, %dma_start3A_177] : memref<10240x64xf32, #tpu.memory_space<vmem_shared>> -> memref<10240x64xf32, #tpu.memory_space<vmem_shared>>
        tpu.enqueue_indirect_dma source(%arg10 : memref<128x64xf32, #tpu.memory_space<vmem>>) target(%dma_start3A_178 : memref<10240x64xf32, #tpu.memory_space<vmem_shared>>) offsets(%dma_start3A_175 : memref<128xi32, #tpu.memory_space<vmem>>) semaphore(%run_scoped3A : memref<!tpu.dma_semaphore, #tpu.memory_space<semaphore_mem>>) {add = true}
        %dma_wait3A_179 = arith.constant 0 : i32
        %dma_wait3A_180 = tpu.memref_slice %arg9[%add3A_120, %dma_wait3A_179] : memref<81x128xi32, #tpu.memory_space<vmem>> -> memref<1x128xi32, #tpu.memory_space<vmem>>
        %dma_wait3A_181 = tpu.memref_squeeze %dma_wait3A_180 : memref<1x128xi32, #tpu.memory_space<vmem>> -> memref<128xi32, #tpu.memory_space<vmem>>
        %dma_wait3A_182 = arith.constant 0 : i32
        %dma_wait3A_183 = arith.constant 0 : i32
        %dma_wait3A_184 = tpu.memref_slice %arg15[%dma_wait3A_182, %dma_wait3A_183] : memref<10240x64xf32, #tpu.memory_space<vmem_shared>> -> memref<10240x64xf32, #tpu.memory_space<vmem_shared>>
        tpu.wait_indirect_dma semaphore(%run_scoped3A : memref<!tpu.dma_semaphore, #tpu.memory_space<semaphore_mem>>) src(%arg10 : memref<128x64xf32, #tpu.memory_space<vmem>>) dst(%dma_wait3A_184 : memref<10240x64xf32, #tpu.memory_space<vmem_shared>>)
        tpu.yield
      }) : () -> ()
      %add3A_129 = arith.constant 3 : i32
      %add3A_130 = arith.addi %add3A_120, %add3A_129 : i32
      %lt3A = arith.cmpi slt, %add3A_130, %select_n3A : i32
      %convert_element_type3A_131 = arith.extui %lt3A : i1 to i32
      %cond3A_132 = arith.constant 0 : i32
      %cond3A_133 = arith.cmpi ne, %convert_element_type3A_131, %cond3A_132 : i32
      scf.if %cond3A_133 {
        %add3A_173 = arith.constant 3 : i32
        %add3A_174 = arith.addi %add3A_120, %add3A_173 : i32
        %dma_start3A_175 = arith.constant 0 : i32
        %dma_start3A_176 = arith.constant 0 : i32
        %dma_start3A_177 = tpu.memref_slice %arg8[%add3A_174, %dma_start3A_176] : memref<81x128xi32, #tpu.memory_space<vmem>> -> memref<1x128xi32, #tpu.memory_space<vmem>>
        %dma_start3A_178 = tpu.memref_squeeze %dma_start3A_177 : memref<1x128xi32, #tpu.memory_space<vmem>> -> memref<128xi32, #tpu.memory_space<vmem>>
        %dma_start3A_179 = arith.constant 0 : i32
        %dma_start3A_180 = arith.constant 0 : i32
        %dma_start3A_181 = tpu.memref_slice %arg14[%dma_start3A_179, %dma_start3A_180] : memref<10240x64xf32, #tpu.memory_space<vmem_shared>> -> memref<10240x64xf32, #tpu.memory_space<vmem_shared>>
        %dma_start3A_182 = tpu.memref_slice %arg13[%dma_start3A_175] : memref<3x!tpu.dma_semaphore, #tpu.memory_space<semaphore_mem>> -> memref<1x!tpu.dma_semaphore, #tpu.memory_space<semaphore_mem>>
        %dma_start3A_183 = tpu.memref_squeeze %dma_start3A_182 : memref<1x!tpu.dma_semaphore, #tpu.memory_space<semaphore_mem>> -> memref<!tpu.dma_semaphore, #tpu.memory_space<semaphore_mem>>
        tpu.enqueue_indirect_dma source(%dma_start3A_181 : memref<10240x64xf32, #tpu.memory_space<vmem_shared>>) target(%arg10 : memref<128x64xf32, #tpu.memory_space<vmem>>) offsets(%dma_start3A_178 : memref<128xi32, #tpu.memory_space<vmem>>) semaphore(%dma_start3A_183 : memref<!tpu.dma_semaphore, #tpu.memory_space<semaphore_mem>>)
      } else {
      }
      %mul3A_134 = arith.constant 3 : i32
      %mul3A_135 = arith.muli %while3A_115, %mul3A_134 : i32
      %add3A_136 = arith.constant 1 : i32
      %add3A_137 = arith.addi %mul3A_135, %add3A_136 : i32
      %dma_wait3A_138 = arith.constant 1 : i32
      %dma_wait3A_139 = arith.constant 0 : i32
      %dma_wait3A_140 = tpu.memref_slice %arg8[%add3A_137, %dma_wait3A_139] : memref<81x128xi32, #tpu.memory_space<vmem>> -> memref<1x128xi32, #tpu.memory_space<vmem>>
      %dma_wait3A_141 = tpu.memref_squeeze %dma_wait3A_140 : memref<1x128xi32, #tpu.memory_space<vmem>> -> memref<128xi32, #tpu.memory_space<vmem>>
      %dma_wait3A_142 = arith.constant 0 : i32
      %dma_wait3A_143 = arith.constant 0 : i32
      %dma_wait3A_144 = tpu.memref_slice %arg14[%dma_wait3A_142, %dma_wait3A_143] : memref<10240x64xf32, #tpu.memory_space<vmem_shared>> -> memref<10240x64xf32, #tpu.memory_space<vmem_shared>>
      %dma_wait3A_145 = tpu.memref_slice %arg13[%dma_wait3A_138] : memref<3x!tpu.dma_semaphore, #tpu.memory_space<semaphore_mem>> -> memref<1x!tpu.dma_semaphore, #tpu.memory_space<semaphore_mem>>
      %dma_wait3A_146 = tpu.memref_squeeze %dma_wait3A_145 : memref<1x!tpu.dma_semaphore, #tpu.memory_space<semaphore_mem>> -> memref<!tpu.dma_semaphore, #tpu.memory_space<semaphore_mem>>
      tpu.wait_indirect_dma semaphore(%dma_wait3A_146 : memref<!tpu.dma_semaphore, #tpu.memory_space<semaphore_mem>>) src(%dma_wait3A_144 : memref<10240x64xf32, #tpu.memory_space<vmem_shared>>) dst(%arg11 : memref<128x64xf32, #tpu.memory_space<vmem>>)
      "tpu.region"() ({
        %run_scoped3A = tpu.sem_alloc : memref<!tpu.dma_semaphore, #tpu.memory_space<semaphore_mem>>
        %dma_start3A_173 = arith.constant 0 : i32
        %dma_start3A_174 = tpu.memref_slice %arg9[%add3A_137, %dma_start3A_173] : memref<81x128xi32, #tpu.memory_space<vmem>> -> memref<1x128xi32, #tpu.memory_space<vmem>>
        %dma_start3A_175 = tpu.memref_squeeze %dma_start3A_174 : memref<1x128xi32, #tpu.memory_space<vmem>> -> memref<128xi32, #tpu.memory_space<vmem>>
        %dma_start3A_176 = arith.constant 0 : i32
        %dma_start3A_177 = arith.constant 0 : i32
        %dma_start3A_178 = tpu.memref_slice %arg15[%dma_start3A_176, %dma_start3A_177] : memref<10240x64xf32, #tpu.memory_space<vmem_shared>> -> memref<10240x64xf32, #tpu.memory_space<vmem_shared>>
        tpu.enqueue_indirect_dma source(%arg11 : memref<128x64xf32, #tpu.memory_space<vmem>>) target(%dma_start3A_178 : memref<10240x64xf32, #tpu.memory_space<vmem_shared>>) offsets(%dma_start3A_175 : memref<128xi32, #tpu.memory_space<vmem>>) semaphore(%run_scoped3A : memref<!tpu.dma_semaphore, #tpu.memory_space<semaphore_mem>>) {add = true}
        %dma_wait3A_179 = arith.constant 0 : i32
        %dma_wait3A_180 = tpu.memref_slice %arg9[%add3A_137, %dma_wait3A_179] : memref<81x128xi32, #tpu.memory_space<vmem>> -> memref<1x128xi32, #tpu.memory_space<vmem>>
        %dma_wait3A_181 = tpu.memref_squeeze %dma_wait3A_180 : memref<1x128xi32, #tpu.memory_space<vmem>> -> memref<128xi32, #tpu.memory_space<vmem>>
        %dma_wait3A_182 = arith.constant 0 : i32
        %dma_wait3A_183 = arith.constant 0 : i32
        %dma_wait3A_184 = tpu.memref_slice %arg15[%dma_wait3A_182, %dma_wait3A_183] : memref<10240x64xf32, #tpu.memory_space<vmem_shared>> -> memref<10240x64xf32, #tpu.memory_space<vmem_shared>>
        tpu.wait_indirect_dma semaphore(%run_scoped3A : memref<!tpu.dma_semaphore, #tpu.memory_space<semaphore_mem>>) src(%arg11 : memref<128x64xf32, #tpu.memory_space<vmem>>) dst(%dma_wait3A_184 : memref<10240x64xf32, #tpu.memory_space<vmem_shared>>)
        tpu.yield
      }) : () -> ()
      %add3A_147 = arith.constant 3 : i32
      %add3A_148 = arith.addi %add3A_137, %add3A_147 : i32
      %lt3A_149 = arith.cmpi slt, %add3A_148, %select_n3A : i32
      %convert_element_type3A_150 = arith.extui %lt3A_149 : i1 to i32
      %cond3A_151 = arith.constant 0 : i32
      %cond3A_152 = arith.cmpi ne, %convert_element_type3A_150, %cond3A_151 : i32
      scf.if %cond3A_152 {
        %add3A_173 = arith.constant 3 : i32
        %add3A_174 = arith.addi %add3A_137, %add3A_173 : i32
        %dma_start3A_175 = arith.constant 1 : i32
        %dma_start3A_176 = arith.constant 0 : i32
        %dma_start3A_177 = tpu.memref_slice %arg8[%add3A_174, %dma_start3A_176] : memref<81x128xi32, #tpu.memory_space<vmem>> -> memref<1x128xi32, #tpu.memory_space<vmem>>
        %dma_start3A_178 = tpu.memref_squeeze %dma_start3A_177 : memref<1x128xi32, #tpu.memory_space<vmem>> -> memref<128xi32, #tpu.memory_space<vmem>>
        %dma_start3A_179 = arith.constant 0 : i32
        %dma_start3A_180 = arith.constant 0 : i32
        %dma_start3A_181 = tpu.memref_slice %arg14[%dma_start3A_179, %dma_start3A_180] : memref<10240x64xf32, #tpu.memory_space<vmem_shared>> -> memref<10240x64xf32, #tpu.memory_space<vmem_shared>>
        %dma_start3A_182 = tpu.memref_slice %arg13[%dma_start3A_175] : memref<3x!tpu.dma_semaphore, #tpu.memory_space<semaphore_mem>> -> memref<1x!tpu.dma_semaphore, #tpu.memory_space<semaphore_mem>>
        %dma_start3A_183 = tpu.memref_squeeze %dma_start3A_182 : memref<1x!tpu.dma_semaphore, #tpu.memory_space<semaphore_mem>> -> memref<!tpu.dma_semaphore, #tpu.memory_space<semaphore_mem>>
        tpu.enqueue_indirect_dma source(%dma_start3A_181 : memref<10240x64xf32, #tpu.memory_space<vmem_shared>>) target(%arg11 : memref<128x64xf32, #tpu.memory_space<vmem>>) offsets(%dma_start3A_178 : memref<128xi32, #tpu.memory_space<vmem>>) semaphore(%dma_start3A_183 : memref<!tpu.dma_semaphore, #tpu.memory_space<semaphore_mem>>)
      } else {
      }
      %mul3A_153 = arith.constant 3 : i32
      %mul3A_154 = arith.muli %while3A_115, %mul3A_153 : i32
      %add3A_155 = arith.constant 2 : i32
      %add3A_156 = arith.addi %mul3A_154, %add3A_155 : i32
      %dma_wait3A_157 = arith.constant 2 : i32
      %dma_wait3A_158 = arith.constant 0 : i32
      %dma_wait3A_159 = tpu.memref_slice %arg8[%add3A_156, %dma_wait3A_158] : memref<81x128xi32, #tpu.memory_space<vmem>> -> memref<1x128xi32, #tpu.memory_space<vmem>>
      %dma_wait3A_160 = tpu.memref_squeeze %dma_wait3A_159 : memref<1x128xi32, #tpu.memory_space<vmem>> -> memref<128xi32, #tpu.memory_space<vmem>>
      %dma_wait3A_161 = arith.constant 0 : i32
      %dma_wait3A_162 = arith.constant 0 : i32
      %dma_wait3A_163 = tpu.memref_slice %arg14[%dma_wait3A_161, %dma_wait3A_162] : memref<10240x64xf32, #tpu.memory_space<vmem_shared>> -> memref<10240x64xf32, #tpu.memory_space<vmem_shared>>
      %dma_wait3A_164 = tpu.memref_slice %arg13[%dma_wait3A_157] : memref<3x!tpu.dma_semaphore, #tpu.memory_space<semaphore_mem>> -> memref<1x!tpu.dma_semaphore, #tpu.memory_space<semaphore_mem>>
      %dma_wait3A_165 = tpu.memref_squeeze %dma_wait3A_164 : memref<1x!tpu.dma_semaphore, #tpu.memory_space<semaphore_mem>> -> memref<!tpu.dma_semaphore, #tpu.memory_space<semaphore_mem>>
      tpu.wait_indirect_dma semaphore(%dma_wait3A_165 : memref<!tpu.dma_semaphore, #tpu.memory_space<semaphore_mem>>) src(%dma_wait3A_163 : memref<10240x64xf32, #tpu.memory_space<vmem_shared>>) dst(%arg12 : memref<128x64xf32, #tpu.memory_space<vmem>>)
      "tpu.region"() ({
        %run_scoped3A = tpu.sem_alloc : memref<!tpu.dma_semaphore, #tpu.memory_space<semaphore_mem>>
        %dma_start3A_173 = arith.constant 0 : i32
        %dma_start3A_174 = tpu.memref_slice %arg9[%add3A_156, %dma_start3A_173] : memref<81x128xi32, #tpu.memory_space<vmem>> -> memref<1x128xi32, #tpu.memory_space<vmem>>
        %dma_start3A_175 = tpu.memref_squeeze %dma_start3A_174 : memref<1x128xi32, #tpu.memory_space<vmem>> -> memref<128xi32, #tpu.memory_space<vmem>>
        %dma_start3A_176 = arith.constant 0 : i32
        %dma_start3A_177 = arith.constant 0 : i32
        %dma_start3A_178 = tpu.memref_slice %arg15[%dma_start3A_176, %dma_start3A_177] : memref<10240x64xf32, #tpu.memory_space<vmem_shared>> -> memref<10240x64xf32, #tpu.memory_space<vmem_shared>>
        tpu.enqueue_indirect_dma source(%arg12 : memref<128x64xf32, #tpu.memory_space<vmem>>) target(%dma_start3A_178 : memref<10240x64xf32, #tpu.memory_space<vmem_shared>>) offsets(%dma_start3A_175 : memref<128xi32, #tpu.memory_space<vmem>>) semaphore(%run_scoped3A : memref<!tpu.dma_semaphore, #tpu.memory_space<semaphore_mem>>) {add = true}
        %dma_wait3A_179 = arith.constant 0 : i32
        %dma_wait3A_180 = tpu.memref_slice %arg9[%add3A_156, %dma_wait3A_179] : memref<81x128xi32, #tpu.memory_space<vmem>> -> memref<1x128xi32, #tpu.memory_space<vmem>>
        %dma_wait3A_181 = tpu.memref_squeeze %dma_wait3A_180 : memref<1x128xi32, #tpu.memory_space<vmem>> -> memref<128xi32, #tpu.memory_space<vmem>>
        %dma_wait3A_182 = arith.constant 0 : i32
        %dma_wait3A_183 = arith.constant 0 : i32
        %dma_wait3A_184 = tpu.memref_slice %arg15[%dma_wait3A_182, %dma_wait3A_183] : memref<10240x64xf32, #tpu.memory_space<vmem_shared>> -> memref<10240x64xf32, #tpu.memory_space<vmem_shared>>
        tpu.wait_indirect_dma semaphore(%run_scoped3A : memref<!tpu.dma_semaphore, #tpu.memory_space<semaphore_mem>>) src(%arg12 : memref<128x64xf32, #tpu.memory_space<vmem>>) dst(%dma_wait3A_184 : memref<10240x64xf32, #tpu.memory_space<vmem_shared>>)
        tpu.yield
      }) : () -> ()
      %add3A_166 = arith.constant 3 : i32
      %add3A_167 = arith.addi %add3A_156, %add3A_166 : i32
      %lt3A_168 = arith.cmpi slt, %add3A_167, %select_n3A : i32
      %convert_element_type3A_169 = arith.extui %lt3A_168 : i1 to i32
      %cond3A_170 = arith.constant 0 : i32
      %cond3A_171 = arith.cmpi ne, %convert_element_type3A_169, %cond3A_170 : i32
      scf.if %cond3A_171 {
        %add3A_173 = arith.constant 3 : i32
        %add3A_174 = arith.addi %add3A_156, %add3A_173 : i32
        %dma_start3A_175 = arith.constant 2 : i32
        %dma_start3A_176 = arith.constant 0 : i32
        %dma_start3A_177 = tpu.memref_slice %arg8[%add3A_174, %dma_start3A_176] : memref<81x128xi32, #tpu.memory_space<vmem>> -> memref<1x128xi32, #tpu.memory_space<vmem>>
        %dma_start3A_178 = tpu.memref_squeeze %dma_start3A_177 : memref<1x128xi32, #tpu.memory_space<vmem>> -> memref<128xi32, #tpu.memory_space<vmem>>
        %dma_start3A_179 = arith.constant 0 : i32
        %dma_start3A_180 = arith.constant 0 : i32
        %dma_start3A_181 = tpu.memref_slice %arg14[%dma_start3A_179, %dma_start3A_180] : memref<10240x64xf32, #tpu.memory_space<vmem_shared>> -> memref<10240x64xf32, #tpu.memory_space<vmem_shared>>
        %dma_start3A_182 = tpu.memref_slice %arg13[%dma_start3A_175] : memref<3x!tpu.dma_semaphore, #tpu.memory_space<semaphore_mem>> -> memref<1x!tpu.dma_semaphore, #tpu.memory_space<semaphore_mem>>
        %dma_start3A_183 = tpu.memref_squeeze %dma_start3A_182 : memref<1x!tpu.dma_semaphore, #tpu.memory_space<semaphore_mem>> -> memref<!tpu.dma_semaphore, #tpu.memory_space<semaphore_mem>>
        tpu.enqueue_indirect_dma source(%dma_start3A_181 : memref<10240x64xf32, #tpu.memory_space<vmem_shared>>) target(%arg12 : memref<128x64xf32, #tpu.memory_space<vmem>>) offsets(%dma_start3A_178 : memref<128xi32, #tpu.memory_space<vmem>>) semaphore(%dma_start3A_183 : memref<!tpu.dma_semaphore, #tpu.memory_space<semaphore_mem>>)
      } else {
      }
      %while3A_172 = arith.constant 0 : i32
      scf.yield %while3A_172 : i32
    }
    %barrier3A_94 = arith.constant 0 : index
    tpu.barrier barrier_id(%barrier3A_94)
    %mul3A_95 = arith.constant 640 : i32
    %mul3A_96 = arith.muli %arg1, %mul3A_95 : i32
    %add3A_97 = arith.constant 0 : i32
    %add3A_98 = arith.addi %mul3A_96, %add3A_97 : i32
    "tpu.region"() ({
      %run_scoped3A = tpu.sem_alloc : memref<!tpu.dma_semaphore, #tpu.memory_space<semaphore_mem>>
      %dma_start3A_115 = arith.constant 0 : i32
      %dma_start3A_116 = tpu.memref_slice %arg15[%add3A_98, %dma_start3A_115] : memref<10240x64xf32, #tpu.memory_space<vmem_shared>> -> memref<128x64xf32, #tpu.memory_space<vmem_shared>>
      %dma_start3A_117 = arith.constant 0 : i32
      %dma_start3A_118 = tpu.memref_slice %arg15[%add3A_98, %dma_start3A_117] : memref<10240x64xf32, #tpu.memory_space<vmem_shared>> -> memref<128x64xf32, #tpu.memory_space<vmem_shared>>
      tpu.enqueue_dma source(%dma_start3A_118 : memref<128x64xf32, #tpu.memory_space<vmem_shared>>) target(%arg10 : memref<128x64xf32, #tpu.memory_space<vmem>>) target_semaphore(%run_scoped3A : memref<!tpu.dma_semaphore, #tpu.memory_space<semaphore_mem>>)
      %dma_wait3A = arith.constant 0 : i32
      %dma_wait3A_119 = tpu.memref_slice %arg15[%add3A_98, %dma_wait3A] : memref<10240x64xf32, #tpu.memory_space<vmem_shared>> -> memref<128x64xf32, #tpu.memory_space<vmem_shared>>
      %dma_wait3A_120 = arith.constant 0 : i32
      %dma_wait3A_121 = tpu.memref_slice %arg15[%add3A_98, %dma_wait3A_120] : memref<10240x64xf32, #tpu.memory_space<vmem_shared>> -> memref<128x64xf32, #tpu.memory_space<vmem_shared>>
      tpu.wait_dma2 semaphore(%run_scoped3A : memref<!tpu.dma_semaphore, #tpu.memory_space<semaphore_mem>>) src(%dma_wait3A_121 : memref<128x64xf32, #tpu.memory_space<vmem_shared>>) dst(%arg10 : memref<128x64xf32, #tpu.memory_space<vmem>>)
      tpu.yield
    }) : () -> ()
    "tpu.region"() ({
      %run_scoped3A = tpu.sem_alloc : memref<!tpu.dma_semaphore, #tpu.memory_space<semaphore_mem>>
      %dma_start3A_115 = arith.constant 0 : i32
      %dma_start3A_116 = tpu.memref_slice %arg7[%arg0, %add3A_98, %dma_start3A_115] : memref<2x10240x64xf32, #tpu.memory_space<hbm>> -> memref<1x128x64xf32, #tpu.memory_space<hbm>>
      %dma_start3A_117 = tpu.memref_squeeze %dma_start3A_116 : memref<1x128x64xf32, #tpu.memory_space<hbm>> -> memref<128x64xf32, #tpu.memory_space<hbm>>
      %dma_start3A_118 = arith.constant 0 : i32
      %dma_start3A_119 = tpu.memref_slice %arg7[%arg0, %add3A_98, %dma_start3A_118] : memref<2x10240x64xf32, #tpu.memory_space<hbm>> -> memref<1x128x64xf32, #tpu.memory_space<hbm>>
      %dma_start3A_120 = tpu.memref_squeeze %dma_start3A_119 : memref<1x128x64xf32, #tpu.memory_space<hbm>> -> memref<128x64xf32, #tpu.memory_space<hbm>>
      tpu.enqueue_dma source(%arg10 : memref<128x64xf32, #tpu.memory_space<vmem>>) target(%dma_start3A_120 : memref<128x64xf32, #tpu.memory_space<hbm>>) target_semaphore(%run_scoped3A : memref<!tpu.dma_semaphore, #tpu.memory_space<semaphore_mem>>)
      %dma_wait3A = arith.constant 0 : i32
      %dma_wait3A_121 = tpu.memref_slice %arg7[%arg0, %add3A_98, %dma_wait3A] : memref<2x10240x64xf32, #tpu.memory_space<hbm>> -> memref<1x128x64xf32, #tpu.memory_space<hbm>>
      %dma_wait3A_122 = tpu.memref_squeeze %dma_wait3A_121 : memref<1x128x64xf32, #tpu.memory_space<hbm>> -> memref<128x64xf32, #tpu.memory_space<hbm>>
      %dma_wait3A_123 = arith.constant 0 : i32
      %dma_wait3A_124 = tpu.memref_slice %arg7[%arg0, %add3A_98, %dma_wait3A_123] : memref<2x10240x64xf32, #tpu.memory_space<hbm>> -> memref<1x128x64xf32, #tpu.memory_space<hbm>>
      %dma_wait3A_125 = tpu.memref_squeeze %dma_wait3A_124 : memref<1x128x64xf32, #tpu.memory_space<hbm>> -> memref<128x64xf32, #tpu.memory_space<hbm>>
      tpu.wait_dma2 semaphore(%run_scoped3A : memref<!tpu.dma_semaphore, #tpu.memory_space<semaphore_mem>>) src(%arg10 : memref<128x64xf32, #tpu.memory_space<vmem>>) dst(%dma_wait3A_125 : memref<128x64xf32, #tpu.memory_space<hbm>>)
      tpu.yield
    }) : () -> ()
    %mul3A_99 = arith.constant 640 : i32
    %mul3A_100 = arith.muli %arg1, %mul3A_99 : i32
    %add3A_101 = arith.constant 128 : i32
    %add3A_102 = arith.addi %mul3A_100, %add3A_101 : i32
    "tpu.region"() ({
      %run_scoped3A = tpu.sem_alloc : memref<!tpu.dma_semaphore, #tpu.memory_space<semaphore_mem>>
      %dma_start3A_115 = arith.constant 0 : i32
      %dma_start3A_116 = tpu.memref_slice %arg15[%add3A_102, %dma_start3A_115] : memref<10240x64xf32, #tpu.memory_space<vmem_shared>> -> memref<128x64xf32, #tpu.memory_space<vmem_shared>>
      %dma_start3A_117 = arith.constant 0 : i32
      %dma_start3A_118 = tpu.memref_slice %arg15[%add3A_102, %dma_start3A_117] : memref<10240x64xf32, #tpu.memory_space<vmem_shared>> -> memref<128x64xf32, #tpu.memory_space<vmem_shared>>
      tpu.enqueue_dma source(%dma_start3A_118 : memref<128x64xf32, #tpu.memory_space<vmem_shared>>) target(%arg10 : memref<128x64xf32, #tpu.memory_space<vmem>>) target_semaphore(%run_scoped3A : memref<!tpu.dma_semaphore, #tpu.memory_space<semaphore_mem>>)
      %dma_wait3A = arith.constant 0 : i32
      %dma_wait3A_119 = tpu.memref_slice %arg15[%add3A_102, %dma_wait3A] : memref<10240x64xf32, #tpu.memory_space<vmem_shared>> -> memref<128x64xf32, #tpu.memory_space<vmem_shared>>
      %dma_wait3A_120 = arith.constant 0 : i32
      %dma_wait3A_121 = tpu.memref_slice %arg15[%add3A_102, %dma_wait3A_120] : memref<10240x64xf32, #tpu.memory_space<vmem_shared>> -> memref<128x64xf32, #tpu.memory_space<vmem_shared>>
      tpu.wait_dma2 semaphore(%run_scoped3A : memref<!tpu.dma_semaphore, #tpu.memory_space<semaphore_mem>>) src(%dma_wait3A_121 : memref<128x64xf32, #tpu.memory_space<vmem_shared>>) dst(%arg10 : memref<128x64xf32, #tpu.memory_space<vmem>>)
      tpu.yield
    }) : () -> ()
    "tpu.region"() ({
      %run_scoped3A = tpu.sem_alloc : memref<!tpu.dma_semaphore, #tpu.memory_space<semaphore_mem>>
      %dma_start3A_115 = arith.constant 0 : i32
      %dma_start3A_116 = tpu.memref_slice %arg7[%arg0, %add3A_102, %dma_start3A_115] : memref<2x10240x64xf32, #tpu.memory_space<hbm>> -> memref<1x128x64xf32, #tpu.memory_space<hbm>>
      %dma_start3A_117 = tpu.memref_squeeze %dma_start3A_116 : memref<1x128x64xf32, #tpu.memory_space<hbm>> -> memref<128x64xf32, #tpu.memory_space<hbm>>
      %dma_start3A_118 = arith.constant 0 : i32
      %dma_start3A_119 = tpu.memref_slice %arg7[%arg0, %add3A_102, %dma_start3A_118] : memref<2x10240x64xf32, #tpu.memory_space<hbm>> -> memref<1x128x64xf32, #tpu.memory_space<hbm>>
      %dma_start3A_120 = tpu.memref_squeeze %dma_start3A_119 : memref<1x128x64xf32, #tpu.memory_space<hbm>> -> memref<128x64xf32, #tpu.memory_space<hbm>>
      tpu.enqueue_dma source(%arg10 : memref<128x64xf32, #tpu.memory_space<vmem>>) target(%dma_start3A_120 : memref<128x64xf32, #tpu.memory_space<hbm>>) target_semaphore(%run_scoped3A : memref<!tpu.dma_semaphore, #tpu.memory_space<semaphore_mem>>)
      %dma_wait3A = arith.constant 0 : i32
      %dma_wait3A_121 = tpu.memref_slice %arg7[%arg0, %add3A_102, %dma_wait3A] : memref<2x10240x64xf32, #tpu.memory_space<hbm>> -> memref<1x128x64xf32, #tpu.memory_space<hbm>>
      %dma_wait3A_122 = tpu.memref_squeeze %dma_wait3A_121 : memref<1x128x64xf32, #tpu.memory_space<hbm>> -> memref<128x64xf32, #tpu.memory_space<hbm>>
      %dma_wait3A_123 = arith.constant 0 : i32
      %dma_wait3A_124 = tpu.memref_slice %arg7[%arg0, %add3A_102, %dma_wait3A_123] : memref<2x10240x64xf32, #tpu.memory_space<hbm>> -> memref<1x128x64xf32, #tpu.memory_space<hbm>>
      %dma_wait3A_125 = tpu.memref_squeeze %dma_wait3A_124 : memref<1x128x64xf32, #tpu.memory_space<hbm>> -> memref<128x64xf32, #tpu.memory_space<hbm>>
      tpu.wait_dma2 semaphore(%run_scoped3A : memref<!tpu.dma_semaphore, #tpu.memory_space<semaphore_mem>>) src(%arg10 : memref<128x64xf32, #tpu.memory_space<vmem>>) dst(%dma_wait3A_125 : memref<128x64xf32, #tpu.memory_space<hbm>>)
      tpu.yield
    }) : () -> ()
    %mul3A_103 = arith.constant 640 : i32
    %mul3A_104 = arith.muli %arg1, %mul3A_103 : i32
    %add3A_105 = arith.constant 256 : i32
    %add3A_106 = arith.addi %mul3A_104, %add3A_105 : i32
    "tpu.region"() ({
      %run_scoped3A = tpu.sem_alloc : memref<!tpu.dma_semaphore, #tpu.memory_space<semaphore_mem>>
      %dma_start3A_115 = arith.constant 0 : i32
      %dma_start3A_116 = tpu.memref_slice %arg15[%add3A_106, %dma_start3A_115] : memref<10240x64xf32, #tpu.memory_space<vmem_shared>> -> memref<128x64xf32, #tpu.memory_space<vmem_shared>>
      %dma_start3A_117 = arith.constant 0 : i32
      %dma_start3A_118 = tpu.memref_slice %arg15[%add3A_106, %dma_start3A_117] : memref<10240x64xf32, #tpu.memory_space<vmem_shared>> -> memref<128x64xf32, #tpu.memory_space<vmem_shared>>
      tpu.enqueue_dma source(%dma_start3A_118 : memref<128x64xf32, #tpu.memory_space<vmem_shared>>) target(%arg10 : memref<128x64xf32, #tpu.memory_space<vmem>>) target_semaphore(%run_scoped3A : memref<!tpu.dma_semaphore, #tpu.memory_space<semaphore_mem>>)
      %dma_wait3A = arith.constant 0 : i32
      %dma_wait3A_119 = tpu.memref_slice %arg15[%add3A_106, %dma_wait3A] : memref<10240x64xf32, #tpu.memory_space<vmem_shared>> -> memref<128x64xf32, #tpu.memory_space<vmem_shared>>
      %dma_wait3A_120 = arith.constant 0 : i32
      %dma_wait3A_121 = tpu.memref_slice %arg15[%add3A_106, %dma_wait3A_120] : memref<10240x64xf32, #tpu.memory_space<vmem_shared>> -> memref<128x64xf32, #tpu.memory_space<vmem_shared>>
      tpu.wait_dma2 semaphore(%run_scoped3A : memref<!tpu.dma_semaphore, #tpu.memory_space<semaphore_mem>>) src(%dma_wait3A_121 : memref<128x64xf32, #tpu.memory_space<vmem_shared>>) dst(%arg10 : memref<128x64xf32, #tpu.memory_space<vmem>>)
      tpu.yield
    }) : () -> ()
    "tpu.region"() ({
      %run_scoped3A = tpu.sem_alloc : memref<!tpu.dma_semaphore, #tpu.memory_space<semaphore_mem>>
      %dma_start3A_115 = arith.constant 0 : i32
      %dma_start3A_116 = tpu.memref_slice %arg7[%arg0, %add3A_106, %dma_start3A_115] : memref<2x10240x64xf32, #tpu.memory_space<hbm>> -> memref<1x128x64xf32, #tpu.memory_space<hbm>>
      %dma_start3A_117 = tpu.memref_squeeze %dma_start3A_116 : memref<1x128x64xf32, #tpu.memory_space<hbm>> -> memref<128x64xf32, #tpu.memory_space<hbm>>
      %dma_start3A_118 = arith.constant 0 : i32
      %dma_start3A_119 = tpu.memref_slice %arg7[%arg0, %add3A_106, %dma_start3A_118] : memref<2x10240x64xf32, #tpu.memory_space<hbm>> -> memref<1x128x64xf32, #tpu.memory_space<hbm>>
      %dma_start3A_120 = tpu.memref_squeeze %dma_start3A_119 : memref<1x128x64xf32, #tpu.memory_space<hbm>> -> memref<128x64xf32, #tpu.memory_space<hbm>>
      tpu.enqueue_dma source(%arg10 : memref<128x64xf32, #tpu.memory_space<vmem>>) target(%dma_start3A_120 : memref<128x64xf32, #tpu.memory_space<hbm>>) target_semaphore(%run_scoped3A : memref<!tpu.dma_semaphore, #tpu.memory_space<semaphore_mem>>)
      %dma_wait3A = arith.constant 0 : i32
      %dma_wait3A_121 = tpu.memref_slice %arg7[%arg0, %add3A_106, %dma_wait3A] : memref<2x10240x64xf32, #tpu.memory_space<hbm>> -> memref<1x128x64xf32, #tpu.memory_space<hbm>>
      %dma_wait3A_122 = tpu.memref_squeeze %dma_wait3A_121 : memref<1x128x64xf32, #tpu.memory_space<hbm>> -> memref<128x64xf32, #tpu.memory_space<hbm>>
      %dma_wait3A_123 = arith.constant 0 : i32
      %dma_wait3A_124 = tpu.memref_slice %arg7[%arg0, %add3A_106, %dma_wait3A_123] : memref<2x10240x64xf32, #tpu.memory_space<hbm>> -> memref<1x128x64xf32, #tpu.memory_space<hbm>>
      %dma_wait3A_125 = tpu.memref_squeeze %dma_wait3A_124 : memref<1x128x64xf32, #tpu.memory_space<hbm>> -> memref<128x64xf32, #tpu.memory_space<hbm>>
      tpu.wait_dma2 semaphore(%run_scoped3A : memref<!tpu.dma_semaphore, #tpu.memory_space<semaphore_mem>>) src(%arg10 : memref<128x64xf32, #tpu.memory_space<vmem>>) dst(%dma_wait3A_125 : memref<128x64xf32, #tpu.memory_space<hbm>>)
      tpu.yield
    }) : () -> ()
    %mul3A_107 = arith.constant 640 : i32
    %mul3A_108 = arith.muli %arg1, %mul3A_107 : i32
    %add3A_109 = arith.constant 384 : i32
    %add3A_110 = arith.addi %mul3A_108, %add3A_109 : i32
    "tpu.region"() ({
      %run_scoped3A = tpu.sem_alloc : memref<!tpu.dma_semaphore, #tpu.memory_space<semaphore_mem>>
      %dma_start3A_115 = arith.constant 0 : i32
      %dma_start3A_116 = tpu.memref_slice %arg15[%add3A_110, %dma_start3A_115] : memref<10240x64xf32, #tpu.memory_space<vmem_shared>> -> memref<128x64xf32, #tpu.memory_space<vmem_shared>>
      %dma_start3A_117 = arith.constant 0 : i32
      %dma_start3A_118 = tpu.memref_slice %arg15[%add3A_110, %dma_start3A_117] : memref<10240x64xf32, #tpu.memory_space<vmem_shared>> -> memref<128x64xf32, #tpu.memory_space<vmem_shared>>
      tpu.enqueue_dma source(%dma_start3A_118 : memref<128x64xf32, #tpu.memory_space<vmem_shared>>) target(%arg10 : memref<128x64xf32, #tpu.memory_space<vmem>>) target_semaphore(%run_scoped3A : memref<!tpu.dma_semaphore, #tpu.memory_space<semaphore_mem>>)
      %dma_wait3A = arith.constant 0 : i32
      %dma_wait3A_119 = tpu.memref_slice %arg15[%add3A_110, %dma_wait3A] : memref<10240x64xf32, #tpu.memory_space<vmem_shared>> -> memref<128x64xf32, #tpu.memory_space<vmem_shared>>
      %dma_wait3A_120 = arith.constant 0 : i32
      %dma_wait3A_121 = tpu.memref_slice %arg15[%add3A_110, %dma_wait3A_120] : memref<10240x64xf32, #tpu.memory_space<vmem_shared>> -> memref<128x64xf32, #tpu.memory_space<vmem_shared>>
      tpu.wait_dma2 semaphore(%run_scoped3A : memref<!tpu.dma_semaphore, #tpu.memory_space<semaphore_mem>>) src(%dma_wait3A_121 : memref<128x64xf32, #tpu.memory_space<vmem_shared>>) dst(%arg10 : memref<128x64xf32, #tpu.memory_space<vmem>>)
      tpu.yield
    }) : () -> ()
    "tpu.region"() ({
      %run_scoped3A = tpu.sem_alloc : memref<!tpu.dma_semaphore, #tpu.memory_space<semaphore_mem>>
      %dma_start3A_115 = arith.constant 0 : i32
      %dma_start3A_116 = tpu.memref_slice %arg7[%arg0, %add3A_110, %dma_start3A_115] : memref<2x10240x64xf32, #tpu.memory_space<hbm>> -> memref<1x128x64xf32, #tpu.memory_space<hbm>>
      %dma_start3A_117 = tpu.memref_squeeze %dma_start3A_116 : memref<1x128x64xf32, #tpu.memory_space<hbm>> -> memref<128x64xf32, #tpu.memory_space<hbm>>
      %dma_start3A_118 = arith.constant 0 : i32
      %dma_start3A_119 = tpu.memref_slice %arg7[%arg0, %add3A_110, %dma_start3A_118] : memref<2x10240x64xf32, #tpu.memory_space<hbm>> -> memref<1x128x64xf32, #tpu.memory_space<hbm>>
      %dma_start3A_120 = tpu.memref_squeeze %dma_start3A_119 : memref<1x128x64xf32, #tpu.memory_space<hbm>> -> memref<128x64xf32, #tpu.memory_space<hbm>>
      tpu.enqueue_dma source(%arg10 : memref<128x64xf32, #tpu.memory_space<vmem>>) target(%dma_start3A_120 : memref<128x64xf32, #tpu.memory_space<hbm>>) target_semaphore(%run_scoped3A : memref<!tpu.dma_semaphore, #tpu.memory_space<semaphore_mem>>)
      %dma_wait3A = arith.constant 0 : i32
      %dma_wait3A_121 = tpu.memref_slice %arg7[%arg0, %add3A_110, %dma_wait3A] : memref<2x10240x64xf32, #tpu.memory_space<hbm>> -> memref<1x128x64xf32, #tpu.memory_space<hbm>>
      %dma_wait3A_122 = tpu.memref_squeeze %dma_wait3A_121 : memref<1x128x64xf32, #tpu.memory_space<hbm>> -> memref<128x64xf32, #tpu.memory_space<hbm>>
      %dma_wait3A_123 = arith.constant 0 : i32
      %dma_wait3A_124 = tpu.memref_slice %arg7[%arg0, %add3A_110, %dma_wait3A_123] : memref<2x10240x64xf32, #tpu.memory_space<hbm>> -> memref<1x128x64xf32, #tpu.memory_space<hbm>>
      %dma_wait3A_125 = tpu.memref_squeeze %dma_wait3A_124 : memref<1x128x64xf32, #tpu.memory_space<hbm>> -> memref<128x64xf32, #tpu.memory_space<hbm>>
      tpu.wait_dma2 semaphore(%run_scoped3A : memref<!tpu.dma_semaphore, #tpu.memory_space<semaphore_mem>>) src(%arg10 : memref<128x64xf32, #tpu.memory_space<vmem>>) dst(%dma_wait3A_125 : memref<128x64xf32, #tpu.memory_space<hbm>>)
      tpu.yield
    }) : () -> ()
    %mul3A_111 = arith.constant 640 : i32
    %mul3A_112 = arith.muli %arg1, %mul3A_111 : i32
    %add3A_113 = arith.constant 512 : i32
    %add3A_114 = arith.addi %mul3A_112, %add3A_113 : i32
    "tpu.region"() ({
      %run_scoped3A = tpu.sem_alloc : memref<!tpu.dma_semaphore, #tpu.memory_space<semaphore_mem>>
      %dma_start3A_115 = arith.constant 0 : i32
      %dma_start3A_116 = tpu.memref_slice %arg15[%add3A_114, %dma_start3A_115] : memref<10240x64xf32, #tpu.memory_space<vmem_shared>> -> memref<128x64xf32, #tpu.memory_space<vmem_shared>>
      %dma_start3A_117 = arith.constant 0 : i32
      %dma_start3A_118 = tpu.memref_slice %arg15[%add3A_114, %dma_start3A_117] : memref<10240x64xf32, #tpu.memory_space<vmem_shared>> -> memref<128x64xf32, #tpu.memory_space<vmem_shared>>
      tpu.enqueue_dma source(%dma_start3A_118 : memref<128x64xf32, #tpu.memory_space<vmem_shared>>) target(%arg10 : memref<128x64xf32, #tpu.memory_space<vmem>>) target_semaphore(%run_scoped3A : memref<!tpu.dma_semaphore, #tpu.memory_space<semaphore_mem>>)
      %dma_wait3A = arith.constant 0 : i32
      %dma_wait3A_119 = tpu.memref_slice %arg15[%add3A_114, %dma_wait3A] : memref<10240x64xf32, #tpu.memory_space<vmem_shared>> -> memref<128x64xf32, #tpu.memory_space<vmem_shared>>
      %dma_wait3A_120 = arith.constant 0 : i32
      %dma_wait3A_121 = tpu.memref_slice %arg15[%add3A_114, %dma_wait3A_120] : memref<10240x64xf32, #tpu.memory_space<vmem_shared>> -> memref<128x64xf32, #tpu.memory_space<vmem_shared>>
      tpu.wait_dma2 semaphore(%run_scoped3A : memref<!tpu.dma_semaphore, #tpu.memory_space<semaphore_mem>>) src(%dma_wait3A_121 : memref<128x64xf32, #tpu.memory_space<vmem_shared>>) dst(%arg10 : memref<128x64xf32, #tpu.memory_space<vmem>>)
      tpu.yield
    }) : () -> ()
    "tpu.region"() ({
      %run_scoped3A = tpu.sem_alloc : memref<!tpu.dma_semaphore, #tpu.memory_space<semaphore_mem>>
      %dma_start3A_115 = arith.constant 0 : i32
      %dma_start3A_116 = tpu.memref_slice %arg7[%arg0, %add3A_114, %dma_start3A_115] : memref<2x10240x64xf32, #tpu.memory_space<hbm>> -> memref<1x128x64xf32, #tpu.memory_space<hbm>>
      %dma_start3A_117 = tpu.memref_squeeze %dma_start3A_116 : memref<1x128x64xf32, #tpu.memory_space<hbm>> -> memref<128x64xf32, #tpu.memory_space<hbm>>
      %dma_start3A_118 = arith.constant 0 : i32
      %dma_start3A_119 = tpu.memref_slice %arg7[%arg0, %add3A_114, %dma_start3A_118] : memref<2x10240x64xf32, #tpu.memory_space<hbm>> -> memref<1x128x64xf32, #tpu.memory_space<hbm>>
      %dma_start3A_120 = tpu.memref_squeeze %dma_start3A_119 : memref<1x128x64xf32, #tpu.memory_space<hbm>> -> memref<128x64xf32, #tpu.memory_space<hbm>>
      tpu.enqueue_dma source(%arg10 : memref<128x64xf32, #tpu.memory_space<vmem>>) target(%dma_start3A_120 : memref<128x64xf32, #tpu.memory_space<hbm>>) target_semaphore(%run_scoped3A : memref<!tpu.dma_semaphore, #tpu.memory_space<semaphore_mem>>)
      %dma_wait3A = arith.constant 0 : i32
      %dma_wait3A_121 = tpu.memref_slice %arg7[%arg0, %add3A_114, %dma_wait3A] : memref<2x10240x64xf32, #tpu.memory_space<hbm>> -> memref<1x128x64xf32, #tpu.memory_space<hbm>>
      %dma_wait3A_122 = tpu.memref_squeeze %dma_wait3A_121 : memref<1x128x64xf32, #tpu.memory_space<hbm>> -> memref<128x64xf32, #tpu.memory_space<hbm>>
      %dma_wait3A_123 = arith.constant 0 : i32
      %dma_wait3A_124 = tpu.memref_slice %arg7[%arg0, %add3A_114, %dma_wait3A_123] : memref<2x10240x64xf32, #tpu.memory_space<hbm>> -> memref<1x128x64xf32, #tpu.memory_space<hbm>>
      %dma_wait3A_125 = tpu.memref_squeeze %dma_wait3A_124 : memref<1x128x64xf32, #tpu.memory_space<hbm>> -> memref<128x64xf32, #tpu.memory_space<hbm>>
      tpu.wait_dma2 semaphore(%run_scoped3A : memref<!tpu.dma_semaphore, #tpu.memory_space<semaphore_mem>>) src(%arg10 : memref<128x64xf32, #tpu.memory_space<vmem>>) dst(%dma_wait3A_125 : memref<128x64xf32, #tpu.memory_space<hbm>>)
      tpu.yield
    }) : () -> ()
    return
  }
}

#map = affine_map<(d0, d1) -> (0, 0, 0)>
module attributes {stable_mosaic.version = 14 : i64} {
  func.func @deg_kernel(%arg0: i32, %arg1: i32, %arg2: memref<16x78x128xi32, #tpu.memory_space<hbm>>, %arg3: memref<16x81x128xi32, #tpu.memory_space<hbm>>, %arg4: memref<2x10240x16xf32, #tpu.memory_space<hbm>>, %arg5: memref<78x128xi32, #tpu.memory_space<vmem>>, %arg6: memref<128x16xf32, #tpu.memory_space<vmem>>, %arg7: memref<128x16xf32, #tpu.memory_space<vmem>>, %arg8: memref<10240x16xf32, #tpu.memory_space<vmem_shared>>) attributes {dimension_semantics = [#tpu.dimension_semantics<core_parallel>, #tpu.dimension_semantics<subcore_parallel>], iteration_bounds = array<i64: 2, 16>, scalar_prefetch = 0 : i64, scratch_operands = 4 : i64, tpu.core_type = #tpu.core_type<sc_vector_subcore>, window_params = [{transform_indices = #map}, {transform_indices = #map}, {transform_indices = #map}]} {
    %scan3A = arith.constant 0 : i32
    %scan3A_0 = arith.constant 0 : i32
    %scan3A_1 = arith.constant 128 : i32
    %scan3A_2 = arith.addi %scan3A_0, %scan3A_1 : i32
    %scan3A_3 = arith.constant 1 : i32
    %scan3A_4 = scf.for %scan3A_66 = %scan3A_0 to %scan3A_2 step %scan3A_3 iter_args(%scan3A_67 = %scan3A) -> (i32)  : i32 {
      %broadcast_in_dim3A = arith.constant 0.000000e+00 : f32
      %broadcast_in_dim3A_68 = vector.broadcast %broadcast_in_dim3A : f32 to vector<16xf32>
      %swap3A = arith.index_cast %scan3A_66 : i32 to index
      %swap3A_69 = arith.constant 0 : index
      %swap3A_70 = tpu.vector_load %arg6[%swap3A, %swap3A_69] {strides = array<i32>} : memref<128x16xf32, #tpu.memory_space<vmem>>, vector<1x16xf32>,
      %swap3A_71 = vector.shape_cast %swap3A_70 : vector<1x16xf32> to vector<16xf32>
      %swap3A_72 = vector.shape_cast %broadcast_in_dim3A_68 : vector<16xf32> to vector<1x16xf32>
      tpu.vector_store %arg6[%swap3A, %swap3A_69], %swap3A_72 {strides = array<i32>} : memref<128x16xf32, #tpu.memory_space<vmem>>, vector<1x16xf32>,
      %broadcast_in_dim3A_73 = arith.constant 1.000000e+00 : f32
      %broadcast_in_dim3A_74 = vector.broadcast %broadcast_in_dim3A_73 : f32 to vector<16xf32>
      %swap3A_75 = arith.index_cast %scan3A_66 : i32 to index
      %swap3A_76 = arith.constant 0 : index
      %swap3A_77 = tpu.vector_load %arg7[%swap3A_75, %swap3A_76] {strides = array<i32>} : memref<128x16xf32, #tpu.memory_space<vmem>>, vector<1x16xf32>,
      %swap3A_78 = vector.shape_cast %swap3A_77 : vector<1x16xf32> to vector<16xf32>
      %swap3A_79 = vector.shape_cast %broadcast_in_dim3A_74 : vector<16xf32> to vector<1x16xf32>
      tpu.vector_store %arg7[%swap3A_75, %swap3A_76], %swap3A_79 {strides = array<i32>} : memref<128x16xf32, #tpu.memory_space<vmem>>, vector<1x16xf32>,
      %scan3A_80 = arith.constant 0 : i32
      scf.yield %scan3A_80 : i32
    }
    %scan3A_5 = arith.constant 128 : i32
    %mul3A = arith.constant 640 : i32
    %mul3A_6 = arith.muli %arg1, %mul3A : i32
    %add3A = arith.constant 0 : i32
    %add3A_7 = arith.addi %mul3A_6, %add3A : i32
    "tpu.region"() ({
      %run_scoped3A = tpu.sem_alloc : memref<!tpu.dma_semaphore, #tpu.memory_space<semaphore_mem>>
      %dma_start3A = arith.constant 0 : i32
      %dma_start3A_66 = tpu.memref_slice %arg8[%add3A_7, %dma_start3A] : memref<10240x16xf32, #tpu.memory_space<vmem_shared>> -> memref<128x16xf32, #tpu.memory_space<vmem_shared>>
      %dma_start3A_67 = arith.constant 0 : i32
      %dma_start3A_68 = tpu.memref_slice %arg8[%add3A_7, %dma_start3A_67] : memref<10240x16xf32, #tpu.memory_space<vmem_shared>> -> memref<128x16xf32, #tpu.memory_space<vmem_shared>>
      tpu.enqueue_dma source(%arg6 : memref<128x16xf32, #tpu.memory_space<vmem>>) target(%dma_start3A_68 : memref<128x16xf32, #tpu.memory_space<vmem_shared>>) target_semaphore(%run_scoped3A : memref<!tpu.dma_semaphore, #tpu.memory_space<semaphore_mem>>)
      %dma_wait3A = arith.constant 0 : i32
      %dma_wait3A_69 = tpu.memref_slice %arg8[%add3A_7, %dma_wait3A] : memref<10240x16xf32, #tpu.memory_space<vmem_shared>> -> memref<128x16xf32, #tpu.memory_space<vmem_shared>>
      %dma_wait3A_70 = arith.constant 0 : i32
      %dma_wait3A_71 = tpu.memref_slice %arg8[%add3A_7, %dma_wait3A_70] : memref<10240x16xf32, #tpu.memory_space<vmem_shared>> -> memref<128x16xf32, #tpu.memory_space<vmem_shared>>
      tpu.wait_dma2 semaphore(%run_scoped3A : memref<!tpu.dma_semaphore, #tpu.memory_space<semaphore_mem>>) src(%arg6 : memref<128x16xf32, #tpu.memory_space<vmem>>) dst(%dma_wait3A_71 : memref<128x16xf32, #tpu.memory_space<vmem_shared>>)
      tpu.yield
    }) : () -> ()
    %mul3A_8 = arith.constant 640 : i32
    %mul3A_9 = arith.muli %arg1, %mul3A_8 : i32
    %add3A_10 = arith.constant 128 : i32
    %add3A_11 = arith.addi %mul3A_9, %add3A_10 : i32
    "tpu.region"() ({
      %run_scoped3A = tpu.sem_alloc : memref<!tpu.dma_semaphore, #tpu.memory_space<semaphore_mem>>
      %dma_start3A = arith.constant 0 : i32
      %dma_start3A_66 = tpu.memref_slice %arg8[%add3A_11, %dma_start3A] : memref<10240x16xf32, #tpu.memory_space<vmem_shared>> -> memref<128x16xf32, #tpu.memory_space<vmem_shared>>
      %dma_start3A_67 = arith.constant 0 : i32
      %dma_start3A_68 = tpu.memref_slice %arg8[%add3A_11, %dma_start3A_67] : memref<10240x16xf32, #tpu.memory_space<vmem_shared>> -> memref<128x16xf32, #tpu.memory_space<vmem_shared>>
      tpu.enqueue_dma source(%arg6 : memref<128x16xf32, #tpu.memory_space<vmem>>) target(%dma_start3A_68 : memref<128x16xf32, #tpu.memory_space<vmem_shared>>) target_semaphore(%run_scoped3A : memref<!tpu.dma_semaphore, #tpu.memory_space<semaphore_mem>>)
      %dma_wait3A = arith.constant 0 : i32
      %dma_wait3A_69 = tpu.memref_slice %arg8[%add3A_11, %dma_wait3A] : memref<10240x16xf32, #tpu.memory_space<vmem_shared>> -> memref<128x16xf32, #tpu.memory_space<vmem_shared>>
      %dma_wait3A_70 = arith.constant 0 : i32
      %dma_wait3A_71 = tpu.memref_slice %arg8[%add3A_11, %dma_wait3A_70] : memref<10240x16xf32, #tpu.memory_space<vmem_shared>> -> memref<128x16xf32, #tpu.memory_space<vmem_shared>>
      tpu.wait_dma2 semaphore(%run_scoped3A : memref<!tpu.dma_semaphore, #tpu.memory_space<semaphore_mem>>) src(%arg6 : memref<128x16xf32, #tpu.memory_space<vmem>>) dst(%dma_wait3A_71 : memref<128x16xf32, #tpu.memory_space<vmem_shared>>)
      tpu.yield
    }) : () -> ()
    %mul3A_12 = arith.constant 640 : i32
    %mul3A_13 = arith.muli %arg1, %mul3A_12 : i32
    %add3A_14 = arith.constant 256 : i32
    %add3A_15 = arith.addi %mul3A_13, %add3A_14 : i32
    "tpu.region"() ({
      %run_scoped3A = tpu.sem_alloc : memref<!tpu.dma_semaphore, #tpu.memory_space<semaphore_mem>>
      %dma_start3A = arith.constant 0 : i32
      %dma_start3A_66 = tpu.memref_slice %arg8[%add3A_15, %dma_start3A] : memref<10240x16xf32, #tpu.memory_space<vmem_shared>> -> memref<128x16xf32, #tpu.memory_space<vmem_shared>>
      %dma_start3A_67 = arith.constant 0 : i32
      %dma_start3A_68 = tpu.memref_slice %arg8[%add3A_15, %dma_start3A_67] : memref<10240x16xf32, #tpu.memory_space<vmem_shared>> -> memref<128x16xf32, #tpu.memory_space<vmem_shared>>
      tpu.enqueue_dma source(%arg6 : memref<128x16xf32, #tpu.memory_space<vmem>>) target(%dma_start3A_68 : memref<128x16xf32, #tpu.memory_space<vmem_shared>>) target_semaphore(%run_scoped3A : memref<!tpu.dma_semaphore, #tpu.memory_space<semaphore_mem>>)
      %dma_wait3A = arith.constant 0 : i32
      %dma_wait3A_69 = tpu.memref_slice %arg8[%add3A_15, %dma_wait3A] : memref<10240x16xf32, #tpu.memory_space<vmem_shared>> -> memref<128x16xf32, #tpu.memory_space<vmem_shared>>
      %dma_wait3A_70 = arith.constant 0 : i32
      %dma_wait3A_71 = tpu.memref_slice %arg8[%add3A_15, %dma_wait3A_70] : memref<10240x16xf32, #tpu.memory_space<vmem_shared>> -> memref<128x16xf32, #tpu.memory_space<vmem_shared>>
      tpu.wait_dma2 semaphore(%run_scoped3A : memref<!tpu.dma_semaphore, #tpu.memory_space<semaphore_mem>>) src(%arg6 : memref<128x16xf32, #tpu.memory_space<vmem>>) dst(%dma_wait3A_71 : memref<128x16xf32, #tpu.memory_space<vmem_shared>>)
      tpu.yield
    }) : () -> ()
    %mul3A_16 = arith.constant 640 : i32
    %mul3A_17 = arith.muli %arg1, %mul3A_16 : i32
    %add3A_18 = arith.constant 384 : i32
    %add3A_19 = arith.addi %mul3A_17, %add3A_18 : i32
    "tpu.region"() ({
      %run_scoped3A = tpu.sem_alloc : memref<!tpu.dma_semaphore, #tpu.memory_space<semaphore_mem>>
      %dma_start3A = arith.constant 0 : i32
      %dma_start3A_66 = tpu.memref_slice %arg8[%add3A_19, %dma_start3A] : memref<10240x16xf32, #tpu.memory_space<vmem_shared>> -> memref<128x16xf32, #tpu.memory_space<vmem_shared>>
      %dma_start3A_67 = arith.constant 0 : i32
      %dma_start3A_68 = tpu.memref_slice %arg8[%add3A_19, %dma_start3A_67] : memref<10240x16xf32, #tpu.memory_space<vmem_shared>> -> memref<128x16xf32, #tpu.memory_space<vmem_shared>>
      tpu.enqueue_dma source(%arg6 : memref<128x16xf32, #tpu.memory_space<vmem>>) target(%dma_start3A_68 : memref<128x16xf32, #tpu.memory_space<vmem_shared>>) target_semaphore(%run_scoped3A : memref<!tpu.dma_semaphore, #tpu.memory_space<semaphore_mem>>)
      %dma_wait3A = arith.constant 0 : i32
      %dma_wait3A_69 = tpu.memref_slice %arg8[%add3A_19, %dma_wait3A] : memref<10240x16xf32, #tpu.memory_space<vmem_shared>> -> memref<128x16xf32, #tpu.memory_space<vmem_shared>>
      %dma_wait3A_70 = arith.constant 0 : i32
      %dma_wait3A_71 = tpu.memref_slice %arg8[%add3A_19, %dma_wait3A_70] : memref<10240x16xf32, #tpu.memory_space<vmem_shared>> -> memref<128x16xf32, #tpu.memory_space<vmem_shared>>
      tpu.wait_dma2 semaphore(%run_scoped3A : memref<!tpu.dma_semaphore, #tpu.memory_space<semaphore_mem>>) src(%arg6 : memref<128x16xf32, #tpu.memory_space<vmem>>) dst(%dma_wait3A_71 : memref<128x16xf32, #tpu.memory_space<vmem_shared>>)
      tpu.yield
    }) : () -> ()
    %mul3A_20 = arith.constant 640 : i32
    %mul3A_21 = arith.muli %arg1, %mul3A_20 : i32
    %add3A_22 = arith.constant 512 : i32
    %add3A_23 = arith.addi %mul3A_21, %add3A_22 : i32
    "tpu.region"() ({
      %run_scoped3A = tpu.sem_alloc : memref<!tpu.dma_semaphore, #tpu.memory_space<semaphore_mem>>
      %dma_start3A = arith.constant 0 : i32
      %dma_start3A_66 = tpu.memref_slice %arg8[%add3A_23, %dma_start3A] : memref<10240x16xf32, #tpu.memory_space<vmem_shared>> -> memref<128x16xf32, #tpu.memory_space<vmem_shared>>
      %dma_start3A_67 = arith.constant 0 : i32
      %dma_start3A_68 = tpu.memref_slice %arg8[%add3A_23, %dma_start3A_67] : memref<10240x16xf32, #tpu.memory_space<vmem_shared>> -> memref<128x16xf32, #tpu.memory_space<vmem_shared>>
      tpu.enqueue_dma source(%arg6 : memref<128x16xf32, #tpu.memory_space<vmem>>) target(%dma_start3A_68 : memref<128x16xf32, #tpu.memory_space<vmem_shared>>) target_semaphore(%run_scoped3A : memref<!tpu.dma_semaphore, #tpu.memory_space<semaphore_mem>>)
      %dma_wait3A = arith.constant 0 : i32
      %dma_wait3A_69 = tpu.memref_slice %arg8[%add3A_23, %dma_wait3A] : memref<10240x16xf32, #tpu.memory_space<vmem_shared>> -> memref<128x16xf32, #tpu.memory_space<vmem_shared>>
      %dma_wait3A_70 = arith.constant 0 : i32
      %dma_wait3A_71 = tpu.memref_slice %arg8[%add3A_23, %dma_wait3A_70] : memref<10240x16xf32, #tpu.memory_space<vmem_shared>> -> memref<128x16xf32, #tpu.memory_space<vmem_shared>>
      tpu.wait_dma2 semaphore(%run_scoped3A : memref<!tpu.dma_semaphore, #tpu.memory_space<semaphore_mem>>) src(%arg6 : memref<128x16xf32, #tpu.memory_space<vmem>>) dst(%dma_wait3A_71 : memref<128x16xf32, #tpu.memory_space<vmem_shared>>)
      tpu.yield
    }) : () -> ()
    %barrier3A = arith.constant 0 : index
    tpu.barrier barrier_id(%barrier3A)
    %eq3A = arith.constant 0 : i32
    %eq3A_24 = arith.cmpi eq, %arg0, %eq3A : i32
    %convert_element_type3A = arith.extui %eq3A_24 : i1 to i32
    %cond3A = arith.constant 0 : i32
    %cond3A_25 = arith.cmpi ne, %convert_element_type3A, %cond3A : i32
    scf.if %cond3A_25 {
      "tpu.region"() ({
        %run_scoped3A = tpu.sem_alloc : memref<!tpu.dma_semaphore, #tpu.memory_space<semaphore_mem>>
        %dma_start3A = arith.constant 0 : i32
        %dma_start3A_66 = arith.constant 0 : i32
        %dma_start3A_67 = tpu.memref_slice %arg5[%dma_start3A, %dma_start3A_66] : memref<78x128xi32, #tpu.memory_space<vmem>> -> memref<78x128xi32, #tpu.memory_space<vmem>>
        %dma_start3A_68 = arith.constant 0 : i32
        %dma_start3A_69 = arith.constant 0 : i32
        %dma_start3A_70 = tpu.memref_slice %arg2[%arg1, %dma_start3A_68, %dma_start3A_69] : memref<16x78x128xi32, #tpu.memory_space<hbm>> -> memref<1x78x128xi32, #tpu.memory_space<hbm>>
        %dma_start3A_71 = tpu.memref_squeeze %dma_start3A_70 : memref<1x78x128xi32, #tpu.memory_space<hbm>> -> memref<78x128xi32, #tpu.memory_space<hbm>>
        %dma_start3A_72 = arith.constant 0 : i32
        %dma_start3A_73 = arith.constant 0 : i32
        %dma_start3A_74 = tpu.memref_slice %arg5[%dma_start3A_72, %dma_start3A_73] : memref<78x128xi32, #tpu.memory_space<vmem>> -> memref<78x128xi32, #tpu.memory_space<vmem>>
        %dma_start3A_75 = arith.constant 0 : i32
        %dma_start3A_76 = arith.constant 0 : i32
        %dma_start3A_77 = tpu.memref_slice %arg2[%arg1, %dma_start3A_75, %dma_start3A_76] : memref<16x78x128xi32, #tpu.memory_space<hbm>> -> memref<1x78x128xi32, #tpu.memory_space<hbm>>
        %dma_start3A_78 = tpu.memref_squeeze %dma_start3A_77 : memref<1x78x128xi32, #tpu.memory_space<hbm>> -> memref<78x128xi32, #tpu.memory_space<hbm>>
        tpu.enqueue_dma source(%dma_start3A_78 : memref<78x128xi32, #tpu.memory_space<hbm>>) target(%dma_start3A_74 : memref<78x128xi32, #tpu.memory_space<vmem>>) target_semaphore(%run_scoped3A : memref<!tpu.dma_semaphore, #tpu.memory_space<semaphore_mem>>)
        %dma_wait3A = arith.constant 0 : i32
        %dma_wait3A_79 = arith.constant 0 : i32
        %dma_wait3A_80 = tpu.memref_slice %arg5[%dma_wait3A, %dma_wait3A_79] : memref<78x128xi32, #tpu.memory_space<vmem>> -> memref<78x128xi32, #tpu.memory_space<vmem>>
        %dma_wait3A_81 = arith.constant 0 : i32
        %dma_wait3A_82 = arith.constant 0 : i32
        %dma_wait3A_83 = tpu.memref_slice %arg2[%arg1, %dma_wait3A_81, %dma_wait3A_82] : memref<16x78x128xi32, #tpu.memory_space<hbm>> -> memref<1x78x128xi32, #tpu.memory_space<hbm>>
        %dma_wait3A_84 = tpu.memref_squeeze %dma_wait3A_83 : memref<1x78x128xi32, #tpu.memory_space<hbm>> -> memref<78x128xi32, #tpu.memory_space<hbm>>
        %dma_wait3A_85 = arith.constant 0 : i32
        %dma_wait3A_86 = arith.constant 0 : i32
        %dma_wait3A_87 = tpu.memref_slice %arg5[%dma_wait3A_85, %dma_wait3A_86] : memref<78x128xi32, #tpu.memory_space<vmem>> -> memref<78x128xi32, #tpu.memory_space<vmem>>
        %dma_wait3A_88 = arith.constant 0 : i32
        %dma_wait3A_89 = arith.constant 0 : i32
        %dma_wait3A_90 = tpu.memref_slice %arg2[%arg1, %dma_wait3A_88, %dma_wait3A_89] : memref<16x78x128xi32, #tpu.memory_space<hbm>> -> memref<1x78x128xi32, #tpu.memory_space<hbm>>
        %dma_wait3A_91 = tpu.memref_squeeze %dma_wait3A_90 : memref<1x78x128xi32, #tpu.memory_space<hbm>> -> memref<78x128xi32, #tpu.memory_space<hbm>>
        tpu.wait_dma2 semaphore(%run_scoped3A : memref<!tpu.dma_semaphore, #tpu.memory_space<semaphore_mem>>) src(%dma_wait3A_91 : memref<78x128xi32, #tpu.memory_space<hbm>>) dst(%dma_wait3A_87 : memref<78x128xi32, #tpu.memory_space<vmem>>)
        tpu.yield
      }) : () -> ()
    } else {
    }
    %eq3A_26 = arith.constant 1 : i32
    %eq3A_27 = arith.cmpi eq, %arg0, %eq3A_26 : i32
    %convert_element_type3A_28 = arith.extui %eq3A_27 : i1 to i32
    %cond3A_29 = arith.constant 0 : i32
    %cond3A_30 = arith.cmpi ne, %convert_element_type3A_28, %cond3A_29 : i32
    scf.if %cond3A_30 {
      "tpu.region"() ({
        %run_scoped3A = tpu.sem_alloc : memref<!tpu.dma_semaphore, #tpu.memory_space<semaphore_mem>>
        %dma_start3A = arith.constant 0 : i32
        %dma_start3A_66 = arith.constant 0 : i32
        %dma_start3A_67 = tpu.memref_slice %arg5[%dma_start3A, %dma_start3A_66] : memref<78x128xi32, #tpu.memory_space<vmem>> -> memref<81x128xi32, #tpu.memory_space<vmem>>
        %dma_start3A_68 = arith.constant 0 : i32
        %dma_start3A_69 = arith.constant 0 : i32
        %dma_start3A_70 = tpu.memref_slice %arg3[%arg1, %dma_start3A_68, %dma_start3A_69] : memref<16x81x128xi32, #tpu.memory_space<hbm>> -> memref<1x81x128xi32, #tpu.memory_space<hbm>>
        %dma_start3A_71 = tpu.memref_squeeze %dma_start3A_70 : memref<1x81x128xi32, #tpu.memory_space<hbm>> -> memref<81x128xi32, #tpu.memory_space<hbm>>
        %dma_start3A_72 = arith.constant 0 : i32
        %dma_start3A_73 = arith.constant 0 : i32
        %dma_start3A_74 = tpu.memref_slice %arg5[%dma_start3A_72, %dma_start3A_73] : memref<78x128xi32, #tpu.memory_space<vmem>> -> memref<81x128xi32, #tpu.memory_space<vmem>>
        %dma_start3A_75 = arith.constant 0 : i32
        %dma_start3A_76 = arith.constant 0 : i32
        %dma_start3A_77 = tpu.memref_slice %arg3[%arg1, %dma_start3A_75, %dma_start3A_76] : memref<16x81x128xi32, #tpu.memory_space<hbm>> -> memref<1x81x128xi32, #tpu.memory_space<hbm>>
        %dma_start3A_78 = tpu.memref_squeeze %dma_start3A_77 : memref<1x81x128xi32, #tpu.memory_space<hbm>> -> memref<81x128xi32, #tpu.memory_space<hbm>>
        tpu.enqueue_dma source(%dma_start3A_78 : memref<81x128xi32, #tpu.memory_space<hbm>>) target(%dma_start3A_74 : memref<81x128xi32, #tpu.memory_space<vmem>>) target_semaphore(%run_scoped3A : memref<!tpu.dma_semaphore, #tpu.memory_space<semaphore_mem>>)
        %dma_wait3A = arith.constant 0 : i32
        %dma_wait3A_79 = arith.constant 0 : i32
        %dma_wait3A_80 = tpu.memref_slice %arg5[%dma_wait3A, %dma_wait3A_79] : memref<78x128xi32, #tpu.memory_space<vmem>> -> memref<81x128xi32, #tpu.memory_space<vmem>>
        %dma_wait3A_81 = arith.constant 0 : i32
        %dma_wait3A_82 = arith.constant 0 : i32
        %dma_wait3A_83 = tpu.memref_slice %arg3[%arg1, %dma_wait3A_81, %dma_wait3A_82] : memref<16x81x128xi32, #tpu.memory_space<hbm>> -> memref<1x81x128xi32, #tpu.memory_space<hbm>>
        %dma_wait3A_84 = tpu.memref_squeeze %dma_wait3A_83 : memref<1x81x128xi32, #tpu.memory_space<hbm>> -> memref<81x128xi32, #tpu.memory_space<hbm>>
        %dma_wait3A_85 = arith.constant 0 : i32
        %dma_wait3A_86 = arith.constant 0 : i32
        %dma_wait3A_87 = tpu.memref_slice %arg5[%dma_wait3A_85, %dma_wait3A_86] : memref<78x128xi32, #tpu.memory_space<vmem>> -> memref<81x128xi32, #tpu.memory_space<vmem>>
        %dma_wait3A_88 = arith.constant 0 : i32
        %dma_wait3A_89 = arith.constant 0 : i32
        %dma_wait3A_90 = tpu.memref_slice %arg3[%arg1, %dma_wait3A_88, %dma_wait3A_89] : memref<16x81x128xi32, #tpu.memory_space<hbm>> -> memref<1x81x128xi32, #tpu.memory_space<hbm>>
        %dma_wait3A_91 = tpu.memref_squeeze %dma_wait3A_90 : memref<1x81x128xi32, #tpu.memory_space<hbm>> -> memref<81x128xi32, #tpu.memory_space<hbm>>
        tpu.wait_dma2 semaphore(%run_scoped3A : memref<!tpu.dma_semaphore, #tpu.memory_space<semaphore_mem>>) src(%dma_wait3A_91 : memref<81x128xi32, #tpu.memory_space<hbm>>) dst(%dma_wait3A_87 : memref<81x128xi32, #tpu.memory_space<vmem>>)
        tpu.yield
      }) : () -> ()
    } else {
    }
    %eq3A_31 = arith.constant 0 : i32
    %eq3A_32 = arith.cmpi eq, %arg0, %eq3A_31 : i32
    %jit3A = arith.constant 78 : i32
    %jit3A_33 = arith.constant 81 : i32
    %select_n3A = arith.select %eq3A_32, %jit3A, %jit3A_33 : i32
    %while3A = arith.constant 0 : i32
    %while3A_34 = arith.constant 0 : i32
    %while3A_35 = arith.subi %select_n3A, %while3A : i32
    %while3A_36 = arith.addi %while3A, %while3A_35 : i32
    %while3A_37 = arith.constant 1 : i32
    %while3A_38 = arith.divsi %while3A_35, %while3A_37 : i32
    %while3A_39 = arith.muli %while3A_38, %while3A_37 : i32
    %while3A_40 = arith.addi %while3A, %while3A_39 : i32
    %while3A_41 = arith.constant 1 : i32
    %while3A_42 = scf.for %while3A_66 = %while3A to %while3A_40 step %while3A_41 iter_args(%while3A_67 = %while3A_34) -> (i32)  : i32 {
      "tpu.region"() ({
        %run_scoped3A = tpu.sem_alloc : memref<!tpu.dma_semaphore, #tpu.memory_space<semaphore_mem>>
        %dma_start3A = arith.constant 0 : i32
        %dma_start3A_69 = tpu.memref_slice %arg5[%while3A_66, %dma_start3A] : memref<78x128xi32, #tpu.memory_space<vmem>> -> memref<1x128xi32, #tpu.memory_space<vmem>>
        %dma_start3A_70 = tpu.memref_squeeze %dma_start3A_69 : memref<1x128xi32, #tpu.memory_space<vmem>> -> memref<128xi32, #tpu.memory_space<vmem>>
        %dma_start3A_71 = arith.constant 0 : i32
        %dma_start3A_72 = arith.constant 0 : i32
        %dma_start3A_73 = tpu.memref_slice %arg8[%dma_start3A_71, %dma_start3A_72] : memref<10240x16xf32, #tpu.memory_space<vmem_shared>> -> memref<10240x16xf32, #tpu.memory_space<vmem_shared>>
        tpu.enqueue_indirect_dma source(%arg7 : memref<128x16xf32, #tpu.memory_space<vmem>>) target(%dma_start3A_73 : memref<10240x16xf32, #tpu.memory_space<vmem_shared>>) offsets(%dma_start3A_70 : memref<128xi32, #tpu.memory_space<vmem>>) semaphore(%run_scoped3A : memref<!tpu.dma_semaphore, #tpu.memory_space<semaphore_mem>>) {add = true}
        %dma_wait3A = arith.constant 0 : i32
        %dma_wait3A_74 = tpu.memref_slice %arg5[%while3A_66, %dma_wait3A] : memref<78x128xi32, #tpu.memory_space<vmem>> -> memref<1x128xi32, #tpu.memory_space<vmem>>
        %dma_wait3A_75 = tpu.memref_squeeze %dma_wait3A_74 : memref<1x128xi32, #tpu.memory_space<vmem>> -> memref<128xi32, #tpu.memory_space<vmem>>
        %dma_wait3A_76 = arith.constant 0 : i32
        %dma_wait3A_77 = arith.constant 0 : i32
        %dma_wait3A_78 = tpu.memref_slice %arg8[%dma_wait3A_76, %dma_wait3A_77] : memref<10240x16xf32, #tpu.memory_space<vmem_shared>> -> memref<10240x16xf32, #tpu.memory_space<vmem_shared>>
        tpu.wait_indirect_dma semaphore(%run_scoped3A : memref<!tpu.dma_semaphore, #tpu.memory_space<semaphore_mem>>) src(%arg7 : memref<128x16xf32, #tpu.memory_space<vmem>>) dst(%dma_wait3A_78 : memref<10240x16xf32, #tpu.memory_space<vmem_shared>>)
        tpu.yield
      }) : () -> ()
      %while3A_68 = arith.constant 0 : i32
      scf.yield %while3A_68 : i32
    }
    %while3A_43 = arith.constant 1 : i32
    %while3A_44 = scf.for %while3A_66 = %while3A_40 to %while3A_36 step %while3A_43 iter_args(%while3A_67 = %while3A_42) -> (i32)  : i32 {
      "tpu.region"() ({
        %run_scoped3A = tpu.sem_alloc : memref<!tpu.dma_semaphore, #tpu.memory_space<semaphore_mem>>
        %dma_start3A = arith.constant 0 : i32
        %dma_start3A_69 = tpu.memref_slice %arg5[%while3A_66, %dma_start3A] : memref<78x128xi32, #tpu.memory_space<vmem>> -> memref<1x128xi32, #tpu.memory_space<vmem>>
        %dma_start3A_70 = tpu.memref_squeeze %dma_start3A_69 : memref<1x128xi32, #tpu.memory_space<vmem>> -> memref<128xi32, #tpu.memory_space<vmem>>
        %dma_start3A_71 = arith.constant 0 : i32
        %dma_start3A_72 = arith.constant 0 : i32
        %dma_start3A_73 = tpu.memref_slice %arg8[%dma_start3A_71, %dma_start3A_72] : memref<10240x16xf32, #tpu.memory_space<vmem_shared>> -> memref<10240x16xf32, #tpu.memory_space<vmem_shared>>
        tpu.enqueue_indirect_dma source(%arg7 : memref<128x16xf32, #tpu.memory_space<vmem>>) target(%dma_start3A_73 : memref<10240x16xf32, #tpu.memory_space<vmem_shared>>) offsets(%dma_start3A_70 : memref<128xi32, #tpu.memory_space<vmem>>) semaphore(%run_scoped3A : memref<!tpu.dma_semaphore, #tpu.memory_space<semaphore_mem>>) {add = true}
        %dma_wait3A = arith.constant 0 : i32
        %dma_wait3A_74 = tpu.memref_slice %arg5[%while3A_66, %dma_wait3A] : memref<78x128xi32, #tpu.memory_space<vmem>> -> memref<1x128xi32, #tpu.memory_space<vmem>>
        %dma_wait3A_75 = tpu.memref_squeeze %dma_wait3A_74 : memref<1x128xi32, #tpu.memory_space<vmem>> -> memref<128xi32, #tpu.memory_space<vmem>>
        %dma_wait3A_76 = arith.constant 0 : i32
        %dma_wait3A_77 = arith.constant 0 : i32
        %dma_wait3A_78 = tpu.memref_slice %arg8[%dma_wait3A_76, %dma_wait3A_77] : memref<10240x16xf32, #tpu.memory_space<vmem_shared>> -> memref<10240x16xf32, #tpu.memory_space<vmem_shared>>
        tpu.wait_indirect_dma semaphore(%run_scoped3A : memref<!tpu.dma_semaphore, #tpu.memory_space<semaphore_mem>>) src(%arg7 : memref<128x16xf32, #tpu.memory_space<vmem>>) dst(%dma_wait3A_78 : memref<10240x16xf32, #tpu.memory_space<vmem_shared>>)
        tpu.yield
      }) : () -> ()
      %while3A_68 = arith.constant 0 : i32
      scf.yield %while3A_68 : i32
    }
    %barrier3A_45 = arith.constant 0 : index
    tpu.barrier barrier_id(%barrier3A_45)
    %mul3A_46 = arith.constant 640 : i32
    %mul3A_47 = arith.muli %arg1, %mul3A_46 : i32
    %add3A_48 = arith.constant 0 : i32
    %add3A_49 = arith.addi %mul3A_47, %add3A_48 : i32
    "tpu.region"() ({
      %run_scoped3A = tpu.sem_alloc : memref<!tpu.dma_semaphore, #tpu.memory_space<semaphore_mem>>
      %dma_start3A = arith.constant 0 : i32
      %dma_start3A_66 = tpu.memref_slice %arg8[%add3A_49, %dma_start3A] : memref<10240x16xf32, #tpu.memory_space<vmem_shared>> -> memref<128x16xf32, #tpu.memory_space<vmem_shared>>
      %dma_start3A_67 = arith.constant 0 : i32
      %dma_start3A_68 = tpu.memref_slice %arg8[%add3A_49, %dma_start3A_67] : memref<10240x16xf32, #tpu.memory_space<vmem_shared>> -> memref<128x16xf32, #tpu.memory_space<vmem_shared>>
      tpu.enqueue_dma source(%dma_start3A_68 : memref<128x16xf32, #tpu.memory_space<vmem_shared>>) target(%arg6 : memref<128x16xf32, #tpu.memory_space<vmem>>) target_semaphore(%run_scoped3A : memref<!tpu.dma_semaphore, #tpu.memory_space<semaphore_mem>>)
      %dma_wait3A = arith.constant 0 : i32
      %dma_wait3A_69 = tpu.memref_slice %arg8[%add3A_49, %dma_wait3A] : memref<10240x16xf32, #tpu.memory_space<vmem_shared>> -> memref<128x16xf32, #tpu.memory_space<vmem_shared>>
      %dma_wait3A_70 = arith.constant 0 : i32
      %dma_wait3A_71 = tpu.memref_slice %arg8[%add3A_49, %dma_wait3A_70] : memref<10240x16xf32, #tpu.memory_space<vmem_shared>> -> memref<128x16xf32, #tpu.memory_space<vmem_shared>>
      tpu.wait_dma2 semaphore(%run_scoped3A : memref<!tpu.dma_semaphore, #tpu.memory_space<semaphore_mem>>) src(%dma_wait3A_71 : memref<128x16xf32, #tpu.memory_space<vmem_shared>>) dst(%arg6 : memref<128x16xf32, #tpu.memory_space<vmem>>)
      tpu.yield
    }) : () -> ()
    "tpu.region"() ({
      %run_scoped3A = tpu.sem_alloc : memref<!tpu.dma_semaphore, #tpu.memory_space<semaphore_mem>>
      %dma_start3A = arith.constant 0 : i32
      %dma_start3A_66 = tpu.memref_slice %arg4[%arg0, %add3A_49, %dma_start3A] : memref<2x10240x16xf32, #tpu.memory_space<hbm>> -> memref<1x128x16xf32, #tpu.memory_space<hbm>>
      %dma_start3A_67 = tpu.memref_squeeze %dma_start3A_66 : memref<1x128x16xf32, #tpu.memory_space<hbm>> -> memref<128x16xf32, #tpu.memory_space<hbm>>
      %dma_start3A_68 = arith.constant 0 : i32
      %dma_start3A_69 = tpu.memref_slice %arg4[%arg0, %add3A_49, %dma_start3A_68] : memref<2x10240x16xf32, #tpu.memory_space<hbm>> -> memref<1x128x16xf32, #tpu.memory_space<hbm>>
      %dma_start3A_70 = tpu.memref_squeeze %dma_start3A_69 : memref<1x128x16xf32, #tpu.memory_space<hbm>> -> memref<128x16xf32, #tpu.memory_space<hbm>>
      tpu.enqueue_dma source(%arg6 : memref<128x16xf32, #tpu.memory_space<vmem>>) target(%dma_start3A_70 : memref<128x16xf32, #tpu.memory_space<hbm>>) target_semaphore(%run_scoped3A : memref<!tpu.dma_semaphore, #tpu.memory_space<semaphore_mem>>)
      %dma_wait3A = arith.constant 0 : i32
      %dma_wait3A_71 = tpu.memref_slice %arg4[%arg0, %add3A_49, %dma_wait3A] : memref<2x10240x16xf32, #tpu.memory_space<hbm>> -> memref<1x128x16xf32, #tpu.memory_space<hbm>>
      %dma_wait3A_72 = tpu.memref_squeeze %dma_wait3A_71 : memref<1x128x16xf32, #tpu.memory_space<hbm>> -> memref<128x16xf32, #tpu.memory_space<hbm>>
      %dma_wait3A_73 = arith.constant 0 : i32
      %dma_wait3A_74 = tpu.memref_slice %arg4[%arg0, %add3A_49, %dma_wait3A_73] : memref<2x10240x16xf32, #tpu.memory_space<hbm>> -> memref<1x128x16xf32, #tpu.memory_space<hbm>>
      %dma_wait3A_75 = tpu.memref_squeeze %dma_wait3A_74 : memref<1x128x16xf32, #tpu.memory_space<hbm>> -> memref<128x16xf32, #tpu.memory_space<hbm>>
      tpu.wait_dma2 semaphore(%run_scoped3A : memref<!tpu.dma_semaphore, #tpu.memory_space<semaphore_mem>>) src(%arg6 : memref<128x16xf32, #tpu.memory_space<vmem>>) dst(%dma_wait3A_75 : memref<128x16xf32, #tpu.memory_space<hbm>>)
      tpu.yield
    }) : () -> ()
    %mul3A_50 = arith.constant 640 : i32
    %mul3A_51 = arith.muli %arg1, %mul3A_50 : i32
    %add3A_52 = arith.constant 128 : i32
    %add3A_53 = arith.addi %mul3A_51, %add3A_52 : i32
    "tpu.region"() ({
      %run_scoped3A = tpu.sem_alloc : memref<!tpu.dma_semaphore, #tpu.memory_space<semaphore_mem>>
      %dma_start3A = arith.constant 0 : i32
      %dma_start3A_66 = tpu.memref_slice %arg8[%add3A_53, %dma_start3A] : memref<10240x16xf32, #tpu.memory_space<vmem_shared>> -> memref<128x16xf32, #tpu.memory_space<vmem_shared>>
      %dma_start3A_67 = arith.constant 0 : i32
      %dma_start3A_68 = tpu.memref_slice %arg8[%add3A_53, %dma_start3A_67] : memref<10240x16xf32, #tpu.memory_space<vmem_shared>> -> memref<128x16xf32, #tpu.memory_space<vmem_shared>>
      tpu.enqueue_dma source(%dma_start3A_68 : memref<128x16xf32, #tpu.memory_space<vmem_shared>>) target(%arg6 : memref<128x16xf32, #tpu.memory_space<vmem>>) target_semaphore(%run_scoped3A : memref<!tpu.dma_semaphore, #tpu.memory_space<semaphore_mem>>)
      %dma_wait3A = arith.constant 0 : i32
      %dma_wait3A_69 = tpu.memref_slice %arg8[%add3A_53, %dma_wait3A] : memref<10240x16xf32, #tpu.memory_space<vmem_shared>> -> memref<128x16xf32, #tpu.memory_space<vmem_shared>>
      %dma_wait3A_70 = arith.constant 0 : i32
      %dma_wait3A_71 = tpu.memref_slice %arg8[%add3A_53, %dma_wait3A_70] : memref<10240x16xf32, #tpu.memory_space<vmem_shared>> -> memref<128x16xf32, #tpu.memory_space<vmem_shared>>
      tpu.wait_dma2 semaphore(%run_scoped3A : memref<!tpu.dma_semaphore, #tpu.memory_space<semaphore_mem>>) src(%dma_wait3A_71 : memref<128x16xf32, #tpu.memory_space<vmem_shared>>) dst(%arg6 : memref<128x16xf32, #tpu.memory_space<vmem>>)
      tpu.yield
    }) : () -> ()
    "tpu.region"() ({
      %run_scoped3A = tpu.sem_alloc : memref<!tpu.dma_semaphore, #tpu.memory_space<semaphore_mem>>
      %dma_start3A = arith.constant 0 : i32
      %dma_start3A_66 = tpu.memref_slice %arg4[%arg0, %add3A_53, %dma_start3A] : memref<2x10240x16xf32, #tpu.memory_space<hbm>> -> memref<1x128x16xf32, #tpu.memory_space<hbm>>
      %dma_start3A_67 = tpu.memref_squeeze %dma_start3A_66 : memref<1x128x16xf32, #tpu.memory_space<hbm>> -> memref<128x16xf32, #tpu.memory_space<hbm>>
      %dma_start3A_68 = arith.constant 0 : i32
      %dma_start3A_69 = tpu.memref_slice %arg4[%arg0, %add3A_53, %dma_start3A_68] : memref<2x10240x16xf32, #tpu.memory_space<hbm>> -> memref<1x128x16xf32, #tpu.memory_space<hbm>>
      %dma_start3A_70 = tpu.memref_squeeze %dma_start3A_69 : memref<1x128x16xf32, #tpu.memory_space<hbm>> -> memref<128x16xf32, #tpu.memory_space<hbm>>
      tpu.enqueue_dma source(%arg6 : memref<128x16xf32, #tpu.memory_space<vmem>>) target(%dma_start3A_70 : memref<128x16xf32, #tpu.memory_space<hbm>>) target_semaphore(%run_scoped3A : memref<!tpu.dma_semaphore, #tpu.memory_space<semaphore_mem>>)
      %dma_wait3A = arith.constant 0 : i32
      %dma_wait3A_71 = tpu.memref_slice %arg4[%arg0, %add3A_53, %dma_wait3A] : memref<2x10240x16xf32, #tpu.memory_space<hbm>> -> memref<1x128x16xf32, #tpu.memory_space<hbm>>
      %dma_wait3A_72 = tpu.memref_squeeze %dma_wait3A_71 : memref<1x128x16xf32, #tpu.memory_space<hbm>> -> memref<128x16xf32, #tpu.memory_space<hbm>>
      %dma_wait3A_73 = arith.constant 0 : i32
      %dma_wait3A_74 = tpu.memref_slice %arg4[%arg0, %add3A_53, %dma_wait3A_73] : memref<2x10240x16xf32, #tpu.memory_space<hbm>> -> memref<1x128x16xf32, #tpu.memory_space<hbm>>
      %dma_wait3A_75 = tpu.memref_squeeze %dma_wait3A_74 : memref<1x128x16xf32, #tpu.memory_space<hbm>> -> memref<128x16xf32, #tpu.memory_space<hbm>>
      tpu.wait_dma2 semaphore(%run_scoped3A : memref<!tpu.dma_semaphore, #tpu.memory_space<semaphore_mem>>) src(%arg6 : memref<128x16xf32, #tpu.memory_space<vmem>>) dst(%dma_wait3A_75 : memref<128x16xf32, #tpu.memory_space<hbm>>)
      tpu.yield
    }) : () -> ()
    %mul3A_54 = arith.constant 640 : i32
    %mul3A_55 = arith.muli %arg1, %mul3A_54 : i32
    %add3A_56 = arith.constant 256 : i32
    %add3A_57 = arith.addi %mul3A_55, %add3A_56 : i32
    "tpu.region"() ({
      %run_scoped3A = tpu.sem_alloc : memref<!tpu.dma_semaphore, #tpu.memory_space<semaphore_mem>>
      %dma_start3A = arith.constant 0 : i32
      %dma_start3A_66 = tpu.memref_slice %arg8[%add3A_57, %dma_start3A] : memref<10240x16xf32, #tpu.memory_space<vmem_shared>> -> memref<128x16xf32, #tpu.memory_space<vmem_shared>>
      %dma_start3A_67 = arith.constant 0 : i32
      %dma_start3A_68 = tpu.memref_slice %arg8[%add3A_57, %dma_start3A_67] : memref<10240x16xf32, #tpu.memory_space<vmem_shared>> -> memref<128x16xf32, #tpu.memory_space<vmem_shared>>
      tpu.enqueue_dma source(%dma_start3A_68 : memref<128x16xf32, #tpu.memory_space<vmem_shared>>) target(%arg6 : memref<128x16xf32, #tpu.memory_space<vmem>>) target_semaphore(%run_scoped3A : memref<!tpu.dma_semaphore, #tpu.memory_space<semaphore_mem>>)
      %dma_wait3A = arith.constant 0 : i32
      %dma_wait3A_69 = tpu.memref_slice %arg8[%add3A_57, %dma_wait3A] : memref<10240x16xf32, #tpu.memory_space<vmem_shared>> -> memref<128x16xf32, #tpu.memory_space<vmem_shared>>
      %dma_wait3A_70 = arith.constant 0 : i32
      %dma_wait3A_71 = tpu.memref_slice %arg8[%add3A_57, %dma_wait3A_70] : memref<10240x16xf32, #tpu.memory_space<vmem_shared>> -> memref<128x16xf32, #tpu.memory_space<vmem_shared>>
      tpu.wait_dma2 semaphore(%run_scoped3A : memref<!tpu.dma_semaphore, #tpu.memory_space<semaphore_mem>>) src(%dma_wait3A_71 : memref<128x16xf32, #tpu.memory_space<vmem_shared>>) dst(%arg6 : memref<128x16xf32, #tpu.memory_space<vmem>>)
      tpu.yield
    }) : () -> ()
    "tpu.region"() ({
      %run_scoped3A = tpu.sem_alloc : memref<!tpu.dma_semaphore, #tpu.memory_space<semaphore_mem>>
      %dma_start3A = arith.constant 0 : i32
      %dma_start3A_66 = tpu.memref_slice %arg4[%arg0, %add3A_57, %dma_start3A] : memref<2x10240x16xf32, #tpu.memory_space<hbm>> -> memref<1x128x16xf32, #tpu.memory_space<hbm>>
      %dma_start3A_67 = tpu.memref_squeeze %dma_start3A_66 : memref<1x128x16xf32, #tpu.memory_space<hbm>> -> memref<128x16xf32, #tpu.memory_space<hbm>>
      %dma_start3A_68 = arith.constant 0 : i32
      %dma_start3A_69 = tpu.memref_slice %arg4[%arg0, %add3A_57, %dma_start3A_68] : memref<2x10240x16xf32, #tpu.memory_space<hbm>> -> memref<1x128x16xf32, #tpu.memory_space<hbm>>
      %dma_start3A_70 = tpu.memref_squeeze %dma_start3A_69 : memref<1x128x16xf32, #tpu.memory_space<hbm>> -> memref<128x16xf32, #tpu.memory_space<hbm>>
      tpu.enqueue_dma source(%arg6 : memref<128x16xf32, #tpu.memory_space<vmem>>) target(%dma_start3A_70 : memref<128x16xf32, #tpu.memory_space<hbm>>) target_semaphore(%run_scoped3A : memref<!tpu.dma_semaphore, #tpu.memory_space<semaphore_mem>>)
      %dma_wait3A = arith.constant 0 : i32
      %dma_wait3A_71 = tpu.memref_slice %arg4[%arg0, %add3A_57, %dma_wait3A] : memref<2x10240x16xf32, #tpu.memory_space<hbm>> -> memref<1x128x16xf32, #tpu.memory_space<hbm>>
      %dma_wait3A_72 = tpu.memref_squeeze %dma_wait3A_71 : memref<1x128x16xf32, #tpu.memory_space<hbm>> -> memref<128x16xf32, #tpu.memory_space<hbm>>
      %dma_wait3A_73 = arith.constant 0 : i32
      %dma_wait3A_74 = tpu.memref_slice %arg4[%arg0, %add3A_57, %dma_wait3A_73] : memref<2x10240x16xf32, #tpu.memory_space<hbm>> -> memref<1x128x16xf32, #tpu.memory_space<hbm>>
      %dma_wait3A_75 = tpu.memref_squeeze %dma_wait3A_74 : memref<1x128x16xf32, #tpu.memory_space<hbm>> -> memref<128x16xf32, #tpu.memory_space<hbm>>
      tpu.wait_dma2 semaphore(%run_scoped3A : memref<!tpu.dma_semaphore, #tpu.memory_space<semaphore_mem>>) src(%arg6 : memref<128x16xf32, #tpu.memory_space<vmem>>) dst(%dma_wait3A_75 : memref<128x16xf32, #tpu.memory_space<hbm>>)
      tpu.yield
    }) : () -> ()
    %mul3A_58 = arith.constant 640 : i32
    %mul3A_59 = arith.muli %arg1, %mul3A_58 : i32
    %add3A_60 = arith.constant 384 : i32
    %add3A_61 = arith.addi %mul3A_59, %add3A_60 : i32
    "tpu.region"() ({
      %run_scoped3A = tpu.sem_alloc : memref<!tpu.dma_semaphore, #tpu.memory_space<semaphore_mem>>
      %dma_start3A = arith.constant 0 : i32
      %dma_start3A_66 = tpu.memref_slice %arg8[%add3A_61, %dma_start3A] : memref<10240x16xf32, #tpu.memory_space<vmem_shared>> -> memref<128x16xf32, #tpu.memory_space<vmem_shared>>
      %dma_start3A_67 = arith.constant 0 : i32
      %dma_start3A_68 = tpu.memref_slice %arg8[%add3A_61, %dma_start3A_67] : memref<10240x16xf32, #tpu.memory_space<vmem_shared>> -> memref<128x16xf32, #tpu.memory_space<vmem_shared>>
      tpu.enqueue_dma source(%dma_start3A_68 : memref<128x16xf32, #tpu.memory_space<vmem_shared>>) target(%arg6 : memref<128x16xf32, #tpu.memory_space<vmem>>) target_semaphore(%run_scoped3A : memref<!tpu.dma_semaphore, #tpu.memory_space<semaphore_mem>>)
      %dma_wait3A = arith.constant 0 : i32
      %dma_wait3A_69 = tpu.memref_slice %arg8[%add3A_61, %dma_wait3A] : memref<10240x16xf32, #tpu.memory_space<vmem_shared>> -> memref<128x16xf32, #tpu.memory_space<vmem_shared>>
      %dma_wait3A_70 = arith.constant 0 : i32
      %dma_wait3A_71 = tpu.memref_slice %arg8[%add3A_61, %dma_wait3A_70] : memref<10240x16xf32, #tpu.memory_space<vmem_shared>> -> memref<128x16xf32, #tpu.memory_space<vmem_shared>>
      tpu.wait_dma2 semaphore(%run_scoped3A : memref<!tpu.dma_semaphore, #tpu.memory_space<semaphore_mem>>) src(%dma_wait3A_71 : memref<128x16xf32, #tpu.memory_space<vmem_shared>>) dst(%arg6 : memref<128x16xf32, #tpu.memory_space<vmem>>)
      tpu.yield
    }) : () -> ()
    "tpu.region"() ({
      %run_scoped3A = tpu.sem_alloc : memref<!tpu.dma_semaphore, #tpu.memory_space<semaphore_mem>>
      %dma_start3A = arith.constant 0 : i32
      %dma_start3A_66 = tpu.memref_slice %arg4[%arg0, %add3A_61, %dma_start3A] : memref<2x10240x16xf32, #tpu.memory_space<hbm>> -> memref<1x128x16xf32, #tpu.memory_space<hbm>>
      %dma_start3A_67 = tpu.memref_squeeze %dma_start3A_66 : memref<1x128x16xf32, #tpu.memory_space<hbm>> -> memref<128x16xf32, #tpu.memory_space<hbm>>
      %dma_start3A_68 = arith.constant 0 : i32
      %dma_start3A_69 = tpu.memref_slice %arg4[%arg0, %add3A_61, %dma_start3A_68] : memref<2x10240x16xf32, #tpu.memory_space<hbm>> -> memref<1x128x16xf32, #tpu.memory_space<hbm>>
      %dma_start3A_70 = tpu.memref_squeeze %dma_start3A_69 : memref<1x128x16xf32, #tpu.memory_space<hbm>> -> memref<128x16xf32, #tpu.memory_space<hbm>>
      tpu.enqueue_dma source(%arg6 : memref<128x16xf32, #tpu.memory_space<vmem>>) target(%dma_start3A_70 : memref<128x16xf32, #tpu.memory_space<hbm>>) target_semaphore(%run_scoped3A : memref<!tpu.dma_semaphore, #tpu.memory_space<semaphore_mem>>)
      %dma_wait3A = arith.constant 0 : i32
      %dma_wait3A_71 = tpu.memref_slice %arg4[%arg0, %add3A_61, %dma_wait3A] : memref<2x10240x16xf32, #tpu.memory_space<hbm>> -> memref<1x128x16xf32, #tpu.memory_space<hbm>>
      %dma_wait3A_72 = tpu.memref_squeeze %dma_wait3A_71 : memref<1x128x16xf32, #tpu.memory_space<hbm>> -> memref<128x16xf32, #tpu.memory_space<hbm>>
      %dma_wait3A_73 = arith.constant 0 : i32
      %dma_wait3A_74 = tpu.memref_slice %arg4[%arg0, %add3A_61, %dma_wait3A_73] : memref<2x10240x16xf32, #tpu.memory_space<hbm>> -> memref<1x128x16xf32, #tpu.memory_space<hbm>>
      %dma_wait3A_75 = tpu.memref_squeeze %dma_wait3A_74 : memref<1x128x16xf32, #tpu.memory_space<hbm>> -> memref<128x16xf32, #tpu.memory_space<hbm>>
      tpu.wait_dma2 semaphore(%run_scoped3A : memref<!tpu.dma_semaphore, #tpu.memory_space<semaphore_mem>>) src(%arg6 : memref<128x16xf32, #tpu.memory_space<vmem>>) dst(%dma_wait3A_75 : memref<128x16xf32, #tpu.memory_space<hbm>>)
      tpu.yield
    }) : () -> ()
    %mul3A_62 = arith.constant 640 : i32
    %mul3A_63 = arith.muli %arg1, %mul3A_62 : i32
    %add3A_64 = arith.constant 512 : i32
    %add3A_65 = arith.addi %mul3A_63, %add3A_64 : i32
    "tpu.region"() ({
      %run_scoped3A = tpu.sem_alloc : memref<!tpu.dma_semaphore, #tpu.memory_space<semaphore_mem>>
      %dma_start3A = arith.constant 0 : i32
      %dma_start3A_66 = tpu.memref_slice %arg8[%add3A_65, %dma_start3A] : memref<10240x16xf32, #tpu.memory_space<vmem_shared>> -> memref<128x16xf32, #tpu.memory_space<vmem_shared>>
      %dma_start3A_67 = arith.constant 0 : i32
      %dma_start3A_68 = tpu.memref_slice %arg8[%add3A_65, %dma_start3A_67] : memref<10240x16xf32, #tpu.memory_space<vmem_shared>> -> memref<128x16xf32, #tpu.memory_space<vmem_shared>>
      tpu.enqueue_dma source(%dma_start3A_68 : memref<128x16xf32, #tpu.memory_space<vmem_shared>>) target(%arg6 : memref<128x16xf32, #tpu.memory_space<vmem>>) target_semaphore(%run_scoped3A : memref<!tpu.dma_semaphore, #tpu.memory_space<semaphore_mem>>)
      %dma_wait3A = arith.constant 0 : i32
      %dma_wait3A_69 = tpu.memref_slice %arg8[%add3A_65, %dma_wait3A] : memref<10240x16xf32, #tpu.memory_space<vmem_shared>> -> memref<128x16xf32, #tpu.memory_space<vmem_shared>>
      %dma_wait3A_70 = arith.constant 0 : i32
      %dma_wait3A_71 = tpu.memref_slice %arg8[%add3A_65, %dma_wait3A_70] : memref<10240x16xf32, #tpu.memory_space<vmem_shared>> -> memref<128x16xf32, #tpu.memory_space<vmem_shared>>
      tpu.wait_dma2 semaphore(%run_scoped3A : memref<!tpu.dma_semaphore, #tpu.memory_space<semaphore_mem>>) src(%dma_wait3A_71 : memref<128x16xf32, #tpu.memory_space<vmem_shared>>) dst(%arg6 : memref<128x16xf32, #tpu.memory_space<vmem>>)
      tpu.yield
    }) : () -> ()
    "tpu.region"() ({
      %run_scoped3A = tpu.sem_alloc : memref<!tpu.dma_semaphore, #tpu.memory_space<semaphore_mem>>
      %dma_start3A = arith.constant 0 : i32
      %dma_start3A_66 = tpu.memref_slice %arg4[%arg0, %add3A_65, %dma_start3A] : memref<2x10240x16xf32, #tpu.memory_space<hbm>> -> memref<1x128x16xf32, #tpu.memory_space<hbm>>
      %dma_start3A_67 = tpu.memref_squeeze %dma_start3A_66 : memref<1x128x16xf32, #tpu.memory_space<hbm>> -> memref<128x16xf32, #tpu.memory_space<hbm>>
      %dma_start3A_68 = arith.constant 0 : i32
      %dma_start3A_69 = tpu.memref_slice %arg4[%arg0, %add3A_65, %dma_start3A_68] : memref<2x10240x16xf32, #tpu.memory_space<hbm>> -> memref<1x128x16xf32, #tpu.memory_space<hbm>>
      %dma_start3A_70 = tpu.memref_squeeze %dma_start3A_69 : memref<1x128x16xf32, #tpu.memory_space<hbm>> -> memref<128x16xf32, #tpu.memory_space<hbm>>
      tpu.enqueue_dma source(%arg6 : memref<128x16xf32, #tpu.memory_space<vmem>>) target(%dma_start3A_70 : memref<128x16xf32, #tpu.memory_space<hbm>>) target_semaphore(%run_scoped3A : memref<!tpu.dma_semaphore, #tpu.memory_space<semaphore_mem>>)
      %dma_wait3A = arith.constant 0 : i32
      %dma_wait3A_71 = tpu.memref_slice %arg4[%arg0, %add3A_65, %dma_wait3A] : memref<2x10240x16xf32, #tpu.memory_space<hbm>> -> memref<1x128x16xf32, #tpu.memory_space<hbm>>
      %dma_wait3A_72 = tpu.memref_squeeze %dma_wait3A_71 : memref<1x128x16xf32, #tpu.memory_space<hbm>> -> memref<128x16xf32, #tpu.memory_space<hbm>>
      %dma_wait3A_73 = arith.constant 0 : i32
      %dma_wait3A_74 = tpu.memref_slice %arg4[%arg0, %add3A_65, %dma_wait3A_73] : memref<2x10240x16xf32, #tpu.memory_space<hbm>> -> memref<1x128x16xf32, #tpu.memory_space<hbm>>
      %dma_wait3A_75 = tpu.memref_squeeze %dma_wait3A_74 : memref<1x128x16xf32, #tpu.memory_space<hbm>> -> memref<128x16xf32, #tpu.memory_space<hbm>>
      tpu.wait_dma2 semaphore(%run_scoped3A : memref<!tpu.dma_semaphore, #tpu.memory_space<semaphore_mem>>) src(%arg6 : memref<128x16xf32, #tpu.memory_space<vmem>>) dst(%dma_wait3A_75 : memref<128x16xf32, #tpu.memory_space<hbm>>)
      tpu.yield
    }) : () -> ()
    return
  }
}

#map = affine_map<(d0, d1) -> (0, 0)>
#map1 = affine_map<(d0, d1) -> (0, 0, 0)>
module attributes {stable_mosaic.version = 14 : i64} {
  func.func @accum_kernel(%arg0: i32, %arg1: i32, %arg2: memref<10240x64xf32, #tpu.memory_space<hbm>>, %arg3: memref<16x78x128xi32, #tpu.memory_space<hbm>>, %arg4: memref<16x78x128xi32, #tpu.memory_space<hbm>>, %arg5: memref<16x81x128xi32, #tpu.memory_space<hbm>>, %arg6: memref<16x81x128xi32, #tpu.memory_space<hbm>>, %arg7: memref<2x10240x64xf32, #tpu.memory_space<hbm>>, %arg8: memref<81x128xi32, #tpu.memory_space<vmem>>, %arg9: memref<81x128xi32, #tpu.memory_space<vmem>>, %arg10: memref<128x64xf32, #tpu.memory_space<vmem>>, %arg11: memref<128x64xf32, #tpu.memory_space<vmem>>, %arg12: memref<128x64xf32, #tpu.memory_space<vmem>>, %arg13: memref<3x!tpu.dma_semaphore, #tpu.memory_space<semaphore_mem>>, %arg14: memref<10240x64xf32, #tpu.memory_space<vmem_shared>>, %arg15: memref<10240x64xf32, #tpu.memory_space<vmem_shared>>) attributes {dimension_semantics = [#tpu.dimension_semantics<core_parallel>, #tpu.dimension_semantics<subcore_parallel>], iteration_bounds = array<i64: 2, 16>, scalar_prefetch = 0 : i64, scratch_operands = 8 : i64, tpu.core_type = #tpu.core_type<sc_vector_subcore>, window_params = [{transform_indices = #map}, {transform_indices = #map1}, {transform_indices = #map1}, {transform_indices = #map1}, {transform_indices = #map1}, {transform_indices = #map1}]} {
    %eq3A = arith.constant 0 : i32
    %eq3A_0 = arith.cmpi eq, %arg0, %eq3A : i32
    %jit3A = arith.constant 78 : i32
    %jit3A_1 = arith.constant 81 : i32
    %select_n3A = arith.select %eq3A_0, %jit3A, %jit3A_1 : i32
    %scan3A = arith.constant 0 : i32
    %scan3A_2 = arith.constant 0 : i32
    %scan3A_3 = arith.constant 128 : i32
    %scan3A_4 = arith.addi %scan3A_2, %scan3A_3 : i32
    %scan3A_5 = arith.constant 1 : i32
    %scan3A_6 = scf.for %scan3A_115 = %scan3A_2 to %scan3A_4 step %scan3A_5 iter_args(%scan3A_116 = %scan3A) -> (i32)  : i32 {
      %broadcast_in_dim3A = arith.constant 0.000000e+00 : f32
      %broadcast_in_dim3A_117 = vector.broadcast %broadcast_in_dim3A : f32 to vector<16xf32>
      %swap3A = arith.index_cast %scan3A_115 : i32 to index
      %swap3A_118 = arith.constant 0 : index
      %swap3A_119 = tpu.vector_load %arg10[%swap3A, %swap3A_118] {strides = array<i32>} : memref<128x64xf32, #tpu.memory_space<vmem>>, vector<1x16xf32>,
      %swap3A_120 = vector.shape_cast %swap3A_119 : vector<1x16xf32> to vector<16xf32>
      %swap3A_121 = vector.shape_cast %broadcast_in_dim3A_117 : vector<16xf32> to vector<1x16xf32>
      tpu.vector_store %arg10[%swap3A, %swap3A_118], %swap3A_121 {strides = array<i32>} : memref<128x64xf32, #tpu.memory_space<vmem>>, vector<1x16xf32>,
      %broadcast_in_dim3A_122 = arith.constant 0.000000e+00 : f32
      %broadcast_in_dim3A_123 = vector.broadcast %broadcast_in_dim3A_122 : f32 to vector<16xf32>
      %swap3A_124 = arith.index_cast %scan3A_115 : i32 to index
      %swap3A_125 = arith.constant 16 : index
      %swap3A_126 = tpu.vector_load %arg10[%swap3A_124, %swap3A_125] {strides = array<i32>} : memref<128x64xf32, #tpu.memory_space<vmem>>, vector<1x16xf32>,
      %swap3A_127 = vector.shape_cast %swap3A_126 : vector<1x16xf32> to vector<16xf32>
      %swap3A_128 = vector.shape_cast %broadcast_in_dim3A_123 : vector<16xf32> to vector<1x16xf32>
      tpu.vector_store %arg10[%swap3A_124, %swap3A_125], %swap3A_128 {strides = array<i32>} : memref<128x64xf32, #tpu.memory_space<vmem>>, vector<1x16xf32>,
      %broadcast_in_dim3A_129 = arith.constant 0.000000e+00 : f32
      %broadcast_in_dim3A_130 = vector.broadcast %broadcast_in_dim3A_129 : f32 to vector<16xf32>
      %swap3A_131 = arith.index_cast %scan3A_115 : i32 to index
      %swap3A_132 = arith.constant 32 : index
      %swap3A_133 = tpu.vector_load %arg10[%swap3A_131, %swap3A_132] {strides = array<i32>} : memref<128x64xf32, #tpu.memory_space<vmem>>, vector<1x16xf32>,
      %swap3A_134 = vector.shape_cast %swap3A_133 : vector<1x16xf32> to vector<16xf32>
      %swap3A_135 = vector.shape_cast %broadcast_in_dim3A_130 : vector<16xf32> to vector<1x16xf32>
      tpu.vector_store %arg10[%swap3A_131, %swap3A_132], %swap3A_135 {strides = array<i32>} : memref<128x64xf32, #tpu.memory_space<vmem>>, vector<1x16xf32>,
      %broadcast_in_dim3A_136 = arith.constant 0.000000e+00 : f32
      %broadcast_in_dim3A_137 = vector.broadcast %broadcast_in_dim3A_136 : f32 to vector<16xf32>
      %swap3A_138 = arith.index_cast %scan3A_115 : i32 to index
      %swap3A_139 = arith.constant 48 : index
      %swap3A_140 = tpu.vector_load %arg10[%swap3A_138, %swap3A_139] {strides = array<i32>} : memref<128x64xf32, #tpu.memory_space<vmem>>, vector<1x16xf32>,
      %swap3A_141 = vector.shape_cast %swap3A_140 : vector<1x16xf32> to vector<16xf32>
      %swap3A_142 = vector.shape_cast %broadcast_in_dim3A_137 : vector<16xf32> to vector<1x16xf32>
      tpu.vector_store %arg10[%swap3A_138, %swap3A_139], %swap3A_142 {strides = array<i32>} : memref<128x64xf32, #tpu.memory_space<vmem>>, vector<1x16xf32>,
      %scan3A_143 = arith.constant 0 : i32
      scf.yield %scan3A_143 : i32
    }
    %scan3A_7 = arith.constant 128 : i32
    %mul3A = arith.constant 640 : i32
    %mul3A_8 = arith.muli %arg1, %mul3A : i32
    "tpu.region"() ({
      %run_scoped3A = tpu.sem_alloc : memref<!tpu.dma_semaphore, #tpu.memory_space<semaphore_mem>>
      %dma_start3A_115 = arith.constant 0 : i32
      %dma_start3A_116 = tpu.memref_slice %arg14[%mul3A_8, %dma_start3A_115] : memref<10240x64xf32, #tpu.memory_space<vmem_shared>> -> memref<640x64xf32, #tpu.memory_space<vmem_shared>>
      %dma_start3A_117 = arith.constant 0 : i32
      %dma_start3A_118 = tpu.memref_slice %arg2[%mul3A_8, %dma_start3A_117] : memref<10240x64xf32, #tpu.memory_space<hbm>> -> memref<640x64xf32, #tpu.memory_space<hbm>>
      tpu.enqueue_dma source(%dma_start3A_118 : memref<640x64xf32, #tpu.memory_space<hbm>>) target(%dma_start3A_116 : memref<640x64xf32, #tpu.memory_space<vmem_shared>>) target_semaphore(%run_scoped3A : memref<!tpu.dma_semaphore, #tpu.memory_space<semaphore_mem>>)
      %dma_wait3A = arith.constant 0 : i32
      %dma_wait3A_119 = tpu.memref_slice %arg14[%mul3A_8, %dma_wait3A] : memref<10240x64xf32, #tpu.memory_space<vmem_shared>> -> memref<640x64xf32, #tpu.memory_space<vmem_shared>>
      %dma_wait3A_120 = arith.constant 0 : i32
      %dma_wait3A_121 = tpu.memref_slice %arg2[%mul3A_8, %dma_wait3A_120] : memref<10240x64xf32, #tpu.memory_space<hbm>> -> memref<640x64xf32, #tpu.memory_space<hbm>>
      tpu.wait_dma2 semaphore(%run_scoped3A : memref<!tpu.dma_semaphore, #tpu.memory_space<semaphore_mem>>) src(%dma_wait3A_121 : memref<640x64xf32, #tpu.memory_space<hbm>>) dst(%dma_wait3A_119 : memref<640x64xf32, #tpu.memory_space<vmem_shared>>)
      tpu.yield
    }) : () -> ()
    %mul3A_9 = arith.constant 640 : i32
    %mul3A_10 = arith.muli %arg1, %mul3A_9 : i32
    %add3A = arith.constant 0 : i32
    %add3A_11 = arith.addi %mul3A_10, %add3A : i32
    "tpu.region"() ({
      %run_scoped3A = tpu.sem_alloc : memref<!tpu.dma_semaphore, #tpu.memory_space<semaphore_mem>>
      %dma_start3A_115 = arith.constant 0 : i32
      %dma_start3A_116 = tpu.memref_slice %arg15[%add3A_11, %dma_start3A_115] : memref<10240x64xf32, #tpu.memory_space<vmem_shared>> -> memref<128x64xf32, #tpu.memory_space<vmem_shared>>
      %dma_start3A_117 = arith.constant 0 : i32
      %dma_start3A_118 = tpu.memref_slice %arg15[%add3A_11, %dma_start3A_117] : memref<10240x64xf32, #tpu.memory_space<vmem_shared>> -> memref<128x64xf32, #tpu.memory_space<vmem_shared>>
      tpu.enqueue_dma source(%arg10 : memref<128x64xf32, #tpu.memory_space<vmem>>) target(%dma_start3A_118 : memref<128x64xf32, #tpu.memory_space<vmem_shared>>) target_semaphore(%run_scoped3A : memref<!tpu.dma_semaphore, #tpu.memory_space<semaphore_mem>>)
      %dma_wait3A = arith.constant 0 : i32
      %dma_wait3A_119 = tpu.memref_slice %arg15[%add3A_11, %dma_wait3A] : memref<10240x64xf32, #tpu.memory_space<vmem_shared>> -> memref<128x64xf32, #tpu.memory_space<vmem_shared>>
      %dma_wait3A_120 = arith.constant 0 : i32
      %dma_wait3A_121 = tpu.memref_slice %arg15[%add3A_11, %dma_wait3A_120] : memref<10240x64xf32, #tpu.memory_space<vmem_shared>> -> memref<128x64xf32, #tpu.memory_space<vmem_shared>>
      tpu.wait_dma2 semaphore(%run_scoped3A : memref<!tpu.dma_semaphore, #tpu.memory_space<semaphore_mem>>) src(%arg10 : memref<128x64xf32, #tpu.memory_space<vmem>>) dst(%dma_wait3A_121 : memref<128x64xf32, #tpu.memory_space<vmem_shared>>)
      tpu.yield
    }) : () -> ()
    %mul3A_12 = arith.constant 640 : i32
    %mul3A_13 = arith.muli %arg1, %mul3A_12 : i32
    %add3A_14 = arith.constant 128 : i32
    %add3A_15 = arith.addi %mul3A_13, %add3A_14 : i32
    "tpu.region"() ({
      %run_scoped3A = tpu.sem_alloc : memref<!tpu.dma_semaphore, #tpu.memory_space<semaphore_mem>>
      %dma_start3A_115 = arith.constant 0 : i32
      %dma_start3A_116 = tpu.memref_slice %arg15[%add3A_15, %dma_start3A_115] : memref<10240x64xf32, #tpu.memory_space<vmem_shared>> -> memref<128x64xf32, #tpu.memory_space<vmem_shared>>
      %dma_start3A_117 = arith.constant 0 : i32
      %dma_start3A_118 = tpu.memref_slice %arg15[%add3A_15, %dma_start3A_117] : memref<10240x64xf32, #tpu.memory_space<vmem_shared>> -> memref<128x64xf32, #tpu.memory_space<vmem_shared>>
      tpu.enqueue_dma source(%arg10 : memref<128x64xf32, #tpu.memory_space<vmem>>) target(%dma_start3A_118 : memref<128x64xf32, #tpu.memory_space<vmem_shared>>) target_semaphore(%run_scoped3A : memref<!tpu.dma_semaphore, #tpu.memory_space<semaphore_mem>>)
      %dma_wait3A = arith.constant 0 : i32
      %dma_wait3A_119 = tpu.memref_slice %arg15[%add3A_15, %dma_wait3A] : memref<10240x64xf32, #tpu.memory_space<vmem_shared>> -> memref<128x64xf32, #tpu.memory_space<vmem_shared>>
      %dma_wait3A_120 = arith.constant 0 : i32
      %dma_wait3A_121 = tpu.memref_slice %arg15[%add3A_15, %dma_wait3A_120] : memref<10240x64xf32, #tpu.memory_space<vmem_shared>> -> memref<128x64xf32, #tpu.memory_space<vmem_shared>>
      tpu.wait_dma2 semaphore(%run_scoped3A : memref<!tpu.dma_semaphore, #tpu.memory_space<semaphore_mem>>) src(%arg10 : memref<128x64xf32, #tpu.memory_space<vmem>>) dst(%dma_wait3A_121 : memref<128x64xf32, #tpu.memory_space<vmem_shared>>)
      tpu.yield
    }) : () -> ()
    %mul3A_16 = arith.constant 640 : i32
    %mul3A_17 = arith.muli %arg1, %mul3A_16 : i32
    %add3A_18 = arith.constant 256 : i32
    %add3A_19 = arith.addi %mul3A_17, %add3A_18 : i32
    "tpu.region"() ({
      %run_scoped3A = tpu.sem_alloc : memref<!tpu.dma_semaphore, #tpu.memory_space<semaphore_mem>>
      %dma_start3A_115 = arith.constant 0 : i32
      %dma_start3A_116 = tpu.memref_slice %arg15[%add3A_19, %dma_start3A_115] : memref<10240x64xf32, #tpu.memory_space<vmem_shared>> -> memref<128x64xf32, #tpu.memory_space<vmem_shared>>
      %dma_start3A_117 = arith.constant 0 : i32
      %dma_start3A_118 = tpu.memref_slice %arg15[%add3A_19, %dma_start3A_117] : memref<10240x64xf32, #tpu.memory_space<vmem_shared>> -> memref<128x64xf32, #tpu.memory_space<vmem_shared>>
      tpu.enqueue_dma source(%arg10 : memref<128x64xf32, #tpu.memory_space<vmem>>) target(%dma_start3A_118 : memref<128x64xf32, #tpu.memory_space<vmem_shared>>) target_semaphore(%run_scoped3A : memref<!tpu.dma_semaphore, #tpu.memory_space<semaphore_mem>>)
      %dma_wait3A = arith.constant 0 : i32
      %dma_wait3A_119 = tpu.memref_slice %arg15[%add3A_19, %dma_wait3A] : memref<10240x64xf32, #tpu.memory_space<vmem_shared>> -> memref<128x64xf32, #tpu.memory_space<vmem_shared>>
      %dma_wait3A_120 = arith.constant 0 : i32
      %dma_wait3A_121 = tpu.memref_slice %arg15[%add3A_19, %dma_wait3A_120] : memref<10240x64xf32, #tpu.memory_space<vmem_shared>> -> memref<128x64xf32, #tpu.memory_space<vmem_shared>>
      tpu.wait_dma2 semaphore(%run_scoped3A : memref<!tpu.dma_semaphore, #tpu.memory_space<semaphore_mem>>) src(%arg10 : memref<128x64xf32, #tpu.memory_space<vmem>>) dst(%dma_wait3A_121 : memref<128x64xf32, #tpu.memory_space<vmem_shared>>)
      tpu.yield
    }) : () -> ()
    %mul3A_20 = arith.constant 640 : i32
    %mul3A_21 = arith.muli %arg1, %mul3A_20 : i32
    %add3A_22 = arith.constant 384 : i32
    %add3A_23 = arith.addi %mul3A_21, %add3A_22 : i32
    "tpu.region"() ({
      %run_scoped3A = tpu.sem_alloc : memref<!tpu.dma_semaphore, #tpu.memory_space<semaphore_mem>>
      %dma_start3A_115 = arith.constant 0 : i32
      %dma_start3A_116 = tpu.memref_slice %arg15[%add3A_23, %dma_start3A_115] : memref<10240x64xf32, #tpu.memory_space<vmem_shared>> -> memref<128x64xf32, #tpu.memory_space<vmem_shared>>
      %dma_start3A_117 = arith.constant 0 : i32
      %dma_start3A_118 = tpu.memref_slice %arg15[%add3A_23, %dma_start3A_117] : memref<10240x64xf32, #tpu.memory_space<vmem_shared>> -> memref<128x64xf32, #tpu.memory_space<vmem_shared>>
      tpu.enqueue_dma source(%arg10 : memref<128x64xf32, #tpu.memory_space<vmem>>) target(%dma_start3A_118 : memref<128x64xf32, #tpu.memory_space<vmem_shared>>) target_semaphore(%run_scoped3A : memref<!tpu.dma_semaphore, #tpu.memory_space<semaphore_mem>>)
      %dma_wait3A = arith.constant 0 : i32
      %dma_wait3A_119 = tpu.memref_slice %arg15[%add3A_23, %dma_wait3A] : memref<10240x64xf32, #tpu.memory_space<vmem_shared>> -> memref<128x64xf32, #tpu.memory_space<vmem_shared>>
      %dma_wait3A_120 = arith.constant 0 : i32
      %dma_wait3A_121 = tpu.memref_slice %arg15[%add3A_23, %dma_wait3A_120] : memref<10240x64xf32, #tpu.memory_space<vmem_shared>> -> memref<128x64xf32, #tpu.memory_space<vmem_shared>>
      tpu.wait_dma2 semaphore(%run_scoped3A : memref<!tpu.dma_semaphore, #tpu.memory_space<semaphore_mem>>) src(%arg10 : memref<128x64xf32, #tpu.memory_space<vmem>>) dst(%dma_wait3A_121 : memref<128x64xf32, #tpu.memory_space<vmem_shared>>)
      tpu.yield
    }) : () -> ()
    %mul3A_24 = arith.constant 640 : i32
    %mul3A_25 = arith.muli %arg1, %mul3A_24 : i32
    %add3A_26 = arith.constant 512 : i32
    %add3A_27 = arith.addi %mul3A_25, %add3A_26 : i32
    "tpu.region"() ({
      %run_scoped3A = tpu.sem_alloc : memref<!tpu.dma_semaphore, #tpu.memory_space<semaphore_mem>>
      %dma_start3A_115 = arith.constant 0 : i32
      %dma_start3A_116 = tpu.memref_slice %arg15[%add3A_27, %dma_start3A_115] : memref<10240x64xf32, #tpu.memory_space<vmem_shared>> -> memref<128x64xf32, #tpu.memory_space<vmem_shared>>
      %dma_start3A_117 = arith.constant 0 : i32
      %dma_start3A_118 = tpu.memref_slice %arg15[%add3A_27, %dma_start3A_117] : memref<10240x64xf32, #tpu.memory_space<vmem_shared>> -> memref<128x64xf32, #tpu.memory_space<vmem_shared>>
      tpu.enqueue_dma source(%arg10 : memref<128x64xf32, #tpu.memory_space<vmem>>) target(%dma_start3A_118 : memref<128x64xf32, #tpu.memory_space<vmem_shared>>) target_semaphore(%run_scoped3A : memref<!tpu.dma_semaphore, #tpu.memory_space<semaphore_mem>>)
      %dma_wait3A = arith.constant 0 : i32
      %dma_wait3A_119 = tpu.memref_slice %arg15[%add3A_27, %dma_wait3A] : memref<10240x64xf32, #tpu.memory_space<vmem_shared>> -> memref<128x64xf32, #tpu.memory_space<vmem_shared>>
      %dma_wait3A_120 = arith.constant 0 : i32
      %dma_wait3A_121 = tpu.memref_slice %arg15[%add3A_27, %dma_wait3A_120] : memref<10240x64xf32, #tpu.memory_space<vmem_shared>> -> memref<128x64xf32, #tpu.memory_space<vmem_shared>>
      tpu.wait_dma2 semaphore(%run_scoped3A : memref<!tpu.dma_semaphore, #tpu.memory_space<semaphore_mem>>) src(%arg10 : memref<128x64xf32, #tpu.memory_space<vmem>>) dst(%dma_wait3A_121 : memref<128x64xf32, #tpu.memory_space<vmem_shared>>)
      tpu.yield
    }) : () -> ()
    %barrier3A = arith.constant 0 : index
    tpu.barrier barrier_id(%barrier3A)
    %eq3A_28 = arith.constant 0 : i32
    %eq3A_29 = arith.cmpi eq, %arg0, %eq3A_28 : i32
    %convert_element_type3A = arith.extui %eq3A_29 : i1 to i32
    %cond3A = arith.constant 0 : i32
    %cond3A_30 = arith.cmpi ne, %convert_element_type3A, %cond3A : i32
    scf.if %cond3A_30 {
      "tpu.region"() ({
        %run_scoped3A = tpu.sem_alloc : memref<!tpu.dma_semaphore, #tpu.memory_space<semaphore_mem>>
        %dma_start3A_115 = arith.constant 0 : i32
        %dma_start3A_116 = arith.constant 0 : i32
        %dma_start3A_117 = tpu.memref_slice %arg8[%dma_start3A_115, %dma_start3A_116] : memref<81x128xi32, #tpu.memory_space<vmem>> -> memref<78x128xi32, #tpu.memory_space<vmem>>
        %dma_start3A_118 = arith.constant 0 : i32
        %dma_start3A_119 = arith.constant 0 : i32
        %dma_start3A_120 = tpu.memref_slice %arg3[%arg1, %dma_start3A_118, %dma_start3A_119] : memref<16x78x128xi32, #tpu.memory_space<hbm>> -> memref<1x78x128xi32, #tpu.memory_space<hbm>>
        %dma_start3A_121 = tpu.memref_squeeze %dma_start3A_120 : memref<1x78x128xi32, #tpu.memory_space<hbm>> -> memref<78x128xi32, #tpu.memory_space<hbm>>
        %dma_start3A_122 = arith.constant 0 : i32
        %dma_start3A_123 = arith.constant 0 : i32
        %dma_start3A_124 = tpu.memref_slice %arg8[%dma_start3A_122, %dma_start3A_123] : memref<81x128xi32, #tpu.memory_space<vmem>> -> memref<78x128xi32, #tpu.memory_space<vmem>>
        %dma_start3A_125 = arith.constant 0 : i32
        %dma_start3A_126 = arith.constant 0 : i32
        %dma_start3A_127 = tpu.memref_slice %arg3[%arg1, %dma_start3A_125, %dma_start3A_126] : memref<16x78x128xi32, #tpu.memory_space<hbm>> -> memref<1x78x128xi32, #tpu.memory_space<hbm>>
        %dma_start3A_128 = tpu.memref_squeeze %dma_start3A_127 : memref<1x78x128xi32, #tpu.memory_space<hbm>> -> memref<78x128xi32, #tpu.memory_space<hbm>>
        tpu.enqueue_dma source(%dma_start3A_128 : memref<78x128xi32, #tpu.memory_space<hbm>>) target(%dma_start3A_124 : memref<78x128xi32, #tpu.memory_space<vmem>>) target_semaphore(%run_scoped3A : memref<!tpu.dma_semaphore, #tpu.memory_space<semaphore_mem>>)
        %dma_wait3A = arith.constant 0 : i32
        %dma_wait3A_129 = arith.constant 0 : i32
        %dma_wait3A_130 = tpu.memref_slice %arg8[%dma_wait3A, %dma_wait3A_129] : memref<81x128xi32, #tpu.memory_space<vmem>> -> memref<78x128xi32, #tpu.memory_space<vmem>>
        %dma_wait3A_131 = arith.constant 0 : i32
        %dma_wait3A_132 = arith.constant 0 : i32
        %dma_wait3A_133 = tpu.memref_slice %arg3[%arg1, %dma_wait3A_131, %dma_wait3A_132] : memref<16x78x128xi32, #tpu.memory_space<hbm>> -> memref<1x78x128xi32, #tpu.memory_space<hbm>>
        %dma_wait3A_134 = tpu.memref_squeeze %dma_wait3A_133 : memref<1x78x128xi32, #tpu.memory_space<hbm>> -> memref<78x128xi32, #tpu.memory_space<hbm>>
        %dma_wait3A_135 = arith.constant 0 : i32
        %dma_wait3A_136 = arith.constant 0 : i32
        %dma_wait3A_137 = tpu.memref_slice %arg8[%dma_wait3A_135, %dma_wait3A_136] : memref<81x128xi32, #tpu.memory_space<vmem>> -> memref<78x128xi32, #tpu.memory_space<vmem>>
        %dma_wait3A_138 = arith.constant 0 : i32
        %dma_wait3A_139 = arith.constant 0 : i32
        %dma_wait3A_140 = tpu.memref_slice %arg3[%arg1, %dma_wait3A_138, %dma_wait3A_139] : memref<16x78x128xi32, #tpu.memory_space<hbm>> -> memref<1x78x128xi32, #tpu.memory_space<hbm>>
        %dma_wait3A_141 = tpu.memref_squeeze %dma_wait3A_140 : memref<1x78x128xi32, #tpu.memory_space<hbm>> -> memref<78x128xi32, #tpu.memory_space<hbm>>
        tpu.wait_dma2 semaphore(%run_scoped3A : memref<!tpu.dma_semaphore, #tpu.memory_space<semaphore_mem>>) src(%dma_wait3A_141 : memref<78x128xi32, #tpu.memory_space<hbm>>) dst(%dma_wait3A_137 : memref<78x128xi32, #tpu.memory_space<vmem>>)
        tpu.yield
      }) : () -> ()
      "tpu.region"() ({
        %run_scoped3A = tpu.sem_alloc : memref<!tpu.dma_semaphore, #tpu.memory_space<semaphore_mem>>
        %dma_start3A_115 = arith.constant 0 : i32
        %dma_start3A_116 = arith.constant 0 : i32
        %dma_start3A_117 = tpu.memref_slice %arg9[%dma_start3A_115, %dma_start3A_116] : memref<81x128xi32, #tpu.memory_space<vmem>> -> memref<78x128xi32, #tpu.memory_space<vmem>>
        %dma_start3A_118 = arith.constant 0 : i32
        %dma_start3A_119 = arith.constant 0 : i32
        %dma_start3A_120 = tpu.memref_slice %arg4[%arg1, %dma_start3A_118, %dma_start3A_119] : memref<16x78x128xi32, #tpu.memory_space<hbm>> -> memref<1x78x128xi32, #tpu.memory_space<hbm>>
        %dma_start3A_121 = tpu.memref_squeeze %dma_start3A_120 : memref<1x78x128xi32, #tpu.memory_space<hbm>> -> memref<78x128xi32, #tpu.memory_space<hbm>>
        %dma_start3A_122 = arith.constant 0 : i32
        %dma_start3A_123 = arith.constant 0 : i32
        %dma_start3A_124 = tpu.memref_slice %arg9[%dma_start3A_122, %dma_start3A_123] : memref<81x128xi32, #tpu.memory_space<vmem>> -> memref<78x128xi32, #tpu.memory_space<vmem>>
        %dma_start3A_125 = arith.constant 0 : i32
        %dma_start3A_126 = arith.constant 0 : i32
        %dma_start3A_127 = tpu.memref_slice %arg4[%arg1, %dma_start3A_125, %dma_start3A_126] : memref<16x78x128xi32, #tpu.memory_space<hbm>> -> memref<1x78x128xi32, #tpu.memory_space<hbm>>
        %dma_start3A_128 = tpu.memref_squeeze %dma_start3A_127 : memref<1x78x128xi32, #tpu.memory_space<hbm>> -> memref<78x128xi32, #tpu.memory_space<hbm>>
        tpu.enqueue_dma source(%dma_start3A_128 : memref<78x128xi32, #tpu.memory_space<hbm>>) target(%dma_start3A_124 : memref<78x128xi32, #tpu.memory_space<vmem>>) target_semaphore(%run_scoped3A : memref<!tpu.dma_semaphore, #tpu.memory_space<semaphore_mem>>)
        %dma_wait3A = arith.constant 0 : i32
        %dma_wait3A_129 = arith.constant 0 : i32
        %dma_wait3A_130 = tpu.memref_slice %arg9[%dma_wait3A, %dma_wait3A_129] : memref<81x128xi32, #tpu.memory_space<vmem>> -> memref<78x128xi32, #tpu.memory_space<vmem>>
        %dma_wait3A_131 = arith.constant 0 : i32
        %dma_wait3A_132 = arith.constant 0 : i32
        %dma_wait3A_133 = tpu.memref_slice %arg4[%arg1, %dma_wait3A_131, %dma_wait3A_132] : memref<16x78x128xi32, #tpu.memory_space<hbm>> -> memref<1x78x128xi32, #tpu.memory_space<hbm>>
        %dma_wait3A_134 = tpu.memref_squeeze %dma_wait3A_133 : memref<1x78x128xi32, #tpu.memory_space<hbm>> -> memref<78x128xi32, #tpu.memory_space<hbm>>
        %dma_wait3A_135 = arith.constant 0 : i32
        %dma_wait3A_136 = arith.constant 0 : i32
        %dma_wait3A_137 = tpu.memref_slice %arg9[%dma_wait3A_135, %dma_wait3A_136] : memref<81x128xi32, #tpu.memory_space<vmem>> -> memref<78x128xi32, #tpu.memory_space<vmem>>
        %dma_wait3A_138 = arith.constant 0 : i32
        %dma_wait3A_139 = arith.constant 0 : i32
        %dma_wait3A_140 = tpu.memref_slice %arg4[%arg1, %dma_wait3A_138, %dma_wait3A_139] : memref<16x78x128xi32, #tpu.memory_space<hbm>> -> memref<1x78x128xi32, #tpu.memory_space<hbm>>
        %dma_wait3A_141 = tpu.memref_squeeze %dma_wait3A_140 : memref<1x78x128xi32, #tpu.memory_space<hbm>> -> memref<78x128xi32, #tpu.memory_space<hbm>>
        tpu.wait_dma2 semaphore(%run_scoped3A : memref<!tpu.dma_semaphore, #tpu.memory_space<semaphore_mem>>) src(%dma_wait3A_141 : memref<78x128xi32, #tpu.memory_space<hbm>>) dst(%dma_wait3A_137 : memref<78x128xi32, #tpu.memory_space<vmem>>)
        tpu.yield
      }) : () -> ()
    } else {
    }
    %eq3A_31 = arith.constant 1 : i32
    %eq3A_32 = arith.cmpi eq, %arg0, %eq3A_31 : i32
    %convert_element_type3A_33 = arith.extui %eq3A_32 : i1 to i32
    %cond3A_34 = arith.constant 0 : i32
    %cond3A_35 = arith.cmpi ne, %convert_element_type3A_33, %cond3A_34 : i32
    scf.if %cond3A_35 {
      "tpu.region"() ({
        %run_scoped3A = tpu.sem_alloc : memref<!tpu.dma_semaphore, #tpu.memory_space<semaphore_mem>>
        %dma_start3A_115 = arith.constant 0 : i32
        %dma_start3A_116 = arith.constant 0 : i32
        %dma_start3A_117 = tpu.memref_slice %arg8[%dma_start3A_115, %dma_start3A_116] : memref<81x128xi32, #tpu.memory_space<vmem>> -> memref<81x128xi32, #tpu.memory_space<vmem>>
        %dma_start3A_118 = arith.constant 0 : i32
        %dma_start3A_119 = arith.constant 0 : i32
        %dma_start3A_120 = tpu.memref_slice %arg5[%arg1, %dma_start3A_118, %dma_start3A_119] : memref<16x81x128xi32, #tpu.memory_space<hbm>> -> memref<1x81x128xi32, #tpu.memory_space<hbm>>
        %dma_start3A_121 = tpu.memref_squeeze %dma_start3A_120 : memref<1x81x128xi32, #tpu.memory_space<hbm>> -> memref<81x128xi32, #tpu.memory_space<hbm>>
        %dma_start3A_122 = arith.constant 0 : i32
        %dma_start3A_123 = arith.constant 0 : i32
        %dma_start3A_124 = tpu.memref_slice %arg8[%dma_start3A_122, %dma_start3A_123] : memref<81x128xi32, #tpu.memory_space<vmem>> -> memref<81x128xi32, #tpu.memory_space<vmem>>
        %dma_start3A_125 = arith.constant 0 : i32
        %dma_start3A_126 = arith.constant 0 : i32
        %dma_start3A_127 = tpu.memref_slice %arg5[%arg1, %dma_start3A_125, %dma_start3A_126] : memref<16x81x128xi32, #tpu.memory_space<hbm>> -> memref<1x81x128xi32, #tpu.memory_space<hbm>>
        %dma_start3A_128 = tpu.memref_squeeze %dma_start3A_127 : memref<1x81x128xi32, #tpu.memory_space<hbm>> -> memref<81x128xi32, #tpu.memory_space<hbm>>
        tpu.enqueue_dma source(%dma_start3A_128 : memref<81x128xi32, #tpu.memory_space<hbm>>) target(%dma_start3A_124 : memref<81x128xi32, #tpu.memory_space<vmem>>) target_semaphore(%run_scoped3A : memref<!tpu.dma_semaphore, #tpu.memory_space<semaphore_mem>>)
        %dma_wait3A = arith.constant 0 : i32
        %dma_wait3A_129 = arith.constant 0 : i32
        %dma_wait3A_130 = tpu.memref_slice %arg8[%dma_wait3A, %dma_wait3A_129] : memref<81x128xi32, #tpu.memory_space<vmem>> -> memref<81x128xi32, #tpu.memory_space<vmem>>
        %dma_wait3A_131 = arith.constant 0 : i32
        %dma_wait3A_132 = arith.constant 0 : i32
        %dma_wait3A_133 = tpu.memref_slice %arg5[%arg1, %dma_wait3A_131, %dma_wait3A_132] : memref<16x81x128xi32, #tpu.memory_space<hbm>> -> memref<1x81x128xi32, #tpu.memory_space<hbm>>
        %dma_wait3A_134 = tpu.memref_squeeze %dma_wait3A_133 : memref<1x81x128xi32, #tpu.memory_space<hbm>> -> memref<81x128xi32, #tpu.memory_space<hbm>>
        %dma_wait3A_135 = arith.constant 0 : i32
        %dma_wait3A_136 = arith.constant 0 : i32
        %dma_wait3A_137 = tpu.memref_slice %arg8[%dma_wait3A_135, %dma_wait3A_136] : memref<81x128xi32, #tpu.memory_space<vmem>> -> memref<81x128xi32, #tpu.memory_space<vmem>>
        %dma_wait3A_138 = arith.constant 0 : i32
        %dma_wait3A_139 = arith.constant 0 : i32
        %dma_wait3A_140 = tpu.memref_slice %arg5[%arg1, %dma_wait3A_138, %dma_wait3A_139] : memref<16x81x128xi32, #tpu.memory_space<hbm>> -> memref<1x81x128xi32, #tpu.memory_space<hbm>>
        %dma_wait3A_141 = tpu.memref_squeeze %dma_wait3A_140 : memref<1x81x128xi32, #tpu.memory_space<hbm>> -> memref<81x128xi32, #tpu.memory_space<hbm>>
        tpu.wait_dma2 semaphore(%run_scoped3A : memref<!tpu.dma_semaphore, #tpu.memory_space<semaphore_mem>>) src(%dma_wait3A_141 : memref<81x128xi32, #tpu.memory_space<hbm>>) dst(%dma_wait3A_137 : memref<81x128xi32, #tpu.memory_space<vmem>>)
        tpu.yield
      }) : () -> ()
      "tpu.region"() ({
        %run_scoped3A = tpu.sem_alloc : memref<!tpu.dma_semaphore, #tpu.memory_space<semaphore_mem>>
        %dma_start3A_115 = arith.constant 0 : i32
        %dma_start3A_116 = arith.constant 0 : i32
        %dma_start3A_117 = tpu.memref_slice %arg9[%dma_start3A_115, %dma_start3A_116] : memref<81x128xi32, #tpu.memory_space<vmem>> -> memref<81x128xi32, #tpu.memory_space<vmem>>
        %dma_start3A_118 = arith.constant 0 : i32
        %dma_start3A_119 = arith.constant 0 : i32
        %dma_start3A_120 = tpu.memref_slice %arg6[%arg1, %dma_start3A_118, %dma_start3A_119] : memref<16x81x128xi32, #tpu.memory_space<hbm>> -> memref<1x81x128xi32, #tpu.memory_space<hbm>>
        %dma_start3A_121 = tpu.memref_squeeze %dma_start3A_120 : memref<1x81x128xi32, #tpu.memory_space<hbm>> -> memref<81x128xi32, #tpu.memory_space<hbm>>
        %dma_start3A_122 = arith.constant 0 : i32
        %dma_start3A_123 = arith.constant 0 : i32
        %dma_start3A_124 = tpu.memref_slice %arg9[%dma_start3A_122, %dma_start3A_123] : memref<81x128xi32, #tpu.memory_space<vmem>> -> memref<81x128xi32, #tpu.memory_space<vmem>>
        %dma_start3A_125 = arith.constant 0 : i32
        %dma_start3A_126 = arith.constant 0 : i32
        %dma_start3A_127 = tpu.memref_slice %arg6[%arg1, %dma_start3A_125, %dma_start3A_126] : memref<16x81x128xi32, #tpu.memory_space<hbm>> -> memref<1x81x128xi32, #tpu.memory_space<hbm>>
        %dma_start3A_128 = tpu.memref_squeeze %dma_start3A_127 : memref<1x81x128xi32, #tpu.memory_space<hbm>> -> memref<81x128xi32, #tpu.memory_space<hbm>>
        tpu.enqueue_dma source(%dma_start3A_128 : memref<81x128xi32, #tpu.memory_space<hbm>>) target(%dma_start3A_124 : memref<81x128xi32, #tpu.memory_space<vmem>>) target_semaphore(%run_scoped3A : memref<!tpu.dma_semaphore, #tpu.memory_space<semaphore_mem>>)
        %dma_wait3A = arith.constant 0 : i32
        %dma_wait3A_129 = arith.constant 0 : i32
        %dma_wait3A_130 = tpu.memref_slice %arg9[%dma_wait3A, %dma_wait3A_129] : memref<81x128xi32, #tpu.memory_space<vmem>> -> memref<81x128xi32, #tpu.memory_space<vmem>>
        %dma_wait3A_131 = arith.constant 0 : i32
        %dma_wait3A_132 = arith.constant 0 : i32
        %dma_wait3A_133 = tpu.memref_slice %arg6[%arg1, %dma_wait3A_131, %dma_wait3A_132] : memref<16x81x128xi32, #tpu.memory_space<hbm>> -> memref<1x81x128xi32, #tpu.memory_space<hbm>>
        %dma_wait3A_134 = tpu.memref_squeeze %dma_wait3A_133 : memref<1x81x128xi32, #tpu.memory_space<hbm>> -> memref<81x128xi32, #tpu.memory_space<hbm>>
        %dma_wait3A_135 = arith.constant 0 : i32
        %dma_wait3A_136 = arith.constant 0 : i32
        %dma_wait3A_137 = tpu.memref_slice %arg9[%dma_wait3A_135, %dma_wait3A_136] : memref<81x128xi32, #tpu.memory_space<vmem>> -> memref<81x128xi32, #tpu.memory_space<vmem>>
        %dma_wait3A_138 = arith.constant 0 : i32
        %dma_wait3A_139 = arith.constant 0 : i32
        %dma_wait3A_140 = tpu.memref_slice %arg6[%arg1, %dma_wait3A_138, %dma_wait3A_139] : memref<16x81x128xi32, #tpu.memory_space<hbm>> -> memref<1x81x128xi32, #tpu.memory_space<hbm>>
        %dma_wait3A_141 = tpu.memref_squeeze %dma_wait3A_140 : memref<1x81x128xi32, #tpu.memory_space<hbm>> -> memref<81x128xi32, #tpu.memory_space<hbm>>
        tpu.wait_dma2 semaphore(%run_scoped3A : memref<!tpu.dma_semaphore, #tpu.memory_space<semaphore_mem>>) src(%dma_wait3A_141 : memref<81x128xi32, #tpu.memory_space<hbm>>) dst(%dma_wait3A_137 : memref<81x128xi32, #tpu.memory_space<vmem>>)
        tpu.yield
      }) : () -> ()
    } else {
    }
    %dma_start3A = arith.constant 0 : i32
    %dma_start3A_36 = arith.constant 0 : i32
    %dma_start3A_37 = arith.constant 0 : i32
    %dma_start3A_38 = tpu.memref_slice %arg8[%dma_start3A, %dma_start3A_37] : memref<81x128xi32, #tpu.memory_space<vmem>> -> memref<1x128xi32, #tpu.memory_space<vmem>>
    %dma_start3A_39 = tpu.memref_squeeze %dma_start3A_38 : memref<1x128xi32, #tpu.memory_space<vmem>> -> memref<128xi32, #tpu.memory_space<vmem>>
    %dma_start3A_40 = arith.constant 0 : i32
    %dma_start3A_41 = arith.constant 0 : i32
    %dma_start3A_42 = tpu.memref_slice %arg14[%dma_start3A_40, %dma_start3A_41] : memref<10240x64xf32, #tpu.memory_space<vmem_shared>> -> memref<10240x64xf32, #tpu.memory_space<vmem_shared>>
    %dma_start3A_43 = tpu.memref_slice %arg13[%dma_start3A_36] : memref<3x!tpu.dma_semaphore, #tpu.memory_space<semaphore_mem>> -> memref<1x!tpu.dma_semaphore, #tpu.memory_space<semaphore_mem>>
    %dma_start3A_44 = tpu.memref_squeeze %dma_start3A_43 : memref<1x!tpu.dma_semaphore, #tpu.memory_space<semaphore_mem>> -> memref<!tpu.dma_semaphore, #tpu.memory_space<semaphore_mem>>
    tpu.enqueue_indirect_dma source(%dma_start3A_42 : memref<10240x64xf32, #tpu.memory_space<vmem_shared>>) target(%arg10 : memref<128x64xf32, #tpu.memory_space<vmem>>) offsets(%dma_start3A_39 : memref<128xi32, #tpu.memory_space<vmem>>) semaphore(%dma_start3A_44 : memref<!tpu.dma_semaphore, #tpu.memory_space<semaphore_mem>>)
    %dma_start3A_45 = arith.constant 1 : i32
    %dma_start3A_46 = arith.constant 1 : i32
    %dma_start3A_47 = arith.constant 0 : i32
    %dma_start3A_48 = tpu.memref_slice %arg8[%dma_start3A_45, %dma_start3A_47] : memref<81x128xi32, #tpu.memory_space<vmem>> -> memref<1x128xi32, #tpu.memory_space<vmem>>
    %dma_start3A_49 = tpu.memref_squeeze %dma_start3A_48 : memref<1x128xi32, #tpu.memory_space<vmem>> -> memref<128xi32, #tpu.memory_space<vmem>>
    %dma_start3A_50 = arith.constant 0 : i32
    %dma_start3A_51 = arith.constant 0 : i32
    %dma_start3A_52 = tpu.memref_slice %arg14[%dma_start3A_50, %dma_start3A_51] : memref<10240x64xf32, #tpu.memory_space<vmem_shared>> -> memref<10240x64xf32, #tpu.memory_space<vmem_shared>>
    %dma_start3A_53 = tpu.memref_slice %arg13[%dma_start3A_46] : memref<3x!tpu.dma_semaphore, #tpu.memory_space<semaphore_mem>> -> memref<1x!tpu.dma_semaphore, #tpu.memory_space<semaphore_mem>>
    %dma_start3A_54 = tpu.memref_squeeze %dma_start3A_53 : memref<1x!tpu.dma_semaphore, #tpu.memory_space<semaphore_mem>> -> memref<!tpu.dma_semaphore, #tpu.memory_space<semaphore_mem>>
    tpu.enqueue_indirect_dma source(%dma_start3A_52 : memref<10240x64xf32, #tpu.memory_space<vmem_shared>>) target(%arg11 : memref<128x64xf32, #tpu.memory_space<vmem>>) offsets(%dma_start3A_49 : memref<128xi32, #tpu.memory_space<vmem>>) semaphore(%dma_start3A_54 : memref<!tpu.dma_semaphore, #tpu.memory_space<semaphore_mem>>)
    %dma_start3A_55 = arith.constant 2 : i32
    %dma_start3A_56 = arith.constant 2 : i32
    %dma_start3A_57 = arith.constant 0 : i32
    %dma_start3A_58 = tpu.memref_slice %arg8[%dma_start3A_55, %dma_start3A_57] : memref<81x128xi32, #tpu.memory_space<vmem>> -> memref<1x128xi32, #tpu.memory_space<vmem>>
    %dma_start3A_59 = tpu.memref_squeeze %dma_start3A_58 : memref<1x128xi32, #tpu.memory_space<vmem>> -> memref<128xi32, #tpu.memory_space<vmem>>
    %dma_start3A_60 = arith.constant 0 : i32
    %dma_start3A_61 = arith.constant 0 : i32
    %dma_start3A_62 = tpu.memref_slice %arg14[%dma_start3A_60, %dma_start3A_61] : memref<10240x64xf32, #tpu.memory_space<vmem_shared>> -> memref<10240x64xf32, #tpu.memory_space<vmem_shared>>
    %dma_start3A_63 = tpu.memref_slice %arg13[%dma_start3A_56] : memref<3x!tpu.dma_semaphore, #tpu.memory_space<semaphore_mem>> -> memref<1x!tpu.dma_semaphore, #tpu.memory_space<semaphore_mem>>
    %dma_start3A_64 = tpu.memref_squeeze %dma_start3A_63 : memref<1x!tpu.dma_semaphore, #tpu.memory_space<semaphore_mem>> -> memref<!tpu.dma_semaphore, #tpu.memory_space<semaphore_mem>>
    tpu.enqueue_indirect_dma source(%dma_start3A_62 : memref<10240x64xf32, #tpu.memory_space<vmem_shared>>) target(%arg12 : memref<128x64xf32, #tpu.memory_space<vmem>>) offsets(%dma_start3A_59 : memref<128xi32, #tpu.memory_space<vmem>>) semaphore(%dma_start3A_64 : memref<!tpu.dma_semaphore, #tpu.memory_space<semaphore_mem>>)
    %jit3A_65 = arith.constant 3 : i32
    %div3A = arith.divsi %select_n3A, %jit3A_65 : i32
    %sign3A = arith.constant 0 : i32
    %sign3A_66 = arith.cmpi sgt, %select_n3A, %sign3A : i32
    %sign3A_67 = arith.extui %sign3A_66 : i1 to i32
    %sign3A_68 = arith.constant 0 : i32
    %sign3A_69 = arith.cmpi slt, %select_n3A, %sign3A_68 : i32
    %sign3A_70 = arith.extui %sign3A_69 : i1 to i32
    %sign3A_71 = arith.subi %sign3A_67, %sign3A_70 : i32
    %sign3A_72 = arith.constant 0 : i32
    %sign3A_73 = arith.cmpi sgt, %jit3A_65, %sign3A_72 : i32
    %sign3A_74 = arith.extui %sign3A_73 : i1 to i32
    %sign3A_75 = arith.constant 0 : i32
    %sign3A_76 = arith.cmpi slt, %jit3A_65, %sign3A_75 : i32
    %sign3A_77 = arith.extui %sign3A_76 : i1 to i32
    %sign3A_78 = arith.subi %sign3A_74, %sign3A_77 : i32
    %ne3A = arith.cmpi ne, %sign3A_71, %sign3A_78 : i32
    %rem3A = arith.remsi %select_n3A, %jit3A_65 : i32
    %ne3A_79 = arith.constant 0 : i32
    %ne3A_80 = arith.cmpi ne, %rem3A, %ne3A_79 : i32
    %and3A = arith.andi %ne3A, %ne3A_80 : i1
    %sub3A = arith.constant 1 : i32
    %sub3A_81 = arith.subi %div3A, %sub3A : i32
    %select_n3A_82 = arith.select %and3A, %sub3A_81, %div3A : i32
    %while3A = arith.constant 0 : i32
    %while3A_83 = arith.constant 0 : i32
    %while3A_84 = arith.subi %select_n3A_82, %while3A : i32
    %while3A_85 = arith.addi %while3A, %while3A_84 : i32
    %while3A_86 = arith.constant 1 : i32
    %while3A_87 = arith.divsi %while3A_84, %while3A_86 : i32
    %while3A_88 = arith.muli %while3A_87, %while3A_86 : i32
    %while3A_89 = arith.addi %while3A, %while3A_88 : i32
    %while3A_90 = arith.constant 1 : i32
    %while3A_91 = scf.for %while3A_115 = %while3A to %while3A_89 step %while3A_90 iter_args(%while3A_116 = %while3A_83) -> (i32)  : i32 {
      %mul3A_117 = arith.constant 3 : i32
      %mul3A_118 = arith.muli %while3A_115, %mul3A_117 : i32
      %add3A_119 = arith.constant 0 : i32
      %add3A_120 = arith.addi %mul3A_118, %add3A_119 : i32
      %dma_wait3A = arith.constant 0 : i32
      %dma_wait3A_121 = arith.constant 0 : i32
      %dma_wait3A_122 = tpu.memref_slice %arg8[%add3A_120, %dma_wait3A_121] : memref<81x128xi32, #tpu.memory_space<vmem>> -> memref<1x128xi32, #tpu.memory_space<vmem>>
      %dma_wait3A_123 = tpu.memref_squeeze %dma_wait3A_122 : memref<1x128xi32, #tpu.memory_space<vmem>> -> memref<128xi32, #tpu.memory_space<vmem>>
      %dma_wait3A_124 = arith.constant 0 : i32
      %dma_wait3A_125 = arith.constant 0 : i32
      %dma_wait3A_126 = tpu.memref_slice %arg14[%dma_wait3A_124, %dma_wait3A_125] : memref<10240x64xf32, #tpu.memory_space<vmem_shared>> -> memref<10240x64xf32, #tpu.memory_space<vmem_shared>>
      %dma_wait3A_127 = tpu.memref_slice %arg13[%dma_wait3A] : memref<3x!tpu.dma_semaphore, #tpu.memory_space<semaphore_mem>> -> memref<1x!tpu.dma_semaphore, #tpu.memory_space<semaphore_mem>>
      %dma_wait3A_128 = tpu.memref_squeeze %dma_wait3A_127 : memref<1x!tpu.dma_semaphore, #tpu.memory_space<semaphore_mem>> -> memref<!tpu.dma_semaphore, #tpu.memory_space<semaphore_mem>>
      tpu.wait_indirect_dma semaphore(%dma_wait3A_128 : memref<!tpu.dma_semaphore, #tpu.memory_space<semaphore_mem>>) src(%dma_wait3A_126 : memref<10240x64xf32, #tpu.memory_space<vmem_shared>>) dst(%arg10 : memref<128x64xf32, #tpu.memory_space<vmem>>)
      "tpu.region"() ({
        %run_scoped3A = tpu.sem_alloc : memref<!tpu.dma_semaphore, #tpu.memory_space<semaphore_mem>>
        %dma_start3A_173 = arith.constant 0 : i32
        %dma_start3A_174 = tpu.memref_slice %arg9[%add3A_120, %dma_start3A_173] : memref<81x128xi32, #tpu.memory_space<vmem>> -> memref<1x128xi32, #tpu.memory_space<vmem>>
        %dma_start3A_175 = tpu.memref_squeeze %dma_start3A_174 : memref<1x128xi32, #tpu.memory_space<vmem>> -> memref<128xi32, #tpu.memory_space<vmem>>
        %dma_start3A_176 = arith.constant 0 : i32
        %dma_start3A_177 = arith.constant 0 : i32
        %dma_start3A_178 = tpu.memref_slice %arg15[%dma_start3A_176, %dma_start3A_177] : memref<10240x64xf32, #tpu.memory_space<vmem_shared>> -> memref<10240x64xf32, #tpu.memory_space<vmem_shared>>
        tpu.enqueue_indirect_dma source(%arg10 : memref<128x64xf32, #tpu.memory_space<vmem>>) target(%dma_start3A_178 : memref<10240x64xf32, #tpu.memory_space<vmem_shared>>) offsets(%dma_start3A_175 : memref<128xi32, #tpu.memory_space<vmem>>) semaphore(%run_scoped3A : memref<!tpu.dma_semaphore, #tpu.memory_space<semaphore_mem>>) {add = true}
        %dma_wait3A_179 = arith.constant 0 : i32
        %dma_wait3A_180 = tpu.memref_slice %arg9[%add3A_120, %dma_wait3A_179] : memref<81x128xi32, #tpu.memory_space<vmem>> -> memref<1x128xi32, #tpu.memory_space<vmem>>
        %dma_wait3A_181 = tpu.memref_squeeze %dma_wait3A_180 : memref<1x128xi32, #tpu.memory_space<vmem>> -> memref<128xi32, #tpu.memory_space<vmem>>
        %dma_wait3A_182 = arith.constant 0 : i32
        %dma_wait3A_183 = arith.constant 0 : i32
        %dma_wait3A_184 = tpu.memref_slice %arg15[%dma_wait3A_182, %dma_wait3A_183] : memref<10240x64xf32, #tpu.memory_space<vmem_shared>> -> memref<10240x64xf32, #tpu.memory_space<vmem_shared>>
        tpu.wait_indirect_dma semaphore(%run_scoped3A : memref<!tpu.dma_semaphore, #tpu.memory_space<semaphore_mem>>) src(%arg10 : memref<128x64xf32, #tpu.memory_space<vmem>>) dst(%dma_wait3A_184 : memref<10240x64xf32, #tpu.memory_space<vmem_shared>>)
        tpu.yield
      }) : () -> ()
      %add3A_129 = arith.constant 3 : i32
      %add3A_130 = arith.addi %add3A_120, %add3A_129 : i32
      %lt3A = arith.cmpi slt, %add3A_130, %select_n3A : i32
      %convert_element_type3A_131 = arith.extui %lt3A : i1 to i32
      %cond3A_132 = arith.constant 0 : i32
      %cond3A_133 = arith.cmpi ne, %convert_element_type3A_131, %cond3A_132 : i32
      scf.if %cond3A_133 {
        %add3A_173 = arith.constant 3 : i32
        %add3A_174 = arith.addi %add3A_120, %add3A_173 : i32
        %dma_start3A_175 = arith.constant 0 : i32
        %dma_start3A_176 = arith.constant 0 : i32
        %dma_start3A_177 = tpu.memref_slice %arg8[%add3A_174, %dma_start3A_176] : memref<81x128xi32, #tpu.memory_space<vmem>> -> memref<1x128xi32, #tpu.memory_space<vmem>>
        %dma_start3A_178 = tpu.memref_squeeze %dma_start3A_177 : memref<1x128xi32, #tpu.memory_space<vmem>> -> memref<128xi32, #tpu.memory_space<vmem>>
        %dma_start3A_179 = arith.constant 0 : i32
        %dma_start3A_180 = arith.constant 0 : i32
        %dma_start3A_181 = tpu.memref_slice %arg14[%dma_start3A_179, %dma_start3A_180] : memref<10240x64xf32, #tpu.memory_space<vmem_shared>> -> memref<10240x64xf32, #tpu.memory_space<vmem_shared>>
        %dma_start3A_182 = tpu.memref_slice %arg13[%dma_start3A_175] : memref<3x!tpu.dma_semaphore, #tpu.memory_space<semaphore_mem>> -> memref<1x!tpu.dma_semaphore, #tpu.memory_space<semaphore_mem>>
        %dma_start3A_183 = tpu.memref_squeeze %dma_start3A_182 : memref<1x!tpu.dma_semaphore, #tpu.memory_space<semaphore_mem>> -> memref<!tpu.dma_semaphore, #tpu.memory_space<semaphore_mem>>
        tpu.enqueue_indirect_dma source(%dma_start3A_181 : memref<10240x64xf32, #tpu.memory_space<vmem_shared>>) target(%arg10 : memref<128x64xf32, #tpu.memory_space<vmem>>) offsets(%dma_start3A_178 : memref<128xi32, #tpu.memory_space<vmem>>) semaphore(%dma_start3A_183 : memref<!tpu.dma_semaphore, #tpu.memory_space<semaphore_mem>>)
      } else {
      }
      %mul3A_134 = arith.constant 3 : i32
      %mul3A_135 = arith.muli %while3A_115, %mul3A_134 : i32
      %add3A_136 = arith.constant 1 : i32
      %add3A_137 = arith.addi %mul3A_135, %add3A_136 : i32
      %dma_wait3A_138 = arith.constant 1 : i32
      %dma_wait3A_139 = arith.constant 0 : i32
      %dma_wait3A_140 = tpu.memref_slice %arg8[%add3A_137, %dma_wait3A_139] : memref<81x128xi32, #tpu.memory_space<vmem>> -> memref<1x128xi32, #tpu.memory_space<vmem>>
      %dma_wait3A_141 = tpu.memref_squeeze %dma_wait3A_140 : memref<1x128xi32, #tpu.memory_space<vmem>> -> memref<128xi32, #tpu.memory_space<vmem>>
      %dma_wait3A_142 = arith.constant 0 : i32
      %dma_wait3A_143 = arith.constant 0 : i32
      %dma_wait3A_144 = tpu.memref_slice %arg14[%dma_wait3A_142, %dma_wait3A_143] : memref<10240x64xf32, #tpu.memory_space<vmem_shared>> -> memref<10240x64xf32, #tpu.memory_space<vmem_shared>>
      %dma_wait3A_145 = tpu.memref_slice %arg13[%dma_wait3A_138] : memref<3x!tpu.dma_semaphore, #tpu.memory_space<semaphore_mem>> -> memref<1x!tpu.dma_semaphore, #tpu.memory_space<semaphore_mem>>
      %dma_wait3A_146 = tpu.memref_squeeze %dma_wait3A_145 : memref<1x!tpu.dma_semaphore, #tpu.memory_space<semaphore_mem>> -> memref<!tpu.dma_semaphore, #tpu.memory_space<semaphore_mem>>
      tpu.wait_indirect_dma semaphore(%dma_wait3A_146 : memref<!tpu.dma_semaphore, #tpu.memory_space<semaphore_mem>>) src(%dma_wait3A_144 : memref<10240x64xf32, #tpu.memory_space<vmem_shared>>) dst(%arg11 : memref<128x64xf32, #tpu.memory_space<vmem>>)
      "tpu.region"() ({
        %run_scoped3A = tpu.sem_alloc : memref<!tpu.dma_semaphore, #tpu.memory_space<semaphore_mem>>
        %dma_start3A_173 = arith.constant 0 : i32
        %dma_start3A_174 = tpu.memref_slice %arg9[%add3A_137, %dma_start3A_173] : memref<81x128xi32, #tpu.memory_space<vmem>> -> memref<1x128xi32, #tpu.memory_space<vmem>>
        %dma_start3A_175 = tpu.memref_squeeze %dma_start3A_174 : memref<1x128xi32, #tpu.memory_space<vmem>> -> memref<128xi32, #tpu.memory_space<vmem>>
        %dma_start3A_176 = arith.constant 0 : i32
        %dma_start3A_177 = arith.constant 0 : i32
        %dma_start3A_178 = tpu.memref_slice %arg15[%dma_start3A_176, %dma_start3A_177] : memref<10240x64xf32, #tpu.memory_space<vmem_shared>> -> memref<10240x64xf32, #tpu.memory_space<vmem_shared>>
        tpu.enqueue_indirect_dma source(%arg11 : memref<128x64xf32, #tpu.memory_space<vmem>>) target(%dma_start3A_178 : memref<10240x64xf32, #tpu.memory_space<vmem_shared>>) offsets(%dma_start3A_175 : memref<128xi32, #tpu.memory_space<vmem>>) semaphore(%run_scoped3A : memref<!tpu.dma_semaphore, #tpu.memory_space<semaphore_mem>>) {add = true}
        %dma_wait3A_179 = arith.constant 0 : i32
        %dma_wait3A_180 = tpu.memref_slice %arg9[%add3A_137, %dma_wait3A_179] : memref<81x128xi32, #tpu.memory_space<vmem>> -> memref<1x128xi32, #tpu.memory_space<vmem>>
        %dma_wait3A_181 = tpu.memref_squeeze %dma_wait3A_180 : memref<1x128xi32, #tpu.memory_space<vmem>> -> memref<128xi32, #tpu.memory_space<vmem>>
        %dma_wait3A_182 = arith.constant 0 : i32
        %dma_wait3A_183 = arith.constant 0 : i32
        %dma_wait3A_184 = tpu.memref_slice %arg15[%dma_wait3A_182, %dma_wait3A_183] : memref<10240x64xf32, #tpu.memory_space<vmem_shared>> -> memref<10240x64xf32, #tpu.memory_space<vmem_shared>>
        tpu.wait_indirect_dma semaphore(%run_scoped3A : memref<!tpu.dma_semaphore, #tpu.memory_space<semaphore_mem>>) src(%arg11 : memref<128x64xf32, #tpu.memory_space<vmem>>) dst(%dma_wait3A_184 : memref<10240x64xf32, #tpu.memory_space<vmem_shared>>)
        tpu.yield
      }) : () -> ()
      %add3A_147 = arith.constant 3 : i32
      %add3A_148 = arith.addi %add3A_137, %add3A_147 : i32
      %lt3A_149 = arith.cmpi slt, %add3A_148, %select_n3A : i32
      %convert_element_type3A_150 = arith.extui %lt3A_149 : i1 to i32
      %cond3A_151 = arith.constant 0 : i32
      %cond3A_152 = arith.cmpi ne, %convert_element_type3A_150, %cond3A_151 : i32
      scf.if %cond3A_152 {
        %add3A_173 = arith.constant 3 : i32
        %add3A_174 = arith.addi %add3A_137, %add3A_173 : i32
        %dma_start3A_175 = arith.constant 1 : i32
        %dma_start3A_176 = arith.constant 0 : i32
        %dma_start3A_177 = tpu.memref_slice %arg8[%add3A_174, %dma_start3A_176] : memref<81x128xi32, #tpu.memory_space<vmem>> -> memref<1x128xi32, #tpu.memory_space<vmem>>
        %dma_start3A_178 = tpu.memref_squeeze %dma_start3A_177 : memref<1x128xi32, #tpu.memory_space<vmem>> -> memref<128xi32, #tpu.memory_space<vmem>>
        %dma_start3A_179 = arith.constant 0 : i32
        %dma_start3A_180 = arith.constant 0 : i32
        %dma_start3A_181 = tpu.memref_slice %arg14[%dma_start3A_179, %dma_start3A_180] : memref<10240x64xf32, #tpu.memory_space<vmem_shared>> -> memref<10240x64xf32, #tpu.memory_space<vmem_shared>>
        %dma_start3A_182 = tpu.memref_slice %arg13[%dma_start3A_175] : memref<3x!tpu.dma_semaphore, #tpu.memory_space<semaphore_mem>> -> memref<1x!tpu.dma_semaphore, #tpu.memory_space<semaphore_mem>>
        %dma_start3A_183 = tpu.memref_squeeze %dma_start3A_182 : memref<1x!tpu.dma_semaphore, #tpu.memory_space<semaphore_mem>> -> memref<!tpu.dma_semaphore, #tpu.memory_space<semaphore_mem>>
        tpu.enqueue_indirect_dma source(%dma_start3A_181 : memref<10240x64xf32, #tpu.memory_space<vmem_shared>>) target(%arg11 : memref<128x64xf32, #tpu.memory_space<vmem>>) offsets(%dma_start3A_178 : memref<128xi32, #tpu.memory_space<vmem>>) semaphore(%dma_start3A_183 : memref<!tpu.dma_semaphore, #tpu.memory_space<semaphore_mem>>)
      } else {
      }
      %mul3A_153 = arith.constant 3 : i32
      %mul3A_154 = arith.muli %while3A_115, %mul3A_153 : i32
      %add3A_155 = arith.constant 2 : i32
      %add3A_156 = arith.addi %mul3A_154, %add3A_155 : i32
      %dma_wait3A_157 = arith.constant 2 : i32
      %dma_wait3A_158 = arith.constant 0 : i32
      %dma_wait3A_159 = tpu.memref_slice %arg8[%add3A_156, %dma_wait3A_158] : memref<81x128xi32, #tpu.memory_space<vmem>> -> memref<1x128xi32, #tpu.memory_space<vmem>>
      %dma_wait3A_160 = tpu.memref_squeeze %dma_wait3A_159 : memref<1x128xi32, #tpu.memory_space<vmem>> -> memref<128xi32, #tpu.memory_space<vmem>>
      %dma_wait3A_161 = arith.constant 0 : i32
      %dma_wait3A_162 = arith.constant 0 : i32
      %dma_wait3A_163 = tpu.memref_slice %arg14[%dma_wait3A_161, %dma_wait3A_162] : memref<10240x64xf32, #tpu.memory_space<vmem_shared>> -> memref<10240x64xf32, #tpu.memory_space<vmem_shared>>
      %dma_wait3A_164 = tpu.memref_slice %arg13[%dma_wait3A_157] : memref<3x!tpu.dma_semaphore, #tpu.memory_space<semaphore_mem>> -> memref<1x!tpu.dma_semaphore, #tpu.memory_space<semaphore_mem>>
      %dma_wait3A_165 = tpu.memref_squeeze %dma_wait3A_164 : memref<1x!tpu.dma_semaphore, #tpu.memory_space<semaphore_mem>> -> memref<!tpu.dma_semaphore, #tpu.memory_space<semaphore_mem>>
      tpu.wait_indirect_dma semaphore(%dma_wait3A_165 : memref<!tpu.dma_semaphore, #tpu.memory_space<semaphore_mem>>) src(%dma_wait3A_163 : memref<10240x64xf32, #tpu.memory_space<vmem_shared>>) dst(%arg12 : memref<128x64xf32, #tpu.memory_space<vmem>>)
      "tpu.region"() ({
        %run_scoped3A = tpu.sem_alloc : memref<!tpu.dma_semaphore, #tpu.memory_space<semaphore_mem>>
        %dma_start3A_173 = arith.constant 0 : i32
        %dma_start3A_174 = tpu.memref_slice %arg9[%add3A_156, %dma_start3A_173] : memref<81x128xi32, #tpu.memory_space<vmem>> -> memref<1x128xi32, #tpu.memory_space<vmem>>
        %dma_start3A_175 = tpu.memref_squeeze %dma_start3A_174 : memref<1x128xi32, #tpu.memory_space<vmem>> -> memref<128xi32, #tpu.memory_space<vmem>>
        %dma_start3A_176 = arith.constant 0 : i32
        %dma_start3A_177 = arith.constant 0 : i32
        %dma_start3A_178 = tpu.memref_slice %arg15[%dma_start3A_176, %dma_start3A_177] : memref<10240x64xf32, #tpu.memory_space<vmem_shared>> -> memref<10240x64xf32, #tpu.memory_space<vmem_shared>>
        tpu.enqueue_indirect_dma source(%arg12 : memref<128x64xf32, #tpu.memory_space<vmem>>) target(%dma_start3A_178 : memref<10240x64xf32, #tpu.memory_space<vmem_shared>>) offsets(%dma_start3A_175 : memref<128xi32, #tpu.memory_space<vmem>>) semaphore(%run_scoped3A : memref<!tpu.dma_semaphore, #tpu.memory_space<semaphore_mem>>) {add = true}
        %dma_wait3A_179 = arith.constant 0 : i32
        %dma_wait3A_180 = tpu.memref_slice %arg9[%add3A_156, %dma_wait3A_179] : memref<81x128xi32, #tpu.memory_space<vmem>> -> memref<1x128xi32, #tpu.memory_space<vmem>>
        %dma_wait3A_181 = tpu.memref_squeeze %dma_wait3A_180 : memref<1x128xi32, #tpu.memory_space<vmem>> -> memref<128xi32, #tpu.memory_space<vmem>>
        %dma_wait3A_182 = arith.constant 0 : i32
        %dma_wait3A_183 = arith.constant 0 : i32
        %dma_wait3A_184 = tpu.memref_slice %arg15[%dma_wait3A_182, %dma_wait3A_183] : memref<10240x64xf32, #tpu.memory_space<vmem_shared>> -> memref<10240x64xf32, #tpu.memory_space<vmem_shared>>
        tpu.wait_indirect_dma semaphore(%run_scoped3A : memref<!tpu.dma_semaphore, #tpu.memory_space<semaphore_mem>>) src(%arg12 : memref<128x64xf32, #tpu.memory_space<vmem>>) dst(%dma_wait3A_184 : memref<10240x64xf32, #tpu.memory_space<vmem_shared>>)
        tpu.yield
      }) : () -> ()
      %add3A_166 = arith.constant 3 : i32
      %add3A_167 = arith.addi %add3A_156, %add3A_166 : i32
      %lt3A_168 = arith.cmpi slt, %add3A_167, %select_n3A : i32
      %convert_element_type3A_169 = arith.extui %lt3A_168 : i1 to i32
      %cond3A_170 = arith.constant 0 : i32
      %cond3A_171 = arith.cmpi ne, %convert_element_type3A_169, %cond3A_170 : i32
      scf.if %cond3A_171 {
        %add3A_173 = arith.constant 3 : i32
        %add3A_174 = arith.addi %add3A_156, %add3A_173 : i32
        %dma_start3A_175 = arith.constant 2 : i32
        %dma_start3A_176 = arith.constant 0 : i32
        %dma_start3A_177 = tpu.memref_slice %arg8[%add3A_174, %dma_start3A_176] : memref<81x128xi32, #tpu.memory_space<vmem>> -> memref<1x128xi32, #tpu.memory_space<vmem>>
        %dma_start3A_178 = tpu.memref_squeeze %dma_start3A_177 : memref<1x128xi32, #tpu.memory_space<vmem>> -> memref<128xi32, #tpu.memory_space<vmem>>
        %dma_start3A_179 = arith.constant 0 : i32
        %dma_start3A_180 = arith.constant 0 : i32
        %dma_start3A_181 = tpu.memref_slice %arg14[%dma_start3A_179, %dma_start3A_180] : memref<10240x64xf32, #tpu.memory_space<vmem_shared>> -> memref<10240x64xf32, #tpu.memory_space<vmem_shared>>
        %dma_start3A_182 = tpu.memref_slice %arg13[%dma_start3A_175] : memref<3x!tpu.dma_semaphore, #tpu.memory_space<semaphore_mem>> -> memref<1x!tpu.dma_semaphore, #tpu.memory_space<semaphore_mem>>
        %dma_start3A_183 = tpu.memref_squeeze %dma_start3A_182 : memref<1x!tpu.dma_semaphore, #tpu.memory_space<semaphore_mem>> -> memref<!tpu.dma_semaphore, #tpu.memory_space<semaphore_mem>>
        tpu.enqueue_indirect_dma source(%dma_start3A_181 : memref<10240x64xf32, #tpu.memory_space<vmem_shared>>) target(%arg12 : memref<128x64xf32, #tpu.memory_space<vmem>>) offsets(%dma_start3A_178 : memref<128xi32, #tpu.memory_space<vmem>>) semaphore(%dma_start3A_183 : memref<!tpu.dma_semaphore, #tpu.memory_space<semaphore_mem>>)
      } else {
      }
      %while3A_172 = arith.constant 0 : i32
      scf.yield %while3A_172 : i32
    }
    %while3A_92 = arith.constant 1 : i32
    %while3A_93 = scf.for %while3A_115 = %while3A_89 to %while3A_85 step %while3A_92 iter_args(%while3A_116 = %while3A_91) -> (i32)  : i32 {
      %mul3A_117 = arith.constant 3 : i32
      %mul3A_118 = arith.muli %while3A_115, %mul3A_117 : i32
      %add3A_119 = arith.constant 0 : i32
      %add3A_120 = arith.addi %mul3A_118, %add3A_119 : i32
      %dma_wait3A = arith.constant 0 : i32
      %dma_wait3A_121 = arith.constant 0 : i32
      %dma_wait3A_122 = tpu.memref_slice %arg8[%add3A_120, %dma_wait3A_121] : memref<81x128xi32, #tpu.memory_space<vmem>> -> memref<1x128xi32, #tpu.memory_space<vmem>>
      %dma_wait3A_123 = tpu.memref_squeeze %dma_wait3A_122 : memref<1x128xi32, #tpu.memory_space<vmem>> -> memref<128xi32, #tpu.memory_space<vmem>>
      %dma_wait3A_124 = arith.constant 0 : i32
      %dma_wait3A_125 = arith.constant 0 : i32
      %dma_wait3A_126 = tpu.memref_slice %arg14[%dma_wait3A_124, %dma_wait3A_125] : memref<10240x64xf32, #tpu.memory_space<vmem_shared>> -> memref<10240x64xf32, #tpu.memory_space<vmem_shared>>
      %dma_wait3A_127 = tpu.memref_slice %arg13[%dma_wait3A] : memref<3x!tpu.dma_semaphore, #tpu.memory_space<semaphore_mem>> -> memref<1x!tpu.dma_semaphore, #tpu.memory_space<semaphore_mem>>
      %dma_wait3A_128 = tpu.memref_squeeze %dma_wait3A_127 : memref<1x!tpu.dma_semaphore, #tpu.memory_space<semaphore_mem>> -> memref<!tpu.dma_semaphore, #tpu.memory_space<semaphore_mem>>
      tpu.wait_indirect_dma semaphore(%dma_wait3A_128 : memref<!tpu.dma_semaphore, #tpu.memory_space<semaphore_mem>>) src(%dma_wait3A_126 : memref<10240x64xf32, #tpu.memory_space<vmem_shared>>) dst(%arg10 : memref<128x64xf32, #tpu.memory_space<vmem>>)
      "tpu.region"() ({
        %run_scoped3A = tpu.sem_alloc : memref<!tpu.dma_semaphore, #tpu.memory_space<semaphore_mem>>
        %dma_start3A_173 = arith.constant 0 : i32
        %dma_start3A_174 = tpu.memref_slice %arg9[%add3A_120, %dma_start3A_173] : memref<81x128xi32, #tpu.memory_space<vmem>> -> memref<1x128xi32, #tpu.memory_space<vmem>>
        %dma_start3A_175 = tpu.memref_squeeze %dma_start3A_174 : memref<1x128xi32, #tpu.memory_space<vmem>> -> memref<128xi32, #tpu.memory_space<vmem>>
        %dma_start3A_176 = arith.constant 0 : i32
        %dma_start3A_177 = arith.constant 0 : i32
        %dma_start3A_178 = tpu.memref_slice %arg15[%dma_start3A_176, %dma_start3A_177] : memref<10240x64xf32, #tpu.memory_space<vmem_shared>> -> memref<10240x64xf32, #tpu.memory_space<vmem_shared>>
        tpu.enqueue_indirect_dma source(%arg10 : memref<128x64xf32, #tpu.memory_space<vmem>>) target(%dma_start3A_178 : memref<10240x64xf32, #tpu.memory_space<vmem_shared>>) offsets(%dma_start3A_175 : memref<128xi32, #tpu.memory_space<vmem>>) semaphore(%run_scoped3A : memref<!tpu.dma_semaphore, #tpu.memory_space<semaphore_mem>>) {add = true}
        %dma_wait3A_179 = arith.constant 0 : i32
        %dma_wait3A_180 = tpu.memref_slice %arg9[%add3A_120, %dma_wait3A_179] : memref<81x128xi32, #tpu.memory_space<vmem>> -> memref<1x128xi32, #tpu.memory_space<vmem>>
        %dma_wait3A_181 = tpu.memref_squeeze %dma_wait3A_180 : memref<1x128xi32, #tpu.memory_space<vmem>> -> memref<128xi32, #tpu.memory_space<vmem>>
        %dma_wait3A_182 = arith.constant 0 : i32
        %dma_wait3A_183 = arith.constant 0 : i32
        %dma_wait3A_184 = tpu.memref_slice %arg15[%dma_wait3A_182, %dma_wait3A_183] : memref<10240x64xf32, #tpu.memory_space<vmem_shared>> -> memref<10240x64xf32, #tpu.memory_space<vmem_shared>>
        tpu.wait_indirect_dma semaphore(%run_scoped3A : memref<!tpu.dma_semaphore, #tpu.memory_space<semaphore_mem>>) src(%arg10 : memref<128x64xf32, #tpu.memory_space<vmem>>) dst(%dma_wait3A_184 : memref<10240x64xf32, #tpu.memory_space<vmem_shared>>)
        tpu.yield
      }) : () -> ()
      %add3A_129 = arith.constant 3 : i32
      %add3A_130 = arith.addi %add3A_120, %add3A_129 : i32
      %lt3A = arith.cmpi slt, %add3A_130, %select_n3A : i32
      %convert_element_type3A_131 = arith.extui %lt3A : i1 to i32
      %cond3A_132 = arith.constant 0 : i32
      %cond3A_133 = arith.cmpi ne, %convert_element_type3A_131, %cond3A_132 : i32
      scf.if %cond3A_133 {
        %add3A_173 = arith.constant 3 : i32
        %add3A_174 = arith.addi %add3A_120, %add3A_173 : i32
        %dma_start3A_175 = arith.constant 0 : i32
        %dma_start3A_176 = arith.constant 0 : i32
        %dma_start3A_177 = tpu.memref_slice %arg8[%add3A_174, %dma_start3A_176] : memref<81x128xi32, #tpu.memory_space<vmem>> -> memref<1x128xi32, #tpu.memory_space<vmem>>
        %dma_start3A_178 = tpu.memref_squeeze %dma_start3A_177 : memref<1x128xi32, #tpu.memory_space<vmem>> -> memref<128xi32, #tpu.memory_space<vmem>>
        %dma_start3A_179 = arith.constant 0 : i32
        %dma_start3A_180 = arith.constant 0 : i32
        %dma_start3A_181 = tpu.memref_slice %arg14[%dma_start3A_179, %dma_start3A_180] : memref<10240x64xf32, #tpu.memory_space<vmem_shared>> -> memref<10240x64xf32, #tpu.memory_space<vmem_shared>>
        %dma_start3A_182 = tpu.memref_slice %arg13[%dma_start3A_175] : memref<3x!tpu.dma_semaphore, #tpu.memory_space<semaphore_mem>> -> memref<1x!tpu.dma_semaphore, #tpu.memory_space<semaphore_mem>>
        %dma_start3A_183 = tpu.memref_squeeze %dma_start3A_182 : memref<1x!tpu.dma_semaphore, #tpu.memory_space<semaphore_mem>> -> memref<!tpu.dma_semaphore, #tpu.memory_space<semaphore_mem>>
        tpu.enqueue_indirect_dma source(%dma_start3A_181 : memref<10240x64xf32, #tpu.memory_space<vmem_shared>>) target(%arg10 : memref<128x64xf32, #tpu.memory_space<vmem>>) offsets(%dma_start3A_178 : memref<128xi32, #tpu.memory_space<vmem>>) semaphore(%dma_start3A_183 : memref<!tpu.dma_semaphore, #tpu.memory_space<semaphore_mem>>)
      } else {
      }
      %mul3A_134 = arith.constant 3 : i32
      %mul3A_135 = arith.muli %while3A_115, %mul3A_134 : i32
      %add3A_136 = arith.constant 1 : i32
      %add3A_137 = arith.addi %mul3A_135, %add3A_136 : i32
      %dma_wait3A_138 = arith.constant 1 : i32
      %dma_wait3A_139 = arith.constant 0 : i32
      %dma_wait3A_140 = tpu.memref_slice %arg8[%add3A_137, %dma_wait3A_139] : memref<81x128xi32, #tpu.memory_space<vmem>> -> memref<1x128xi32, #tpu.memory_space<vmem>>
      %dma_wait3A_141 = tpu.memref_squeeze %dma_wait3A_140 : memref<1x128xi32, #tpu.memory_space<vmem>> -> memref<128xi32, #tpu.memory_space<vmem>>
      %dma_wait3A_142 = arith.constant 0 : i32
      %dma_wait3A_143 = arith.constant 0 : i32
      %dma_wait3A_144 = tpu.memref_slice %arg14[%dma_wait3A_142, %dma_wait3A_143] : memref<10240x64xf32, #tpu.memory_space<vmem_shared>> -> memref<10240x64xf32, #tpu.memory_space<vmem_shared>>
      %dma_wait3A_145 = tpu.memref_slice %arg13[%dma_wait3A_138] : memref<3x!tpu.dma_semaphore, #tpu.memory_space<semaphore_mem>> -> memref<1x!tpu.dma_semaphore, #tpu.memory_space<semaphore_mem>>
      %dma_wait3A_146 = tpu.memref_squeeze %dma_wait3A_145 : memref<1x!tpu.dma_semaphore, #tpu.memory_space<semaphore_mem>> -> memref<!tpu.dma_semaphore, #tpu.memory_space<semaphore_mem>>
      tpu.wait_indirect_dma semaphore(%dma_wait3A_146 : memref<!tpu.dma_semaphore, #tpu.memory_space<semaphore_mem>>) src(%dma_wait3A_144 : memref<10240x64xf32, #tpu.memory_space<vmem_shared>>) dst(%arg11 : memref<128x64xf32, #tpu.memory_space<vmem>>)
      "tpu.region"() ({
        %run_scoped3A = tpu.sem_alloc : memref<!tpu.dma_semaphore, #tpu.memory_space<semaphore_mem>>
        %dma_start3A_173 = arith.constant 0 : i32
        %dma_start3A_174 = tpu.memref_slice %arg9[%add3A_137, %dma_start3A_173] : memref<81x128xi32, #tpu.memory_space<vmem>> -> memref<1x128xi32, #tpu.memory_space<vmem>>
        %dma_start3A_175 = tpu.memref_squeeze %dma_start3A_174 : memref<1x128xi32, #tpu.memory_space<vmem>> -> memref<128xi32, #tpu.memory_space<vmem>>
        %dma_start3A_176 = arith.constant 0 : i32
        %dma_start3A_177 = arith.constant 0 : i32
        %dma_start3A_178 = tpu.memref_slice %arg15[%dma_start3A_176, %dma_start3A_177] : memref<10240x64xf32, #tpu.memory_space<vmem_shared>> -> memref<10240x64xf32, #tpu.memory_space<vmem_shared>>
        tpu.enqueue_indirect_dma source(%arg11 : memref<128x64xf32, #tpu.memory_space<vmem>>) target(%dma_start3A_178 : memref<10240x64xf32, #tpu.memory_space<vmem_shared>>) offsets(%dma_start3A_175 : memref<128xi32, #tpu.memory_space<vmem>>) semaphore(%run_scoped3A : memref<!tpu.dma_semaphore, #tpu.memory_space<semaphore_mem>>) {add = true}
        %dma_wait3A_179 = arith.constant 0 : i32
        %dma_wait3A_180 = tpu.memref_slice %arg9[%add3A_137, %dma_wait3A_179] : memref<81x128xi32, #tpu.memory_space<vmem>> -> memref<1x128xi32, #tpu.memory_space<vmem>>
        %dma_wait3A_181 = tpu.memref_squeeze %dma_wait3A_180 : memref<1x128xi32, #tpu.memory_space<vmem>> -> memref<128xi32, #tpu.memory_space<vmem>>
        %dma_wait3A_182 = arith.constant 0 : i32
        %dma_wait3A_183 = arith.constant 0 : i32
        %dma_wait3A_184 = tpu.memref_slice %arg15[%dma_wait3A_182, %dma_wait3A_183] : memref<10240x64xf32, #tpu.memory_space<vmem_shared>> -> memref<10240x64xf32, #tpu.memory_space<vmem_shared>>
        tpu.wait_indirect_dma semaphore(%run_scoped3A : memref<!tpu.dma_semaphore, #tpu.memory_space<semaphore_mem>>) src(%arg11 : memref<128x64xf32, #tpu.memory_space<vmem>>) dst(%dma_wait3A_184 : memref<10240x64xf32, #tpu.memory_space<vmem_shared>>)
        tpu.yield
      }) : () -> ()
      %add3A_147 = arith.constant 3 : i32
      %add3A_148 = arith.addi %add3A_137, %add3A_147 : i32
      %lt3A_149 = arith.cmpi slt, %add3A_148, %select_n3A : i32
      %convert_element_type3A_150 = arith.extui %lt3A_149 : i1 to i32
      %cond3A_151 = arith.constant 0 : i32
      %cond3A_152 = arith.cmpi ne, %convert_element_type3A_150, %cond3A_151 : i32
      scf.if %cond3A_152 {
        %add3A_173 = arith.constant 3 : i32
        %add3A_174 = arith.addi %add3A_137, %add3A_173 : i32
        %dma_start3A_175 = arith.constant 1 : i32
        %dma_start3A_176 = arith.constant 0 : i32
        %dma_start3A_177 = tpu.memref_slice %arg8[%add3A_174, %dma_start3A_176] : memref<81x128xi32, #tpu.memory_space<vmem>> -> memref<1x128xi32, #tpu.memory_space<vmem>>
        %dma_start3A_178 = tpu.memref_squeeze %dma_start3A_177 : memref<1x128xi32, #tpu.memory_space<vmem>> -> memref<128xi32, #tpu.memory_space<vmem>>
        %dma_start3A_179 = arith.constant 0 : i32
        %dma_start3A_180 = arith.constant 0 : i32
        %dma_start3A_181 = tpu.memref_slice %arg14[%dma_start3A_179, %dma_start3A_180] : memref<10240x64xf32, #tpu.memory_space<vmem_shared>> -> memref<10240x64xf32, #tpu.memory_space<vmem_shared>>
        %dma_start3A_182 = tpu.memref_slice %arg13[%dma_start3A_175] : memref<3x!tpu.dma_semaphore, #tpu.memory_space<semaphore_mem>> -> memref<1x!tpu.dma_semaphore, #tpu.memory_space<semaphore_mem>>
        %dma_start3A_183 = tpu.memref_squeeze %dma_start3A_182 : memref<1x!tpu.dma_semaphore, #tpu.memory_space<semaphore_mem>> -> memref<!tpu.dma_semaphore, #tpu.memory_space<semaphore_mem>>
        tpu.enqueue_indirect_dma source(%dma_start3A_181 : memref<10240x64xf32, #tpu.memory_space<vmem_shared>>) target(%arg11 : memref<128x64xf32, #tpu.memory_space<vmem>>) offsets(%dma_start3A_178 : memref<128xi32, #tpu.memory_space<vmem>>) semaphore(%dma_start3A_183 : memref<!tpu.dma_semaphore, #tpu.memory_space<semaphore_mem>>)
      } else {
      }
      %mul3A_153 = arith.constant 3 : i32
      %mul3A_154 = arith.muli %while3A_115, %mul3A_153 : i32
      %add3A_155 = arith.constant 2 : i32
      %add3A_156 = arith.addi %mul3A_154, %add3A_155 : i32
      %dma_wait3A_157 = arith.constant 2 : i32
      %dma_wait3A_158 = arith.constant 0 : i32
      %dma_wait3A_159 = tpu.memref_slice %arg8[%add3A_156, %dma_wait3A_158] : memref<81x128xi32, #tpu.memory_space<vmem>> -> memref<1x128xi32, #tpu.memory_space<vmem>>
      %dma_wait3A_160 = tpu.memref_squeeze %dma_wait3A_159 : memref<1x128xi32, #tpu.memory_space<vmem>> -> memref<128xi32, #tpu.memory_space<vmem>>
      %dma_wait3A_161 = arith.constant 0 : i32
      %dma_wait3A_162 = arith.constant 0 : i32
      %dma_wait3A_163 = tpu.memref_slice %arg14[%dma_wait3A_161, %dma_wait3A_162] : memref<10240x64xf32, #tpu.memory_space<vmem_shared>> -> memref<10240x64xf32, #tpu.memory_space<vmem_shared>>
      %dma_wait3A_164 = tpu.memref_slice %arg13[%dma_wait3A_157] : memref<3x!tpu.dma_semaphore, #tpu.memory_space<semaphore_mem>> -> memref<1x!tpu.dma_semaphore, #tpu.memory_space<semaphore_mem>>
      %dma_wait3A_165 = tpu.memref_squeeze %dma_wait3A_164 : memref<1x!tpu.dma_semaphore, #tpu.memory_space<semaphore_mem>> -> memref<!tpu.dma_semaphore, #tpu.memory_space<semaphore_mem>>
      tpu.wait_indirect_dma semaphore(%dma_wait3A_165 : memref<!tpu.dma_semaphore, #tpu.memory_space<semaphore_mem>>) src(%dma_wait3A_163 : memref<10240x64xf32, #tpu.memory_space<vmem_shared>>) dst(%arg12 : memref<128x64xf32, #tpu.memory_space<vmem>>)
      "tpu.region"() ({
        %run_scoped3A = tpu.sem_alloc : memref<!tpu.dma_semaphore, #tpu.memory_space<semaphore_mem>>
        %dma_start3A_173 = arith.constant 0 : i32
        %dma_start3A_174 = tpu.memref_slice %arg9[%add3A_156, %dma_start3A_173] : memref<81x128xi32, #tpu.memory_space<vmem>> -> memref<1x128xi32, #tpu.memory_space<vmem>>
        %dma_start3A_175 = tpu.memref_squeeze %dma_start3A_174 : memref<1x128xi32, #tpu.memory_space<vmem>> -> memref<128xi32, #tpu.memory_space<vmem>>
        %dma_start3A_176 = arith.constant 0 : i32
        %dma_start3A_177 = arith.constant 0 : i32
        %dma_start3A_178 = tpu.memref_slice %arg15[%dma_start3A_176, %dma_start3A_177] : memref<10240x64xf32, #tpu.memory_space<vmem_shared>> -> memref<10240x64xf32, #tpu.memory_space<vmem_shared>>
        tpu.enqueue_indirect_dma source(%arg12 : memref<128x64xf32, #tpu.memory_space<vmem>>) target(%dma_start3A_178 : memref<10240x64xf32, #tpu.memory_space<vmem_shared>>) offsets(%dma_start3A_175 : memref<128xi32, #tpu.memory_space<vmem>>) semaphore(%run_scoped3A : memref<!tpu.dma_semaphore, #tpu.memory_space<semaphore_mem>>) {add = true}
        %dma_wait3A_179 = arith.constant 0 : i32
        %dma_wait3A_180 = tpu.memref_slice %arg9[%add3A_156, %dma_wait3A_179] : memref<81x128xi32, #tpu.memory_space<vmem>> -> memref<1x128xi32, #tpu.memory_space<vmem>>
        %dma_wait3A_181 = tpu.memref_squeeze %dma_wait3A_180 : memref<1x128xi32, #tpu.memory_space<vmem>> -> memref<128xi32, #tpu.memory_space<vmem>>
        %dma_wait3A_182 = arith.constant 0 : i32
        %dma_wait3A_183 = arith.constant 0 : i32
        %dma_wait3A_184 = tpu.memref_slice %arg15[%dma_wait3A_182, %dma_wait3A_183] : memref<10240x64xf32, #tpu.memory_space<vmem_shared>> -> memref<10240x64xf32, #tpu.memory_space<vmem_shared>>
        tpu.wait_indirect_dma semaphore(%run_scoped3A : memref<!tpu.dma_semaphore, #tpu.memory_space<semaphore_mem>>) src(%arg12 : memref<128x64xf32, #tpu.memory_space<vmem>>) dst(%dma_wait3A_184 : memref<10240x64xf32, #tpu.memory_space<vmem_shared>>)
        tpu.yield
      }) : () -> ()
      %add3A_166 = arith.constant 3 : i32
      %add3A_167 = arith.addi %add3A_156, %add3A_166 : i32
      %lt3A_168 = arith.cmpi slt, %add3A_167, %select_n3A : i32
      %convert_element_type3A_169 = arith.extui %lt3A_168 : i1 to i32
      %cond3A_170 = arith.constant 0 : i32
      %cond3A_171 = arith.cmpi ne, %convert_element_type3A_169, %cond3A_170 : i32
      scf.if %cond3A_171 {
        %add3A_173 = arith.constant 3 : i32
        %add3A_174 = arith.addi %add3A_156, %add3A_173 : i32
        %dma_start3A_175 = arith.constant 2 : i32
        %dma_start3A_176 = arith.constant 0 : i32
        %dma_start3A_177 = tpu.memref_slice %arg8[%add3A_174, %dma_start3A_176] : memref<81x128xi32, #tpu.memory_space<vmem>> -> memref<1x128xi32, #tpu.memory_space<vmem>>
        %dma_start3A_178 = tpu.memref_squeeze %dma_start3A_177 : memref<1x128xi32, #tpu.memory_space<vmem>> -> memref<128xi32, #tpu.memory_space<vmem>>
        %dma_start3A_179 = arith.constant 0 : i32
        %dma_start3A_180 = arith.constant 0 : i32
        %dma_start3A_181 = tpu.memref_slice %arg14[%dma_start3A_179, %dma_start3A_180] : memref<10240x64xf32, #tpu.memory_space<vmem_shared>> -> memref<10240x64xf32, #tpu.memory_space<vmem_shared>>
        %dma_start3A_182 = tpu.memref_slice %arg13[%dma_start3A_175] : memref<3x!tpu.dma_semaphore, #tpu.memory_space<semaphore_mem>> -> memref<1x!tpu.dma_semaphore, #tpu.memory_space<semaphore_mem>>
        %dma_start3A_183 = tpu.memref_squeeze %dma_start3A_182 : memref<1x!tpu.dma_semaphore, #tpu.memory_space<semaphore_mem>> -> memref<!tpu.dma_semaphore, #tpu.memory_space<semaphore_mem>>
        tpu.enqueue_indirect_dma source(%dma_start3A_181 : memref<10240x64xf32, #tpu.memory_space<vmem_shared>>) target(%arg12 : memref<128x64xf32, #tpu.memory_space<vmem>>) offsets(%dma_start3A_178 : memref<128xi32, #tpu.memory_space<vmem>>) semaphore(%dma_start3A_183 : memref<!tpu.dma_semaphore, #tpu.memory_space<semaphore_mem>>)
      } else {
      }
      %while3A_172 = arith.constant 0 : i32
      scf.yield %while3A_172 : i32
    }
    %barrier3A_94 = arith.constant 0 : index
    tpu.barrier barrier_id(%barrier3A_94)
    %mul3A_95 = arith.constant 640 : i32
    %mul3A_96 = arith.muli %arg1, %mul3A_95 : i32
    %add3A_97 = arith.constant 0 : i32
    %add3A_98 = arith.addi %mul3A_96, %add3A_97 : i32
    "tpu.region"() ({
      %run_scoped3A = tpu.sem_alloc : memref<!tpu.dma_semaphore, #tpu.memory_space<semaphore_mem>>
      %dma_start3A_115 = arith.constant 0 : i32
      %dma_start3A_116 = tpu.memref_slice %arg15[%add3A_98, %dma_start3A_115] : memref<10240x64xf32, #tpu.memory_space<vmem_shared>> -> memref<128x64xf32, #tpu.memory_space<vmem_shared>>
      %dma_start3A_117 = arith.constant 0 : i32
      %dma_start3A_118 = tpu.memref_slice %arg15[%add3A_98, %dma_start3A_117] : memref<10240x64xf32, #tpu.memory_space<vmem_shared>> -> memref<128x64xf32, #tpu.memory_space<vmem_shared>>
      tpu.enqueue_dma source(%dma_start3A_118 : memref<128x64xf32, #tpu.memory_space<vmem_shared>>) target(%arg10 : memref<128x64xf32, #tpu.memory_space<vmem>>) target_semaphore(%run_scoped3A : memref<!tpu.dma_semaphore, #tpu.memory_space<semaphore_mem>>)
      %dma_wait3A = arith.constant 0 : i32
      %dma_wait3A_119 = tpu.memref_slice %arg15[%add3A_98, %dma_wait3A] : memref<10240x64xf32, #tpu.memory_space<vmem_shared>> -> memref<128x64xf32, #tpu.memory_space<vmem_shared>>
      %dma_wait3A_120 = arith.constant 0 : i32
      %dma_wait3A_121 = tpu.memref_slice %arg15[%add3A_98, %dma_wait3A_120] : memref<10240x64xf32, #tpu.memory_space<vmem_shared>> -> memref<128x64xf32, #tpu.memory_space<vmem_shared>>
      tpu.wait_dma2 semaphore(%run_scoped3A : memref<!tpu.dma_semaphore, #tpu.memory_space<semaphore_mem>>) src(%dma_wait3A_121 : memref<128x64xf32, #tpu.memory_space<vmem_shared>>) dst(%arg10 : memref<128x64xf32, #tpu.memory_space<vmem>>)
      tpu.yield
    }) : () -> ()
    "tpu.region"() ({
      %run_scoped3A = tpu.sem_alloc : memref<!tpu.dma_semaphore, #tpu.memory_space<semaphore_mem>>
      %dma_start3A_115 = arith.constant 0 : i32
      %dma_start3A_116 = tpu.memref_slice %arg7[%arg0, %add3A_98, %dma_start3A_115] : memref<2x10240x64xf32, #tpu.memory_space<hbm>> -> memref<1x128x64xf32, #tpu.memory_space<hbm>>
      %dma_start3A_117 = tpu.memref_squeeze %dma_start3A_116 : memref<1x128x64xf32, #tpu.memory_space<hbm>> -> memref<128x64xf32, #tpu.memory_space<hbm>>
      %dma_start3A_118 = arith.constant 0 : i32
      %dma_start3A_119 = tpu.memref_slice %arg7[%arg0, %add3A_98, %dma_start3A_118] : memref<2x10240x64xf32, #tpu.memory_space<hbm>> -> memref<1x128x64xf32, #tpu.memory_space<hbm>>
      %dma_start3A_120 = tpu.memref_squeeze %dma_start3A_119 : memref<1x128x64xf32, #tpu.memory_space<hbm>> -> memref<128x64xf32, #tpu.memory_space<hbm>>
      tpu.enqueue_dma source(%arg10 : memref<128x64xf32, #tpu.memory_space<vmem>>) target(%dma_start3A_120 : memref<128x64xf32, #tpu.memory_space<hbm>>) target_semaphore(%run_scoped3A : memref<!tpu.dma_semaphore, #tpu.memory_space<semaphore_mem>>)
      %dma_wait3A = arith.constant 0 : i32
      %dma_wait3A_121 = tpu.memref_slice %arg7[%arg0, %add3A_98, %dma_wait3A] : memref<2x10240x64xf32, #tpu.memory_space<hbm>> -> memref<1x128x64xf32, #tpu.memory_space<hbm>>
      %dma_wait3A_122 = tpu.memref_squeeze %dma_wait3A_121 : memref<1x128x64xf32, #tpu.memory_space<hbm>> -> memref<128x64xf32, #tpu.memory_space<hbm>>
      %dma_wait3A_123 = arith.constant 0 : i32
      %dma_wait3A_124 = tpu.memref_slice %arg7[%arg0, %add3A_98, %dma_wait3A_123] : memref<2x10240x64xf32, #tpu.memory_space<hbm>> -> memref<1x128x64xf32, #tpu.memory_space<hbm>>
      %dma_wait3A_125 = tpu.memref_squeeze %dma_wait3A_124 : memref<1x128x64xf32, #tpu.memory_space<hbm>> -> memref<128x64xf32, #tpu.memory_space<hbm>>
      tpu.wait_dma2 semaphore(%run_scoped3A : memref<!tpu.dma_semaphore, #tpu.memory_space<semaphore_mem>>) src(%arg10 : memref<128x64xf32, #tpu.memory_space<vmem>>) dst(%dma_wait3A_125 : memref<128x64xf32, #tpu.memory_space<hbm>>)
      tpu.yield
    }) : () -> ()
    %mul3A_99 = arith.constant 640 : i32
    %mul3A_100 = arith.muli %arg1, %mul3A_99 : i32
    %add3A_101 = arith.constant 128 : i32
    %add3A_102 = arith.addi %mul3A_100, %add3A_101 : i32
    "tpu.region"() ({
      %run_scoped3A = tpu.sem_alloc : memref<!tpu.dma_semaphore, #tpu.memory_space<semaphore_mem>>
      %dma_start3A_115 = arith.constant 0 : i32
      %dma_start3A_116 = tpu.memref_slice %arg15[%add3A_102, %dma_start3A_115] : memref<10240x64xf32, #tpu.memory_space<vmem_shared>> -> memref<128x64xf32, #tpu.memory_space<vmem_shared>>
      %dma_start3A_117 = arith.constant 0 : i32
      %dma_start3A_118 = tpu.memref_slice %arg15[%add3A_102, %dma_start3A_117] : memref<10240x64xf32, #tpu.memory_space<vmem_shared>> -> memref<128x64xf32, #tpu.memory_space<vmem_shared>>
      tpu.enqueue_dma source(%dma_start3A_118 : memref<128x64xf32, #tpu.memory_space<vmem_shared>>) target(%arg10 : memref<128x64xf32, #tpu.memory_space<vmem>>) target_semaphore(%run_scoped3A : memref<!tpu.dma_semaphore, #tpu.memory_space<semaphore_mem>>)
      %dma_wait3A = arith.constant 0 : i32
      %dma_wait3A_119 = tpu.memref_slice %arg15[%add3A_102, %dma_wait3A] : memref<10240x64xf32, #tpu.memory_space<vmem_shared>> -> memref<128x64xf32, #tpu.memory_space<vmem_shared>>
      %dma_wait3A_120 = arith.constant 0 : i32
      %dma_wait3A_121 = tpu.memref_slice %arg15[%add3A_102, %dma_wait3A_120] : memref<10240x64xf32, #tpu.memory_space<vmem_shared>> -> memref<128x64xf32, #tpu.memory_space<vmem_shared>>
      tpu.wait_dma2 semaphore(%run_scoped3A : memref<!tpu.dma_semaphore, #tpu.memory_space<semaphore_mem>>) src(%dma_wait3A_121 : memref<128x64xf32, #tpu.memory_space<vmem_shared>>) dst(%arg10 : memref<128x64xf32, #tpu.memory_space<vmem>>)
      tpu.yield
    }) : () -> ()
    "tpu.region"() ({
      %run_scoped3A = tpu.sem_alloc : memref<!tpu.dma_semaphore, #tpu.memory_space<semaphore_mem>>
      %dma_start3A_115 = arith.constant 0 : i32
      %dma_start3A_116 = tpu.memref_slice %arg7[%arg0, %add3A_102, %dma_start3A_115] : memref<2x10240x64xf32, #tpu.memory_space<hbm>> -> memref<1x128x64xf32, #tpu.memory_space<hbm>>
      %dma_start3A_117 = tpu.memref_squeeze %dma_start3A_116 : memref<1x128x64xf32, #tpu.memory_space<hbm>> -> memref<128x64xf32, #tpu.memory_space<hbm>>
      %dma_start3A_118 = arith.constant 0 : i32
      %dma_start3A_119 = tpu.memref_slice %arg7[%arg0, %add3A_102, %dma_start3A_118] : memref<2x10240x64xf32, #tpu.memory_space<hbm>> -> memref<1x128x64xf32, #tpu.memory_space<hbm>>
      %dma_start3A_120 = tpu.memref_squeeze %dma_start3A_119 : memref<1x128x64xf32, #tpu.memory_space<hbm>> -> memref<128x64xf32, #tpu.memory_space<hbm>>
      tpu.enqueue_dma source(%arg10 : memref<128x64xf32, #tpu.memory_space<vmem>>) target(%dma_start3A_120 : memref<128x64xf32, #tpu.memory_space<hbm>>) target_semaphore(%run_scoped3A : memref<!tpu.dma_semaphore, #tpu.memory_space<semaphore_mem>>)
      %dma_wait3A = arith.constant 0 : i32
      %dma_wait3A_121 = tpu.memref_slice %arg7[%arg0, %add3A_102, %dma_wait3A] : memref<2x10240x64xf32, #tpu.memory_space<hbm>> -> memref<1x128x64xf32, #tpu.memory_space<hbm>>
      %dma_wait3A_122 = tpu.memref_squeeze %dma_wait3A_121 : memref<1x128x64xf32, #tpu.memory_space<hbm>> -> memref<128x64xf32, #tpu.memory_space<hbm>>
      %dma_wait3A_123 = arith.constant 0 : i32
      %dma_wait3A_124 = tpu.memref_slice %arg7[%arg0, %add3A_102, %dma_wait3A_123] : memref<2x10240x64xf32, #tpu.memory_space<hbm>> -> memref<1x128x64xf32, #tpu.memory_space<hbm>>
      %dma_wait3A_125 = tpu.memref_squeeze %dma_wait3A_124 : memref<1x128x64xf32, #tpu.memory_space<hbm>> -> memref<128x64xf32, #tpu.memory_space<hbm>>
      tpu.wait_dma2 semaphore(%run_scoped3A : memref<!tpu.dma_semaphore, #tpu.memory_space<semaphore_mem>>) src(%arg10 : memref<128x64xf32, #tpu.memory_space<vmem>>) dst(%dma_wait3A_125 : memref<128x64xf32, #tpu.memory_space<hbm>>)
      tpu.yield
    }) : () -> ()
    %mul3A_103 = arith.constant 640 : i32
    %mul3A_104 = arith.muli %arg1, %mul3A_103 : i32
    %add3A_105 = arith.constant 256 : i32
    %add3A_106 = arith.addi %mul3A_104, %add3A_105 : i32
    "tpu.region"() ({
      %run_scoped3A = tpu.sem_alloc : memref<!tpu.dma_semaphore, #tpu.memory_space<semaphore_mem>>
      %dma_start3A_115 = arith.constant 0 : i32
      %dma_start3A_116 = tpu.memref_slice %arg15[%add3A_106, %dma_start3A_115] : memref<10240x64xf32, #tpu.memory_space<vmem_shared>> -> memref<128x64xf32, #tpu.memory_space<vmem_shared>>
      %dma_start3A_117 = arith.constant 0 : i32
      %dma_start3A_118 = tpu.memref_slice %arg15[%add3A_106, %dma_start3A_117] : memref<10240x64xf32, #tpu.memory_space<vmem_shared>> -> memref<128x64xf32, #tpu.memory_space<vmem_shared>>
      tpu.enqueue_dma source(%dma_start3A_118 : memref<128x64xf32, #tpu.memory_space<vmem_shared>>) target(%arg10 : memref<128x64xf32, #tpu.memory_space<vmem>>) target_semaphore(%run_scoped3A : memref<!tpu.dma_semaphore, #tpu.memory_space<semaphore_mem>>)
      %dma_wait3A = arith.constant 0 : i32
      %dma_wait3A_119 = tpu.memref_slice %arg15[%add3A_106, %dma_wait3A] : memref<10240x64xf32, #tpu.memory_space<vmem_shared>> -> memref<128x64xf32, #tpu.memory_space<vmem_shared>>
      %dma_wait3A_120 = arith.constant 0 : i32
      %dma_wait3A_121 = tpu.memref_slice %arg15[%add3A_106, %dma_wait3A_120] : memref<10240x64xf32, #tpu.memory_space<vmem_shared>> -> memref<128x64xf32, #tpu.memory_space<vmem_shared>>
      tpu.wait_dma2 semaphore(%run_scoped3A : memref<!tpu.dma_semaphore, #tpu.memory_space<semaphore_mem>>) src(%dma_wait3A_121 : memref<128x64xf32, #tpu.memory_space<vmem_shared>>) dst(%arg10 : memref<128x64xf32, #tpu.memory_space<vmem>>)
      tpu.yield
    }) : () -> ()
    "tpu.region"() ({
      %run_scoped3A = tpu.sem_alloc : memref<!tpu.dma_semaphore, #tpu.memory_space<semaphore_mem>>
      %dma_start3A_115 = arith.constant 0 : i32
      %dma_start3A_116 = tpu.memref_slice %arg7[%arg0, %add3A_106, %dma_start3A_115] : memref<2x10240x64xf32, #tpu.memory_space<hbm>> -> memref<1x128x64xf32, #tpu.memory_space<hbm>>
      %dma_start3A_117 = tpu.memref_squeeze %dma_start3A_116 : memref<1x128x64xf32, #tpu.memory_space<hbm>> -> memref<128x64xf32, #tpu.memory_space<hbm>>
      %dma_start3A_118 = arith.constant 0 : i32
      %dma_start3A_119 = tpu.memref_slice %arg7[%arg0, %add3A_106, %dma_start3A_118] : memref<2x10240x64xf32, #tpu.memory_space<hbm>> -> memref<1x128x64xf32, #tpu.memory_space<hbm>>
      %dma_start3A_120 = tpu.memref_squeeze %dma_start3A_119 : memref<1x128x64xf32, #tpu.memory_space<hbm>> -> memref<128x64xf32, #tpu.memory_space<hbm>>
      tpu.enqueue_dma source(%arg10 : memref<128x64xf32, #tpu.memory_space<vmem>>) target(%dma_start3A_120 : memref<128x64xf32, #tpu.memory_space<hbm>>) target_semaphore(%run_scoped3A : memref<!tpu.dma_semaphore, #tpu.memory_space<semaphore_mem>>)
      %dma_wait3A = arith.constant 0 : i32
      %dma_wait3A_121 = tpu.memref_slice %arg7[%arg0, %add3A_106, %dma_wait3A] : memref<2x10240x64xf32, #tpu.memory_space<hbm>> -> memref<1x128x64xf32, #tpu.memory_space<hbm>>
      %dma_wait3A_122 = tpu.memref_squeeze %dma_wait3A_121 : memref<1x128x64xf32, #tpu.memory_space<hbm>> -> memref<128x64xf32, #tpu.memory_space<hbm>>
      %dma_wait3A_123 = arith.constant 0 : i32
      %dma_wait3A_124 = tpu.memref_slice %arg7[%arg0, %add3A_106, %dma_wait3A_123] : memref<2x10240x64xf32, #tpu.memory_space<hbm>> -> memref<1x128x64xf32, #tpu.memory_space<hbm>>
      %dma_wait3A_125 = tpu.memref_squeeze %dma_wait3A_124 : memref<1x128x64xf32, #tpu.memory_space<hbm>> -> memref<128x64xf32, #tpu.memory_space<hbm>>
      tpu.wait_dma2 semaphore(%run_scoped3A : memref<!tpu.dma_semaphore, #tpu.memory_space<semaphore_mem>>) src(%arg10 : memref<128x64xf32, #tpu.memory_space<vmem>>) dst(%dma_wait3A_125 : memref<128x64xf32, #tpu.memory_space<hbm>>)
      tpu.yield
    }) : () -> ()
    %mul3A_107 = arith.constant 640 : i32
    %mul3A_108 = arith.muli %arg1, %mul3A_107 : i32
    %add3A_109 = arith.constant 384 : i32
    %add3A_110 = arith.addi %mul3A_108, %add3A_109 : i32
    "tpu.region"() ({
      %run_scoped3A = tpu.sem_alloc : memref<!tpu.dma_semaphore, #tpu.memory_space<semaphore_mem>>
      %dma_start3A_115 = arith.constant 0 : i32
      %dma_start3A_116 = tpu.memref_slice %arg15[%add3A_110, %dma_start3A_115] : memref<10240x64xf32, #tpu.memory_space<vmem_shared>> -> memref<128x64xf32, #tpu.memory_space<vmem_shared>>
      %dma_start3A_117 = arith.constant 0 : i32
      %dma_start3A_118 = tpu.memref_slice %arg15[%add3A_110, %dma_start3A_117] : memref<10240x64xf32, #tpu.memory_space<vmem_shared>> -> memref<128x64xf32, #tpu.memory_space<vmem_shared>>
      tpu.enqueue_dma source(%dma_start3A_118 : memref<128x64xf32, #tpu.memory_space<vmem_shared>>) target(%arg10 : memref<128x64xf32, #tpu.memory_space<vmem>>) target_semaphore(%run_scoped3A : memref<!tpu.dma_semaphore, #tpu.memory_space<semaphore_mem>>)
      %dma_wait3A = arith.constant 0 : i32
      %dma_wait3A_119 = tpu.memref_slice %arg15[%add3A_110, %dma_wait3A] : memref<10240x64xf32, #tpu.memory_space<vmem_shared>> -> memref<128x64xf32, #tpu.memory_space<vmem_shared>>
      %dma_wait3A_120 = arith.constant 0 : i32
      %dma_wait3A_121 = tpu.memref_slice %arg15[%add3A_110, %dma_wait3A_120] : memref<10240x64xf32, #tpu.memory_space<vmem_shared>> -> memref<128x64xf32, #tpu.memory_space<vmem_shared>>
      tpu.wait_dma2 semaphore(%run_scoped3A : memref<!tpu.dma_semaphore, #tpu.memory_space<semaphore_mem>>) src(%dma_wait3A_121 : memref<128x64xf32, #tpu.memory_space<vmem_shared>>) dst(%arg10 : memref<128x64xf32, #tpu.memory_space<vmem>>)
      tpu.yield
    }) : () -> ()
    "tpu.region"() ({
      %run_scoped3A = tpu.sem_alloc : memref<!tpu.dma_semaphore, #tpu.memory_space<semaphore_mem>>
      %dma_start3A_115 = arith.constant 0 : i32
      %dma_start3A_116 = tpu.memref_slice %arg7[%arg0, %add3A_110, %dma_start3A_115] : memref<2x10240x64xf32, #tpu.memory_space<hbm>> -> memref<1x128x64xf32, #tpu.memory_space<hbm>>
      %dma_start3A_117 = tpu.memref_squeeze %dma_start3A_116 : memref<1x128x64xf32, #tpu.memory_space<hbm>> -> memref<128x64xf32, #tpu.memory_space<hbm>>
      %dma_start3A_118 = arith.constant 0 : i32
      %dma_start3A_119 = tpu.memref_slice %arg7[%arg0, %add3A_110, %dma_start3A_118] : memref<2x10240x64xf32, #tpu.memory_space<hbm>> -> memref<1x128x64xf32, #tpu.memory_space<hbm>>
      %dma_start3A_120 = tpu.memref_squeeze %dma_start3A_119 : memref<1x128x64xf32, #tpu.memory_space<hbm>> -> memref<128x64xf32, #tpu.memory_space<hbm>>
      tpu.enqueue_dma source(%arg10 : memref<128x64xf32, #tpu.memory_space<vmem>>) target(%dma_start3A_120 : memref<128x64xf32, #tpu.memory_space<hbm>>) target_semaphore(%run_scoped3A : memref<!tpu.dma_semaphore, #tpu.memory_space<semaphore_mem>>)
      %dma_wait3A = arith.constant 0 : i32
      %dma_wait3A_121 = tpu.memref_slice %arg7[%arg0, %add3A_110, %dma_wait3A] : memref<2x10240x64xf32, #tpu.memory_space<hbm>> -> memref<1x128x64xf32, #tpu.memory_space<hbm>>
      %dma_wait3A_122 = tpu.memref_squeeze %dma_wait3A_121 : memref<1x128x64xf32, #tpu.memory_space<hbm>> -> memref<128x64xf32, #tpu.memory_space<hbm>>
      %dma_wait3A_123 = arith.constant 0 : i32
      %dma_wait3A_124 = tpu.memref_slice %arg7[%arg0, %add3A_110, %dma_wait3A_123] : memref<2x10240x64xf32, #tpu.memory_space<hbm>> -> memref<1x128x64xf32, #tpu.memory_space<hbm>>
      %dma_wait3A_125 = tpu.memref_squeeze %dma_wait3A_124 : memref<1x128x64xf32, #tpu.memory_space<hbm>> -> memref<128x64xf32, #tpu.memory_space<hbm>>
      tpu.wait_dma2 semaphore(%run_scoped3A : memref<!tpu.dma_semaphore, #tpu.memory_space<semaphore_mem>>) src(%arg10 : memref<128x64xf32, #tpu.memory_space<vmem>>) dst(%dma_wait3A_125 : memref<128x64xf32, #tpu.memory_space<hbm>>)
      tpu.yield
    }) : () -> ()
    %mul3A_111 = arith.constant 640 : i32
    %mul3A_112 = arith.muli %arg1, %mul3A_111 : i32
    %add3A_113 = arith.constant 512 : i32
    %add3A_114 = arith.addi %mul3A_112, %add3A_113 : i32
    "tpu.region"() ({
      %run_scoped3A = tpu.sem_alloc : memref<!tpu.dma_semaphore, #tpu.memory_space<semaphore_mem>>
      %dma_start3A_115 = arith.constant 0 : i32
      %dma_start3A_116 = tpu.memref_slice %arg15[%add3A_114, %dma_start3A_115] : memref<10240x64xf32, #tpu.memory_space<vmem_shared>> -> memref<128x64xf32, #tpu.memory_space<vmem_shared>>
      %dma_start3A_117 = arith.constant 0 : i32
      %dma_start3A_118 = tpu.memref_slice %arg15[%add3A_114, %dma_start3A_117] : memref<10240x64xf32, #tpu.memory_space<vmem_shared>> -> memref<128x64xf32, #tpu.memory_space<vmem_shared>>
      tpu.enqueue_dma source(%dma_start3A_118 : memref<128x64xf32, #tpu.memory_space<vmem_shared>>) target(%arg10 : memref<128x64xf32, #tpu.memory_space<vmem>>) target_semaphore(%run_scoped3A : memref<!tpu.dma_semaphore, #tpu.memory_space<semaphore_mem>>)
      %dma_wait3A = arith.constant 0 : i32
      %dma_wait3A_119 = tpu.memref_slice %arg15[%add3A_114, %dma_wait3A] : memref<10240x64xf32, #tpu.memory_space<vmem_shared>> -> memref<128x64xf32, #tpu.memory_space<vmem_shared>>
      %dma_wait3A_120 = arith.constant 0 : i32
      %dma_wait3A_121 = tpu.memref_slice %arg15[%add3A_114, %dma_wait3A_120] : memref<10240x64xf32, #tpu.memory_space<vmem_shared>> -> memref<128x64xf32, #tpu.memory_space<vmem_shared>>
      tpu.wait_dma2 semaphore(%run_scoped3A : memref<!tpu.dma_semaphore, #tpu.memory_space<semaphore_mem>>) src(%dma_wait3A_121 : memref<128x64xf32, #tpu.memory_space<vmem_shared>>) dst(%arg10 : memref<128x64xf32, #tpu.memory_space<vmem>>)
      tpu.yield
    }) : () -> ()
    "tpu.region"() ({
      %run_scoped3A = tpu.sem_alloc : memref<!tpu.dma_semaphore, #tpu.memory_space<semaphore_mem>>
      %dma_start3A_115 = arith.constant 0 : i32
      %dma_start3A_116 = tpu.memref_slice %arg7[%arg0, %add3A_114, %dma_start3A_115] : memref<2x10240x64xf32, #tpu.memory_space<hbm>> -> memref<1x128x64xf32, #tpu.memory_space<hbm>>
      %dma_start3A_117 = tpu.memref_squeeze %dma_start3A_116 : memref<1x128x64xf32, #tpu.memory_space<hbm>> -> memref<128x64xf32, #tpu.memory_space<hbm>>
      %dma_start3A_118 = arith.constant 0 : i32
      %dma_start3A_119 = tpu.memref_slice %arg7[%arg0, %add3A_114, %dma_start3A_118] : memref<2x10240x64xf32, #tpu.memory_space<hbm>> -> memref<1x128x64xf32, #tpu.memory_space<hbm>>
      %dma_start3A_120 = tpu.memref_squeeze %dma_start3A_119 : memref<1x128x64xf32, #tpu.memory_space<hbm>> -> memref<128x64xf32, #tpu.memory_space<hbm>>
      tpu.enqueue_dma source(%arg10 : memref<128x64xf32, #tpu.memory_space<vmem>>) target(%dma_start3A_120 : memref<128x64xf32, #tpu.memory_space<hbm>>) target_semaphore(%run_scoped3A : memref<!tpu.dma_semaphore, #tpu.memory_space<semaphore_mem>>)
      %dma_wait3A = arith.constant 0 : i32
      %dma_wait3A_121 = tpu.memref_slice %arg7[%arg0, %add3A_114, %dma_wait3A] : memref<2x10240x64xf32, #tpu.memory_space<hbm>> -> memref<1x128x64xf32, #tpu.memory_space<hbm>>
      %dma_wait3A_122 = tpu.memref_squeeze %dma_wait3A_121 : memref<1x128x64xf32, #tpu.memory_space<hbm>> -> memref<128x64xf32, #tpu.memory_space<hbm>>
      %dma_wait3A_123 = arith.constant 0 : i32
      %dma_wait3A_124 = tpu.memref_slice %arg7[%arg0, %add3A_114, %dma_wait3A_123] : memref<2x10240x64xf32, #tpu.memory_space<hbm>> -> memref<1x128x64xf32, #tpu.memory_space<hbm>>
      %dma_wait3A_125 = tpu.memref_squeeze %dma_wait3A_124 : memref<1x128x64xf32, #tpu.memory_space<hbm>> -> memref<128x64xf32, #tpu.memory_space<hbm>>
      tpu.wait_dma2 semaphore(%run_scoped3A : memref<!tpu.dma_semaphore, #tpu.memory_space<semaphore_mem>>) src(%arg10 : memref<128x64xf32, #tpu.memory_space<vmem>>) dst(%dma_wait3A_125 : memref<128x64xf32, #tpu.memory_space<hbm>>)
      tpu.yield
    }) : () -> ()
    return
  }
}

#map = affine_map<(d0, d1) -> (0, 0)>
#map1 = affine_map<(d0, d1) -> (0, 0, 0)>
module attributes {stable_mosaic.version = 14 : i64} {
  func.func @accum_kernel(%arg0: i32, %arg1: i32, %arg2: memref<10240x64xf32, #tpu.memory_space<hbm>>, %arg3: memref<16x78x128xi32, #tpu.memory_space<hbm>>, %arg4: memref<16x78x128xi32, #tpu.memory_space<hbm>>, %arg5: memref<16x81x128xi32, #tpu.memory_space<hbm>>, %arg6: memref<16x81x128xi32, #tpu.memory_space<hbm>>, %arg7: memref<2x10240x64xf32, #tpu.memory_space<hbm>>, %arg8: memref<81x128xi32, #tpu.memory_space<vmem>>, %arg9: memref<81x128xi32, #tpu.memory_space<vmem>>, %arg10: memref<128x64xf32, #tpu.memory_space<vmem>>, %arg11: memref<128x64xf32, #tpu.memory_space<vmem>>, %arg12: memref<128x64xf32, #tpu.memory_space<vmem>>, %arg13: memref<3x!tpu.dma_semaphore, #tpu.memory_space<semaphore_mem>>, %arg14: memref<10240x64xf32, #tpu.memory_space<vmem_shared>>, %arg15: memref<10240x64xf32, #tpu.memory_space<vmem_shared>>) attributes {dimension_semantics = [#tpu.dimension_semantics<core_parallel>, #tpu.dimension_semantics<subcore_parallel>], iteration_bounds = array<i64: 2, 16>, scalar_prefetch = 0 : i64, scratch_operands = 8 : i64, tpu.core_type = #tpu.core_type<sc_vector_subcore>, window_params = [{transform_indices = #map}, {transform_indices = #map1}, {transform_indices = #map1}, {transform_indices = #map1}, {transform_indices = #map1}, {transform_indices = #map1}]} {
    %eq3A = arith.constant 0 : i32
    %eq3A_0 = arith.cmpi eq, %arg0, %eq3A : i32
    %jit3A = arith.constant 78 : i32
    %jit3A_1 = arith.constant 81 : i32
    %select_n3A = arith.select %eq3A_0, %jit3A, %jit3A_1 : i32
    %scan3A = arith.constant 0 : i32
    %scan3A_2 = arith.constant 0 : i32
    %scan3A_3 = arith.constant 128 : i32
    %scan3A_4 = arith.addi %scan3A_2, %scan3A_3 : i32
    %scan3A_5 = arith.constant 1 : i32
    %scan3A_6 = scf.for %scan3A_115 = %scan3A_2 to %scan3A_4 step %scan3A_5 iter_args(%scan3A_116 = %scan3A) -> (i32)  : i32 {
      %broadcast_in_dim3A = arith.constant 0.000000e+00 : f32
      %broadcast_in_dim3A_117 = vector.broadcast %broadcast_in_dim3A : f32 to vector<16xf32>
      %swap3A = arith.index_cast %scan3A_115 : i32 to index
      %swap3A_118 = arith.constant 0 : index
      %swap3A_119 = tpu.vector_load %arg10[%swap3A, %swap3A_118] {strides = array<i32>} : memref<128x64xf32, #tpu.memory_space<vmem>>, vector<1x16xf32>,
      %swap3A_120 = vector.shape_cast %swap3A_119 : vector<1x16xf32> to vector<16xf32>
      %swap3A_121 = vector.shape_cast %broadcast_in_dim3A_117 : vector<16xf32> to vector<1x16xf32>
      tpu.vector_store %arg10[%swap3A, %swap3A_118], %swap3A_121 {strides = array<i32>} : memref<128x64xf32, #tpu.memory_space<vmem>>, vector<1x16xf32>,
      %broadcast_in_dim3A_122 = arith.constant 0.000000e+00 : f32
      %broadcast_in_dim3A_123 = vector.broadcast %broadcast_in_dim3A_122 : f32 to vector<16xf32>
      %swap3A_124 = arith.index_cast %scan3A_115 : i32 to index
      %swap3A_125 = arith.constant 16 : index
      %swap3A_126 = tpu.vector_load %arg10[%swap3A_124, %swap3A_125] {strides = array<i32>} : memref<128x64xf32, #tpu.memory_space<vmem>>, vector<1x16xf32>,
      %swap3A_127 = vector.shape_cast %swap3A_126 : vector<1x16xf32> to vector<16xf32>
      %swap3A_128 = vector.shape_cast %broadcast_in_dim3A_123 : vector<16xf32> to vector<1x16xf32>
      tpu.vector_store %arg10[%swap3A_124, %swap3A_125], %swap3A_128 {strides = array<i32>} : memref<128x64xf32, #tpu.memory_space<vmem>>, vector<1x16xf32>,
      %broadcast_in_dim3A_129 = arith.constant 0.000000e+00 : f32
      %broadcast_in_dim3A_130 = vector.broadcast %broadcast_in_dim3A_129 : f32 to vector<16xf32>
      %swap3A_131 = arith.index_cast %scan3A_115 : i32 to index
      %swap3A_132 = arith.constant 32 : index
      %swap3A_133 = tpu.vector_load %arg10[%swap3A_131, %swap3A_132] {strides = array<i32>} : memref<128x64xf32, #tpu.memory_space<vmem>>, vector<1x16xf32>,
      %swap3A_134 = vector.shape_cast %swap3A_133 : vector<1x16xf32> to vector<16xf32>
      %swap3A_135 = vector.shape_cast %broadcast_in_dim3A_130 : vector<16xf32> to vector<1x16xf32>
      tpu.vector_store %arg10[%swap3A_131, %swap3A_132], %swap3A_135 {strides = array<i32>} : memref<128x64xf32, #tpu.memory_space<vmem>>, vector<1x16xf32>,
      %broadcast_in_dim3A_136 = arith.constant 0.000000e+00 : f32
      %broadcast_in_dim3A_137 = vector.broadcast %broadcast_in_dim3A_136 : f32 to vector<16xf32>
      %swap3A_138 = arith.index_cast %scan3A_115 : i32 to index
      %swap3A_139 = arith.constant 48 : index
      %swap3A_140 = tpu.vector_load %arg10[%swap3A_138, %swap3A_139] {strides = array<i32>} : memref<128x64xf32, #tpu.memory_space<vmem>>, vector<1x16xf32>,
      %swap3A_141 = vector.shape_cast %swap3A_140 : vector<1x16xf32> to vector<16xf32>
      %swap3A_142 = vector.shape_cast %broadcast_in_dim3A_137 : vector<16xf32> to vector<1x16xf32>
      tpu.vector_store %arg10[%swap3A_138, %swap3A_139], %swap3A_142 {strides = array<i32>} : memref<128x64xf32, #tpu.memory_space<vmem>>, vector<1x16xf32>,
      %scan3A_143 = arith.constant 0 : i32
      scf.yield %scan3A_143 : i32
    }
    %scan3A_7 = arith.constant 128 : i32
    %mul3A = arith.constant 640 : i32
    %mul3A_8 = arith.muli %arg1, %mul3A : i32
    "tpu.region"() ({
      %run_scoped3A = tpu.sem_alloc : memref<!tpu.dma_semaphore, #tpu.memory_space<semaphore_mem>>
      %dma_start3A_115 = arith.constant 0 : i32
      %dma_start3A_116 = tpu.memref_slice %arg14[%mul3A_8, %dma_start3A_115] : memref<10240x64xf32, #tpu.memory_space<vmem_shared>> -> memref<640x64xf32, #tpu.memory_space<vmem_shared>>
      %dma_start3A_117 = arith.constant 0 : i32
      %dma_start3A_118 = tpu.memref_slice %arg2[%mul3A_8, %dma_start3A_117] : memref<10240x64xf32, #tpu.memory_space<hbm>> -> memref<640x64xf32, #tpu.memory_space<hbm>>
      tpu.enqueue_dma source(%dma_start3A_118 : memref<640x64xf32, #tpu.memory_space<hbm>>) target(%dma_start3A_116 : memref<640x64xf32, #tpu.memory_space<vmem_shared>>) target_semaphore(%run_scoped3A : memref<!tpu.dma_semaphore, #tpu.memory_space<semaphore_mem>>)
      %dma_wait3A = arith.constant 0 : i32
      %dma_wait3A_119 = tpu.memref_slice %arg14[%mul3A_8, %dma_wait3A] : memref<10240x64xf32, #tpu.memory_space<vmem_shared>> -> memref<640x64xf32, #tpu.memory_space<vmem_shared>>
      %dma_wait3A_120 = arith.constant 0 : i32
      %dma_wait3A_121 = tpu.memref_slice %arg2[%mul3A_8, %dma_wait3A_120] : memref<10240x64xf32, #tpu.memory_space<hbm>> -> memref<640x64xf32, #tpu.memory_space<hbm>>
      tpu.wait_dma2 semaphore(%run_scoped3A : memref<!tpu.dma_semaphore, #tpu.memory_space<semaphore_mem>>) src(%dma_wait3A_121 : memref<640x64xf32, #tpu.memory_space<hbm>>) dst(%dma_wait3A_119 : memref<640x64xf32, #tpu.memory_space<vmem_shared>>)
      tpu.yield
    }) : () -> ()
    %mul3A_9 = arith.constant 640 : i32
    %mul3A_10 = arith.muli %arg1, %mul3A_9 : i32
    %add3A = arith.constant 0 : i32
    %add3A_11 = arith.addi %mul3A_10, %add3A : i32
    "tpu.region"() ({
      %run_scoped3A = tpu.sem_alloc : memref<!tpu.dma_semaphore, #tpu.memory_space<semaphore_mem>>
      %dma_start3A_115 = arith.constant 0 : i32
      %dma_start3A_116 = tpu.memref_slice %arg15[%add3A_11, %dma_start3A_115] : memref<10240x64xf32, #tpu.memory_space<vmem_shared>> -> memref<128x64xf32, #tpu.memory_space<vmem_shared>>
      %dma_start3A_117 = arith.constant 0 : i32
      %dma_start3A_118 = tpu.memref_slice %arg15[%add3A_11, %dma_start3A_117] : memref<10240x64xf32, #tpu.memory_space<vmem_shared>> -> memref<128x64xf32, #tpu.memory_space<vmem_shared>>
      tpu.enqueue_dma source(%arg10 : memref<128x64xf32, #tpu.memory_space<vmem>>) target(%dma_start3A_118 : memref<128x64xf32, #tpu.memory_space<vmem_shared>>) target_semaphore(%run_scoped3A : memref<!tpu.dma_semaphore, #tpu.memory_space<semaphore_mem>>)
      %dma_wait3A = arith.constant 0 : i32
      %dma_wait3A_119 = tpu.memref_slice %arg15[%add3A_11, %dma_wait3A] : memref<10240x64xf32, #tpu.memory_space<vmem_shared>> -> memref<128x64xf32, #tpu.memory_space<vmem_shared>>
      %dma_wait3A_120 = arith.constant 0 : i32
      %dma_wait3A_121 = tpu.memref_slice %arg15[%add3A_11, %dma_wait3A_120] : memref<10240x64xf32, #tpu.memory_space<vmem_shared>> -> memref<128x64xf32, #tpu.memory_space<vmem_shared>>
      tpu.wait_dma2 semaphore(%run_scoped3A : memref<!tpu.dma_semaphore, #tpu.memory_space<semaphore_mem>>) src(%arg10 : memref<128x64xf32, #tpu.memory_space<vmem>>) dst(%dma_wait3A_121 : memref<128x64xf32, #tpu.memory_space<vmem_shared>>)
      tpu.yield
    }) : () -> ()
    %mul3A_12 = arith.constant 640 : i32
    %mul3A_13 = arith.muli %arg1, %mul3A_12 : i32
    %add3A_14 = arith.constant 128 : i32
    %add3A_15 = arith.addi %mul3A_13, %add3A_14 : i32
    "tpu.region"() ({
      %run_scoped3A = tpu.sem_alloc : memref<!tpu.dma_semaphore, #tpu.memory_space<semaphore_mem>>
      %dma_start3A_115 = arith.constant 0 : i32
      %dma_start3A_116 = tpu.memref_slice %arg15[%add3A_15, %dma_start3A_115] : memref<10240x64xf32, #tpu.memory_space<vmem_shared>> -> memref<128x64xf32, #tpu.memory_space<vmem_shared>>
      %dma_start3A_117 = arith.constant 0 : i32
      %dma_start3A_118 = tpu.memref_slice %arg15[%add3A_15, %dma_start3A_117] : memref<10240x64xf32, #tpu.memory_space<vmem_shared>> -> memref<128x64xf32, #tpu.memory_space<vmem_shared>>
      tpu.enqueue_dma source(%arg10 : memref<128x64xf32, #tpu.memory_space<vmem>>) target(%dma_start3A_118 : memref<128x64xf32, #tpu.memory_space<vmem_shared>>) target_semaphore(%run_scoped3A : memref<!tpu.dma_semaphore, #tpu.memory_space<semaphore_mem>>)
      %dma_wait3A = arith.constant 0 : i32
      %dma_wait3A_119 = tpu.memref_slice %arg15[%add3A_15, %dma_wait3A] : memref<10240x64xf32, #tpu.memory_space<vmem_shared>> -> memref<128x64xf32, #tpu.memory_space<vmem_shared>>
      %dma_wait3A_120 = arith.constant 0 : i32
      %dma_wait3A_121 = tpu.memref_slice %arg15[%add3A_15, %dma_wait3A_120] : memref<10240x64xf32, #tpu.memory_space<vmem_shared>> -> memref<128x64xf32, #tpu.memory_space<vmem_shared>>
      tpu.wait_dma2 semaphore(%run_scoped3A : memref<!tpu.dma_semaphore, #tpu.memory_space<semaphore_mem>>) src(%arg10 : memref<128x64xf32, #tpu.memory_space<vmem>>) dst(%dma_wait3A_121 : memref<128x64xf32, #tpu.memory_space<vmem_shared>>)
      tpu.yield
    }) : () -> ()
    %mul3A_16 = arith.constant 640 : i32
    %mul3A_17 = arith.muli %arg1, %mul3A_16 : i32
    %add3A_18 = arith.constant 256 : i32
    %add3A_19 = arith.addi %mul3A_17, %add3A_18 : i32
    "tpu.region"() ({
      %run_scoped3A = tpu.sem_alloc : memref<!tpu.dma_semaphore, #tpu.memory_space<semaphore_mem>>
      %dma_start3A_115 = arith.constant 0 : i32
      %dma_start3A_116 = tpu.memref_slice %arg15[%add3A_19, %dma_start3A_115] : memref<10240x64xf32, #tpu.memory_space<vmem_shared>> -> memref<128x64xf32, #tpu.memory_space<vmem_shared>>
      %dma_start3A_117 = arith.constant 0 : i32
      %dma_start3A_118 = tpu.memref_slice %arg15[%add3A_19, %dma_start3A_117] : memref<10240x64xf32, #tpu.memory_space<vmem_shared>> -> memref<128x64xf32, #tpu.memory_space<vmem_shared>>
      tpu.enqueue_dma source(%arg10 : memref<128x64xf32, #tpu.memory_space<vmem>>) target(%dma_start3A_118 : memref<128x64xf32, #tpu.memory_space<vmem_shared>>) target_semaphore(%run_scoped3A : memref<!tpu.dma_semaphore, #tpu.memory_space<semaphore_mem>>)
      %dma_wait3A = arith.constant 0 : i32
      %dma_wait3A_119 = tpu.memref_slice %arg15[%add3A_19, %dma_wait3A] : memref<10240x64xf32, #tpu.memory_space<vmem_shared>> -> memref<128x64xf32, #tpu.memory_space<vmem_shared>>
      %dma_wait3A_120 = arith.constant 0 : i32
      %dma_wait3A_121 = tpu.memref_slice %arg15[%add3A_19, %dma_wait3A_120] : memref<10240x64xf32, #tpu.memory_space<vmem_shared>> -> memref<128x64xf32, #tpu.memory_space<vmem_shared>>
      tpu.wait_dma2 semaphore(%run_scoped3A : memref<!tpu.dma_semaphore, #tpu.memory_space<semaphore_mem>>) src(%arg10 : memref<128x64xf32, #tpu.memory_space<vmem>>) dst(%dma_wait3A_121 : memref<128x64xf32, #tpu.memory_space<vmem_shared>>)
      tpu.yield
    }) : () -> ()
    %mul3A_20 = arith.constant 640 : i32
    %mul3A_21 = arith.muli %arg1, %mul3A_20 : i32
    %add3A_22 = arith.constant 384 : i32
    %add3A_23 = arith.addi %mul3A_21, %add3A_22 : i32
    "tpu.region"() ({
      %run_scoped3A = tpu.sem_alloc : memref<!tpu.dma_semaphore, #tpu.memory_space<semaphore_mem>>
      %dma_start3A_115 = arith.constant 0 : i32
      %dma_start3A_116 = tpu.memref_slice %arg15[%add3A_23, %dma_start3A_115] : memref<10240x64xf32, #tpu.memory_space<vmem_shared>> -> memref<128x64xf32, #tpu.memory_space<vmem_shared>>
      %dma_start3A_117 = arith.constant 0 : i32
      %dma_start3A_118 = tpu.memref_slice %arg15[%add3A_23, %dma_start3A_117] : memref<10240x64xf32, #tpu.memory_space<vmem_shared>> -> memref<128x64xf32, #tpu.memory_space<vmem_shared>>
      tpu.enqueue_dma source(%arg10 : memref<128x64xf32, #tpu.memory_space<vmem>>) target(%dma_start3A_118 : memref<128x64xf32, #tpu.memory_space<vmem_shared>>) target_semaphore(%run_scoped3A : memref<!tpu.dma_semaphore, #tpu.memory_space<semaphore_mem>>)
      %dma_wait3A = arith.constant 0 : i32
      %dma_wait3A_119 = tpu.memref_slice %arg15[%add3A_23, %dma_wait3A] : memref<10240x64xf32, #tpu.memory_space<vmem_shared>> -> memref<128x64xf32, #tpu.memory_space<vmem_shared>>
      %dma_wait3A_120 = arith.constant 0 : i32
      %dma_wait3A_121 = tpu.memref_slice %arg15[%add3A_23, %dma_wait3A_120] : memref<10240x64xf32, #tpu.memory_space<vmem_shared>> -> memref<128x64xf32, #tpu.memory_space<vmem_shared>>
      tpu.wait_dma2 semaphore(%run_scoped3A : memref<!tpu.dma_semaphore, #tpu.memory_space<semaphore_mem>>) src(%arg10 : memref<128x64xf32, #tpu.memory_space<vmem>>) dst(%dma_wait3A_121 : memref<128x64xf32, #tpu.memory_space<vmem_shared>>)
      tpu.yield
    }) : () -> ()
    %mul3A_24 = arith.constant 640 : i32
    %mul3A_25 = arith.muli %arg1, %mul3A_24 : i32
    %add3A_26 = arith.constant 512 : i32
    %add3A_27 = arith.addi %mul3A_25, %add3A_26 : i32
    "tpu.region"() ({
      %run_scoped3A = tpu.sem_alloc : memref<!tpu.dma_semaphore, #tpu.memory_space<semaphore_mem>>
      %dma_start3A_115 = arith.constant 0 : i32
      %dma_start3A_116 = tpu.memref_slice %arg15[%add3A_27, %dma_start3A_115] : memref<10240x64xf32, #tpu.memory_space<vmem_shared>> -> memref<128x64xf32, #tpu.memory_space<vmem_shared>>
      %dma_start3A_117 = arith.constant 0 : i32
      %dma_start3A_118 = tpu.memref_slice %arg15[%add3A_27, %dma_start3A_117] : memref<10240x64xf32, #tpu.memory_space<vmem_shared>> -> memref<128x64xf32, #tpu.memory_space<vmem_shared>>
      tpu.enqueue_dma source(%arg10 : memref<128x64xf32, #tpu.memory_space<vmem>>) target(%dma_start3A_118 : memref<128x64xf32, #tpu.memory_space<vmem_shared>>) target_semaphore(%run_scoped3A : memref<!tpu.dma_semaphore, #tpu.memory_space<semaphore_mem>>)
      %dma_wait3A = arith.constant 0 : i32
      %dma_wait3A_119 = tpu.memref_slice %arg15[%add3A_27, %dma_wait3A] : memref<10240x64xf32, #tpu.memory_space<vmem_shared>> -> memref<128x64xf32, #tpu.memory_space<vmem_shared>>
      %dma_wait3A_120 = arith.constant 0 : i32
      %dma_wait3A_121 = tpu.memref_slice %arg15[%add3A_27, %dma_wait3A_120] : memref<10240x64xf32, #tpu.memory_space<vmem_shared>> -> memref<128x64xf32, #tpu.memory_space<vmem_shared>>
      tpu.wait_dma2 semaphore(%run_scoped3A : memref<!tpu.dma_semaphore, #tpu.memory_space<semaphore_mem>>) src(%arg10 : memref<128x64xf32, #tpu.memory_space<vmem>>) dst(%dma_wait3A_121 : memref<128x64xf32, #tpu.memory_space<vmem_shared>>)
      tpu.yield
    }) : () -> ()
    %barrier3A = arith.constant 0 : index
    tpu.barrier barrier_id(%barrier3A)
    %eq3A_28 = arith.constant 0 : i32
    %eq3A_29 = arith.cmpi eq, %arg0, %eq3A_28 : i32
    %convert_element_type3A = arith.extui %eq3A_29 : i1 to i32
    %cond3A = arith.constant 0 : i32
    %cond3A_30 = arith.cmpi ne, %convert_element_type3A, %cond3A : i32
    scf.if %cond3A_30 {
      "tpu.region"() ({
        %run_scoped3A = tpu.sem_alloc : memref<!tpu.dma_semaphore, #tpu.memory_space<semaphore_mem>>
        %dma_start3A_115 = arith.constant 0 : i32
        %dma_start3A_116 = arith.constant 0 : i32
        %dma_start3A_117 = tpu.memref_slice %arg8[%dma_start3A_115, %dma_start3A_116] : memref<81x128xi32, #tpu.memory_space<vmem>> -> memref<78x128xi32, #tpu.memory_space<vmem>>
        %dma_start3A_118 = arith.constant 0 : i32
        %dma_start3A_119 = arith.constant 0 : i32
        %dma_start3A_120 = tpu.memref_slice %arg3[%arg1, %dma_start3A_118, %dma_start3A_119] : memref<16x78x128xi32, #tpu.memory_space<hbm>> -> memref<1x78x128xi32, #tpu.memory_space<hbm>>
        %dma_start3A_121 = tpu.memref_squeeze %dma_start3A_120 : memref<1x78x128xi32, #tpu.memory_space<hbm>> -> memref<78x128xi32, #tpu.memory_space<hbm>>
        %dma_start3A_122 = arith.constant 0 : i32
        %dma_start3A_123 = arith.constant 0 : i32
        %dma_start3A_124 = tpu.memref_slice %arg8[%dma_start3A_122, %dma_start3A_123] : memref<81x128xi32, #tpu.memory_space<vmem>> -> memref<78x128xi32, #tpu.memory_space<vmem>>
        %dma_start3A_125 = arith.constant 0 : i32
        %dma_start3A_126 = arith.constant 0 : i32
        %dma_start3A_127 = tpu.memref_slice %arg3[%arg1, %dma_start3A_125, %dma_start3A_126] : memref<16x78x128xi32, #tpu.memory_space<hbm>> -> memref<1x78x128xi32, #tpu.memory_space<hbm>>
        %dma_start3A_128 = tpu.memref_squeeze %dma_start3A_127 : memref<1x78x128xi32, #tpu.memory_space<hbm>> -> memref<78x128xi32, #tpu.memory_space<hbm>>
        tpu.enqueue_dma source(%dma_start3A_128 : memref<78x128xi32, #tpu.memory_space<hbm>>) target(%dma_start3A_124 : memref<78x128xi32, #tpu.memory_space<vmem>>) target_semaphore(%run_scoped3A : memref<!tpu.dma_semaphore, #tpu.memory_space<semaphore_mem>>)
        %dma_wait3A = arith.constant 0 : i32
        %dma_wait3A_129 = arith.constant 0 : i32
        %dma_wait3A_130 = tpu.memref_slice %arg8[%dma_wait3A, %dma_wait3A_129] : memref<81x128xi32, #tpu.memory_space<vmem>> -> memref<78x128xi32, #tpu.memory_space<vmem>>
        %dma_wait3A_131 = arith.constant 0 : i32
        %dma_wait3A_132 = arith.constant 0 : i32
        %dma_wait3A_133 = tpu.memref_slice %arg3[%arg1, %dma_wait3A_131, %dma_wait3A_132] : memref<16x78x128xi32, #tpu.memory_space<hbm>> -> memref<1x78x128xi32, #tpu.memory_space<hbm>>
        %dma_wait3A_134 = tpu.memref_squeeze %dma_wait3A_133 : memref<1x78x128xi32, #tpu.memory_space<hbm>> -> memref<78x128xi32, #tpu.memory_space<hbm>>
        %dma_wait3A_135 = arith.constant 0 : i32
        %dma_wait3A_136 = arith.constant 0 : i32
        %dma_wait3A_137 = tpu.memref_slice %arg8[%dma_wait3A_135, %dma_wait3A_136] : memref<81x128xi32, #tpu.memory_space<vmem>> -> memref<78x128xi32, #tpu.memory_space<vmem>>
        %dma_wait3A_138 = arith.constant 0 : i32
        %dma_wait3A_139 = arith.constant 0 : i32
        %dma_wait3A_140 = tpu.memref_slice %arg3[%arg1, %dma_wait3A_138, %dma_wait3A_139] : memref<16x78x128xi32, #tpu.memory_space<hbm>> -> memref<1x78x128xi32, #tpu.memory_space<hbm>>
        %dma_wait3A_141 = tpu.memref_squeeze %dma_wait3A_140 : memref<1x78x128xi32, #tpu.memory_space<hbm>> -> memref<78x128xi32, #tpu.memory_space<hbm>>
        tpu.wait_dma2 semaphore(%run_scoped3A : memref<!tpu.dma_semaphore, #tpu.memory_space<semaphore_mem>>) src(%dma_wait3A_141 : memref<78x128xi32, #tpu.memory_space<hbm>>) dst(%dma_wait3A_137 : memref<78x128xi32, #tpu.memory_space<vmem>>)
        tpu.yield
      }) : () -> ()
      "tpu.region"() ({
        %run_scoped3A = tpu.sem_alloc : memref<!tpu.dma_semaphore, #tpu.memory_space<semaphore_mem>>
        %dma_start3A_115 = arith.constant 0 : i32
        %dma_start3A_116 = arith.constant 0 : i32
        %dma_start3A_117 = tpu.memref_slice %arg9[%dma_start3A_115, %dma_start3A_116] : memref<81x128xi32, #tpu.memory_space<vmem>> -> memref<78x128xi32, #tpu.memory_space<vmem>>
        %dma_start3A_118 = arith.constant 0 : i32
        %dma_start3A_119 = arith.constant 0 : i32
        %dma_start3A_120 = tpu.memref_slice %arg4[%arg1, %dma_start3A_118, %dma_start3A_119] : memref<16x78x128xi32, #tpu.memory_space<hbm>> -> memref<1x78x128xi32, #tpu.memory_space<hbm>>
        %dma_start3A_121 = tpu.memref_squeeze %dma_start3A_120 : memref<1x78x128xi32, #tpu.memory_space<hbm>> -> memref<78x128xi32, #tpu.memory_space<hbm>>
        %dma_start3A_122 = arith.constant 0 : i32
        %dma_start3A_123 = arith.constant 0 : i32
        %dma_start3A_124 = tpu.memref_slice %arg9[%dma_start3A_122, %dma_start3A_123] : memref<81x128xi32, #tpu.memory_space<vmem>> -> memref<78x128xi32, #tpu.memory_space<vmem>>
        %dma_start3A_125 = arith.constant 0 : i32
        %dma_start3A_126 = arith.constant 0 : i32
        %dma_start3A_127 = tpu.memref_slice %arg4[%arg1, %dma_start3A_125, %dma_start3A_126] : memref<16x78x128xi32, #tpu.memory_space<hbm>> -> memref<1x78x128xi32, #tpu.memory_space<hbm>>
        %dma_start3A_128 = tpu.memref_squeeze %dma_start3A_127 : memref<1x78x128xi32, #tpu.memory_space<hbm>> -> memref<78x128xi32, #tpu.memory_space<hbm>>
        tpu.enqueue_dma source(%dma_start3A_128 : memref<78x128xi32, #tpu.memory_space<hbm>>) target(%dma_start3A_124 : memref<78x128xi32, #tpu.memory_space<vmem>>) target_semaphore(%run_scoped3A : memref<!tpu.dma_semaphore, #tpu.memory_space<semaphore_mem>>)
        %dma_wait3A = arith.constant 0 : i32
        %dma_wait3A_129 = arith.constant 0 : i32
        %dma_wait3A_130 = tpu.memref_slice %arg9[%dma_wait3A, %dma_wait3A_129] : memref<81x128xi32, #tpu.memory_space<vmem>> -> memref<78x128xi32, #tpu.memory_space<vmem>>
        %dma_wait3A_131 = arith.constant 0 : i32
        %dma_wait3A_132 = arith.constant 0 : i32
        %dma_wait3A_133 = tpu.memref_slice %arg4[%arg1, %dma_wait3A_131, %dma_wait3A_132] : memref<16x78x128xi32, #tpu.memory_space<hbm>> -> memref<1x78x128xi32, #tpu.memory_space<hbm>>
        %dma_wait3A_134 = tpu.memref_squeeze %dma_wait3A_133 : memref<1x78x128xi32, #tpu.memory_space<hbm>> -> memref<78x128xi32, #tpu.memory_space<hbm>>
        %dma_wait3A_135 = arith.constant 0 : i32
        %dma_wait3A_136 = arith.constant 0 : i32
        %dma_wait3A_137 = tpu.memref_slice %arg9[%dma_wait3A_135, %dma_wait3A_136] : memref<81x128xi32, #tpu.memory_space<vmem>> -> memref<78x128xi32, #tpu.memory_space<vmem>>
        %dma_wait3A_138 = arith.constant 0 : i32
        %dma_wait3A_139 = arith.constant 0 : i32
        %dma_wait3A_140 = tpu.memref_slice %arg4[%arg1, %dma_wait3A_138, %dma_wait3A_139] : memref<16x78x128xi32, #tpu.memory_space<hbm>> -> memref<1x78x128xi32, #tpu.memory_space<hbm>>
        %dma_wait3A_141 = tpu.memref_squeeze %dma_wait3A_140 : memref<1x78x128xi32, #tpu.memory_space<hbm>> -> memref<78x128xi32, #tpu.memory_space<hbm>>
        tpu.wait_dma2 semaphore(%run_scoped3A : memref<!tpu.dma_semaphore, #tpu.memory_space<semaphore_mem>>) src(%dma_wait3A_141 : memref<78x128xi32, #tpu.memory_space<hbm>>) dst(%dma_wait3A_137 : memref<78x128xi32, #tpu.memory_space<vmem>>)
        tpu.yield
      }) : () -> ()
    } else {
    }
    %eq3A_31 = arith.constant 1 : i32
    %eq3A_32 = arith.cmpi eq, %arg0, %eq3A_31 : i32
    %convert_element_type3A_33 = arith.extui %eq3A_32 : i1 to i32
    %cond3A_34 = arith.constant 0 : i32
    %cond3A_35 = arith.cmpi ne, %convert_element_type3A_33, %cond3A_34 : i32
    scf.if %cond3A_35 {
      "tpu.region"() ({
        %run_scoped3A = tpu.sem_alloc : memref<!tpu.dma_semaphore, #tpu.memory_space<semaphore_mem>>
        %dma_start3A_115 = arith.constant 0 : i32
        %dma_start3A_116 = arith.constant 0 : i32
        %dma_start3A_117 = tpu.memref_slice %arg8[%dma_start3A_115, %dma_start3A_116] : memref<81x128xi32, #tpu.memory_space<vmem>> -> memref<81x128xi32, #tpu.memory_space<vmem>>
        %dma_start3A_118 = arith.constant 0 : i32
        %dma_start3A_119 = arith.constant 0 : i32
        %dma_start3A_120 = tpu.memref_slice %arg5[%arg1, %dma_start3A_118, %dma_start3A_119] : memref<16x81x128xi32, #tpu.memory_space<hbm>> -> memref<1x81x128xi32, #tpu.memory_space<hbm>>
        %dma_start3A_121 = tpu.memref_squeeze %dma_start3A_120 : memref<1x81x128xi32, #tpu.memory_space<hbm>> -> memref<81x128xi32, #tpu.memory_space<hbm>>
        %dma_start3A_122 = arith.constant 0 : i32
        %dma_start3A_123 = arith.constant 0 : i32
        %dma_start3A_124 = tpu.memref_slice %arg8[%dma_start3A_122, %dma_start3A_123] : memref<81x128xi32, #tpu.memory_space<vmem>> -> memref<81x128xi32, #tpu.memory_space<vmem>>
        %dma_start3A_125 = arith.constant 0 : i32
        %dma_start3A_126 = arith.constant 0 : i32
        %dma_start3A_127 = tpu.memref_slice %arg5[%arg1, %dma_start3A_125, %dma_start3A_126] : memref<16x81x128xi32, #tpu.memory_space<hbm>> -> memref<1x81x128xi32, #tpu.memory_space<hbm>>
        %dma_start3A_128 = tpu.memref_squeeze %dma_start3A_127 : memref<1x81x128xi32, #tpu.memory_space<hbm>> -> memref<81x128xi32, #tpu.memory_space<hbm>>
        tpu.enqueue_dma source(%dma_start3A_128 : memref<81x128xi32, #tpu.memory_space<hbm>>) target(%dma_start3A_124 : memref<81x128xi32, #tpu.memory_space<vmem>>) target_semaphore(%run_scoped3A : memref<!tpu.dma_semaphore, #tpu.memory_space<semaphore_mem>>)
        %dma_wait3A = arith.constant 0 : i32
        %dma_wait3A_129 = arith.constant 0 : i32
        %dma_wait3A_130 = tpu.memref_slice %arg8[%dma_wait3A, %dma_wait3A_129] : memref<81x128xi32, #tpu.memory_space<vmem>> -> memref<81x128xi32, #tpu.memory_space<vmem>>
        %dma_wait3A_131 = arith.constant 0 : i32
        %dma_wait3A_132 = arith.constant 0 : i32
        %dma_wait3A_133 = tpu.memref_slice %arg5[%arg1, %dma_wait3A_131, %dma_wait3A_132] : memref<16x81x128xi32, #tpu.memory_space<hbm>> -> memref<1x81x128xi32, #tpu.memory_space<hbm>>
        %dma_wait3A_134 = tpu.memref_squeeze %dma_wait3A_133 : memref<1x81x128xi32, #tpu.memory_space<hbm>> -> memref<81x128xi32, #tpu.memory_space<hbm>>
        %dma_wait3A_135 = arith.constant 0 : i32
        %dma_wait3A_136 = arith.constant 0 : i32
        %dma_wait3A_137 = tpu.memref_slice %arg8[%dma_wait3A_135, %dma_wait3A_136] : memref<81x128xi32, #tpu.memory_space<vmem>> -> memref<81x128xi32, #tpu.memory_space<vmem>>
        %dma_wait3A_138 = arith.constant 0 : i32
        %dma_wait3A_139 = arith.constant 0 : i32
        %dma_wait3A_140 = tpu.memref_slice %arg5[%arg1, %dma_wait3A_138, %dma_wait3A_139] : memref<16x81x128xi32, #tpu.memory_space<hbm>> -> memref<1x81x128xi32, #tpu.memory_space<hbm>>
        %dma_wait3A_141 = tpu.memref_squeeze %dma_wait3A_140 : memref<1x81x128xi32, #tpu.memory_space<hbm>> -> memref<81x128xi32, #tpu.memory_space<hbm>>
        tpu.wait_dma2 semaphore(%run_scoped3A : memref<!tpu.dma_semaphore, #tpu.memory_space<semaphore_mem>>) src(%dma_wait3A_141 : memref<81x128xi32, #tpu.memory_space<hbm>>) dst(%dma_wait3A_137 : memref<81x128xi32, #tpu.memory_space<vmem>>)
        tpu.yield
      }) : () -> ()
      "tpu.region"() ({
        %run_scoped3A = tpu.sem_alloc : memref<!tpu.dma_semaphore, #tpu.memory_space<semaphore_mem>>
        %dma_start3A_115 = arith.constant 0 : i32
        %dma_start3A_116 = arith.constant 0 : i32
        %dma_start3A_117 = tpu.memref_slice %arg9[%dma_start3A_115, %dma_start3A_116] : memref<81x128xi32, #tpu.memory_space<vmem>> -> memref<81x128xi32, #tpu.memory_space<vmem>>
        %dma_start3A_118 = arith.constant 0 : i32
        %dma_start3A_119 = arith.constant 0 : i32
        %dma_start3A_120 = tpu.memref_slice %arg6[%arg1, %dma_start3A_118, %dma_start3A_119] : memref<16x81x128xi32, #tpu.memory_space<hbm>> -> memref<1x81x128xi32, #tpu.memory_space<hbm>>
        %dma_start3A_121 = tpu.memref_squeeze %dma_start3A_120 : memref<1x81x128xi32, #tpu.memory_space<hbm>> -> memref<81x128xi32, #tpu.memory_space<hbm>>
        %dma_start3A_122 = arith.constant 0 : i32
        %dma_start3A_123 = arith.constant 0 : i32
        %dma_start3A_124 = tpu.memref_slice %arg9[%dma_start3A_122, %dma_start3A_123] : memref<81x128xi32, #tpu.memory_space<vmem>> -> memref<81x128xi32, #tpu.memory_space<vmem>>
        %dma_start3A_125 = arith.constant 0 : i32
        %dma_start3A_126 = arith.constant 0 : i32
        %dma_start3A_127 = tpu.memref_slice %arg6[%arg1, %dma_start3A_125, %dma_start3A_126] : memref<16x81x128xi32, #tpu.memory_space<hbm>> -> memref<1x81x128xi32, #tpu.memory_space<hbm>>
        %dma_start3A_128 = tpu.memref_squeeze %dma_start3A_127 : memref<1x81x128xi32, #tpu.memory_space<hbm>> -> memref<81x128xi32, #tpu.memory_space<hbm>>
        tpu.enqueue_dma source(%dma_start3A_128 : memref<81x128xi32, #tpu.memory_space<hbm>>) target(%dma_start3A_124 : memref<81x128xi32, #tpu.memory_space<vmem>>) target_semaphore(%run_scoped3A : memref<!tpu.dma_semaphore, #tpu.memory_space<semaphore_mem>>)
        %dma_wait3A = arith.constant 0 : i32
        %dma_wait3A_129 = arith.constant 0 : i32
        %dma_wait3A_130 = tpu.memref_slice %arg9[%dma_wait3A, %dma_wait3A_129] : memref<81x128xi32, #tpu.memory_space<vmem>> -> memref<81x128xi32, #tpu.memory_space<vmem>>
        %dma_wait3A_131 = arith.constant 0 : i32
        %dma_wait3A_132 = arith.constant 0 : i32
        %dma_wait3A_133 = tpu.memref_slice %arg6[%arg1, %dma_wait3A_131, %dma_wait3A_132] : memref<16x81x128xi32, #tpu.memory_space<hbm>> -> memref<1x81x128xi32, #tpu.memory_space<hbm>>
        %dma_wait3A_134 = tpu.memref_squeeze %dma_wait3A_133 : memref<1x81x128xi32, #tpu.memory_space<hbm>> -> memref<81x128xi32, #tpu.memory_space<hbm>>
        %dma_wait3A_135 = arith.constant 0 : i32
        %dma_wait3A_136 = arith.constant 0 : i32
        %dma_wait3A_137 = tpu.memref_slice %arg9[%dma_wait3A_135, %dma_wait3A_136] : memref<81x128xi32, #tpu.memory_space<vmem>> -> memref<81x128xi32, #tpu.memory_space<vmem>>
        %dma_wait3A_138 = arith.constant 0 : i32
        %dma_wait3A_139 = arith.constant 0 : i32
        %dma_wait3A_140 = tpu.memref_slice %arg6[%arg1, %dma_wait3A_138, %dma_wait3A_139] : memref<16x81x128xi32, #tpu.memory_space<hbm>> -> memref<1x81x128xi32, #tpu.memory_space<hbm>>
        %dma_wait3A_141 = tpu.memref_squeeze %dma_wait3A_140 : memref<1x81x128xi32, #tpu.memory_space<hbm>> -> memref<81x128xi32, #tpu.memory_space<hbm>>
        tpu.wait_dma2 semaphore(%run_scoped3A : memref<!tpu.dma_semaphore, #tpu.memory_space<semaphore_mem>>) src(%dma_wait3A_141 : memref<81x128xi32, #tpu.memory_space<hbm>>) dst(%dma_wait3A_137 : memref<81x128xi32, #tpu.memory_space<vmem>>)
        tpu.yield
      }) : () -> ()
    } else {
    }
    %dma_start3A = arith.constant 0 : i32
    %dma_start3A_36 = arith.constant 0 : i32
    %dma_start3A_37 = arith.constant 0 : i32
    %dma_start3A_38 = tpu.memref_slice %arg8[%dma_start3A, %dma_start3A_37] : memref<81x128xi32, #tpu.memory_space<vmem>> -> memref<1x128xi32, #tpu.memory_space<vmem>>
    %dma_start3A_39 = tpu.memref_squeeze %dma_start3A_38 : memref<1x128xi32, #tpu.memory_space<vmem>> -> memref<128xi32, #tpu.memory_space<vmem>>
    %dma_start3A_40 = arith.constant 0 : i32
    %dma_start3A_41 = arith.constant 0 : i32
    %dma_start3A_42 = tpu.memref_slice %arg14[%dma_start3A_40, %dma_start3A_41] : memref<10240x64xf32, #tpu.memory_space<vmem_shared>> -> memref<10240x64xf32, #tpu.memory_space<vmem_shared>>
    %dma_start3A_43 = tpu.memref_slice %arg13[%dma_start3A_36] : memref<3x!tpu.dma_semaphore, #tpu.memory_space<semaphore_mem>> -> memref<1x!tpu.dma_semaphore, #tpu.memory_space<semaphore_mem>>
    %dma_start3A_44 = tpu.memref_squeeze %dma_start3A_43 : memref<1x!tpu.dma_semaphore, #tpu.memory_space<semaphore_mem>> -> memref<!tpu.dma_semaphore, #tpu.memory_space<semaphore_mem>>
    tpu.enqueue_indirect_dma source(%dma_start3A_42 : memref<10240x64xf32, #tpu.memory_space<vmem_shared>>) target(%arg10 : memref<128x64xf32, #tpu.memory_space<vmem>>) offsets(%dma_start3A_39 : memref<128xi32, #tpu.memory_space<vmem>>) semaphore(%dma_start3A_44 : memref<!tpu.dma_semaphore, #tpu.memory_space<semaphore_mem>>)
    %dma_start3A_45 = arith.constant 1 : i32
    %dma_start3A_46 = arith.constant 1 : i32
    %dma_start3A_47 = arith.constant 0 : i32
    %dma_start3A_48 = tpu.memref_slice %arg8[%dma_start3A_45, %dma_start3A_47] : memref<81x128xi32, #tpu.memory_space<vmem>> -> memref<1x128xi32, #tpu.memory_space<vmem>>
    %dma_start3A_49 = tpu.memref_squeeze %dma_start3A_48 : memref<1x128xi32, #tpu.memory_space<vmem>> -> memref<128xi32, #tpu.memory_space<vmem>>
    %dma_start3A_50 = arith.constant 0 : i32
    %dma_start3A_51 = arith.constant 0 : i32
    %dma_start3A_52 = tpu.memref_slice %arg14[%dma_start3A_50, %dma_start3A_51] : memref<10240x64xf32, #tpu.memory_space<vmem_shared>> -> memref<10240x64xf32, #tpu.memory_space<vmem_shared>>
    %dma_start3A_53 = tpu.memref_slice %arg13[%dma_start3A_46] : memref<3x!tpu.dma_semaphore, #tpu.memory_space<semaphore_mem>> -> memref<1x!tpu.dma_semaphore, #tpu.memory_space<semaphore_mem>>
    %dma_start3A_54 = tpu.memref_squeeze %dma_start3A_53 : memref<1x!tpu.dma_semaphore, #tpu.memory_space<semaphore_mem>> -> memref<!tpu.dma_semaphore, #tpu.memory_space<semaphore_mem>>
    tpu.enqueue_indirect_dma source(%dma_start3A_52 : memref<10240x64xf32, #tpu.memory_space<vmem_shared>>) target(%arg11 : memref<128x64xf32, #tpu.memory_space<vmem>>) offsets(%dma_start3A_49 : memref<128xi32, #tpu.memory_space<vmem>>) semaphore(%dma_start3A_54 : memref<!tpu.dma_semaphore, #tpu.memory_space<semaphore_mem>>)
    %dma_start3A_55 = arith.constant 2 : i32
    %dma_start3A_56 = arith.constant 2 : i32
    %dma_start3A_57 = arith.constant 0 : i32
    %dma_start3A_58 = tpu.memref_slice %arg8[%dma_start3A_55, %dma_start3A_57] : memref<81x128xi32, #tpu.memory_space<vmem>> -> memref<1x128xi32, #tpu.memory_space<vmem>>
    %dma_start3A_59 = tpu.memref_squeeze %dma_start3A_58 : memref<1x128xi32, #tpu.memory_space<vmem>> -> memref<128xi32, #tpu.memory_space<vmem>>
    %dma_start3A_60 = arith.constant 0 : i32
    %dma_start3A_61 = arith.constant 0 : i32
    %dma_start3A_62 = tpu.memref_slice %arg14[%dma_start3A_60, %dma_start3A_61] : memref<10240x64xf32, #tpu.memory_space<vmem_shared>> -> memref<10240x64xf32, #tpu.memory_space<vmem_shared>>
    %dma_start3A_63 = tpu.memref_slice %arg13[%dma_start3A_56] : memref<3x!tpu.dma_semaphore, #tpu.memory_space<semaphore_mem>> -> memref<1x!tpu.dma_semaphore, #tpu.memory_space<semaphore_mem>>
    %dma_start3A_64 = tpu.memref_squeeze %dma_start3A_63 : memref<1x!tpu.dma_semaphore, #tpu.memory_space<semaphore_mem>> -> memref<!tpu.dma_semaphore, #tpu.memory_space<semaphore_mem>>
    tpu.enqueue_indirect_dma source(%dma_start3A_62 : memref<10240x64xf32, #tpu.memory_space<vmem_shared>>) target(%arg12 : memref<128x64xf32, #tpu.memory_space<vmem>>) offsets(%dma_start3A_59 : memref<128xi32, #tpu.memory_space<vmem>>) semaphore(%dma_start3A_64 : memref<!tpu.dma_semaphore, #tpu.memory_space<semaphore_mem>>)
    %jit3A_65 = arith.constant 3 : i32
    %div3A = arith.divsi %select_n3A, %jit3A_65 : i32
    %sign3A = arith.constant 0 : i32
    %sign3A_66 = arith.cmpi sgt, %select_n3A, %sign3A : i32
    %sign3A_67 = arith.extui %sign3A_66 : i1 to i32
    %sign3A_68 = arith.constant 0 : i32
    %sign3A_69 = arith.cmpi slt, %select_n3A, %sign3A_68 : i32
    %sign3A_70 = arith.extui %sign3A_69 : i1 to i32
    %sign3A_71 = arith.subi %sign3A_67, %sign3A_70 : i32
    %sign3A_72 = arith.constant 0 : i32
    %sign3A_73 = arith.cmpi sgt, %jit3A_65, %sign3A_72 : i32
    %sign3A_74 = arith.extui %sign3A_73 : i1 to i32
    %sign3A_75 = arith.constant 0 : i32
    %sign3A_76 = arith.cmpi slt, %jit3A_65, %sign3A_75 : i32
    %sign3A_77 = arith.extui %sign3A_76 : i1 to i32
    %sign3A_78 = arith.subi %sign3A_74, %sign3A_77 : i32
    %ne3A = arith.cmpi ne, %sign3A_71, %sign3A_78 : i32
    %rem3A = arith.remsi %select_n3A, %jit3A_65 : i32
    %ne3A_79 = arith.constant 0 : i32
    %ne3A_80 = arith.cmpi ne, %rem3A, %ne3A_79 : i32
    %and3A = arith.andi %ne3A, %ne3A_80 : i1
    %sub3A = arith.constant 1 : i32
    %sub3A_81 = arith.subi %div3A, %sub3A : i32
    %select_n3A_82 = arith.select %and3A, %sub3A_81, %div3A : i32
    %while3A = arith.constant 0 : i32
    %while3A_83 = arith.constant 0 : i32
    %while3A_84 = arith.subi %select_n3A_82, %while3A : i32
    %while3A_85 = arith.addi %while3A, %while3A_84 : i32
    %while3A_86 = arith.constant 1 : i32
    %while3A_87 = arith.divsi %while3A_84, %while3A_86 : i32
    %while3A_88 = arith.muli %while3A_87, %while3A_86 : i32
    %while3A_89 = arith.addi %while3A, %while3A_88 : i32
    %while3A_90 = arith.constant 1 : i32
    %while3A_91 = scf.for %while3A_115 = %while3A to %while3A_89 step %while3A_90 iter_args(%while3A_116 = %while3A_83) -> (i32)  : i32 {
      %mul3A_117 = arith.constant 3 : i32
      %mul3A_118 = arith.muli %while3A_115, %mul3A_117 : i32
      %add3A_119 = arith.constant 0 : i32
      %add3A_120 = arith.addi %mul3A_118, %add3A_119 : i32
      %dma_wait3A = arith.constant 0 : i32
      %dma_wait3A_121 = arith.constant 0 : i32
      %dma_wait3A_122 = tpu.memref_slice %arg8[%add3A_120, %dma_wait3A_121] : memref<81x128xi32, #tpu.memory_space<vmem>> -> memref<1x128xi32, #tpu.memory_space<vmem>>
      %dma_wait3A_123 = tpu.memref_squeeze %dma_wait3A_122 : memref<1x128xi32, #tpu.memory_space<vmem>> -> memref<128xi32, #tpu.memory_space<vmem>>
      %dma_wait3A_124 = arith.constant 0 : i32
      %dma_wait3A_125 = arith.constant 0 : i32
      %dma_wait3A_126 = tpu.memref_slice %arg14[%dma_wait3A_124, %dma_wait3A_125] : memref<10240x64xf32, #tpu.memory_space<vmem_shared>> -> memref<10240x64xf32, #tpu.memory_space<vmem_shared>>
      %dma_wait3A_127 = tpu.memref_slice %arg13[%dma_wait3A] : memref<3x!tpu.dma_semaphore, #tpu.memory_space<semaphore_mem>> -> memref<1x!tpu.dma_semaphore, #tpu.memory_space<semaphore_mem>>
      %dma_wait3A_128 = tpu.memref_squeeze %dma_wait3A_127 : memref<1x!tpu.dma_semaphore, #tpu.memory_space<semaphore_mem>> -> memref<!tpu.dma_semaphore, #tpu.memory_space<semaphore_mem>>
      tpu.wait_indirect_dma semaphore(%dma_wait3A_128 : memref<!tpu.dma_semaphore, #tpu.memory_space<semaphore_mem>>) src(%dma_wait3A_126 : memref<10240x64xf32, #tpu.memory_space<vmem_shared>>) dst(%arg10 : memref<128x64xf32, #tpu.memory_space<vmem>>)
      "tpu.region"() ({
        %run_scoped3A = tpu.sem_alloc : memref<!tpu.dma_semaphore, #tpu.memory_space<semaphore_mem>>
        %dma_start3A_173 = arith.constant 0 : i32
        %dma_start3A_174 = tpu.memref_slice %arg9[%add3A_120, %dma_start3A_173] : memref<81x128xi32, #tpu.memory_space<vmem>> -> memref<1x128xi32, #tpu.memory_space<vmem>>
        %dma_start3A_175 = tpu.memref_squeeze %dma_start3A_174 : memref<1x128xi32, #tpu.memory_space<vmem>> -> memref<128xi32, #tpu.memory_space<vmem>>
        %dma_start3A_176 = arith.constant 0 : i32
        %dma_start3A_177 = arith.constant 0 : i32
        %dma_start3A_178 = tpu.memref_slice %arg15[%dma_start3A_176, %dma_start3A_177] : memref<10240x64xf32, #tpu.memory_space<vmem_shared>> -> memref<10240x64xf32, #tpu.memory_space<vmem_shared>>
        tpu.enqueue_indirect_dma source(%arg10 : memref<128x64xf32, #tpu.memory_space<vmem>>) target(%dma_start3A_178 : memref<10240x64xf32, #tpu.memory_space<vmem_shared>>) offsets(%dma_start3A_175 : memref<128xi32, #tpu.memory_space<vmem>>) semaphore(%run_scoped3A : memref<!tpu.dma_semaphore, #tpu.memory_space<semaphore_mem>>) {add = true}
        %dma_wait3A_179 = arith.constant 0 : i32
        %dma_wait3A_180 = tpu.memref_slice %arg9[%add3A_120, %dma_wait3A_179] : memref<81x128xi32, #tpu.memory_space<vmem>> -> memref<1x128xi32, #tpu.memory_space<vmem>>
        %dma_wait3A_181 = tpu.memref_squeeze %dma_wait3A_180 : memref<1x128xi32, #tpu.memory_space<vmem>> -> memref<128xi32, #tpu.memory_space<vmem>>
        %dma_wait3A_182 = arith.constant 0 : i32
        %dma_wait3A_183 = arith.constant 0 : i32
        %dma_wait3A_184 = tpu.memref_slice %arg15[%dma_wait3A_182, %dma_wait3A_183] : memref<10240x64xf32, #tpu.memory_space<vmem_shared>> -> memref<10240x64xf32, #tpu.memory_space<vmem_shared>>
        tpu.wait_indirect_dma semaphore(%run_scoped3A : memref<!tpu.dma_semaphore, #tpu.memory_space<semaphore_mem>>) src(%arg10 : memref<128x64xf32, #tpu.memory_space<vmem>>) dst(%dma_wait3A_184 : memref<10240x64xf32, #tpu.memory_space<vmem_shared>>)
        tpu.yield
      }) : () -> ()
      %add3A_129 = arith.constant 3 : i32
      %add3A_130 = arith.addi %add3A_120, %add3A_129 : i32
      %lt3A = arith.cmpi slt, %add3A_130, %select_n3A : i32
      %convert_element_type3A_131 = arith.extui %lt3A : i1 to i32
      %cond3A_132 = arith.constant 0 : i32
      %cond3A_133 = arith.cmpi ne, %convert_element_type3A_131, %cond3A_132 : i32
      scf.if %cond3A_133 {
        %add3A_173 = arith.constant 3 : i32
        %add3A_174 = arith.addi %add3A_120, %add3A_173 : i32
        %dma_start3A_175 = arith.constant 0 : i32
        %dma_start3A_176 = arith.constant 0 : i32
        %dma_start3A_177 = tpu.memref_slice %arg8[%add3A_174, %dma_start3A_176] : memref<81x128xi32, #tpu.memory_space<vmem>> -> memref<1x128xi32, #tpu.memory_space<vmem>>
        %dma_start3A_178 = tpu.memref_squeeze %dma_start3A_177 : memref<1x128xi32, #tpu.memory_space<vmem>> -> memref<128xi32, #tpu.memory_space<vmem>>
        %dma_start3A_179 = arith.constant 0 : i32
        %dma_start3A_180 = arith.constant 0 : i32
        %dma_start3A_181 = tpu.memref_slice %arg14[%dma_start3A_179, %dma_start3A_180] : memref<10240x64xf32, #tpu.memory_space<vmem_shared>> -> memref<10240x64xf32, #tpu.memory_space<vmem_shared>>
        %dma_start3A_182 = tpu.memref_slice %arg13[%dma_start3A_175] : memref<3x!tpu.dma_semaphore, #tpu.memory_space<semaphore_mem>> -> memref<1x!tpu.dma_semaphore, #tpu.memory_space<semaphore_mem>>
        %dma_start3A_183 = tpu.memref_squeeze %dma_start3A_182 : memref<1x!tpu.dma_semaphore, #tpu.memory_space<semaphore_mem>> -> memref<!tpu.dma_semaphore, #tpu.memory_space<semaphore_mem>>
        tpu.enqueue_indirect_dma source(%dma_start3A_181 : memref<10240x64xf32, #tpu.memory_space<vmem_shared>>) target(%arg10 : memref<128x64xf32, #tpu.memory_space<vmem>>) offsets(%dma_start3A_178 : memref<128xi32, #tpu.memory_space<vmem>>) semaphore(%dma_start3A_183 : memref<!tpu.dma_semaphore, #tpu.memory_space<semaphore_mem>>)
      } else {
      }
      %mul3A_134 = arith.constant 3 : i32
      %mul3A_135 = arith.muli %while3A_115, %mul3A_134 : i32
      %add3A_136 = arith.constant 1 : i32
      %add3A_137 = arith.addi %mul3A_135, %add3A_136 : i32
      %dma_wait3A_138 = arith.constant 1 : i32
      %dma_wait3A_139 = arith.constant 0 : i32
      %dma_wait3A_140 = tpu.memref_slice %arg8[%add3A_137, %dma_wait3A_139] : memref<81x128xi32, #tpu.memory_space<vmem>> -> memref<1x128xi32, #tpu.memory_space<vmem>>
      %dma_wait3A_141 = tpu.memref_squeeze %dma_wait3A_140 : memref<1x128xi32, #tpu.memory_space<vmem>> -> memref<128xi32, #tpu.memory_space<vmem>>
      %dma_wait3A_142 = arith.constant 0 : i32
      %dma_wait3A_143 = arith.constant 0 : i32
      %dma_wait3A_144 = tpu.memref_slice %arg14[%dma_wait3A_142, %dma_wait3A_143] : memref<10240x64xf32, #tpu.memory_space<vmem_shared>> -> memref<10240x64xf32, #tpu.memory_space<vmem_shared>>
      %dma_wait3A_145 = tpu.memref_slice %arg13[%dma_wait3A_138] : memref<3x!tpu.dma_semaphore, #tpu.memory_space<semaphore_mem>> -> memref<1x!tpu.dma_semaphore, #tpu.memory_space<semaphore_mem>>
      %dma_wait3A_146 = tpu.memref_squeeze %dma_wait3A_145 : memref<1x!tpu.dma_semaphore, #tpu.memory_space<semaphore_mem>> -> memref<!tpu.dma_semaphore, #tpu.memory_space<semaphore_mem>>
      tpu.wait_indirect_dma semaphore(%dma_wait3A_146 : memref<!tpu.dma_semaphore, #tpu.memory_space<semaphore_mem>>) src(%dma_wait3A_144 : memref<10240x64xf32, #tpu.memory_space<vmem_shared>>) dst(%arg11 : memref<128x64xf32, #tpu.memory_space<vmem>>)
      "tpu.region"() ({
        %run_scoped3A = tpu.sem_alloc : memref<!tpu.dma_semaphore, #tpu.memory_space<semaphore_mem>>
        %dma_start3A_173 = arith.constant 0 : i32
        %dma_start3A_174 = tpu.memref_slice %arg9[%add3A_137, %dma_start3A_173] : memref<81x128xi32, #tpu.memory_space<vmem>> -> memref<1x128xi32, #tpu.memory_space<vmem>>
        %dma_start3A_175 = tpu.memref_squeeze %dma_start3A_174 : memref<1x128xi32, #tpu.memory_space<vmem>> -> memref<128xi32, #tpu.memory_space<vmem>>
        %dma_start3A_176 = arith.constant 0 : i32
        %dma_start3A_177 = arith.constant 0 : i32
        %dma_start3A_178 = tpu.memref_slice %arg15[%dma_start3A_176, %dma_start3A_177] : memref<10240x64xf32, #tpu.memory_space<vmem_shared>> -> memref<10240x64xf32, #tpu.memory_space<vmem_shared>>
        tpu.enqueue_indirect_dma source(%arg11 : memref<128x64xf32, #tpu.memory_space<vmem>>) target(%dma_start3A_178 : memref<10240x64xf32, #tpu.memory_space<vmem_shared>>) offsets(%dma_start3A_175 : memref<128xi32, #tpu.memory_space<vmem>>) semaphore(%run_scoped3A : memref<!tpu.dma_semaphore, #tpu.memory_space<semaphore_mem>>) {add = true}
        %dma_wait3A_179 = arith.constant 0 : i32
        %dma_wait3A_180 = tpu.memref_slice %arg9[%add3A_137, %dma_wait3A_179] : memref<81x128xi32, #tpu.memory_space<vmem>> -> memref<1x128xi32, #tpu.memory_space<vmem>>
        %dma_wait3A_181 = tpu.memref_squeeze %dma_wait3A_180 : memref<1x128xi32, #tpu.memory_space<vmem>> -> memref<128xi32, #tpu.memory_space<vmem>>
        %dma_wait3A_182 = arith.constant 0 : i32
        %dma_wait3A_183 = arith.constant 0 : i32
        %dma_wait3A_184 = tpu.memref_slice %arg15[%dma_wait3A_182, %dma_wait3A_183] : memref<10240x64xf32, #tpu.memory_space<vmem_shared>> -> memref<10240x64xf32, #tpu.memory_space<vmem_shared>>
        tpu.wait_indirect_dma semaphore(%run_scoped3A : memref<!tpu.dma_semaphore, #tpu.memory_space<semaphore_mem>>) src(%arg11 : memref<128x64xf32, #tpu.memory_space<vmem>>) dst(%dma_wait3A_184 : memref<10240x64xf32, #tpu.memory_space<vmem_shared>>)
        tpu.yield
      }) : () -> ()
      %add3A_147 = arith.constant 3 : i32
      %add3A_148 = arith.addi %add3A_137, %add3A_147 : i32
      %lt3A_149 = arith.cmpi slt, %add3A_148, %select_n3A : i32
      %convert_element_type3A_150 = arith.extui %lt3A_149 : i1 to i32
      %cond3A_151 = arith.constant 0 : i32
      %cond3A_152 = arith.cmpi ne, %convert_element_type3A_150, %cond3A_151 : i32
      scf.if %cond3A_152 {
        %add3A_173 = arith.constant 3 : i32
        %add3A_174 = arith.addi %add3A_137, %add3A_173 : i32
        %dma_start3A_175 = arith.constant 1 : i32
        %dma_start3A_176 = arith.constant 0 : i32
        %dma_start3A_177 = tpu.memref_slice %arg8[%add3A_174, %dma_start3A_176] : memref<81x128xi32, #tpu.memory_space<vmem>> -> memref<1x128xi32, #tpu.memory_space<vmem>>
        %dma_start3A_178 = tpu.memref_squeeze %dma_start3A_177 : memref<1x128xi32, #tpu.memory_space<vmem>> -> memref<128xi32, #tpu.memory_space<vmem>>
        %dma_start3A_179 = arith.constant 0 : i32
        %dma_start3A_180 = arith.constant 0 : i32
        %dma_start3A_181 = tpu.memref_slice %arg14[%dma_start3A_179, %dma_start3A_180] : memref<10240x64xf32, #tpu.memory_space<vmem_shared>> -> memref<10240x64xf32, #tpu.memory_space<vmem_shared>>
        %dma_start3A_182 = tpu.memref_slice %arg13[%dma_start3A_175] : memref<3x!tpu.dma_semaphore, #tpu.memory_space<semaphore_mem>> -> memref<1x!tpu.dma_semaphore, #tpu.memory_space<semaphore_mem>>
        %dma_start3A_183 = tpu.memref_squeeze %dma_start3A_182 : memref<1x!tpu.dma_semaphore, #tpu.memory_space<semaphore_mem>> -> memref<!tpu.dma_semaphore, #tpu.memory_space<semaphore_mem>>
        tpu.enqueue_indirect_dma source(%dma_start3A_181 : memref<10240x64xf32, #tpu.memory_space<vmem_shared>>) target(%arg11 : memref<128x64xf32, #tpu.memory_space<vmem>>) offsets(%dma_start3A_178 : memref<128xi32, #tpu.memory_space<vmem>>) semaphore(%dma_start3A_183 : memref<!tpu.dma_semaphore, #tpu.memory_space<semaphore_mem>>)
      } else {
      }
      %mul3A_153 = arith.constant 3 : i32
      %mul3A_154 = arith.muli %while3A_115, %mul3A_153 : i32
      %add3A_155 = arith.constant 2 : i32
      %add3A_156 = arith.addi %mul3A_154, %add3A_155 : i32
      %dma_wait3A_157 = arith.constant 2 : i32
      %dma_wait3A_158 = arith.constant 0 : i32
      %dma_wait3A_159 = tpu.memref_slice %arg8[%add3A_156, %dma_wait3A_158] : memref<81x128xi32, #tpu.memory_space<vmem>> -> memref<1x128xi32, #tpu.memory_space<vmem>>
      %dma_wait3A_160 = tpu.memref_squeeze %dma_wait3A_159 : memref<1x128xi32, #tpu.memory_space<vmem>> -> memref<128xi32, #tpu.memory_space<vmem>>
      %dma_wait3A_161 = arith.constant 0 : i32
      %dma_wait3A_162 = arith.constant 0 : i32
      %dma_wait3A_163 = tpu.memref_slice %arg14[%dma_wait3A_161, %dma_wait3A_162] : memref<10240x64xf32, #tpu.memory_space<vmem_shared>> -> memref<10240x64xf32, #tpu.memory_space<vmem_shared>>
      %dma_wait3A_164 = tpu.memref_slice %arg13[%dma_wait3A_157] : memref<3x!tpu.dma_semaphore, #tpu.memory_space<semaphore_mem>> -> memref<1x!tpu.dma_semaphore, #tpu.memory_space<semaphore_mem>>
      %dma_wait3A_165 = tpu.memref_squeeze %dma_wait3A_164 : memref<1x!tpu.dma_semaphore, #tpu.memory_space<semaphore_mem>> -> memref<!tpu.dma_semaphore, #tpu.memory_space<semaphore_mem>>
      tpu.wait_indirect_dma semaphore(%dma_wait3A_165 : memref<!tpu.dma_semaphore, #tpu.memory_space<semaphore_mem>>) src(%dma_wait3A_163 : memref<10240x64xf32, #tpu.memory_space<vmem_shared>>) dst(%arg12 : memref<128x64xf32, #tpu.memory_space<vmem>>)
      "tpu.region"() ({
        %run_scoped3A = tpu.sem_alloc : memref<!tpu.dma_semaphore, #tpu.memory_space<semaphore_mem>>
        %dma_start3A_173 = arith.constant 0 : i32
        %dma_start3A_174 = tpu.memref_slice %arg9[%add3A_156, %dma_start3A_173] : memref<81x128xi32, #tpu.memory_space<vmem>> -> memref<1x128xi32, #tpu.memory_space<vmem>>
        %dma_start3A_175 = tpu.memref_squeeze %dma_start3A_174 : memref<1x128xi32, #tpu.memory_space<vmem>> -> memref<128xi32, #tpu.memory_space<vmem>>
        %dma_start3A_176 = arith.constant 0 : i32
        %dma_start3A_177 = arith.constant 0 : i32
        %dma_start3A_178 = tpu.memref_slice %arg15[%dma_start3A_176, %dma_start3A_177] : memref<10240x64xf32, #tpu.memory_space<vmem_shared>> -> memref<10240x64xf32, #tpu.memory_space<vmem_shared>>
        tpu.enqueue_indirect_dma source(%arg12 : memref<128x64xf32, #tpu.memory_space<vmem>>) target(%dma_start3A_178 : memref<10240x64xf32, #tpu.memory_space<vmem_shared>>) offsets(%dma_start3A_175 : memref<128xi32, #tpu.memory_space<vmem>>) semaphore(%run_scoped3A : memref<!tpu.dma_semaphore, #tpu.memory_space<semaphore_mem>>) {add = true}
        %dma_wait3A_179 = arith.constant 0 : i32
        %dma_wait3A_180 = tpu.memref_slice %arg9[%add3A_156, %dma_wait3A_179] : memref<81x128xi32, #tpu.memory_space<vmem>> -> memref<1x128xi32, #tpu.memory_space<vmem>>
        %dma_wait3A_181 = tpu.memref_squeeze %dma_wait3A_180 : memref<1x128xi32, #tpu.memory_space<vmem>> -> memref<128xi32, #tpu.memory_space<vmem>>
        %dma_wait3A_182 = arith.constant 0 : i32
        %dma_wait3A_183 = arith.constant 0 : i32
        %dma_wait3A_184 = tpu.memref_slice %arg15[%dma_wait3A_182, %dma_wait3A_183] : memref<10240x64xf32, #tpu.memory_space<vmem_shared>> -> memref<10240x64xf32, #tpu.memory_space<vmem_shared>>
        tpu.wait_indirect_dma semaphore(%run_scoped3A : memref<!tpu.dma_semaphore, #tpu.memory_space<semaphore_mem>>) src(%arg12 : memref<128x64xf32, #tpu.memory_space<vmem>>) dst(%dma_wait3A_184 : memref<10240x64xf32, #tpu.memory_space<vmem_shared>>)
        tpu.yield
      }) : () -> ()
      %add3A_166 = arith.constant 3 : i32
      %add3A_167 = arith.addi %add3A_156, %add3A_166 : i32
      %lt3A_168 = arith.cmpi slt, %add3A_167, %select_n3A : i32
      %convert_element_type3A_169 = arith.extui %lt3A_168 : i1 to i32
      %cond3A_170 = arith.constant 0 : i32
      %cond3A_171 = arith.cmpi ne, %convert_element_type3A_169, %cond3A_170 : i32
      scf.if %cond3A_171 {
        %add3A_173 = arith.constant 3 : i32
        %add3A_174 = arith.addi %add3A_156, %add3A_173 : i32
        %dma_start3A_175 = arith.constant 2 : i32
        %dma_start3A_176 = arith.constant 0 : i32
        %dma_start3A_177 = tpu.memref_slice %arg8[%add3A_174, %dma_start3A_176] : memref<81x128xi32, #tpu.memory_space<vmem>> -> memref<1x128xi32, #tpu.memory_space<vmem>>
        %dma_start3A_178 = tpu.memref_squeeze %dma_start3A_177 : memref<1x128xi32, #tpu.memory_space<vmem>> -> memref<128xi32, #tpu.memory_space<vmem>>
        %dma_start3A_179 = arith.constant 0 : i32
        %dma_start3A_180 = arith.constant 0 : i32
        %dma_start3A_181 = tpu.memref_slice %arg14[%dma_start3A_179, %dma_start3A_180] : memref<10240x64xf32, #tpu.memory_space<vmem_shared>> -> memref<10240x64xf32, #tpu.memory_space<vmem_shared>>
        %dma_start3A_182 = tpu.memref_slice %arg13[%dma_start3A_175] : memref<3x!tpu.dma_semaphore, #tpu.memory_space<semaphore_mem>> -> memref<1x!tpu.dma_semaphore, #tpu.memory_space<semaphore_mem>>
        %dma_start3A_183 = tpu.memref_squeeze %dma_start3A_182 : memref<1x!tpu.dma_semaphore, #tpu.memory_space<semaphore_mem>> -> memref<!tpu.dma_semaphore, #tpu.memory_space<semaphore_mem>>
        tpu.enqueue_indirect_dma source(%dma_start3A_181 : memref<10240x64xf32, #tpu.memory_space<vmem_shared>>) target(%arg12 : memref<128x64xf32, #tpu.memory_space<vmem>>) offsets(%dma_start3A_178 : memref<128xi32, #tpu.memory_space<vmem>>) semaphore(%dma_start3A_183 : memref<!tpu.dma_semaphore, #tpu.memory_space<semaphore_mem>>)
      } else {
      }
      %while3A_172 = arith.constant 0 : i32
      scf.yield %while3A_172 : i32
    }
    %while3A_92 = arith.constant 1 : i32
    %while3A_93 = scf.for %while3A_115 = %while3A_89 to %while3A_85 step %while3A_92 iter_args(%while3A_116 = %while3A_91) -> (i32)  : i32 {
      %mul3A_117 = arith.constant 3 : i32
      %mul3A_118 = arith.muli %while3A_115, %mul3A_117 : i32
      %add3A_119 = arith.constant 0 : i32
      %add3A_120 = arith.addi %mul3A_118, %add3A_119 : i32
      %dma_wait3A = arith.constant 0 : i32
      %dma_wait3A_121 = arith.constant 0 : i32
      %dma_wait3A_122 = tpu.memref_slice %arg8[%add3A_120, %dma_wait3A_121] : memref<81x128xi32, #tpu.memory_space<vmem>> -> memref<1x128xi32, #tpu.memory_space<vmem>>
      %dma_wait3A_123 = tpu.memref_squeeze %dma_wait3A_122 : memref<1x128xi32, #tpu.memory_space<vmem>> -> memref<128xi32, #tpu.memory_space<vmem>>
      %dma_wait3A_124 = arith.constant 0 : i32
      %dma_wait3A_125 = arith.constant 0 : i32
      %dma_wait3A_126 = tpu.memref_slice %arg14[%dma_wait3A_124, %dma_wait3A_125] : memref<10240x64xf32, #tpu.memory_space<vmem_shared>> -> memref<10240x64xf32, #tpu.memory_space<vmem_shared>>
      %dma_wait3A_127 = tpu.memref_slice %arg13[%dma_wait3A] : memref<3x!tpu.dma_semaphore, #tpu.memory_space<semaphore_mem>> -> memref<1x!tpu.dma_semaphore, #tpu.memory_space<semaphore_mem>>
      %dma_wait3A_128 = tpu.memref_squeeze %dma_wait3A_127 : memref<1x!tpu.dma_semaphore, #tpu.memory_space<semaphore_mem>> -> memref<!tpu.dma_semaphore, #tpu.memory_space<semaphore_mem>>
      tpu.wait_indirect_dma semaphore(%dma_wait3A_128 : memref<!tpu.dma_semaphore, #tpu.memory_space<semaphore_mem>>) src(%dma_wait3A_126 : memref<10240x64xf32, #tpu.memory_space<vmem_shared>>) dst(%arg10 : memref<128x64xf32, #tpu.memory_space<vmem>>)
      "tpu.region"() ({
        %run_scoped3A = tpu.sem_alloc : memref<!tpu.dma_semaphore, #tpu.memory_space<semaphore_mem>>
        %dma_start3A_173 = arith.constant 0 : i32
        %dma_start3A_174 = tpu.memref_slice %arg9[%add3A_120, %dma_start3A_173] : memref<81x128xi32, #tpu.memory_space<vmem>> -> memref<1x128xi32, #tpu.memory_space<vmem>>
        %dma_start3A_175 = tpu.memref_squeeze %dma_start3A_174 : memref<1x128xi32, #tpu.memory_space<vmem>> -> memref<128xi32, #tpu.memory_space<vmem>>
        %dma_start3A_176 = arith.constant 0 : i32
        %dma_start3A_177 = arith.constant 0 : i32
        %dma_start3A_178 = tpu.memref_slice %arg15[%dma_start3A_176, %dma_start3A_177] : memref<10240x64xf32, #tpu.memory_space<vmem_shared>> -> memref<10240x64xf32, #tpu.memory_space<vmem_shared>>
        tpu.enqueue_indirect_dma source(%arg10 : memref<128x64xf32, #tpu.memory_space<vmem>>) target(%dma_start3A_178 : memref<10240x64xf32, #tpu.memory_space<vmem_shared>>) offsets(%dma_start3A_175 : memref<128xi32, #tpu.memory_space<vmem>>) semaphore(%run_scoped3A : memref<!tpu.dma_semaphore, #tpu.memory_space<semaphore_mem>>) {add = true}
        %dma_wait3A_179 = arith.constant 0 : i32
        %dma_wait3A_180 = tpu.memref_slice %arg9[%add3A_120, %dma_wait3A_179] : memref<81x128xi32, #tpu.memory_space<vmem>> -> memref<1x128xi32, #tpu.memory_space<vmem>>
        %dma_wait3A_181 = tpu.memref_squeeze %dma_wait3A_180 : memref<1x128xi32, #tpu.memory_space<vmem>> -> memref<128xi32, #tpu.memory_space<vmem>>
        %dma_wait3A_182 = arith.constant 0 : i32
        %dma_wait3A_183 = arith.constant 0 : i32
        %dma_wait3A_184 = tpu.memref_slice %arg15[%dma_wait3A_182, %dma_wait3A_183] : memref<10240x64xf32, #tpu.memory_space<vmem_shared>> -> memref<10240x64xf32, #tpu.memory_space<vmem_shared>>
        tpu.wait_indirect_dma semaphore(%run_scoped3A : memref<!tpu.dma_semaphore, #tpu.memory_space<semaphore_mem>>) src(%arg10 : memref<128x64xf32, #tpu.memory_space<vmem>>) dst(%dma_wait3A_184 : memref<10240x64xf32, #tpu.memory_space<vmem_shared>>)
        tpu.yield
      }) : () -> ()
      %add3A_129 = arith.constant 3 : i32
      %add3A_130 = arith.addi %add3A_120, %add3A_129 : i32
      %lt3A = arith.cmpi slt, %add3A_130, %select_n3A : i32
      %convert_element_type3A_131 = arith.extui %lt3A : i1 to i32
      %cond3A_132 = arith.constant 0 : i32
      %cond3A_133 = arith.cmpi ne, %convert_element_type3A_131, %cond3A_132 : i32
      scf.if %cond3A_133 {
        %add3A_173 = arith.constant 3 : i32
        %add3A_174 = arith.addi %add3A_120, %add3A_173 : i32
        %dma_start3A_175 = arith.constant 0 : i32
        %dma_start3A_176 = arith.constant 0 : i32
        %dma_start3A_177 = tpu.memref_slice %arg8[%add3A_174, %dma_start3A_176] : memref<81x128xi32, #tpu.memory_space<vmem>> -> memref<1x128xi32, #tpu.memory_space<vmem>>
        %dma_start3A_178 = tpu.memref_squeeze %dma_start3A_177 : memref<1x128xi32, #tpu.memory_space<vmem>> -> memref<128xi32, #tpu.memory_space<vmem>>
        %dma_start3A_179 = arith.constant 0 : i32
        %dma_start3A_180 = arith.constant 0 : i32
        %dma_start3A_181 = tpu.memref_slice %arg14[%dma_start3A_179, %dma_start3A_180] : memref<10240x64xf32, #tpu.memory_space<vmem_shared>> -> memref<10240x64xf32, #tpu.memory_space<vmem_shared>>
        %dma_start3A_182 = tpu.memref_slice %arg13[%dma_start3A_175] : memref<3x!tpu.dma_semaphore, #tpu.memory_space<semaphore_mem>> -> memref<1x!tpu.dma_semaphore, #tpu.memory_space<semaphore_mem>>
        %dma_start3A_183 = tpu.memref_squeeze %dma_start3A_182 : memref<1x!tpu.dma_semaphore, #tpu.memory_space<semaphore_mem>> -> memref<!tpu.dma_semaphore, #tpu.memory_space<semaphore_mem>>
        tpu.enqueue_indirect_dma source(%dma_start3A_181 : memref<10240x64xf32, #tpu.memory_space<vmem_shared>>) target(%arg10 : memref<128x64xf32, #tpu.memory_space<vmem>>) offsets(%dma_start3A_178 : memref<128xi32, #tpu.memory_space<vmem>>) semaphore(%dma_start3A_183 : memref<!tpu.dma_semaphore, #tpu.memory_space<semaphore_mem>>)
      } else {
      }
      %mul3A_134 = arith.constant 3 : i32
      %mul3A_135 = arith.muli %while3A_115, %mul3A_134 : i32
      %add3A_136 = arith.constant 1 : i32
      %add3A_137 = arith.addi %mul3A_135, %add3A_136 : i32
      %dma_wait3A_138 = arith.constant 1 : i32
      %dma_wait3A_139 = arith.constant 0 : i32
      %dma_wait3A_140 = tpu.memref_slice %arg8[%add3A_137, %dma_wait3A_139] : memref<81x128xi32, #tpu.memory_space<vmem>> -> memref<1x128xi32, #tpu.memory_space<vmem>>
      %dma_wait3A_141 = tpu.memref_squeeze %dma_wait3A_140 : memref<1x128xi32, #tpu.memory_space<vmem>> -> memref<128xi32, #tpu.memory_space<vmem>>
      %dma_wait3A_142 = arith.constant 0 : i32
      %dma_wait3A_143 = arith.constant 0 : i32
      %dma_wait3A_144 = tpu.memref_slice %arg14[%dma_wait3A_142, %dma_wait3A_143] : memref<10240x64xf32, #tpu.memory_space<vmem_shared>> -> memref<10240x64xf32, #tpu.memory_space<vmem_shared>>
      %dma_wait3A_145 = tpu.memref_slice %arg13[%dma_wait3A_138] : memref<3x!tpu.dma_semaphore, #tpu.memory_space<semaphore_mem>> -> memref<1x!tpu.dma_semaphore, #tpu.memory_space<semaphore_mem>>
      %dma_wait3A_146 = tpu.memref_squeeze %dma_wait3A_145 : memref<1x!tpu.dma_semaphore, #tpu.memory_space<semaphore_mem>> -> memref<!tpu.dma_semaphore, #tpu.memory_space<semaphore_mem>>
      tpu.wait_indirect_dma semaphore(%dma_wait3A_146 : memref<!tpu.dma_semaphore, #tpu.memory_space<semaphore_mem>>) src(%dma_wait3A_144 : memref<10240x64xf32, #tpu.memory_space<vmem_shared>>) dst(%arg11 : memref<128x64xf32, #tpu.memory_space<vmem>>)
      "tpu.region"() ({
        %run_scoped3A = tpu.sem_alloc : memref<!tpu.dma_semaphore, #tpu.memory_space<semaphore_mem>>
        %dma_start3A_173 = arith.constant 0 : i32
        %dma_start3A_174 = tpu.memref_slice %arg9[%add3A_137, %dma_start3A_173] : memref<81x128xi32, #tpu.memory_space<vmem>> -> memref<1x128xi32, #tpu.memory_space<vmem>>
        %dma_start3A_175 = tpu.memref_squeeze %dma_start3A_174 : memref<1x128xi32, #tpu.memory_space<vmem>> -> memref<128xi32, #tpu.memory_space<vmem>>
        %dma_start3A_176 = arith.constant 0 : i32
        %dma_start3A_177 = arith.constant 0 : i32
        %dma_start3A_178 = tpu.memref_slice %arg15[%dma_start3A_176, %dma_start3A_177] : memref<10240x64xf32, #tpu.memory_space<vmem_shared>> -> memref<10240x64xf32, #tpu.memory_space<vmem_shared>>
        tpu.enqueue_indirect_dma source(%arg11 : memref<128x64xf32, #tpu.memory_space<vmem>>) target(%dma_start3A_178 : memref<10240x64xf32, #tpu.memory_space<vmem_shared>>) offsets(%dma_start3A_175 : memref<128xi32, #tpu.memory_space<vmem>>) semaphore(%run_scoped3A : memref<!tpu.dma_semaphore, #tpu.memory_space<semaphore_mem>>) {add = true}
        %dma_wait3A_179 = arith.constant 0 : i32
        %dma_wait3A_180 = tpu.memref_slice %arg9[%add3A_137, %dma_wait3A_179] : memref<81x128xi32, #tpu.memory_space<vmem>> -> memref<1x128xi32, #tpu.memory_space<vmem>>
        %dma_wait3A_181 = tpu.memref_squeeze %dma_wait3A_180 : memref<1x128xi32, #tpu.memory_space<vmem>> -> memref<128xi32, #tpu.memory_space<vmem>>
        %dma_wait3A_182 = arith.constant 0 : i32
        %dma_wait3A_183 = arith.constant 0 : i32
        %dma_wait3A_184 = tpu.memref_slice %arg15[%dma_wait3A_182, %dma_wait3A_183] : memref<10240x64xf32, #tpu.memory_space<vmem_shared>> -> memref<10240x64xf32, #tpu.memory_space<vmem_shared>>
        tpu.wait_indirect_dma semaphore(%run_scoped3A : memref<!tpu.dma_semaphore, #tpu.memory_space<semaphore_mem>>) src(%arg11 : memref<128x64xf32, #tpu.memory_space<vmem>>) dst(%dma_wait3A_184 : memref<10240x64xf32, #tpu.memory_space<vmem_shared>>)
        tpu.yield
      }) : () -> ()
      %add3A_147 = arith.constant 3 : i32
      %add3A_148 = arith.addi %add3A_137, %add3A_147 : i32
      %lt3A_149 = arith.cmpi slt, %add3A_148, %select_n3A : i32
      %convert_element_type3A_150 = arith.extui %lt3A_149 : i1 to i32
      %cond3A_151 = arith.constant 0 : i32
      %cond3A_152 = arith.cmpi ne, %convert_element_type3A_150, %cond3A_151 : i32
      scf.if %cond3A_152 {
        %add3A_173 = arith.constant 3 : i32
        %add3A_174 = arith.addi %add3A_137, %add3A_173 : i32
        %dma_start3A_175 = arith.constant 1 : i32
        %dma_start3A_176 = arith.constant 0 : i32
        %dma_start3A_177 = tpu.memref_slice %arg8[%add3A_174, %dma_start3A_176] : memref<81x128xi32, #tpu.memory_space<vmem>> -> memref<1x128xi32, #tpu.memory_space<vmem>>
        %dma_start3A_178 = tpu.memref_squeeze %dma_start3A_177 : memref<1x128xi32, #tpu.memory_space<vmem>> -> memref<128xi32, #tpu.memory_space<vmem>>
        %dma_start3A_179 = arith.constant 0 : i32
        %dma_start3A_180 = arith.constant 0 : i32
        %dma_start3A_181 = tpu.memref_slice %arg14[%dma_start3A_179, %dma_start3A_180] : memref<10240x64xf32, #tpu.memory_space<vmem_shared>> -> memref<10240x64xf32, #tpu.memory_space<vmem_shared>>
        %dma_start3A_182 = tpu.memref_slice %arg13[%dma_start3A_175] : memref<3x!tpu.dma_semaphore, #tpu.memory_space<semaphore_mem>> -> memref<1x!tpu.dma_semaphore, #tpu.memory_space<semaphore_mem>>
        %dma_start3A_183 = tpu.memref_squeeze %dma_start3A_182 : memref<1x!tpu.dma_semaphore, #tpu.memory_space<semaphore_mem>> -> memref<!tpu.dma_semaphore, #tpu.memory_space<semaphore_mem>>
        tpu.enqueue_indirect_dma source(%dma_start3A_181 : memref<10240x64xf32, #tpu.memory_space<vmem_shared>>) target(%arg11 : memref<128x64xf32, #tpu.memory_space<vmem>>) offsets(%dma_start3A_178 : memref<128xi32, #tpu.memory_space<vmem>>) semaphore(%dma_start3A_183 : memref<!tpu.dma_semaphore, #tpu.memory_space<semaphore_mem>>)
      } else {
      }
      %mul3A_153 = arith.constant 3 : i32
      %mul3A_154 = arith.muli %while3A_115, %mul3A_153 : i32
      %add3A_155 = arith.constant 2 : i32
      %add3A_156 = arith.addi %mul3A_154, %add3A_155 : i32
      %dma_wait3A_157 = arith.constant 2 : i32
      %dma_wait3A_158 = arith.constant 0 : i32
      %dma_wait3A_159 = tpu.memref_slice %arg8[%add3A_156, %dma_wait3A_158] : memref<81x128xi32, #tpu.memory_space<vmem>> -> memref<1x128xi32, #tpu.memory_space<vmem>>
      %dma_wait3A_160 = tpu.memref_squeeze %dma_wait3A_159 : memref<1x128xi32, #tpu.memory_space<vmem>> -> memref<128xi32, #tpu.memory_space<vmem>>
      %dma_wait3A_161 = arith.constant 0 : i32
      %dma_wait3A_162 = arith.constant 0 : i32
      %dma_wait3A_163 = tpu.memref_slice %arg14[%dma_wait3A_161, %dma_wait3A_162] : memref<10240x64xf32, #tpu.memory_space<vmem_shared>> -> memref<10240x64xf32, #tpu.memory_space<vmem_shared>>
      %dma_wait3A_164 = tpu.memref_slice %arg13[%dma_wait3A_157] : memref<3x!tpu.dma_semaphore, #tpu.memory_space<semaphore_mem>> -> memref<1x!tpu.dma_semaphore, #tpu.memory_space<semaphore_mem>>
      %dma_wait3A_165 = tpu.memref_squeeze %dma_wait3A_164 : memref<1x!tpu.dma_semaphore, #tpu.memory_space<semaphore_mem>> -> memref<!tpu.dma_semaphore, #tpu.memory_space<semaphore_mem>>
      tpu.wait_indirect_dma semaphore(%dma_wait3A_165 : memref<!tpu.dma_semaphore, #tpu.memory_space<semaphore_mem>>) src(%dma_wait3A_163 : memref<10240x64xf32, #tpu.memory_space<vmem_shared>>) dst(%arg12 : memref<128x64xf32, #tpu.memory_space<vmem>>)
      "tpu.region"() ({
        %run_scoped3A = tpu.sem_alloc : memref<!tpu.dma_semaphore, #tpu.memory_space<semaphore_mem>>
        %dma_start3A_173 = arith.constant 0 : i32
        %dma_start3A_174 = tpu.memref_slice %arg9[%add3A_156, %dma_start3A_173] : memref<81x128xi32, #tpu.memory_space<vmem>> -> memref<1x128xi32, #tpu.memory_space<vmem>>
        %dma_start3A_175 = tpu.memref_squeeze %dma_start3A_174 : memref<1x128xi32, #tpu.memory_space<vmem>> -> memref<128xi32, #tpu.memory_space<vmem>>
        %dma_start3A_176 = arith.constant 0 : i32
        %dma_start3A_177 = arith.constant 0 : i32
        %dma_start3A_178 = tpu.memref_slice %arg15[%dma_start3A_176, %dma_start3A_177] : memref<10240x64xf32, #tpu.memory_space<vmem_shared>> -> memref<10240x64xf32, #tpu.memory_space<vmem_shared>>
        tpu.enqueue_indirect_dma source(%arg12 : memref<128x64xf32, #tpu.memory_space<vmem>>) target(%dma_start3A_178 : memref<10240x64xf32, #tpu.memory_space<vmem_shared>>) offsets(%dma_start3A_175 : memref<128xi32, #tpu.memory_space<vmem>>) semaphore(%run_scoped3A : memref<!tpu.dma_semaphore, #tpu.memory_space<semaphore_mem>>) {add = true}
        %dma_wait3A_179 = arith.constant 0 : i32
        %dma_wait3A_180 = tpu.memref_slice %arg9[%add3A_156, %dma_wait3A_179] : memref<81x128xi32, #tpu.memory_space<vmem>> -> memref<1x128xi32, #tpu.memory_space<vmem>>
        %dma_wait3A_181 = tpu.memref_squeeze %dma_wait3A_180 : memref<1x128xi32, #tpu.memory_space<vmem>> -> memref<128xi32, #tpu.memory_space<vmem>>
        %dma_wait3A_182 = arith.constant 0 : i32
        %dma_wait3A_183 = arith.constant 0 : i32
        %dma_wait3A_184 = tpu.memref_slice %arg15[%dma_wait3A_182, %dma_wait3A_183] : memref<10240x64xf32, #tpu.memory_space<vmem_shared>> -> memref<10240x64xf32, #tpu.memory_space<vmem_shared>>
        tpu.wait_indirect_dma semaphore(%run_scoped3A : memref<!tpu.dma_semaphore, #tpu.memory_space<semaphore_mem>>) src(%arg12 : memref<128x64xf32, #tpu.memory_space<vmem>>) dst(%dma_wait3A_184 : memref<10240x64xf32, #tpu.memory_space<vmem_shared>>)
        tpu.yield
      }) : () -> ()
      %add3A_166 = arith.constant 3 : i32
      %add3A_167 = arith.addi %add3A_156, %add3A_166 : i32
      %lt3A_168 = arith.cmpi slt, %add3A_167, %select_n3A : i32
      %convert_element_type3A_169 = arith.extui %lt3A_168 : i1 to i32
      %cond3A_170 = arith.constant 0 : i32
      %cond3A_171 = arith.cmpi ne, %convert_element_type3A_169, %cond3A_170 : i32
      scf.if %cond3A_171 {
        %add3A_173 = arith.constant 3 : i32
        %add3A_174 = arith.addi %add3A_156, %add3A_173 : i32
        %dma_start3A_175 = arith.constant 2 : i32
        %dma_start3A_176 = arith.constant 0 : i32
        %dma_start3A_177 = tpu.memref_slice %arg8[%add3A_174, %dma_start3A_176] : memref<81x128xi32, #tpu.memory_space<vmem>> -> memref<1x128xi32, #tpu.memory_space<vmem>>
        %dma_start3A_178 = tpu.memref_squeeze %dma_start3A_177 : memref<1x128xi32, #tpu.memory_space<vmem>> -> memref<128xi32, #tpu.memory_space<vmem>>
        %dma_start3A_179 = arith.constant 0 : i32
        %dma_start3A_180 = arith.constant 0 : i32
        %dma_start3A_181 = tpu.memref_slice %arg14[%dma_start3A_179, %dma_start3A_180] : memref<10240x64xf32, #tpu.memory_space<vmem_shared>> -> memref<10240x64xf32, #tpu.memory_space<vmem_shared>>
        %dma_start3A_182 = tpu.memref_slice %arg13[%dma_start3A_175] : memref<3x!tpu.dma_semaphore, #tpu.memory_space<semaphore_mem>> -> memref<1x!tpu.dma_semaphore, #tpu.memory_space<semaphore_mem>>
        %dma_start3A_183 = tpu.memref_squeeze %dma_start3A_182 : memref<1x!tpu.dma_semaphore, #tpu.memory_space<semaphore_mem>> -> memref<!tpu.dma_semaphore, #tpu.memory_space<semaphore_mem>>
        tpu.enqueue_indirect_dma source(%dma_start3A_181 : memref<10240x64xf32, #tpu.memory_space<vmem_shared>>) target(%arg12 : memref<128x64xf32, #tpu.memory_space<vmem>>) offsets(%dma_start3A_178 : memref<128xi32, #tpu.memory_space<vmem>>) semaphore(%dma_start3A_183 : memref<!tpu.dma_semaphore, #tpu.memory_space<semaphore_mem>>)
      } else {
      }
      %while3A_172 = arith.constant 0 : i32
      scf.yield %while3A_172 : i32
    }
    %barrier3A_94 = arith.constant 0 : index
    tpu.barrier barrier_id(%barrier3A_94)
    %mul3A_95 = arith.constant 640 : i32
    %mul3A_96 = arith.muli %arg1, %mul3A_95 : i32
    %add3A_97 = arith.constant 0 : i32
    %add3A_98 = arith.addi %mul3A_96, %add3A_97 : i32
    "tpu.region"() ({
      %run_scoped3A = tpu.sem_alloc : memref<!tpu.dma_semaphore, #tpu.memory_space<semaphore_mem>>
      %dma_start3A_115 = arith.constant 0 : i32
      %dma_start3A_116 = tpu.memref_slice %arg15[%add3A_98, %dma_start3A_115] : memref<10240x64xf32, #tpu.memory_space<vmem_shared>> -> memref<128x64xf32, #tpu.memory_space<vmem_shared>>
      %dma_start3A_117 = arith.constant 0 : i32
      %dma_start3A_118 = tpu.memref_slice %arg15[%add3A_98, %dma_start3A_117] : memref<10240x64xf32, #tpu.memory_space<vmem_shared>> -> memref<128x64xf32, #tpu.memory_space<vmem_shared>>
      tpu.enqueue_dma source(%dma_start3A_118 : memref<128x64xf32, #tpu.memory_space<vmem_shared>>) target(%arg10 : memref<128x64xf32, #tpu.memory_space<vmem>>) target_semaphore(%run_scoped3A : memref<!tpu.dma_semaphore, #tpu.memory_space<semaphore_mem>>)
      %dma_wait3A = arith.constant 0 : i32
      %dma_wait3A_119 = tpu.memref_slice %arg15[%add3A_98, %dma_wait3A] : memref<10240x64xf32, #tpu.memory_space<vmem_shared>> -> memref<128x64xf32, #tpu.memory_space<vmem_shared>>
      %dma_wait3A_120 = arith.constant 0 : i32
      %dma_wait3A_121 = tpu.memref_slice %arg15[%add3A_98, %dma_wait3A_120] : memref<10240x64xf32, #tpu.memory_space<vmem_shared>> -> memref<128x64xf32, #tpu.memory_space<vmem_shared>>
      tpu.wait_dma2 semaphore(%run_scoped3A : memref<!tpu.dma_semaphore, #tpu.memory_space<semaphore_mem>>) src(%dma_wait3A_121 : memref<128x64xf32, #tpu.memory_space<vmem_shared>>) dst(%arg10 : memref<128x64xf32, #tpu.memory_space<vmem>>)
      tpu.yield
    }) : () -> ()
    "tpu.region"() ({
      %run_scoped3A = tpu.sem_alloc : memref<!tpu.dma_semaphore, #tpu.memory_space<semaphore_mem>>
      %dma_start3A_115 = arith.constant 0 : i32
      %dma_start3A_116 = tpu.memref_slice %arg7[%arg0, %add3A_98, %dma_start3A_115] : memref<2x10240x64xf32, #tpu.memory_space<hbm>> -> memref<1x128x64xf32, #tpu.memory_space<hbm>>
      %dma_start3A_117 = tpu.memref_squeeze %dma_start3A_116 : memref<1x128x64xf32, #tpu.memory_space<hbm>> -> memref<128x64xf32, #tpu.memory_space<hbm>>
      %dma_start3A_118 = arith.constant 0 : i32
      %dma_start3A_119 = tpu.memref_slice %arg7[%arg0, %add3A_98, %dma_start3A_118] : memref<2x10240x64xf32, #tpu.memory_space<hbm>> -> memref<1x128x64xf32, #tpu.memory_space<hbm>>
      %dma_start3A_120 = tpu.memref_squeeze %dma_start3A_119 : memref<1x128x64xf32, #tpu.memory_space<hbm>> -> memref<128x64xf32, #tpu.memory_space<hbm>>
      tpu.enqueue_dma source(%arg10 : memref<128x64xf32, #tpu.memory_space<vmem>>) target(%dma_start3A_120 : memref<128x64xf32, #tpu.memory_space<hbm>>) target_semaphore(%run_scoped3A : memref<!tpu.dma_semaphore, #tpu.memory_space<semaphore_mem>>)
      %dma_wait3A = arith.constant 0 : i32
      %dma_wait3A_121 = tpu.memref_slice %arg7[%arg0, %add3A_98, %dma_wait3A] : memref<2x10240x64xf32, #tpu.memory_space<hbm>> -> memref<1x128x64xf32, #tpu.memory_space<hbm>>
      %dma_wait3A_122 = tpu.memref_squeeze %dma_wait3A_121 : memref<1x128x64xf32, #tpu.memory_space<hbm>> -> memref<128x64xf32, #tpu.memory_space<hbm>>
      %dma_wait3A_123 = arith.constant 0 : i32
      %dma_wait3A_124 = tpu.memref_slice %arg7[%arg0, %add3A_98, %dma_wait3A_123] : memref<2x10240x64xf32, #tpu.memory_space<hbm>> -> memref<1x128x64xf32, #tpu.memory_space<hbm>>
      %dma_wait3A_125 = tpu.memref_squeeze %dma_wait3A_124 : memref<1x128x64xf32, #tpu.memory_space<hbm>> -> memref<128x64xf32, #tpu.memory_space<hbm>>
      tpu.wait_dma2 semaphore(%run_scoped3A : memref<!tpu.dma_semaphore, #tpu.memory_space<semaphore_mem>>) src(%arg10 : memref<128x64xf32, #tpu.memory_space<vmem>>) dst(%dma_wait3A_125 : memref<128x64xf32, #tpu.memory_space<hbm>>)
      tpu.yield
    }) : () -> ()
    %mul3A_99 = arith.constant 640 : i32
    %mul3A_100 = arith.muli %arg1, %mul3A_99 : i32
    %add3A_101 = arith.constant 128 : i32
    %add3A_102 = arith.addi %mul3A_100, %add3A_101 : i32
    "tpu.region"() ({
      %run_scoped3A = tpu.sem_alloc : memref<!tpu.dma_semaphore, #tpu.memory_space<semaphore_mem>>
      %dma_start3A_115 = arith.constant 0 : i32
      %dma_start3A_116 = tpu.memref_slice %arg15[%add3A_102, %dma_start3A_115] : memref<10240x64xf32, #tpu.memory_space<vmem_shared>> -> memref<128x64xf32, #tpu.memory_space<vmem_shared>>
      %dma_start3A_117 = arith.constant 0 : i32
      %dma_start3A_118 = tpu.memref_slice %arg15[%add3A_102, %dma_start3A_117] : memref<10240x64xf32, #tpu.memory_space<vmem_shared>> -> memref<128x64xf32, #tpu.memory_space<vmem_shared>>
      tpu.enqueue_dma source(%dma_start3A_118 : memref<128x64xf32, #tpu.memory_space<vmem_shared>>) target(%arg10 : memref<128x64xf32, #tpu.memory_space<vmem>>) target_semaphore(%run_scoped3A : memref<!tpu.dma_semaphore, #tpu.memory_space<semaphore_mem>>)
      %dma_wait3A = arith.constant 0 : i32
      %dma_wait3A_119 = tpu.memref_slice %arg15[%add3A_102, %dma_wait3A] : memref<10240x64xf32, #tpu.memory_space<vmem_shared>> -> memref<128x64xf32, #tpu.memory_space<vmem_shared>>
      %dma_wait3A_120 = arith.constant 0 : i32
      %dma_wait3A_121 = tpu.memref_slice %arg15[%add3A_102, %dma_wait3A_120] : memref<10240x64xf32, #tpu.memory_space<vmem_shared>> -> memref<128x64xf32, #tpu.memory_space<vmem_shared>>
      tpu.wait_dma2 semaphore(%run_scoped3A : memref<!tpu.dma_semaphore, #tpu.memory_space<semaphore_mem>>) src(%dma_wait3A_121 : memref<128x64xf32, #tpu.memory_space<vmem_shared>>) dst(%arg10 : memref<128x64xf32, #tpu.memory_space<vmem>>)
      tpu.yield
    }) : () -> ()
    "tpu.region"() ({
      %run_scoped3A = tpu.sem_alloc : memref<!tpu.dma_semaphore, #tpu.memory_space<semaphore_mem>>
      %dma_start3A_115 = arith.constant 0 : i32
      %dma_start3A_116 = tpu.memref_slice %arg7[%arg0, %add3A_102, %dma_start3A_115] : memref<2x10240x64xf32, #tpu.memory_space<hbm>> -> memref<1x128x64xf32, #tpu.memory_space<hbm>>
      %dma_start3A_117 = tpu.memref_squeeze %dma_start3A_116 : memref<1x128x64xf32, #tpu.memory_space<hbm>> -> memref<128x64xf32, #tpu.memory_space<hbm>>
      %dma_start3A_118 = arith.constant 0 : i32
      %dma_start3A_119 = tpu.memref_slice %arg7[%arg0, %add3A_102, %dma_start3A_118] : memref<2x10240x64xf32, #tpu.memory_space<hbm>> -> memref<1x128x64xf32, #tpu.memory_space<hbm>>
      %dma_start3A_120 = tpu.memref_squeeze %dma_start3A_119 : memref<1x128x64xf32, #tpu.memory_space<hbm>> -> memref<128x64xf32, #tpu.memory_space<hbm>>
      tpu.enqueue_dma source(%arg10 : memref<128x64xf32, #tpu.memory_space<vmem>>) target(%dma_start3A_120 : memref<128x64xf32, #tpu.memory_space<hbm>>) target_semaphore(%run_scoped3A : memref<!tpu.dma_semaphore, #tpu.memory_space<semaphore_mem>>)
      %dma_wait3A = arith.constant 0 : i32
      %dma_wait3A_121 = tpu.memref_slice %arg7[%arg0, %add3A_102, %dma_wait3A] : memref<2x10240x64xf32, #tpu.memory_space<hbm>> -> memref<1x128x64xf32, #tpu.memory_space<hbm>>
      %dma_wait3A_122 = tpu.memref_squeeze %dma_wait3A_121 : memref<1x128x64xf32, #tpu.memory_space<hbm>> -> memref<128x64xf32, #tpu.memory_space<hbm>>
      %dma_wait3A_123 = arith.constant 0 : i32
      %dma_wait3A_124 = tpu.memref_slice %arg7[%arg0, %add3A_102, %dma_wait3A_123] : memref<2x10240x64xf32, #tpu.memory_space<hbm>> -> memref<1x128x64xf32, #tpu.memory_space<hbm>>
      %dma_wait3A_125 = tpu.memref_squeeze %dma_wait3A_124 : memref<1x128x64xf32, #tpu.memory_space<hbm>> -> memref<128x64xf32, #tpu.memory_space<hbm>>
      tpu.wait_dma2 semaphore(%run_scoped3A : memref<!tpu.dma_semaphore, #tpu.memory_space<semaphore_mem>>) src(%arg10 : memref<128x64xf32, #tpu.memory_space<vmem>>) dst(%dma_wait3A_125 : memref<128x64xf32, #tpu.memory_space<hbm>>)
      tpu.yield
    }) : () -> ()
    %mul3A_103 = arith.constant 640 : i32
    %mul3A_104 = arith.muli %arg1, %mul3A_103 : i32
    %add3A_105 = arith.constant 256 : i32
    %add3A_106 = arith.addi %mul3A_104, %add3A_105 : i32
    "tpu.region"() ({
      %run_scoped3A = tpu.sem_alloc : memref<!tpu.dma_semaphore, #tpu.memory_space<semaphore_mem>>
      %dma_start3A_115 = arith.constant 0 : i32
      %dma_start3A_116 = tpu.memref_slice %arg15[%add3A_106, %dma_start3A_115] : memref<10240x64xf32, #tpu.memory_space<vmem_shared>> -> memref<128x64xf32, #tpu.memory_space<vmem_shared>>
      %dma_start3A_117 = arith.constant 0 : i32
      %dma_start3A_118 = tpu.memref_slice %arg15[%add3A_106, %dma_start3A_117] : memref<10240x64xf32, #tpu.memory_space<vmem_shared>> -> memref<128x64xf32, #tpu.memory_space<vmem_shared>>
      tpu.enqueue_dma source(%dma_start3A_118 : memref<128x64xf32, #tpu.memory_space<vmem_shared>>) target(%arg10 : memref<128x64xf32, #tpu.memory_space<vmem>>) target_semaphore(%run_scoped3A : memref<!tpu.dma_semaphore, #tpu.memory_space<semaphore_mem>>)
      %dma_wait3A = arith.constant 0 : i32
      %dma_wait3A_119 = tpu.memref_slice %arg15[%add3A_106, %dma_wait3A] : memref<10240x64xf32, #tpu.memory_space<vmem_shared>> -> memref<128x64xf32, #tpu.memory_space<vmem_shared>>
      %dma_wait3A_120 = arith.constant 0 : i32
      %dma_wait3A_121 = tpu.memref_slice %arg15[%add3A_106, %dma_wait3A_120] : memref<10240x64xf32, #tpu.memory_space<vmem_shared>> -> memref<128x64xf32, #tpu.memory_space<vmem_shared>>
      tpu.wait_dma2 semaphore(%run_scoped3A : memref<!tpu.dma_semaphore, #tpu.memory_space<semaphore_mem>>) src(%dma_wait3A_121 : memref<128x64xf32, #tpu.memory_space<vmem_shared>>) dst(%arg10 : memref<128x64xf32, #tpu.memory_space<vmem>>)
      tpu.yield
    }) : () -> ()
    "tpu.region"() ({
      %run_scoped3A = tpu.sem_alloc : memref<!tpu.dma_semaphore, #tpu.memory_space<semaphore_mem>>
      %dma_start3A_115 = arith.constant 0 : i32
      %dma_start3A_116 = tpu.memref_slice %arg7[%arg0, %add3A_106, %dma_start3A_115] : memref<2x10240x64xf32, #tpu.memory_space<hbm>> -> memref<1x128x64xf32, #tpu.memory_space<hbm>>
      %dma_start3A_117 = tpu.memref_squeeze %dma_start3A_116 : memref<1x128x64xf32, #tpu.memory_space<hbm>> -> memref<128x64xf32, #tpu.memory_space<hbm>>
      %dma_start3A_118 = arith.constant 0 : i32
      %dma_start3A_119 = tpu.memref_slice %arg7[%arg0, %add3A_106, %dma_start3A_118] : memref<2x10240x64xf32, #tpu.memory_space<hbm>> -> memref<1x128x64xf32, #tpu.memory_space<hbm>>
      %dma_start3A_120 = tpu.memref_squeeze %dma_start3A_119 : memref<1x128x64xf32, #tpu.memory_space<hbm>> -> memref<128x64xf32, #tpu.memory_space<hbm>>
      tpu.enqueue_dma source(%arg10 : memref<128x64xf32, #tpu.memory_space<vmem>>) target(%dma_start3A_120 : memref<128x64xf32, #tpu.memory_space<hbm>>) target_semaphore(%run_scoped3A : memref<!tpu.dma_semaphore, #tpu.memory_space<semaphore_mem>>)
      %dma_wait3A = arith.constant 0 : i32
      %dma_wait3A_121 = tpu.memref_slice %arg7[%arg0, %add3A_106, %dma_wait3A] : memref<2x10240x64xf32, #tpu.memory_space<hbm>> -> memref<1x128x64xf32, #tpu.memory_space<hbm>>
      %dma_wait3A_122 = tpu.memref_squeeze %dma_wait3A_121 : memref<1x128x64xf32, #tpu.memory_space<hbm>> -> memref<128x64xf32, #tpu.memory_space<hbm>>
      %dma_wait3A_123 = arith.constant 0 : i32
      %dma_wait3A_124 = tpu.memref_slice %arg7[%arg0, %add3A_106, %dma_wait3A_123] : memref<2x10240x64xf32, #tpu.memory_space<hbm>> -> memref<1x128x64xf32, #tpu.memory_space<hbm>>
      %dma_wait3A_125 = tpu.memref_squeeze %dma_wait3A_124 : memref<1x128x64xf32, #tpu.memory_space<hbm>> -> memref<128x64xf32, #tpu.memory_space<hbm>>
      tpu.wait_dma2 semaphore(%run_scoped3A : memref<!tpu.dma_semaphore, #tpu.memory_space<semaphore_mem>>) src(%arg10 : memref<128x64xf32, #tpu.memory_space<vmem>>) dst(%dma_wait3A_125 : memref<128x64xf32, #tpu.memory_space<hbm>>)
      tpu.yield
    }) : () -> ()
    %mul3A_107 = arith.constant 640 : i32
    %mul3A_108 = arith.muli %arg1, %mul3A_107 : i32
    %add3A_109 = arith.constant 384 : i32
    %add3A_110 = arith.addi %mul3A_108, %add3A_109 : i32
    "tpu.region"() ({
      %run_scoped3A = tpu.sem_alloc : memref<!tpu.dma_semaphore, #tpu.memory_space<semaphore_mem>>
      %dma_start3A_115 = arith.constant 0 : i32
      %dma_start3A_116 = tpu.memref_slice %arg15[%add3A_110, %dma_start3A_115] : memref<10240x64xf32, #tpu.memory_space<vmem_shared>> -> memref<128x64xf32, #tpu.memory_space<vmem_shared>>
      %dma_start3A_117 = arith.constant 0 : i32
      %dma_start3A_118 = tpu.memref_slice %arg15[%add3A_110, %dma_start3A_117] : memref<10240x64xf32, #tpu.memory_space<vmem_shared>> -> memref<128x64xf32, #tpu.memory_space<vmem_shared>>
      tpu.enqueue_dma source(%dma_start3A_118 : memref<128x64xf32, #tpu.memory_space<vmem_shared>>) target(%arg10 : memref<128x64xf32, #tpu.memory_space<vmem>>) target_semaphore(%run_scoped3A : memref<!tpu.dma_semaphore, #tpu.memory_space<semaphore_mem>>)
      %dma_wait3A = arith.constant 0 : i32
      %dma_wait3A_119 = tpu.memref_slice %arg15[%add3A_110, %dma_wait3A] : memref<10240x64xf32, #tpu.memory_space<vmem_shared>> -> memref<128x64xf32, #tpu.memory_space<vmem_shared>>
      %dma_wait3A_120 = arith.constant 0 : i32
      %dma_wait3A_121 = tpu.memref_slice %arg15[%add3A_110, %dma_wait3A_120] : memref<10240x64xf32, #tpu.memory_space<vmem_shared>> -> memref<128x64xf32, #tpu.memory_space<vmem_shared>>
      tpu.wait_dma2 semaphore(%run_scoped3A : memref<!tpu.dma_semaphore, #tpu.memory_space<semaphore_mem>>) src(%dma_wait3A_121 : memref<128x64xf32, #tpu.memory_space<vmem_shared>>) dst(%arg10 : memref<128x64xf32, #tpu.memory_space<vmem>>)
      tpu.yield
    }) : () -> ()
    "tpu.region"() ({
      %run_scoped3A = tpu.sem_alloc : memref<!tpu.dma_semaphore, #tpu.memory_space<semaphore_mem>>
      %dma_start3A_115 = arith.constant 0 : i32
      %dma_start3A_116 = tpu.memref_slice %arg7[%arg0, %add3A_110, %dma_start3A_115] : memref<2x10240x64xf32, #tpu.memory_space<hbm>> -> memref<1x128x64xf32, #tpu.memory_space<hbm>>
      %dma_start3A_117 = tpu.memref_squeeze %dma_start3A_116 : memref<1x128x64xf32, #tpu.memory_space<hbm>> -> memref<128x64xf32, #tpu.memory_space<hbm>>
      %dma_start3A_118 = arith.constant 0 : i32
      %dma_start3A_119 = tpu.memref_slice %arg7[%arg0, %add3A_110, %dma_start3A_118] : memref<2x10240x64xf32, #tpu.memory_space<hbm>> -> memref<1x128x64xf32, #tpu.memory_space<hbm>>
      %dma_start3A_120 = tpu.memref_squeeze %dma_start3A_119 : memref<1x128x64xf32, #tpu.memory_space<hbm>> -> memref<128x64xf32, #tpu.memory_space<hbm>>
      tpu.enqueue_dma source(%arg10 : memref<128x64xf32, #tpu.memory_space<vmem>>) target(%dma_start3A_120 : memref<128x64xf32, #tpu.memory_space<hbm>>) target_semaphore(%run_scoped3A : memref<!tpu.dma_semaphore, #tpu.memory_space<semaphore_mem>>)
      %dma_wait3A = arith.constant 0 : i32
      %dma_wait3A_121 = tpu.memref_slice %arg7[%arg0, %add3A_110, %dma_wait3A] : memref<2x10240x64xf32, #tpu.memory_space<hbm>> -> memref<1x128x64xf32, #tpu.memory_space<hbm>>
      %dma_wait3A_122 = tpu.memref_squeeze %dma_wait3A_121 : memref<1x128x64xf32, #tpu.memory_space<hbm>> -> memref<128x64xf32, #tpu.memory_space<hbm>>
      %dma_wait3A_123 = arith.constant 0 : i32
      %dma_wait3A_124 = tpu.memref_slice %arg7[%arg0, %add3A_110, %dma_wait3A_123] : memref<2x10240x64xf32, #tpu.memory_space<hbm>> -> memref<1x128x64xf32, #tpu.memory_space<hbm>>
      %dma_wait3A_125 = tpu.memref_squeeze %dma_wait3A_124 : memref<1x128x64xf32, #tpu.memory_space<hbm>> -> memref<128x64xf32, #tpu.memory_space<hbm>>
      tpu.wait_dma2 semaphore(%run_scoped3A : memref<!tpu.dma_semaphore, #tpu.memory_space<semaphore_mem>>) src(%arg10 : memref<128x64xf32, #tpu.memory_space<vmem>>) dst(%dma_wait3A_125 : memref<128x64xf32, #tpu.memory_space<hbm>>)
      tpu.yield
    }) : () -> ()
    %mul3A_111 = arith.constant 640 : i32
    %mul3A_112 = arith.muli %arg1, %mul3A_111 : i32
    %add3A_113 = arith.constant 512 : i32
    %add3A_114 = arith.addi %mul3A_112, %add3A_113 : i32
    "tpu.region"() ({
      %run_scoped3A = tpu.sem_alloc : memref<!tpu.dma_semaphore, #tpu.memory_space<semaphore_mem>>
      %dma_start3A_115 = arith.constant 0 : i32
      %dma_start3A_116 = tpu.memref_slice %arg15[%add3A_114, %dma_start3A_115] : memref<10240x64xf32, #tpu.memory_space<vmem_shared>> -> memref<128x64xf32, #tpu.memory_space<vmem_shared>>
      %dma_start3A_117 = arith.constant 0 : i32
      %dma_start3A_118 = tpu.memref_slice %arg15[%add3A_114, %dma_start3A_117] : memref<10240x64xf32, #tpu.memory_space<vmem_shared>> -> memref<128x64xf32, #tpu.memory_space<vmem_shared>>
      tpu.enqueue_dma source(%dma_start3A_118 : memref<128x64xf32, #tpu.memory_space<vmem_shared>>) target(%arg10 : memref<128x64xf32, #tpu.memory_space<vmem>>) target_semaphore(%run_scoped3A : memref<!tpu.dma_semaphore, #tpu.memory_space<semaphore_mem>>)
      %dma_wait3A = arith.constant 0 : i32
      %dma_wait3A_119 = tpu.memref_slice %arg15[%add3A_114, %dma_wait3A] : memref<10240x64xf32, #tpu.memory_space<vmem_shared>> -> memref<128x64xf32, #tpu.memory_space<vmem_shared>>
      %dma_wait3A_120 = arith.constant 0 : i32
      %dma_wait3A_121 = tpu.memref_slice %arg15[%add3A_114, %dma_wait3A_120] : memref<10240x64xf32, #tpu.memory_space<vmem_shared>> -> memref<128x64xf32, #tpu.memory_space<vmem_shared>>
      tpu.wait_dma2 semaphore(%run_scoped3A : memref<!tpu.dma_semaphore, #tpu.memory_space<semaphore_mem>>) src(%dma_wait3A_121 : memref<128x64xf32, #tpu.memory_space<vmem_shared>>) dst(%arg10 : memref<128x64xf32, #tpu.memory_space<vmem>>)
      tpu.yield
    }) : () -> ()
    "tpu.region"() ({
      %run_scoped3A = tpu.sem_alloc : memref<!tpu.dma_semaphore, #tpu.memory_space<semaphore_mem>>
      %dma_start3A_115 = arith.constant 0 : i32
      %dma_start3A_116 = tpu.memref_slice %arg7[%arg0, %add3A_114, %dma_start3A_115] : memref<2x10240x64xf32, #tpu.memory_space<hbm>> -> memref<1x128x64xf32, #tpu.memory_space<hbm>>
      %dma_start3A_117 = tpu.memref_squeeze %dma_start3A_116 : memref<1x128x64xf32, #tpu.memory_space<hbm>> -> memref<128x64xf32, #tpu.memory_space<hbm>>
      %dma_start3A_118 = arith.constant 0 : i32
      %dma_start3A_119 = tpu.memref_slice %arg7[%arg0, %add3A_114, %dma_start3A_118] : memref<2x10240x64xf32, #tpu.memory_space<hbm>> -> memref<1x128x64xf32, #tpu.memory_space<hbm>>
      %dma_start3A_120 = tpu.memref_squeeze %dma_start3A_119 : memref<1x128x64xf32, #tpu.memory_space<hbm>> -> memref<128x64xf32, #tpu.memory_space<hbm>>
      tpu.enqueue_dma source(%arg10 : memref<128x64xf32, #tpu.memory_space<vmem>>) target(%dma_start3A_120 : memref<128x64xf32, #tpu.memory_space<hbm>>) target_semaphore(%run_scoped3A : memref<!tpu.dma_semaphore, #tpu.memory_space<semaphore_mem>>)
      %dma_wait3A = arith.constant 0 : i32
      %dma_wait3A_121 = tpu.memref_slice %arg7[%arg0, %add3A_114, %dma_wait3A] : memref<2x10240x64xf32, #tpu.memory_space<hbm>> -> memref<1x128x64xf32, #tpu.memory_space<hbm>>
      %dma_wait3A_122 = tpu.memref_squeeze %dma_wait3A_121 : memref<1x128x64xf32, #tpu.memory_space<hbm>> -> memref<128x64xf32, #tpu.memory_space<hbm>>
      %dma_wait3A_123 = arith.constant 0 : i32
      %dma_wait3A_124 = tpu.memref_slice %arg7[%arg0, %add3A_114, %dma_wait3A_123] : memref<2x10240x64xf32, #tpu.memory_space<hbm>> -> memref<1x128x64xf32, #tpu.memory_space<hbm>>
      %dma_wait3A_125 = tpu.memref_squeeze %dma_wait3A_124 : memref<1x128x64xf32, #tpu.memory_space<hbm>> -> memref<128x64xf32, #tpu.memory_space<hbm>>
      tpu.wait_dma2 semaphore(%run_scoped3A : memref<!tpu.dma_semaphore, #tpu.memory_space<semaphore_mem>>) src(%arg10 : memref<128x64xf32, #tpu.memory_space<vmem>>) dst(%dma_wait3A_125 : memref<128x64xf32, #tpu.memory_space<hbm>>)
      tpu.yield
    }) : () -> ()
    return
  }
}

module attributes {stable_mosaic.version = 14 : i64} {
  func.func @_t1_body(%arg0: memref<2x10240x16xf32, #tpu.memory_space<vmem>>, %arg1: memref<10000x128xf32, #tpu.memory_space<vmem>>, %arg2: memref<64x128xf32, #tpu.memory_space<vmem>>, %arg3: memref<10240x64xf32, #tpu.memory_space<vmem>>, %arg4: memref<10000x1xf32, #tpu.memory_space<vmem>>) attributes {dimension_semantics = [], scalar_prefetch = 0 : i64, scratch_operands = 0 : i64, tpu.core_type = #tpu.core_type<tc>} {
    %get3A = arith.constant 0 : index
    %get3A_0 = arith.constant 0 : index
    %get3A_1 = arith.constant 0 : index
    %get3A_2 = vector.load %arg0[%get3A, %get3A_0, %get3A_1] : memref<2x10240x16xf32, #tpu.memory_space<vmem>>, vector<2x10240x16xf32>
    %slice3A = vector.extract_strided_slice %get3A_2 {offsets = [0, 0, 0], sizes = [1, 10000, 1], strides = [1, 1, 1]} : vector<2x10240x16xf32> to vector<1x10000x1xf32>
    %squeeze3A = vector.shape_cast %slice3A : vector<1x10000x1xf32> to vector<10000xf32>
    %slice3A_3 = vector.extract_strided_slice %get3A_2 {offsets = [1, 0, 0], sizes = [1, 10000, 1], strides = [1, 1, 1]} : vector<2x10240x16xf32> to vector<1x10000x1xf32>
    %squeeze3A_4 = vector.shape_cast %slice3A_3 : vector<1x10000x1xf32> to vector<10000xf32>
    %add3A = arith.addf %squeeze3A, %squeeze3A_4 : vector<10000xf32>
    %add3A_5 = arith.constant 1.000000e+00 : f32
    %add3A_6 = vector.broadcast %add3A_5 : f32 to vector<10000xf32>
    %add3A_7 = arith.addf %add3A, %add3A_6 : vector<10000xf32>
    %rsqrt3A = math.rsqrt %add3A_7 : vector<10000xf32>
    %get3A_8 = arith.constant 0 : index
    %get3A_9 = arith.constant 0 : index
    %get3A_10 = vector.load %arg1[%get3A_8, %get3A_9] : memref<10000x128xf32, #tpu.memory_space<vmem>>, vector<10000x128xf32>
    %get3A_11 = arith.constant 0 : index
    %get3A_12 = arith.constant 0 : index
    %get3A_13 = vector.load %arg2[%get3A_11, %get3A_12] : memref<64x128xf32, #tpu.memory_space<vmem>>, vector<64x128xf32>
    %transpose3A = tpu.transpose %get3A_13, [1, 0] : vector<64x128xf32> -> vector<128x64xf32>
    %dot_general3A = arith.constant dense<0.000000e+00> : vector<10000x64xf32>
    %dot_general3A_14 = tpu.matmul %get3A_10, %transpose3A, %dot_general3A {dimension_numbers = #tpu.dot_dimension_numbers<[1], [0], [0], [1], [0, 0, 1, 1], [], []>, transpose_lhs_hint = false} : vector<10000x128xf32>, vector<128x64xf32>, vector<10000x64xf32> -> vector<10000x64xf32>
    %broadcast_in_dim3A = vector.shape_cast %rsqrt3A : vector<10000xf32> to vector<10000x1xf32>
    %mul3A = vector.broadcast %broadcast_in_dim3A : vector<10000x1xf32> to vector<10000x64xf32>
    %mul3A_15 = arith.mulf %dot_general3A_14, %mul3A : vector<10000x64xf32>
    %broadcast_in_dim3A_16 = arith.constant 0.000000e+00 : f32
    %broadcast_in_dim3A_17 = vector.broadcast %broadcast_in_dim3A_16 : f32 to vector<240x64xf32>
    %concatenate3A = tpu.concatenate %mul3A_15, %broadcast_in_dim3A_17 in 0 : vector<10000x64xf32>, vector<240x64xf32> -> vector<10240x64xf32>
    %swap3A = arith.constant 0 : index
    %swap3A_18 = arith.constant 0 : index
    %swap3A_19 = vector.load %arg3[%swap3A, %swap3A_18] : memref<10240x64xf32, #tpu.memory_space<vmem>>, vector<10240x64xf32>
    tpu.vector_store %arg3[%swap3A, %swap3A_18], %concatenate3A {strides = array<i32>} : memref<10240x64xf32, #tpu.memory_space<vmem>>, vector<10240x64xf32>,
    %broadcast_in_dim3A_20 = vector.shape_cast %rsqrt3A : vector<10000xf32> to vector<10000x1xf32>
    %swap3A_21 = arith.constant 0 : index
    %swap3A_22 = arith.constant 0 : index
    %swap3A_23 = vector.load %arg4[%swap3A_21, %swap3A_22] : memref<10000x1xf32, #tpu.memory_space<vmem>>, vector<10000x1xf32>
    tpu.vector_store %arg4[%swap3A_21, %swap3A_22], %broadcast_in_dim3A_20 {strides = array<i32>} : memref<10000x1xf32, #tpu.memory_space<vmem>>, vector<10000x1xf32>,
    return
  }
}

module attributes {stable_mosaic.version = 14 : i64} {
  func.func @_t2_body(%arg0: memref<10000x1xf32, #tpu.memory_space<vmem>>, %arg1: memref<2x10240x64xf32, #tpu.memory_space<vmem>>, %arg2: memref<10240x64xf32, #tpu.memory_space<vmem>>, %arg3: memref<1x64xf32, #tpu.memory_space<vmem>>, %arg4: memref<1x64xf32, #tpu.memory_space<vmem>>, %arg5: memref<1x64xf32, #tpu.memory_space<vmem>>, %arg6: memref<128x64xf32, #tpu.memory_space<vmem>>, %arg7: memref<2x10240x64xf32, #tpu.memory_space<vmem>>) attributes {dimension_semantics = [], scalar_prefetch = 0 : i64, scratch_operands = 0 : i64, tpu.core_type = #tpu.core_type<tc>} {
    %get3A = arith.constant 0 : index
    %get3A_0 = arith.constant 0 : index
    %get3A_1 = vector.load %arg0[%get3A, %get3A_0] : memref<10000x1xf32, #tpu.memory_space<vmem>>, vector<10000x1xf32>
    %get3A_2 = arith.constant 0 : index
    %get3A_3 = arith.constant 0 : index
    %get3A_4 = arith.constant 0 : index
    %get3A_5 = vector.load %arg1[%get3A_2, %get3A_3, %get3A_4] : memref<2x10240x64xf32, #tpu.memory_space<vmem>>, vector<2x10240x64xf32>
    %slice3A = vector.extract_strided_slice %get3A_5 {offsets = [0, 0, 0], sizes = [1, 10000, 64], strides = [1, 1, 1]} : vector<2x10240x64xf32> to vector<1x10000x64xf32>
    %squeeze3A = vector.shape_cast %slice3A : vector<1x10000x64xf32> to vector<10000x64xf32>
    %slice3A_6 = vector.extract_strided_slice %get3A_5 {offsets = [1, 0, 0], sizes = [1, 10000, 64], strides = [1, 1, 1]} : vector<2x10240x64xf32> to vector<1x10000x64xf32>
    %squeeze3A_7 = vector.shape_cast %slice3A_6 : vector<1x10000x64xf32> to vector<10000x64xf32>
    %add3A = arith.addf %squeeze3A, %squeeze3A_7 : vector<10000x64xf32>
    %get3A_8 = arith.constant 0 : index
    %get3A_9 = arith.constant 0 : index
    %get3A_10 = vector.load %arg2[%get3A_8, %get3A_9] : memref<10240x64xf32, #tpu.memory_space<vmem>>, vector<10000x64xf32>
    %add3A_11 = arith.addf %add3A, %get3A_10 : vector<10000x64xf32>
    %mul3A = vector.broadcast %get3A_1 : vector<10000x1xf32> to vector<10000x64xf32>
    %mul3A_12 = arith.mulf %add3A_11, %mul3A : vector<10000x64xf32>
    %get3A_13 = arith.constant 0 : index
    %get3A_14 = arith.constant 0 : index
    %get3A_15 = vector.load %arg3[%get3A_13, %get3A_14] : memref<1x64xf32, #tpu.memory_space<vmem>>, vector<1x64xf32>
    %add3A_16 = vector.broadcast %get3A_15 : vector<1x64xf32> to vector<10000x64xf32>
    %add3A_17 = arith.addf %mul3A_12, %add3A_16 : vector<10000x64xf32>
    %reduce_sum3A = arith.constant dense<0.000000e+00> : vector<64xf32>
    %reduce_sum3A_18 = vector.multi_reduction <add>, %add3A_17, %reduce_sum3A [0] : vector<10000x64xf32> to vector<64xf32>
    %div3A = arith.constant 1.000000e+04 : f32
    %div3A_19 = vector.broadcast %div3A : f32 to vector<64xf32>
    %div3A_20 = arith.divf %reduce_sum3A_18, %div3A_19 : vector<64xf32>
    %broadcast_in_dim3A = vector.shape_cast %div3A_20 : vector<64xf32> to vector<1x64xf32>
    %sub3A = vector.broadcast %broadcast_in_dim3A : vector<1x64xf32> to vector<10000x64xf32>
    %sub3A_21 = arith.subf %add3A_17, %sub3A : vector<10000x64xf32>
    %integer_pow3A = arith.mulf %sub3A_21, %sub3A_21 : vector<10000x64xf32>
    %reduce_sum3A_22 = arith.constant dense<0.000000e+00> : vector<64xf32>
    %reduce_sum3A_23 = vector.multi_reduction <add>, %integer_pow3A, %reduce_sum3A_22 [0] : vector<10000x64xf32> to vector<64xf32>
    %div3A_24 = arith.constant 1.000000e+04 : f32
    %div3A_25 = vector.broadcast %div3A_24 : f32 to vector<64xf32>
    %div3A_26 = arith.divf %reduce_sum3A_23, %div3A_25 : vector<64xf32>
    %broadcast_in_dim3A_27 = vector.shape_cast %div3A_20 : vector<64xf32> to vector<1x64xf32>
    %sub3A_28 = vector.broadcast %broadcast_in_dim3A_27 : vector<1x64xf32> to vector<10000x64xf32>
    %sub3A_29 = arith.subf %add3A_17, %sub3A_28 : vector<10000x64xf32>
    %add3A_30 = arith.constant 9.99999974E-6 : f32
    %add3A_31 = vector.broadcast %add3A_30 : f32 to vector<64xf32>
    %add3A_32 = arith.addf %div3A_26, %add3A_31 : vector<64xf32>
    %rsqrt3A = math.rsqrt %add3A_32 : vector<64xf32>
    %broadcast_in_dim3A_33 = vector.shape_cast %rsqrt3A : vector<64xf32> to vector<1x64xf32>
    %mul3A_34 = vector.broadcast %broadcast_in_dim3A_33 : vector<1x64xf32> to vector<10000x64xf32>
    %mul3A_35 = arith.mulf %sub3A_29, %mul3A_34 : vector<10000x64xf32>
    %get3A_36 = arith.constant 0 : index
    %get3A_37 = arith.constant 0 : index
    %get3A_38 = vector.load %arg4[%get3A_36, %get3A_37] : memref<1x64xf32, #tpu.memory_space<vmem>>, vector<1x64xf32>
    %mul3A_39 = vector.broadcast %get3A_38 : vector<1x64xf32> to vector<10000x64xf32>
    %mul3A_40 = arith.mulf %mul3A_35, %mul3A_39 : vector<10000x64xf32>
    %get3A_41 = arith.constant 0 : index
    %get3A_42 = arith.constant 0 : index
    %get3A_43 = vector.load %arg5[%get3A_41, %get3A_42] : memref<1x64xf32, #tpu.memory_space<vmem>>, vector<1x64xf32>
    %add3A_44 = vector.broadcast %get3A_43 : vector<1x64xf32> to vector<10000x64xf32>
    %add3A_45 = arith.addf %mul3A_40, %add3A_44 : vector<10000x64xf32>
    %max3A = arith.constant 0.000000e+00 : f32
    %max3A_46 = vector.broadcast %max3A : f32 to vector<10000x64xf32>
    %max3A_47 = arith.maximumf %add3A_45, %max3A_46 : vector<10000x64xf32>
    %get3A_48 = arith.constant 0 : index
    %get3A_49 = arith.constant 0 : index
    %get3A_50 = vector.load %arg6[%get3A_48, %get3A_49] : memref<128x64xf32, #tpu.memory_space<vmem>>, vector<128x64xf32>
    %transpose3A = tpu.transpose %get3A_50, [1, 0] : vector<128x64xf32> -> vector<64x128xf32>
    %dot_general3A = arith.constant dense<0.000000e+00> : vector<10000x128xf32>
    %dot_general3A_51 = tpu.matmul %max3A_47, %transpose3A, %dot_general3A {dimension_numbers = #tpu.dot_dimension_numbers<[1], [0], [0], [1], [0, 0, 1, 1], [], []>, transpose_lhs_hint = false} : vector<10000x64xf32>, vector<64x128xf32>, vector<10000x128xf32> -> vector<10000x128xf32>
    %mul3A_52 = vector.broadcast %get3A_1 : vector<10000x1xf32> to vector<10000x128xf32>
    %mul3A_53 = arith.mulf %dot_general3A_51, %mul3A_52 : vector<10000x128xf32>
    %broadcast_in_dim3A_54 = arith.constant 0.000000e+00 : f32
    %broadcast_in_dim3A_55 = vector.broadcast %broadcast_in_dim3A_54 : f32 to vector<240x64xf32>
    %slice3A_56 = vector.extract_strided_slice %mul3A_53 {offsets = [0, 0], sizes = [10000, 64], strides = [1, 1]} : vector<10000x128xf32> to vector<10000x64xf32>
    %concatenate3A = tpu.concatenate %slice3A_56, %broadcast_in_dim3A_55 in 0 : vector<10000x64xf32>, vector<240x64xf32> -> vector<10240x64xf32>
    %swap3A = arith.constant 0 : index
    %swap3A_57 = arith.constant 0 : index
    %swap3A_58 = arith.constant 0 : index
    %swap3A_59 = vector.load %arg7[%swap3A, %swap3A_57, %swap3A_58] : memref<2x10240x64xf32, #tpu.memory_space<vmem>>, vector<1x10240x64xf32>
    %swap3A_60 = vector.shape_cast %swap3A_59 : vector<1x10240x64xf32> to vector<10240x64xf32>
    %swap3A_61 = vector.shape_cast %concatenate3A : vector<10240x64xf32> to vector<1x10240x64xf32>
    tpu.vector_store %arg7[%swap3A, %swap3A_57, %swap3A_58], %swap3A_61 {strides = array<i32>} : memref<2x10240x64xf32, #tpu.memory_space<vmem>>, vector<1x10240x64xf32>,
    %slice3A_62 = vector.extract_strided_slice %mul3A_53 {offsets = [0, 64], sizes = [10000, 64], strides = [1, 1]} : vector<10000x128xf32> to vector<10000x64xf32>
    %concatenate3A_63 = tpu.concatenate %slice3A_62, %broadcast_in_dim3A_55 in 0 : vector<10000x64xf32>, vector<240x64xf32> -> vector<10240x64xf32>
    %swap3A_64 = arith.constant 1 : index
    %swap3A_65 = arith.constant 0 : index
    %swap3A_66 = arith.constant 0 : index
    %swap3A_67 = vector.load %arg7[%swap3A_64, %swap3A_65, %swap3A_66] : memref<2x10240x64xf32, #tpu.memory_space<vmem>>, vector<1x10240x64xf32>
    %swap3A_68 = vector.shape_cast %swap3A_67 : vector<1x10240x64xf32> to vector<10240x64xf32>
    %swap3A_69 = vector.shape_cast %concatenate3A_63 : vector<10240x64xf32> to vector<1x10240x64xf32>
    tpu.vector_store %arg7[%swap3A_64, %swap3A_65, %swap3A_66], %swap3A_69 {strides = array<i32>} : memref<2x10240x64xf32, #tpu.memory_space<vmem>>, vector<1x10240x64xf32>,
    return
  }
}

module attributes {stable_mosaic.version = 14 : i64} {
  func.func @_t3_body(%arg0: i32, %arg1: memref<1000x1xf32, #tpu.memory_space<vmem>>, %arg2: memref<2x1000x64xf32, #tpu.memory_space<vmem>>, %arg3: memref<2x1000x64xf32, #tpu.memory_space<vmem>>, %arg4: memref<2x1000x64xf32, #tpu.memory_space<vmem>>, %arg5: memref<1x128xf32, #tpu.memory_space<vmem>>, %arg6: memref<1000x128xf32, #tpu.memory_space<vmem>>) attributes {dimension_semantics = [#tpu.dimension_semantics<arbitrary>], iteration_bounds = array<i64: 10>, scalar_prefetch = 0 : i64, scratch_operands = 0 : i64, tpu.core_type = #tpu.core_type<tc>, window_params = [{transform_indices = @transform_0, window_bounds = array<i64: 1000, 1>}, {transform_indices = @transform_1, window_bounds = array<i64: 2, 1000, 64>}, {transform_indices = @transform_2, window_bounds = array<i64: 2, 1000, 64>}, {transform_indices = @transform_3, window_bounds = array<i64: 2, 1000, 64>}, {pipeline_mode = #tpu.pipeline_mode<synchronous>, transform_indices = @transform_4, window_bounds = array<i64: 1, 128>}, {transform_indices = @transform_5, window_bounds = array<i64: 1000, 128>}]} {
    %get3A = arith.constant 0 : index
    %get3A_0 = arith.constant 0 : index
    %get3A_1 = vector.load %arg1[%get3A, %get3A_0] : memref<1000x1xf32, #tpu.memory_space<vmem>>, vector<1000x1xf32>
    %get3A_2 = arith.constant 0 : index
    %get3A_3 = arith.constant 0 : index
    %get3A_4 = arith.constant 0 : index
    %get3A_5 = vector.load %arg2[%get3A_2, %get3A_3, %get3A_4] : memref<2x1000x64xf32, #tpu.memory_space<vmem>>, vector<2x1000x64xf32>
    %get3A_6 = arith.constant 0 : index
    %get3A_7 = arith.constant 0 : index
    %get3A_8 = arith.constant 0 : index
    %get3A_9 = vector.load %arg3[%get3A_6, %get3A_7, %get3A_8] : memref<2x1000x64xf32, #tpu.memory_space<vmem>>, vector<2x1000x64xf32>
    %get3A_10 = arith.constant 0 : index
    %get3A_11 = arith.constant 0 : index
    %get3A_12 = arith.constant 0 : index
    %get3A_13 = vector.load %arg4[%get3A_10, %get3A_11, %get3A_12] : memref<2x1000x64xf32, #tpu.memory_space<vmem>>, vector<2x1000x64xf32>
    %slice3A = vector.extract_strided_slice %get3A_5 {offsets = [0, 0, 0], sizes = [1, 1000, 64], strides = [1, 1, 1]} : vector<2x1000x64xf32> to vector<1x1000x64xf32>
    %squeeze3A = vector.shape_cast %slice3A : vector<1x1000x64xf32> to vector<1000x64xf32>
    %slice3A_14 = vector.extract_strided_slice %get3A_5 {offsets = [1, 0, 0], sizes = [1, 1000, 64], strides = [1, 1, 1]} : vector<2x1000x64xf32> to vector<1x1000x64xf32>
    %squeeze3A_15 = vector.shape_cast %slice3A_14 : vector<1x1000x64xf32> to vector<1000x64xf32>
    %add3A = arith.addf %squeeze3A, %squeeze3A_15 : vector<1000x64xf32>
    %slice3A_16 = vector.extract_strided_slice %get3A_13 {offsets = [0, 0, 0], sizes = [1, 1000, 64], strides = [1, 1, 1]} : vector<2x1000x64xf32> to vector<1x1000x64xf32>
    %squeeze3A_17 = vector.shape_cast %slice3A_16 : vector<1x1000x64xf32> to vector<1000x64xf32>
    %add3A_18 = arith.addf %add3A, %squeeze3A_17 : vector<1000x64xf32>
    %mul3A = vector.broadcast %get3A_1 : vector<1000x1xf32> to vector<1000x64xf32>
    %mul3A_19 = arith.mulf %add3A_18, %mul3A : vector<1000x64xf32>
    %slice3A_20 = vector.extract_strided_slice %get3A_9 {offsets = [0, 0, 0], sizes = [1, 1000, 64], strides = [1, 1, 1]} : vector<2x1000x64xf32> to vector<1x1000x64xf32>
    %squeeze3A_21 = vector.shape_cast %slice3A_20 : vector<1x1000x64xf32> to vector<1000x64xf32>
    %slice3A_22 = vector.extract_strided_slice %get3A_9 {offsets = [1, 0, 0], sizes = [1, 1000, 64], strides = [1, 1, 1]} : vector<2x1000x64xf32> to vector<1x1000x64xf32>
    %squeeze3A_23 = vector.shape_cast %slice3A_22 : vector<1x1000x64xf32> to vector<1000x64xf32>
    %add3A_24 = arith.addf %squeeze3A_21, %squeeze3A_23 : vector<1000x64xf32>
    %slice3A_25 = vector.extract_strided_slice %get3A_13 {offsets = [1, 0, 0], sizes = [1, 1000, 64], strides = [1, 1, 1]} : vector<2x1000x64xf32> to vector<1x1000x64xf32>
    %squeeze3A_26 = vector.shape_cast %slice3A_25 : vector<1x1000x64xf32> to vector<1000x64xf32>
    %add3A_27 = arith.addf %add3A_24, %squeeze3A_26 : vector<1000x64xf32>
    %mul3A_28 = vector.broadcast %get3A_1 : vector<1000x1xf32> to vector<1000x64xf32>
    %mul3A_29 = arith.mulf %add3A_27, %mul3A_28 : vector<1000x64xf32>
    %concatenate3A = tpu.concatenate %mul3A_19, %mul3A_29 in 1 : vector<1000x64xf32>, vector<1000x64xf32> -> vector<1000x128xf32>
    %get3A_30 = arith.constant 0 : index
    %get3A_31 = arith.constant 0 : index
    %get3A_32 = vector.load %arg5[%get3A_30, %get3A_31] : memref<1x128xf32, #tpu.memory_space<vmem>>, vector<1x128xf32>
    %add3A_33 = vector.broadcast %get3A_32 : vector<1x128xf32> to vector<1000x128xf32>
    %add3A_34 = arith.addf %concatenate3A, %add3A_33 : vector<1000x128xf32>
    %swap3A = arith.constant 0 : index
    %swap3A_35 = arith.constant 0 : index
    %swap3A_36 = vector.load %arg6[%swap3A, %swap3A_35] : memref<1000x128xf32, #tpu.memory_space<vmem>>, vector<1000x128xf32>
    tpu.vector_store %arg6[%swap3A, %swap3A_35], %add3A_34 {strides = array<i32>} : memref<1000x128xf32, #tpu.memory_space<vmem>>, vector<1000x128xf32>,
    return
  }
  func.func @transform_0(%arg0: i32) -> (i32, i32) {
    %c0_i32 = arith.constant 0 : i32
    %c0_i32_0 = arith.constant 0 : i32
    return %arg0, %c0_i32 : i32, i32
  }
  func.func @transform_1(%arg0: i32) -> (i32, i32, i32) {
    %c0_i32 = arith.constant 0 : i32
    %c0_i32_0 = arith.constant 0 : i32
    %c0_i32_1 = arith.constant 0 : i32
    return %c0_i32, %arg0, %c0_i32_0 : i32, i32, i32
  }
  func.func @transform_2(%arg0: i32) -> (i32, i32, i32) {
    %c0_i32 = arith.constant 0 : i32
    %c0_i32_0 = arith.constant 0 : i32
    %c0_i32_1 = arith.constant 0 : i32
    return %c0_i32, %arg0, %c0_i32_0 : i32, i32, i32
  }
  func.func @transform_3(%arg0: i32) -> (i32, i32, i32) {
    %c0_i32 = arith.constant 0 : i32
    %c0_i32_0 = arith.constant 0 : i32
    %c0_i32_1 = arith.constant 0 : i32
    return %c0_i32, %arg0, %c0_i32_0 : i32, i32, i32
  }
  func.func @transform_4(%arg0: i32) -> (i32, i32) {
    %c0_i32 = arith.constant 0 : i32
    %c0_i32_0 = arith.constant 0 : i32
    %c0_i32_1 = arith.constant 0 : i32
    return %c0_i32, %c0_i32_0 : i32, i32
  }
  func.func @transform_5(%arg0: i32) -> (i32, i32) {
    %c0_i32 = arith.constant 0 : i32
    %c0_i32_0 = arith.constant 0 : i32
    return %arg0, %c0_i32 : i32, i32
  }
}

</mosaic_0001>

<sc_bundles>
// kernel: kernel.12.cloned.1.call-start
scs
__scs_entry_jumppad:
0x0: {  	(pc) =	sbr.rel $0x88, $3  }
0x1: {  	(tag) =	ssettag $0x0;
	lr =	simm.s32 $0x1  }
0x2: {  	[smem:$0x3F99] =	sst lr;
	_ =	strace $0xD0000000  }
0x3: {  	_ = 	snop  }
0x4: {  	_ = 	snop  }
0x5: {  	_ = 	snop  }
0x6: {  	_ = 	snop  }
0x7: {  	_ = 	snop  }
__scs_overlays_trampoline_lowered:
0x8: {  	[smem:$0x3FA8] =	sst s0  }
0x9: {  	[smem:$0x3FA9] =	sst s1  }
0xa: {  	[smem:$0x3FAA] =	sst s2  }
0xb: {  	[smem:$0x3FAB] =	sst s3  }
0xc: {  	[smem:$0x3FAC] =	sst s4  }
0xd: {  	[smem:$0x3FAD] =	sst s5  }
0xe: {  	[smem:$0x3FAE] =	sst s6  }
0xf: {  	[smem:$0x3FAF] =	sst s7  }
0x10: {  	[smem:$0x3FB0] =	sst s8  }
0x11: {  	[smem:$0x3FB1] =	sst s9;
	s0 =	simm.s32 @!p0 $0x0  }
0x12: {  	s1 =	sld [smem:$0x3F97];
	s0 =	simm.s32 @p0 $0x1  }
0x13: {  	[smem:$0x3FB2] =	sst s0;
	s0 =	simm.s32 @!p1 $0x0  }
0x14: {  	s2 =	sld [smem:$0x3F96];
	s0 =	simm.s32 @p1 $0x1  }
0x15: {  	[smem:$0x3FB3] =	sst s0;
	s0 =	simm.s32 @!p2 $0x0  }
0x16: {  	s3 =	sld [smem:$0x3FDB];
	s0 =	simm.s32 @p2 $0x1  }
0x17: {  	s4 =	simm.s32 $0x1BF5;
	[smem:$0x3FB5] =	sst s0  }
0x18: {  	s0 =	sld [smem:$0x3F98];
	_ =	swait.ge [sflag:s4], $0x0  }
0x19: {  	s7 =	sld [smem:$0x3F99]  }
0x1a: {  	s8 =	sadd.s32 $0xFFFFE003, lr  }
0x1b: {  	s9 =	sadd.s32 $0xFFFFFEF7, lr;
	s5 =	simm.s32 $0xFFFFFFFF;
	p2 =	slt.u32 s8, $0xFFFFF086  }
0x1c: {  	p1 =	slt.u32 s9, $0xF7A;
	s5 =	simm.s32 @!p2 $0x0  }
0x1d: {  	s5 =	simm.s32 @p1 $0x1;
	p0 =	seq.s32 s7, s2  }
0x1e: {  	s7 =	smul.u32 @!p0 $0xF7A, s2;
	p2 =	seq.s32 @!p0 s5, $0x0  }
0x1f: {  	s9 =	smul.u32 $0xF7A, s1;
	s8 =	simm.s32 @!p0 $0x1BF5;
	p2 =	por !p2, p0  }
0x20: {  	[sflag:s8] =	ssyncset.s32 @!p0 $0xFFFFF086;
	s6 =	sadd.s32 @!p0 s3, s7;
	s7 =	simm.s32 @!p0 $0x108  }
0x21: {  	s3 =	sadd.s32 s3, s9;
	s6 =	sadd.s32 @!p0 $0x88, s6;
	s7 =	simm.s32 @p2 $0x1082  }
0x22: {  	[simem:s7], [sflag:s8] =	dma.local @!p0 [hbm:s6], $0xF7A  }
0x23: {  	s9 =	sor.u32 $0xD0000000, s2;
	s6 =	simm.s32 $0x108;
	_ =	swait.ge @!p0 [sflag:s8], $0x0  }
0x24: {  	s3 =	sadd.s32 $0x88, s3;
	s6 =	simm.s32 @!p1 $0x1082;
	[sflag:s4] =	ssyncset.s32 $0xFFFFF086  }
0x25: {  	[simem:s6], [sflag:s4] =	dma.local [hbm:s3], $0xF7A  }
0x26: {  	[smem:$0x3F99] =	sst s1;
	(tag) =	ssettag s2;
	_ =	strace s9  }
0x27: {  	s1 =	sld [smem:$0x3FA9]  }
0x28: {  	s2 =	sld [smem:$0x3FAA]  }
0x29: {  	s4 =	sld [smem:$0x3FAC]  }
0x2a: {  	p0 =	seq.s32 s5, $0x0;
	s5 =	sld [smem:$0x3FAD]  }
0x2b: {  	s6 =	sld [smem:$0x3FAE]  }
0x2c: {  	s7 =	sld [smem:$0x3FAF]  }
0x2d: {  	s3 =	simm.s32 $0x108;
	s8 =	sld [smem:$0x3FB0]  }
0x2e: {  	s3 =	simm.s32 @!p0 $0x1082;
	s9 =	sld [smem:$0x3FB1]  }
0x2f: {  	lr =	sadd.s32 s0, s3;
	s0 =	sld [smem:$0x3FA8]  }
0x30: {  	s3 =	sld [smem:$0x3FAB]  }
0x31: {  	[smem:$0x3FB4] =	sst s10  }
0x32: {  	s10 =	sld [smem:$0x3FB2];
	_ =	sdelay $0x3  }
0x33: {  	p0 =	seq.s32 s10, $0x1;
	s10 =	sld [smem:$0x3FB4];
	_ =	sdelay $0x3  }
0x34: {  	[smem:$0x3FB4] =	sst s10  }
0x35: {  	s10 =	sld [smem:$0x3FB3];
	_ =	sdelay $0x3  }
0x36: {  	p1 =	seq.s32 s10, $0x1;
	s10 =	sld [smem:$0x3FB4];
	_ =	sdelay $0x3  }
0x37: {  	[smem:$0x3FB4] =	sst s10  }
0x38: {  	s10 =	sld [smem:$0x3FB5]  }
0x39: {  	_ = 	snop;
	(pc) =	sbr.ind lr, $3  }
0x3a: {  	_ = 	snop  }
0x3b: {  	_ = 	snop  }
0x3c: {  	p2 =	seq.s32 s10, $0x1;
	s10 =	sld [smem:$0x3FB4]  }
0x3d: {  	_ =	shalt  }
0x3e: {  	_ =	shalt  }
0x3f: {  	_ =	shalt  }
0x40: {  	_ =	shalt  }
0x41: {  	_ =	shalt  }
0x42: {  	_ =	shalt  }
0x43: {  	_ =	shalt  }
0x44: {  	_ =	shalt  }
0x45: {  	_ =	shalt  }
0x46: {  	_ =	shalt  }
0x47: {  	_ =	shalt  }
0x48: {  	_ =	shalt  }
0x49: {  	_ =	shalt  }
0x4a: {  	_ =	shalt  }
0x4b: {  	_ =	shalt  }
0x4c: {  	_ =	shalt  }
0x4d: {  	_ =	shalt  }
0x4e: {  	_ =	shalt  }
0x4f: {  	_ =	shalt  }
0x50: {  	_ =	shalt  }
0x51: {  	_ =	shalt  }
0x52: {  	_ =	shalt  }
0x53: {  	_ =	shalt  }
0x54: {  	_ =	shalt  }
0x55: {  	_ =	shalt  }
0x56: {  	_ =	shalt  }
0x57: {  	_ =	shalt  }
0x58: {  	_ =	shalt  }
0x59: {  	_ =	shalt  }
0x5a: {  	_ =	shalt  }
0x5b: {  	_ =	shalt  }
0x5c: {  	_ =	shalt  }
0x5d: {  	_ =	shalt  }
0x5e: {  	_ =	shalt  }
0x5f: {  	_ =	shalt  }
0x60: {  	_ =	shalt  }
0x61: {  	_ =	shalt  }
0x62: {  	_ =	shalt  }
0x63: {  	_ =	shalt  }
0x64: {  	_ =	shalt  }
0x65: {  	_ =	shalt  }
0x66: {  	_ =	shalt  }
0x67: {  	_ =	shalt  }
0x68: {  	_ =	shalt  }
0x69: {  	_ =	shalt  }
0x6a: {  	_ =	shalt  }
0x6b: {  	_ =	shalt  }
0x6c: {  	_ =	shalt  }
0x6d: {  	_ =	shalt  }
0x6e: {  	_ =	shalt  }
0x6f: {  	_ =	shalt  }
0x70: {  	_ =	shalt  }
0x71: {  	_ =	shalt  }
0x72: {  	_ =	shalt  }
0x73: {  	_ =	shalt  }
0x74: {  	_ =	shalt  }
0x75: {  	_ =	shalt  }
0x76: {  	_ =	shalt  }
0x77: {  	_ =	shalt  }
0x78: {  	_ =	shalt  }
0x79: {  	_ =	shalt  }
0x7a: {  	_ =	shalt  }
0x7b: {  	_ =	shalt  }
0x7c: {  	_ =	shalt  }
0x7d: {  	_ =	shalt  }
0x7e: {  	_ =	shalt  }
0x7f: {  	_ =	shalt  }
0x80: {  	_ =	shalt  }
0x81: {  	_ =	shalt  }
0x82: {  	_ =	shalt  }
0x83: {  	_ =	shalt  }
0x84: {  	_ =	shalt  }
0x85: {  	_ =	shalt  }
0x86: {  	_ =	shalt  }
0x87: {  	_ =	shalt  }
.Lfunc_end0:
.L_simem_size_0:
called_computation.1_lowered:
.L_overlay_start_0:
0x88: {  	s2 =	sld [smem:$0x3FD9]  }
0x89: {  	s3 =	sld [smem:$0x3FFE];
	_ =	sdelay $0x1  }
0x8a: {  	s1 =	srdreg.scid  }
0x8b: {  	s0 =	sand.u32 $0x1, s1  }
0x8c: {  	s16 =	sshll.u32 s0, $0xA;
	s2 =	sadd.s32 s3, s2  }
0x8d: {  	s2 =	sadd.s32 s2, s16  }
0x8e: {  	[smem:$0x3FC0] =	sst s2  }
0x8f: {  	_ = 	snop  }
0x90: {  	(tm) =	ssettm $0x1  }
0x91: {  	s17 =	sld [smem:$0x3FFB];
	_ =	sdelay $0x3  }
0x92: {  	_ =	strace s17  }
0x93: {  	s2 =	sld [smem:$0x3FFC];
	_ =	sdelay $0x3  }
0x94: {  	_ =	strace s2  }
0x95: {  	s2 =	sld [smem:$0x3FFD];
	_ =	sdelay $0x3  }
0x96: {  	_ =	strace s2  }
0x97: {  	_ =	strace $0x8FFFFFFF  }
0x98: {  	s18 =	sld [smem:$0x3FDB];
	_ =	sdelay $0x1  }
0x99: {  	s19 =	simm.s32 $_scs_section_size  }
0x9a: {  	s4 =	simm.s32 $_size__tile_overlayer_lowered;
	s5 =	simm.s32 $_tile_overlayer_lowered  }
0x9b: {  	s22 =	simm.s32 $0x1BFF;
	s21 =	sshll.u32 s5, $0x1;
	s2 =	sadd.s32 s19, s18  }
0x9c: {  	s6 =	simm.s32 $0x0;
	s20 =	sshll.u32 s4, $0x1;
	s4 =	sadd.s32 s21, s2  }
0x9d: {  	[timem:s6], [sflag:s22] =	dma.local [hbm:s4], s20  }
0x9e: {  	_ =	swait.ge [sflag:s22], s20  }
0x9f: {  	s3 =	ssub.s32 $0x0, s20;
	[sflag:s22] =	ssyncset.done $0x0  }
0xa0: {  	[sflag:s22] =	ssyncadd.s32 s3;
	_ =	sdelay $0x1  }
0xa1: {  	s23 =	simm.s32 $0x1B8B  }
0xa2: {  	_ =	swait.ge [sflag:s23], $0x1  }
0xa3: {  	[sflag:s23] =	ssyncset.done $0x0  }
0xa4: {  	s25 =	simm.s32 $0x1B8E;
	s24 =	sld [smem:$0x3FFE];
	[sflag:s23] =	ssyncadd.s32 $0xFFFFFFFF  }
0xa5: {  	s26 =	simm.s32 $execute0_lowered;
	[smem:$0x3FD2] =	sst s25  }
0xa6: {  	s4 =	sshll.u32 s26, $0x1;
	_ =	strace $0x80000049;
	[dreg:$0x1] =	wrdreg $0xFFFFFFFF  }
0xa7: {  	s28 =	simm.s32 $_size_execute0_lowered;
	s2 =	sadd.s32 s2, s4;
	[dreg:$0x0] =	wrdreg $0x0  }
0xa8: {  	s4 =	sshll.u32 s28, $0x1;
	[dreg:$0x2] =	wrdreg s2  }
0xa9: {  	[dreg:$0x3] =	wrdreg s4  }
0xaa: {  	[dreg:$0x4] =	wrdreg $0xC0  }
0xab: {  	_ =	task [dreg:s6], $0x5FFFF  }
0xac: {  	[dreg:$0x1] =	wrdreg $0xFFFFFFFF  }
0xad: {  	[dreg:$0x0] =	wrdreg $0x60  }
0xae: {  	[dreg:$0x2] =	wrdreg s24  }
0xaf: {  	[dreg:$0x3] =	wrdreg $0xB1000  }
0xb0: {  	[dreg:$0x4] =	wrdreg $0x151000  }
0xb1: {  	[dreg:$0x5] =	wrdreg $0x9  }
0xb2: {  	_ =	task.clear_ibuf [dreg:s6], $0x6FFFF;
	_ =	strace $0x90000049  }
0xb3: {  	s29 =	simm.s32 $0x9;
	_ =	strace $0x8000004B  }
0xb4: {  	_ =	swait.ge [sflag:s29], $0x1  }
0xb5: {  	[sflag:s29] =	ssyncadd.s32 $0xFFFFFFFF  }
0xb6: {  	_ =	strace $0x9000004B  }
0xb7: {  	_ =	sfence  }
0xb8: {  	s30 =	sld [smem:$0x0];
	_ =	sdelay $0x2  }
0xb9: {  	s31 =	sshll.u32 s1, $0xD;
	s1 =	sshrl.u32 s1, $0x2  }
0xba: {  	s3 =	sand.u32 $0x4000, s31;
	s1 =	sadd.s32 s1, s30  }
0xbb: {  	s0 =	sor.u32 s3, s0;
	s1 =	sshll.u32 s1, $0x11  }
0xbc: {  	s0 =	sor.u32 s1, s0  }
0xbd: {  	s0 =	sadd.s32 $0x8F2B, s0  }
0xbe: {  	[sflag:s0] =	ssyncadd.remote.s32 $0x1  }
0xbf: {  	_ =	sfence.sel $0xFFFF  }
0xc0: {  	[dreg:$0x0] =	wrdreg $0xFFFFFFFF;
	(pc) =	sbr.abs _section_cstart, $3  }
0xc1: {  	[dreg:$0x1] =	wrdreg $0xFFFFFFFF  }
0xc2: {  	_ =	task.clear_ibuf [dreg:s6], $0x2FFFF;
	_ =	strace $0x9FFFFFFF  }
0xc3: {  	(tm) =	ssettm $0x7FFFFFFF  }
tec
execute0_lowered:
.L_overlay_start_1:
0x0: {  	(tag) =	ssettag $0x1  }
0x1: {  	s0 =	rddreg [dreg:$0x0]  }
0x2: {  	s2 =	rddreg [dreg:$0x1]  }
0x3: {  	s3 =	rddreg [dreg:$0x2];
	s4 =	simm.s32 $0x0  }
0x4: {  	s10 =	stileid.u32;
	s8 =	srdreg.scid;
	s28 =	simm.s32 $0x80  }
0x5: {  	s29 =	simm.s32 $0x7100;
	s31 =	simm.s32 $0x9100;
	s1 =	smul.u32 $0xA000, s10  }
0x6: {  	s30 =	simm.s32 $0x3;
	[smem:$0x7FF] =	sst s4;
	s5 =	smul.u32 $0x4E0, s10  }
0x7: {  	s7 =	smul.u32 $0x510, s10;
	s14 =	sand.u32 $0x1, s8;
	s23 =	sshll.u32 s10, $0x6  }
0x8: {  	_ =	strace $0x8000004A;
	s8 =	ssub.s32 $0x2, s14;
	p0 =	seq.s32 s14, $0x0  }
0x9: {  	s19 =	smul.u32 $0xA0000, s14;
	s6 =	sshrl.u32 s1, $0x3;
	s13 =	sadd.s32 s5, s0  }
0xa: {  	s7 =	sadd.s32 s7, s0;
	s9 =	sshrl.u32 s8, $0x1;
	s5 =	simm.s32 $0x4E  }
0xb: {  	s16 =	sadd.s32 s1, s2;
	s17 =	sadd.s32 $0x2000, s1;
	s24 =	sadd.s32 $0x4000, s1  }
0xc: {  	s18 =	sadd.s32 $0x6000, s1;
	s20 =	sadd.s32 $0x8000, s1;
	s6 =	sadd.s32 s6, s0  }
0xd: {  	s0 =	sadd.s32 $0x2AC00, s0;
	s15 =	ssub.s32 s8, s9;
	s5 =	simm.s32 @!p0 $0x51  }
0xe: {  	s8 =	sadd.s32 s1, s3;
	s9 =	sadd.s32 s17, s3;
	s10 =	sadd.s32 s24, s3  }
0xf: {  	s11 =	sadd.s32 s18, s3;
	s12 =	sadd.s32 s20, s3;
	s21 =	sadd.s32 $0xCC00, s7  }
0x10: {  	s1 =	sadd.s32 s1, s19;
	s7 =	sadd.s32 $0x2C00, s7;
	s25 =	sadd.s32 s19, s17  }
0x11: {  	s26 =	sadd.s32 s19, s18;
	p0 =	sne.s32 s14, $0x0;
	[dreg:$0x6] =	wrdreg s21  }
0x12: {  	s6 =	sadd.s32 $0x16C00, s6;
	[dreg:$0x7] =	wrdreg s7;
	s1 =	sshrl.u32 s1, $0x3  }
0x13: {  	s18 =	smul.u32 $0x56, s5;
	s21 =	sadd.s32 $0x7E00, s13;
	[dreg:$0x4] =	wrdreg s6  }
0x14: {  	s6 =	sor.u32 $0x1C04, s23;
	s1 =	sadd.s32 s0, s1;
	s23 =	sshrl.u32 s26, $0x3  }
0x15: {  	[dreg:$0x5] =	wrdreg s6;
	s6 =	sadd.s32 s19, s24;
	s19 =	sadd.s32 s19, s20  }
0x16: {  	[dreg:$0x8] =	wrdreg s1;
	s20 =	sshrl.u32 s25, $0x3;
	s24 =	sadd.s32 s0, s23  }
0x17: {  	s26 =	sshrl.u32 s18, $0x8;
	s1 =	sadd.s32 s0, s20;
	s22 =	sshrl.u32 s6, $0x3  }
0x18: {  	[dreg:$0xb] =	wrdreg s24;
	s25 =	sshrl.u32 s19, $0x3;
	s20 =	sadd.s32 $0x11E00, s13  }
0x19: {  	s23 =	smul.u32 $0x600, s26;
	s24 =	sshrl.u32 s16, $0x3;
	s26 =	simm.s32 $0x5100  }
0x1a: {  	s6 =	simm.s32 $0x0;
	[dreg:$0x9] =	wrdreg s1;
	s1 =	sadd.s32 s0, s22  }
0x1b: {  	s19 =	sadd.s32 s0, s25;
	s22 =	smax.u32 s15, $0x1;
	s25 =	simm.s32 $0x4  }
0x1c: {  	v0 =	vimm.f32 $0.0e+00;
	s0 =	simm.s32 $0x1;
	[dreg:$0xa] =	wrdreg s1;
	s1 =	simm.s32 $0x2  }
.LBB2_1:
0x1d: {  	s13 =	simm.s32 $0x100;
	s7 =	simm.s32 $0x0  }
.LBB2_2:
0x1e: {  	p1 =	sne.s32 s13, $0x7F00;
	[tilespmem:s7+$0x5130] =	vst v0;
	s14 =	smov.u32 s13;
	s13 =	sadd.s32 $0x100, s13  }
.Ltmp0:
0x1f: {  	[tilespmem:s7+$0x5120] =	vst v0;
	(pc) =	sbr.rel @p1 .LBB2_2-.Ltmp0, $3  }
0x20: {  	[tilespmem:s7+$0x5100] =	vst v0  }
0x21: {  	[tilespmem:s7+$0x5110] =	vst v0;
	_ =	sdelay $0x1  }
0x22: {  	s7 =	sshra.s32 s14, $0x2  }
0x23: {  	[tilespmem:s7+$0x5130] =	vst v0  }
0x24: {  	[tilespmem:s7+$0x5120] =	vst v0  }
0x25: {  	[tilespmem:s7+$0x5100] =	vst v0;
	s18 =	rddreg [dreg:$0x4]  }
0x26: {  	[tilespmem:s7+$0x5110] =	vst v0;
	s13 =	rddreg [dreg:$0x5]  }
0x27: {  	[spmem:s24], [sflag:s13] =	dma.local [hbm:s18], $0x1400  }
0x28: {  	_ =	swait.ge [sflag:s25], $0x1400  }
0x29: {  	[sflag:s25] =	ssyncset.done $0x0  }
0x2a: {  	[sflag:s25] =	ssyncadd.s32 $0xFFFFEC00  }
0x2b: {  	[spmem:s8] =	stream.linear.scatter [tilespmem:s26], [sflag:$0x4], $0x2000, $0x38;
	[tilespmem:$0x1F100] =	vst v63  }
0x2c: {  	_ =	swait.ge [sflag:s25], $0x2000  }
0x2d: {  	[sflag:s25] =	ssyncset.done $0x0  }
0x2e: {  	[sflag:s25] =	ssyncadd.s32 $0xFFFFE000  }
0x2f: {  	[spmem:s9] =	stream.linear.scatter [tilespmem:s26], [sflag:$0x4], $0x2000, $0x38;
	[tilespmem:$0x1F100] =	vst v63  }
0x30: {  	_ =	swait.ge [sflag:s25], $0x2000  }
0x31: {  	[sflag:s25] =	ssyncset.done $0x0  }
0x32: {  	[sflag:s25] =	ssyncadd.s32 $0xFFFFE000  }
0x33: {  	[spmem:s10] =	stream.linear.scatter [tilespmem:s26], [sflag:$0x4], $0x2000, $0x38;
	[tilespmem:$0x1F100] =	vst v63  }
0x34: {  	_ =	swait.ge [sflag:s25], $0x2000  }
0x35: {  	[sflag:s25] =	ssyncset.done $0x0  }
0x36: {  	[sflag:s25] =	ssyncadd.s32 $0xFFFFE000  }
0x37: {  	[spmem:s11] =	stream.linear.scatter [tilespmem:s26], [sflag:$0x4], $0x2000, $0x38;
	[tilespmem:$0x1F100] =	vst v63  }
0x38: {  	_ =	swait.ge [sflag:s25], $0x2000  }
0x39: {  	[sflag:s25] =	ssyncset.done $0x0  }
0x3a: {  	[sflag:s25] =	ssyncadd.s32 $0xFFFFE000  }
0x3b: {  	[spmem:s12] =	stream.linear.scatter [tilespmem:s26], [sflag:$0x4], $0x2000, $0x38;
	[tilespmem:$0x1F100] =	vst v63  }
0x3c: {  	_ =	swait.ge [sflag:s25], $0x2000  }
0x3d: {  	[sflag:s25] =	ssyncset.done $0x0  }
0x3e: {  	[sflag:s25] =	ssyncadd.s32 $0xFFFFE000  }
0x3f: {  	[bflag:$0x0] =	sbarrier.arrive $0xFFFF  }
0x40: {  	s7 =	simm.s32 @p0 $0x0;
	s13 =	rddreg [dreg:$0x6]  }
0x41: {  	[tilespmem:s7], [sflag:$0x4] =	stream.linear.gather @p0 [hbm4b:s13+s7], $0x2880, $0x38;
	[tilespmem:$0x1F100] =	vst v63  }
0x42: {  	s13 =	simm.s32 @p0 $0x4  }
0x43: {  	_ =	swait.ge @p0 [sflag:s13], $0x2880  }
0x44: {  	[sflag:s13] =	ssyncset.done @p0 $0x0  }
0x45: {  	s14 =	simm.s32 @p0 $0x2880;
	s15 =	rddreg [dreg:$0x7];
	[sflag:s13] =	ssyncadd.s32 @p0 $0xFFFFD780  }
0x46: {  	[tilespmem:s14], [sflag:$0x4] =	stream.linear.gather @p0 [hbm4b:s15+s7], $0x2880, $0x38;
	[tilespmem:$0x1F100] =	vst v63  }
0x47: {  	_ =	swait.ge @p0 [sflag:s13], $0x2880  }
0x48: {  	[sflag:s13] =	ssyncset.done @p0 $0x0  }
0x49: {  	s7 =	simm.s32 @!p0 $0x0;
	[sflag:s13] =	ssyncadd.s32 @p0 $0xFFFFD780;
	s13 =	simm.s32 @!p0 $0x4  }
0x4a: {  	[tilespmem:s7], [sflag:$0x4] =	stream.linear.gather @!p0 [hbm4b:s20+s7], $0x2700, $0x38;
	[tilespmem:$0x1F100] =	vst v63  }
0x4b: {  	_ =	swait.ge @!p0 [sflag:s13], $0x2700  }
0x4c: {  	[sflag:s13] =	ssyncset.done @!p0 $0x0  }
0x4d: {  	s14 =	simm.s32 @!p0 $0x2880;
	[sflag:s13] =	ssyncadd.s32 @!p0 $0xFFFFD900  }
0x4e: {  	[tilespmem:s14], [sflag:$0x4] =	stream.linear.gather @!p0 [hbm4b:s21+s7], $0x2700, $0x38;
	[tilespmem:$0x1F100] =	vst v63  }
0x4f: {  	_ =	swait.ge @!p0 [sflag:s13], $0x2700  }
0x50: {  	[sflag:s13] =	ssyncset.done @!p0 $0x0  }
0x51: {  	s14 =	simm.s32 $0x0;
	[sflag:s13] =	ssyncadd.s32 @!p0 $0xFFFFD900  }
0x52: {  	[tilespmem:s26], [sflag:$0x1] =	stream.indirect.gather [spmem:s2], $0x40, s14, s28, $0xb8;
	[tilespmem:$0x1F100] =	vst v63  }
0x53: {  	_ = 	snop  }
0x54: {  	[tilespmem:s29], [sflag:$0x2] =	stream.indirect.gather [spmem:s2], $0x40, s28, s28, $0xb8;
	[tilespmem:$0x1F100] =	vst v63  }
0x55: {  	s15 =	simm.s32 $0x100  }
0x56: {  	[tilespmem:s31], [sflag:$0x3] =	stream.indirect.gather [spmem:s2], $0x40, s15, s28, $0xb8;
	[tilespmem:$0x1F100] =	vst v63  }
0x57: {  	_ =	swait.ge [sflag:s0], $0x2000  }
0x58: {  	[sflag:s0] =	ssyncset.done $0x0  }
0x59: {  	s16 =	simm.s32 $0x2880;
	[sflag:s0] =	ssyncadd.s32 $0xFFFFE000  }
0x5a: {  	[spmem:s3] =	stream.indirect.scatter.add.f32 [tilespmem:s26], [sflag:$0x4], $0x40, s16, s28, $0xb8;
	[tilespmem:$0x1F100] =	vst v63  }
0x5b: {  	p1 =	sle.u32 s5, $0x3;
	_ =	swait.ge [sflag:s25], $0x2000  }
0x5c: {  	s7 =	simm.s32 @!p1 $0x5100;
	[sflag:s25] =	ssyncset.done $0x0  }
0x5d: {  	s13 =	simm.s32 @!p1 $0x180;
	s14 =	simm.s32 @!p1 $0x80;
	[sflag:s25] =	ssyncadd.s32 $0xFFFFE000  }
0x5e: {  	[tilespmem:s7], [sflag:$0x1] =	stream.indirect.gather @!p1 [spmem:s2], $0x40, s13, s14, $0xb8;
	[tilespmem:$0x1F100] =	vst v63  }
0x5f: {  	_ =	swait.ge [sflag:s1], $0x2000  }
0x60: {  	[sflag:s1] =	ssyncset.done $0x0  }
0x61: {  	s17 =	simm.s32 $0x2900;
	[sflag:s1] =	ssyncadd.s32 $0xFFFFE000  }
0x62: {  	[spmem:s3] =	stream.indirect.scatter.add.f32 [tilespmem:s29], [sflag:$0x4], $0x40, s17, s28, $0xb8;
	[tilespmem:$0x1F100] =	vst v63  }
0x63: {  	p1 =	sle.u32 s5, $0x4;
	_ =	swait.ge [sflag:s25], $0x2000  }
0x64: {  	s7 =	simm.s32 @!p1 $0x7100;
	[sflag:s25] =	ssyncset.done $0x0  }
0x65: {  	s13 =	simm.s32 @!p1 $0x200;
	s14 =	simm.s32 @!p1 $0x80;
	[sflag:s25] =	ssyncadd.s32 $0xFFFFE000  }
0x66: {  	[tilespmem:s7], [sflag:$0x2] =	stream.indirect.gather @!p1 [spmem:s2], $0x40, s13, s14, $0xb8;
	[tilespmem:$0x1F100] =	vst v63  }
0x67: {  	_ =	swait.ge [sflag:s30], $0x2000  }
0x68: {  	p2 =	sle.u32 s5, $0x5;
	p1 =	sne.s32 s23, $0x600;
	[sflag:s30] =	ssyncset.done $0x0  }
.Ltmp1:
0x69: {  	s18 =	simm.s32 $0x2980;
	[sflag:s30] =	ssyncadd.s32 $0xFFFFE000;
	(pc) =	sbr.rel @!p1 .LBB2_5-.Ltmp1, $4  }
0x6a: {  	[spmem:s3] =	stream.indirect.scatter.add.f32 [tilespmem:s31], [sflag:$0x4], $0x40, s18, s28, $0xb8;
	[tilespmem:$0x1F100] =	vst v63  }
0x6b: {  	s15 =	simm.s32 @!p2 $0x280;
	_ =	swait.ge [sflag:s25], $0x2000  }
0x6c: {  	s16 =	simm.s32 @!p2 $0x80;
	s7 =	simm.s32 $0x600;
	[sflag:s25] =	ssyncset.done $0x0  }
0x6d: {  	s13 =	simm.s32 $0x8;
	s14 =	simm.s32 @!p2 $0x9100;
	[sflag:s25] =	ssyncadd.s32 $0xFFFFE000  }
.LBB2_4:
0x6e: {  	[tilespmem:s14], [sflag:$0x3] =	stream.indirect.gather @!p2 [spmem:s2], $0x40, s15, s16, $0xb8;
	[tilespmem:$0x1F100] =	vst v63  }
0x6f: {  	s14 =	smov.u32 s7;
	s7 =	sadd.s32 $0x600, s7;
	_ =	swait.ge [sflag:s0], $0x2000  }
0x70: {  	s15 =	sshra.s32 s14, $0x2;
	p1 =	sne.s32 s23, s7;
	[sflag:s0] =	ssyncset.done $0x0  }
0x71: {  	s17 =	sadd.s32 $0xFFFFFFFE, s13;
	s16 =	sadd.s32 $0x2880, s15;
	[sflag:s0] =	ssyncadd.s32 $0xFFFFE000  }
0x72: {  	[spmem:s3] =	stream.indirect.scatter.add.f32 [tilespmem:s26], [sflag:$0x4], $0x40, s16, s28, $0xb8;
	[tilespmem:$0x1F100] =	vst v63  }
0x73: {  	p2 =	sge.u32 s17, s5;
	_ =	swait.ge [sflag:s25], $0x2000  }
0x74: {  	s17 =	simm.s32 @!p2 $0x5100;
	s16 =	sshra.s32 @!p2 s14, $0x2;
	[sflag:s25] =	ssyncset.done $0x0  }
0x75: {  	s18 =	simm.s32 @!p2 $0x80;
	s16 =	sadd.s32 @!p2 $0x180, s16;
	[sflag:s25] =	ssyncadd.s32 $0xFFFFE000  }
0x76: {  	[tilespmem:s17], [sflag:$0x1] =	stream.indirect.gather @!p2 [spmem:s2], $0x40, s16, s18, $0xb8;
	[tilespmem:$0x1F100] =	vst v63  }
0x77: {  	_ =	swait.ge [sflag:s1], $0x2000  }
0x78: {  	[sflag:s1] =	ssyncset.done $0x0  }
0x79: {  	s16 =	sadd.s32 $0x2900, s15;
	s17 =	sadd.s32 $0xFFFFFFFF, s13;
	[sflag:s1] =	ssyncadd.s32 $0xFFFFE000  }
0x7a: {  	[spmem:s3] =	stream.indirect.scatter.add.f32 [tilespmem:s29], [sflag:$0x4], $0x40, s16, s28, $0xb8;
	[tilespmem:$0x1F100] =	vst v63  }
0x7b: {  	p2 =	sge.u32 s17, s5;
	_ =	swait.ge [sflag:s25], $0x2000  }
0x7c: {  	s17 =	simm.s32 @!p2 $0x7100;
	s16 =	sshra.s32 @!p2 s14, $0x2;
	[sflag:s25] =	ssyncset.done $0x0  }
0x7d: {  	s18 =	simm.s32 @!p2 $0x80;
	s16 =	sadd.s32 @!p2 $0x200, s16;
	[sflag:s25] =	ssyncadd.s32 $0xFFFFE000  }
0x7e: {  	[tilespmem:s17], [sflag:$0x2] =	stream.indirect.gather @!p2 [spmem:s2], $0x40, s16, s18, $0xb8;
	[tilespmem:$0x1F100] =	vst v63  }
0x7f: {  	_ =	swait.ge [sflag:s30], $0x2000  }
0x80: {  	[sflag:s30] =	ssyncset.done $0x0  }
.Ltmp2:
0x81: {  	s15 =	sadd.s32 $0x2980, s15;
	[sflag:s30] =	ssyncadd.s32 $0xFFFFE000;
	(pc) =	sbr.rel @p1 .LBB2_4-.Ltmp2, $4  }
0x82: {  	[spmem:s3] =	stream.indirect.scatter.add.f32 [tilespmem:s31], [sflag:$0x4], $0x40, s15, s28, $0xb8;
	[tilespmem:$0x1F100] =	vst v63  }
0x83: {  	p2 =	sge.u32 s13, s5;
	s13 =	sadd.s32 $0x3, s13;
	_ =	swait.ge [sflag:s25], $0x2000  }
0x84: {  	s15 =	sshra.s32 @!p2 s14, $0x2;
	s14 =	simm.s32 @!p2 $0x9100;
	[sflag:s25] =	ssyncset.done $0x0  }
0x85: {  	s16 =	simm.s32 @!p2 $0x80;
	s15 =	sadd.s32 @!p2 $0x280, s15;
	[sflag:s25] =	ssyncadd.s32 $0xFFFFE000  }
.LBB2_5:
0x86: {  	[tilespmem:s14], [sflag:$0x3] =	stream.indirect.gather @!p2 [spmem:s2], $0x40, s15, s16, $0xb8;
	[tilespmem:$0x1F100] =	vst v63  }
0x87: {  	[bflag:$0x0] =	sbarrier.arrive $0xFFFF  }
0x88: {  	[tilespmem:s26], [sflag:$0x4] =	stream.linear.gather [spmem:s8], $0x2000, $0x38;
	[tilespmem:$0x1F100] =	vst v63  }
0x89: {  	_ =	swait.ge [sflag:s25], $0x2000  }
0x8a: {  	[sflag:s25] =	ssyncset.done $0x0  }
0x8b: {  	s7 =	rddreg [dreg:$0x8];
	[sflag:s25] =	ssyncadd.s32 $0xFFFFE000  }
0x8c: {  	[hbm4b:s7+s4] =	stream.linear.scatter [tilespmem:s26], [sflag:$0x4], $0x2000, $0x38;
	[tilespmem:$0x1F100] =	vst v63  }
0x8d: {  	_ =	swait.ge [sflag:s25], $0x2000  }
0x8e: {  	[sflag:s25] =	ssyncset.done $0x0  }
0x8f: {  	[sflag:s25] =	ssyncadd.s32 $0xFFFFE000  }
0x90: {  	[tilespmem:s26], [sflag:$0x4] =	stream.linear.gather [spmem:s9], $0x2000, $0x38;
	[tilespmem:$0x1F100] =	vst v63  }
0x91: {  	_ =	swait.ge [sflag:s25], $0x2000  }
0x92: {  	[sflag:s25] =	ssyncset.done $0x0  }
0x93: {  	s16 =	rddreg [dreg:$0x9];
	[sflag:s25] =	ssyncadd.s32 $0xFFFFE000  }
0x94: {  	[hbm4b:s16+s4] =	stream.linear.scatter [tilespmem:s26], [sflag:$0x4], $0x2000, $0x38;
	[tilespmem:$0x1F100] =	vst v63  }
0x95: {  	_ =	swait.ge [sflag:s25], $0x2000  }
0x96: {  	[sflag:s25] =	ssyncset.done $0x0  }
0x97: {  	[sflag:s25] =	ssyncadd.s32 $0xFFFFE000  }
0x98: {  	[tilespmem:s26], [sflag:$0x4] =	stream.linear.gather [spmem:s10], $0x2000, $0x38;
	[tilespmem:$0x1F100] =	vst v63  }
0x99: {  	_ =	swait.ge [sflag:s25], $0x2000  }
0x9a: {  	[sflag:s25] =	ssyncset.done $0x0  }
0x9b: {  	s17 =	rddreg [dreg:$0xa];
	[sflag:s25] =	ssyncadd.s32 $0xFFFFE000  }
0x9c: {  	[hbm4b:s17+s4] =	stream.linear.scatter [tilespmem:s26], [sflag:$0x4], $0x2000, $0x38;
	[tilespmem:$0x1F100] =	vst v63  }
0x9d: {  	_ =	swait.ge [sflag:s25], $0x2000  }
0x9e: {  	[sflag:s25] =	ssyncset.done $0x0  }
0x9f: {  	[sflag:s25] =	ssyncadd.s32 $0xFFFFE000  }
0xa0: {  	[tilespmem:s26], [sflag:$0x4] =	stream.linear.gather [spmem:s11], $0x2000, $0x38;
	[tilespmem:$0x1F100] =	vst v63  }
0xa1: {  	_ =	swait.ge [sflag:s25], $0x2000  }
0xa2: {  	[sflag:s25] =	ssyncset.done $0x0  }
0xa3: {  	s18 =	rddreg [dreg:$0xb];
	[sflag:s25] =	ssyncadd.s32 $0xFFFFE000  }
0xa4: {  	[hbm4b:s18+s4] =	stream.linear.scatter [tilespmem:s26], [sflag:$0x4], $0x2000, $0x38;
	[tilespmem:$0x1F100] =	vst v63  }
0xa5: {  	_ =	swait.ge [sflag:s25], $0x2000  }
0xa6: {  	[sflag:s25] =	ssyncset.done $0x0  }
0xa7: {  	[sflag:s25] =	ssyncadd.s32 $0xFFFFE000  }
0xa8: {  	[tilespmem:s26], [sflag:$0x4] =	stream.linear.gather [spmem:s12], $0x2000, $0x38;
	[tilespmem:$0x1F100] =	vst v63  }
0xa9: {  	s6 =	sadd.s32 $0x1, s6;
	_ =	swait.ge [sflag:s25], $0x2000  }
0xaa: {  	p1 =	sne.s32 s6, s22;
	[sflag:s25] =	ssyncset.done $0x0  }
.Ltmp3:
0xab: {  	[sflag:s25] =	ssyncadd.s32 $0xFFFFE000;
	(pc) =	sbr.rel @p1 .LBB2_1-.Ltmp3, $4  }
0xac: {  	[hbm4b:s19+s4] =	stream.linear.scatter [tilespmem:s26], [sflag:$0x4], $0x2000, $0x38;
	[tilespmem:$0x1F100] =	vst v63  }
0xad: {  	_ =	swait.ge [sflag:s25], $0x2000  }
0xae: {  	[sflag:s25] =	ssyncset.done $0x0  }
0xaf: {  	[sflag:s25] =	ssyncadd.s32 $0xFFFFE000  }
0xb0: {  	_ =	sfence.sel $0x180000  }
0xb1: {  	[bflag:$0x0] =	sbarrier.arrive $0xFFFF  }
0xb2: {  	_ =	strace $0x9000004A  }
0xb3: {  	s0 =	stileid.u32;
	[bflag:$0x2] =	sbarrier.arrive $0xFFFF  }
0xb4: {  	p0 =	sne.s32 s0, $0x0;
	s0 =	rddreg [dreg:$0x3]  }
0xb5: {  	s0 =	sadd.s32 @!p0 $0x100000, s0  }
0xb6: {  	[sflag:s0] =	ssyncadd.tile.s32 @!p0 $0x1;
	_ =	shalt  }
.Lfunc_end2:
_tile_overlayer_lowered:
.L_overlay_start_2:
0xb7: {  	(tag) =	ssettag $0x2  }
0xb8: {  	s0 =	rddreg [dreg:$0x0];
	s2 =	stileid.u32  }
0xb9: {  	s1 =	rddreg [dreg:$0x1];
	p0 =	sne.s32 s2, $0x0  }
0xba: {  	s3 =	rddreg [dreg:$0x2];
	[bflag:$0x3] =	sbarrier.arrive $0xFFFF;
	s2 =	simm.s32 @!p0 $0x1C04  }
0xbb: {  	[timem:s3], [sflag:s2] =	dma.local @!p0 [hbm:s0], s1  }
0xbc: {  	s0 =	simm.s32 @!p0 $0x4  }
0xbd: {  	_ =	swait.ge @!p0 [sflag:s0], s1  }
0xbe: {  	s1 =	ssub.s32 @!p0 $0x0, s1;
	[sflag:s0] =	ssyncset.done @!p0 $0x0  }
0xbf: {  	[sflag:s0] =	ssyncadd.s32 @!p0 s1  }
0xc0: {  	[bflag:$0x3] =	sbarrier.arrive $0xFFFF  }
0xc1: {  	_ =	shalt  }

// kernel: kernel.15.cloned.1.call-start
scs
__scs_entry_jumppad:
0x0: {  	(pc) =	sbr.rel $0x88, $3  }
0x1: {  	(tag) =	ssettag $0x0;
	lr =	simm.s32 $0x1  }
0x2: {  	[smem:$0x3F99] =	sst lr;
	_ =	strace $0xD0000000  }
0x3: {  	_ = 	snop  }
0x4: {  	_ = 	snop  }
0x5: {  	_ = 	snop  }
0x6: {  	_ = 	snop  }
0x7: {  	_ = 	snop  }
__scs_overlays_trampoline_lowered:
0x8: {  	[smem:$0x3FA8] =	sst s0  }
0x9: {  	[smem:$0x3FA9] =	sst s1  }
0xa: {  	[smem:$0x3FAA] =	sst s2  }
0xb: {  	[smem:$0x3FAB] =	sst s3  }
0xc: {  	[smem:$0x3FAC] =	sst s4  }
0xd: {  	[smem:$0x3FAD] =	sst s5  }
0xe: {  	[smem:$0x3FAE] =	sst s6  }
0xf: {  	[smem:$0x3FAF] =	sst s7  }
0x10: {  	[smem:$0x3FB0] =	sst s8  }
0x11: {  	[smem:$0x3FB1] =	sst s9;
	s0 =	simm.s32 @!p0 $0x0  }
0x12: {  	s1 =	sld [smem:$0x3F97];
	s0 =	simm.s32 @p0 $0x1  }
0x13: {  	[smem:$0x3FB2] =	sst s0;
	s0 =	simm.s32 @!p1 $0x0  }
0x14: {  	s2 =	sld [smem:$0x3F96];
	s0 =	simm.s32 @p1 $0x1  }
0x15: {  	[smem:$0x3FB3] =	sst s0;
	s0 =	simm.s32 @!p2 $0x0  }
0x16: {  	s3 =	sld [smem:$0x3FDB];
	s0 =	simm.s32 @p2 $0x1  }
0x17: {  	s4 =	simm.s32 $0x1BF5;
	[smem:$0x3FB5] =	sst s0  }
0x18: {  	s0 =	sld [smem:$0x3F98];
	_ =	swait.ge [sflag:s4], $0x0  }
0x19: {  	s7 =	sld [smem:$0x3F99]  }
0x1a: {  	s8 =	sadd.s32 $0xFFFFE003, lr  }
0x1b: {  	s9 =	sadd.s32 $0xFFFFFEF7, lr;
	s5 =	simm.s32 $0xFFFFFFFF;
	p2 =	slt.u32 s8, $0xFFFFF086  }
0x1c: {  	p1 =	slt.u32 s9, $0xF7A;
	s5 =	simm.s32 @!p2 $0x0  }
0x1d: {  	s5 =	simm.s32 @p1 $0x1;
	p0 =	seq.s32 s7, s2  }
0x1e: {  	s7 =	smul.u32 @!p0 $0xF7A, s2;
	p2 =	seq.s32 @!p0 s5, $0x0  }
0x1f: {  	s9 =	smul.u32 $0xF7A, s1;
	s8 =	simm.s32 @!p0 $0x1BF5;
	p2 =	por !p2, p0  }
0x20: {  	[sflag:s8] =	ssyncset.s32 @!p0 $0xFFFFF086;
	s6 =	sadd.s32 @!p0 s3, s7;
	s7 =	simm.s32 @!p0 $0x108  }
0x21: {  	s3 =	sadd.s32 s3, s9;
	s6 =	sadd.s32 @!p0 $0x88, s6;
	s7 =	simm.s32 @p2 $0x1082  }
0x22: {  	[simem:s7], [sflag:s8] =	dma.local @!p0 [hbm:s6], $0xF7A  }
0x23: {  	s9 =	sor.u32 $0xD0000000, s2;
	s6 =	simm.s32 $0x108;
	_ =	swait.ge @!p0 [sflag:s8], $0x0  }
0x24: {  	s3 =	sadd.s32 $0x88, s3;
	s6 =	simm.s32 @!p1 $0x1082;
	[sflag:s4] =	ssyncset.s32 $0xFFFFF086  }
0x25: {  	[simem:s6], [sflag:s4] =	dma.local [hbm:s3], $0xF7A  }
0x26: {  	[smem:$0x3F99] =	sst s1;
	(tag) =	ssettag s2;
	_ =	strace s9  }
0x27: {  	s1 =	sld [smem:$0x3FA9]  }
0x28: {  	s2 =	sld [smem:$0x3FAA]  }
0x29: {  	s4 =	sld [smem:$0x3FAC]  }
0x2a: {  	p0 =	seq.s32 s5, $0x0;
	s5 =	sld [smem:$0x3FAD]  }
0x2b: {  	s6 =	sld [smem:$0x3FAE]  }
0x2c: {  	s7 =	sld [smem:$0x3FAF]  }
0x2d: {  	s3 =	simm.s32 $0x108;
	s8 =	sld [smem:$0x3FB0]  }
0x2e: {  	s3 =	simm.s32 @!p0 $0x1082;
	s9 =	sld [smem:$0x3FB1]  }
0x2f: {  	lr =	sadd.s32 s0, s3;
	s0 =	sld [smem:$0x3FA8]  }
0x30: {  	s3 =	sld [smem:$0x3FAB]  }
0x31: {  	[smem:$0x3FB4] =	sst s10  }
0x32: {  	s10 =	sld [smem:$0x3FB2];
	_ =	sdelay $0x3  }
0x33: {  	p0 =	seq.s32 s10, $0x1;
	s10 =	sld [smem:$0x3FB4];
	_ =	sdelay $0x3  }
0x34: {  	[smem:$0x3FB4] =	sst s10  }
0x35: {  	s10 =	sld [smem:$0x3FB3];
	_ =	sdelay $0x3  }
0x36: {  	p1 =	seq.s32 s10, $0x1;
	s10 =	sld [smem:$0x3FB4];
	_ =	sdelay $0x3  }
0x37: {  	[smem:$0x3FB4] =	sst s10  }
0x38: {  	s10 =	sld [smem:$0x3FB5]  }
0x39: {  	_ = 	snop;
	(pc) =	sbr.ind lr, $3  }
0x3a: {  	_ = 	snop  }
0x3b: {  	_ = 	snop  }
0x3c: {  	p2 =	seq.s32 s10, $0x1;
	s10 =	sld [smem:$0x3FB4]  }
0x3d: {  	_ =	shalt  }
0x3e: {  	_ =	shalt  }
0x3f: {  	_ =	shalt  }
0x40: {  	_ =	shalt  }
0x41: {  	_ =	shalt  }
0x42: {  	_ =	shalt  }
0x43: {  	_ =	shalt  }
0x44: {  	_ =	shalt  }
0x45: {  	_ =	shalt  }
0x46: {  	_ =	shalt  }
0x47: {  	_ =	shalt  }
0x48: {  	_ =	shalt  }
0x49: {  	_ =	shalt  }
0x4a: {  	_ =	shalt  }
0x4b: {  	_ =	shalt  }
0x4c: {  	_ =	shalt  }
0x4d: {  	_ =	shalt  }
0x4e: {  	_ =	shalt  }
0x4f: {  	_ =	shalt  }
0x50: {  	_ =	shalt  }
0x51: {  	_ =	shalt  }
0x52: {  	_ =	shalt  }
0x53: {  	_ =	shalt  }
0x54: {  	_ =	shalt  }
0x55: {  	_ =	shalt  }
0x56: {  	_ =	shalt  }
0x57: {  	_ =	shalt  }
0x58: {  	_ =	shalt  }
0x59: {  	_ =	shalt  }
0x5a: {  	_ =	shalt  }
0x5b: {  	_ =	shalt  }
0x5c: {  	_ =	shalt  }
0x5d: {  	_ =	shalt  }
0x5e: {  	_ =	shalt  }
0x5f: {  	_ =	shalt  }
0x60: {  	_ =	shalt  }
0x61: {  	_ =	shalt  }
0x62: {  	_ =	shalt  }
0x63: {  	_ =	shalt  }
0x64: {  	_ =	shalt  }
0x65: {  	_ =	shalt  }
0x66: {  	_ =	shalt  }
0x67: {  	_ =	shalt  }
0x68: {  	_ =	shalt  }
0x69: {  	_ =	shalt  }
0x6a: {  	_ =	shalt  }
0x6b: {  	_ =	shalt  }
0x6c: {  	_ =	shalt  }
0x6d: {  	_ =	shalt  }
0x6e: {  	_ =	shalt  }
0x6f: {  	_ =	shalt  }
0x70: {  	_ =	shalt  }
0x71: {  	_ =	shalt  }
0x72: {  	_ =	shalt  }
0x73: {  	_ =	shalt  }
0x74: {  	_ =	shalt  }
0x75: {  	_ =	shalt  }
0x76: {  	_ =	shalt  }
0x77: {  	_ =	shalt  }
0x78: {  	_ =	shalt  }
0x79: {  	_ =	shalt  }
0x7a: {  	_ =	shalt  }
0x7b: {  	_ =	shalt  }
0x7c: {  	_ =	shalt  }
0x7d: {  	_ =	shalt  }
0x7e: {  	_ =	shalt  }
0x7f: {  	_ =	shalt  }
0x80: {  	_ =	shalt  }
0x81: {  	_ =	shalt  }
0x82: {  	_ =	shalt  }
0x83: {  	_ =	shalt  }
0x84: {  	_ =	shalt  }
0x85: {  	_ =	shalt  }
0x86: {  	_ =	shalt  }
0x87: {  	_ =	shalt  }
.Lfunc_end0:
.L_simem_size_0:
called_computation.2_lowered:
.L_overlay_start_0:
0x88: {  	s2 =	sld [smem:$0x3FD9]  }
0x89: {  	s3 =	sld [smem:$0x3FFE];
	_ =	sdelay $0x1  }
0x8a: {  	s1 =	srdreg.scid  }
0x8b: {  	s0 =	sand.u32 $0x1, s1  }
0x8c: {  	s16 =	sshll.u32 s0, $0xA;
	s2 =	sadd.s32 s3, s2  }
0x8d: {  	s2 =	sadd.s32 s2, s16  }
0x8e: {  	[smem:$0x3FC0] =	sst s2  }
0x8f: {  	_ = 	snop  }
0x90: {  	(tm) =	ssettm $0x1  }
0x91: {  	s17 =	sld [smem:$0x3FFB];
	_ =	sdelay $0x3  }
0x92: {  	_ =	strace s17  }
0x93: {  	s2 =	sld [smem:$0x3FFC];
	_ =	sdelay $0x3  }
0x94: {  	_ =	strace s2  }
0x95: {  	s2 =	sld [smem:$0x3FFD];
	_ =	sdelay $0x3  }
0x96: {  	_ =	strace s2  }
0x97: {  	_ =	strace $0x8FFFFFFF  }
0x98: {  	s18 =	sld [smem:$0x3FDB];
	_ =	sdelay $0x1  }
0x99: {  	s19 =	simm.s32 $_scs_section_size  }
0x9a: {  	s4 =	simm.s32 $_size__tile_overlayer_lowered;
	s5 =	simm.s32 $_tile_overlayer_lowered  }
0x9b: {  	s22 =	simm.s32 $0x1BFF;
	s21 =	sshll.u32 s5, $0x1;
	s2 =	sadd.s32 s19, s18  }
0x9c: {  	s6 =	simm.s32 $0x0;
	s20 =	sshll.u32 s4, $0x1;
	s4 =	sadd.s32 s21, s2  }
0x9d: {  	[timem:s6], [sflag:s22] =	dma.local [hbm:s4], s20  }
0x9e: {  	_ =	swait.ge [sflag:s22], s20  }
0x9f: {  	s3 =	ssub.s32 $0x0, s20;
	[sflag:s22] =	ssyncset.done $0x0  }
0xa0: {  	[sflag:s22] =	ssyncadd.s32 s3;
	_ =	sdelay $0x1  }
0xa1: {  	s23 =	simm.s32 $0x1B8B  }
0xa2: {  	_ =	swait.ge [sflag:s23], $0x1  }
0xa3: {  	[sflag:s23] =	ssyncset.done $0x0  }
0xa4: {  	s25 =	simm.s32 $0x1B8E;
	s24 =	sld [smem:$0x3FFE];
	[sflag:s23] =	ssyncadd.s32 $0xFFFFFFFF  }
0xa5: {  	s26 =	simm.s32 $execute0_lowered;
	[smem:$0x3FD2] =	sst s25  }
0xa6: {  	s4 =	sshll.u32 s26, $0x1;
	_ =	strace $0x8000004C;
	[dreg:$0x1] =	wrdreg $0xFFFFFFFF  }
0xa7: {  	s28 =	simm.s32 $_size_execute0_lowered;
	s2 =	sadd.s32 s2, s4;
	[dreg:$0x0] =	wrdreg $0x0  }
0xa8: {  	s4 =	sshll.u32 s28, $0x1;
	[dreg:$0x2] =	wrdreg s2  }
0xa9: {  	[dreg:$0x3] =	wrdreg s4  }
0xaa: {  	[dreg:$0x4] =	wrdreg $0xC0  }
0xab: {  	_ =	task [dreg:s6], $0x5FFFF  }
0xac: {  	[dreg:$0x1] =	wrdreg $0xFFFFFFFF  }
0xad: {  	[dreg:$0x0] =	wrdreg $0x60  }
0xae: {  	[dreg:$0x2] =	wrdreg s24  }
0xaf: {  	[dreg:$0x3] =	wrdreg $0xB1000  }
0xb0: {  	[dreg:$0x4] =	wrdreg $0x151000  }
0xb1: {  	[dreg:$0x5] =	wrdreg $0x9  }
0xb2: {  	_ =	task.clear_ibuf [dreg:s6], $0x6FFFF;
	_ =	strace $0x9000004C  }
0xb3: {  	s29 =	simm.s32 $0x9;
	_ =	strace $0x8000004E  }
0xb4: {  	_ =	swait.ge [sflag:s29], $0x1  }
0xb5: {  	[sflag:s29] =	ssyncadd.s32 $0xFFFFFFFF  }
0xb6: {  	_ =	strace $0x9000004E  }
0xb7: {  	_ =	sfence  }
0xb8: {  	s30 =	sld [smem:$0x0];
	_ =	sdelay $0x2  }
0xb9: {  	s31 =	sshll.u32 s1, $0xD;
	s1 =	sshrl.u32 s1, $0x2  }
0xba: {  	s3 =	sand.u32 $0x4000, s31;
	s1 =	sadd.s32 s1, s30  }
0xbb: {  	s0 =	sor.u32 s3, s0;
	s1 =	sshll.u32 s1, $0x11  }
0xbc: {  	s0 =	sor.u32 s1, s0  }
0xbd: {  	s0 =	sadd.s32 $0x8F2B, s0  }
0xbe: {  	[sflag:s0] =	ssyncadd.remote.s32 $0x1  }
0xbf: {  	_ =	sfence.sel $0xFFFF  }
0xc0: {  	[dreg:$0x0] =	wrdreg $0xFFFFFFFF;
	(pc) =	sbr.abs _section_cstart, $3  }
0xc1: {  	[dreg:$0x1] =	wrdreg $0xFFFFFFFF  }
0xc2: {  	_ =	task.clear_ibuf [dreg:s6], $0x2FFFF;
	_ =	strace $0x9FFFFFFF  }
0xc3: {  	(tm) =	ssettm $0x7FFFFFFF  }
tec
execute0_lowered:
.L_overlay_start_1:
0x0: {  	(tag) =	ssettag $0x1  }
0x1: {  	s0 =	rddreg [dreg:$0x0]  }
0x2: {  	s2 =	rddreg [dreg:$0x1]  }
0x3: {  	s3 =	rddreg [dreg:$0x2];
	s4 =	simm.s32 $0x0  }
0x4: {  	s10 =	stileid.u32;
	s8 =	srdreg.scid;
	s28 =	simm.s32 $0x80  }
0x5: {  	s29 =	simm.s32 $0x7100;
	s31 =	simm.s32 $0x9100;
	s1 =	smul.u32 $0xA000, s10  }
0x6: {  	s30 =	simm.s32 $0x3;
	[smem:$0x7FF] =	sst s4;
	s5 =	smul.u32 $0x4E0, s10  }
0x7: {  	s7 =	smul.u32 $0x510, s10;
	s14 =	sand.u32 $0x1, s8;
	s23 =	sshll.u32 s10, $0x6  }
0x8: {  	_ =	strace $0x8000004D;
	s8 =	ssub.s32 $0x2, s14;
	p0 =	seq.s32 s14, $0x0  }
0x9: {  	s19 =	smul.u32 $0xA0000, s14;
	s6 =	sshrl.u32 s1, $0x3;
	s13 =	sadd.s32 s5, s0  }
0xa: {  	s7 =	sadd.s32 s7, s0;
	s9 =	sshrl.u32 s8, $0x1;
	s5 =	simm.s32 $0x4E  }
0xb: {  	s16 =	sadd.s32 s1, s2;
	s17 =	sadd.s32 $0x2000, s1;
	s24 =	sadd.s32 $0x4000, s1  }
0xc: {  	s18 =	sadd.s32 $0x6000, s1;
	s20 =	sadd.s32 $0x8000, s1;
	s6 =	sadd.s32 s6, s0  }
0xd: {  	s0 =	sadd.s32 $0x7AC00, s0;
	s15 =	ssub.s32 s8, s9;
	s5 =	simm.s32 @!p0 $0x51  }
0xe: {  	s8 =	sadd.s32 s1, s3;
	s9 =	sadd.s32 s17, s3;
	s10 =	sadd.s32 s24, s3  }
0xf: {  	s11 =	sadd.s32 s18, s3;
	s12 =	sadd.s32 s20, s3;
	s21 =	sadd.s32 $0xCC00, s7  }
0x10: {  	s1 =	sadd.s32 s1, s19;
	s7 =	sadd.s32 $0x2C00, s7;
	s25 =	sadd.s32 s19, s17  }
0x11: {  	s26 =	sadd.s32 s19, s18;
	p0 =	sne.s32 s14, $0x0;
	[dreg:$0x6] =	wrdreg s21  }
0x12: {  	s6 =	sadd.s32 $0x66C00, s6;
	[dreg:$0x7] =	wrdreg s7;
	s1 =	sshrl.u32 s1, $0x3  }
0x13: {  	s18 =	smul.u32 $0x56, s5;
	s21 =	sadd.s32 $0x7E00, s13;
	[dreg:$0x4] =	wrdreg s6  }
0x14: {  	s6 =	sor.u32 $0x1C04, s23;
	s1 =	sadd.s32 s0, s1;
	s23 =	sshrl.u32 s26, $0x3  }
0x15: {  	[dreg:$0x5] =	wrdreg s6;
	s6 =	sadd.s32 s19, s24;
	s19 =	sadd.s32 s19, s20  }
0x16: {  	[dreg:$0x8] =	wrdreg s1;
	s20 =	sshrl.u32 s25, $0x3;
	s24 =	sadd.s32 s0, s23  }
0x17: {  	s26 =	sshrl.u32 s18, $0x8;
	s1 =	sadd.s32 s0, s20;
	s22 =	sshrl.u32 s6, $0x3  }
0x18: {  	[dreg:$0xb] =	wrdreg s24;
	s25 =	sshrl.u32 s19, $0x3;
	s20 =	sadd.s32 $0x11E00, s13  }
0x19: {  	s23 =	smul.u32 $0x600, s26;
	s24 =	sshrl.u32 s16, $0x3;
	s26 =	simm.s32 $0x5100  }
0x1a: {  	s6 =	simm.s32 $0x0;
	[dreg:$0x9] =	wrdreg s1;
	s1 =	sadd.s32 s0, s22  }
0x1b: {  	s19 =	sadd.s32 s0, s25;
	s22 =	smax.u32 s15, $0x1;
	s25 =	simm.s32 $0x4  }
0x1c: {  	v0 =	vimm.f32 $0.0e+00;
	s0 =	simm.s32 $0x1;
	[dreg:$0xa] =	wrdreg s1;
	s1 =	simm.s32 $0x2  }
.LBB2_1:
0x1d: {  	s13 =	simm.s32 $0x100;
	s7 =	simm.s32 $0x0  }
.LBB2_2:
0x1e: {  	p1 =	sne.s32 s13, $0x7F00;
	[tilespmem:s7+$0x5130] =	vst v0;
	s14 =	smov.u32 s13;
	s13 =	sadd.s32 $0x100, s13  }
.Ltmp0:
0x1f: {  	[tilespmem:s7+$0x5120] =	vst v0;
	(pc) =	sbr.rel @p1 .LBB2_2-.Ltmp0, $3  }
0x20: {  	[tilespmem:s7+$0x5100] =	vst v0  }
0x21: {  	[tilespmem:s7+$0x5110] =	vst v0;
	_ =	sdelay $0x1  }
0x22: {  	s7 =	sshra.s32 s14, $0x2  }
0x23: {  	[tilespmem:s7+$0x5130] =	vst v0  }
0x24: {  	[tilespmem:s7+$0x5120] =	vst v0  }
0x25: {  	[tilespmem:s7+$0x5100] =	vst v0;
	s18 =	rddreg [dreg:$0x4]  }
0x26: {  	[tilespmem:s7+$0x5110] =	vst v0;
	s13 =	rddreg [dreg:$0x5]  }
0x27: {  	[spmem:s24], [sflag:s13] =	dma.local [hbm:s18], $0x1400  }
0x28: {  	_ =	swait.ge [sflag:s25], $0x1400  }
0x29: {  	[sflag:s25] =	ssyncset.done $0x0  }
0x2a: {  	[sflag:s25] =	ssyncadd.s32 $0xFFFFEC00  }
0x2b: {  	[spmem:s8] =	stream.linear.scatter [tilespmem:s26], [sflag:$0x4], $0x2000, $0x38;
	[tilespmem:$0x1F100] =	vst v63  }
0x2c: {  	_ =	swait.ge [sflag:s25], $0x2000  }
0x2d: {  	[sflag:s25] =	ssyncset.done $0x0  }
0x2e: {  	[sflag:s25] =	ssyncadd.s32 $0xFFFFE000  }
0x2f: {  	[spmem:s9] =	stream.linear.scatter [tilespmem:s26], [sflag:$0x4], $0x2000, $0x38;
	[tilespmem:$0x1F100] =	vst v63  }
0x30: {  	_ =	swait.ge [sflag:s25], $0x2000  }
0x31: {  	[sflag:s25] =	ssyncset.done $0x0  }
0x32: {  	[sflag:s25] =	ssyncadd.s32 $0xFFFFE000  }
0x33: {  	[spmem:s10] =	stream.linear.scatter [tilespmem:s26], [sflag:$0x4], $0x2000, $0x38;
	[tilespmem:$0x1F100] =	vst v63  }
0x34: {  	_ =	swait.ge [sflag:s25], $0x2000  }
0x35: {  	[sflag:s25] =	ssyncset.done $0x0  }
0x36: {  	[sflag:s25] =	ssyncadd.s32 $0xFFFFE000  }
0x37: {  	[spmem:s11] =	stream.linear.scatter [tilespmem:s26], [sflag:$0x4], $0x2000, $0x38;
	[tilespmem:$0x1F100] =	vst v63  }
0x38: {  	_ =	swait.ge [sflag:s25], $0x2000  }
0x39: {  	[sflag:s25] =	ssyncset.done $0x0  }
0x3a: {  	[sflag:s25] =	ssyncadd.s32 $0xFFFFE000  }
0x3b: {  	[spmem:s12] =	stream.linear.scatter [tilespmem:s26], [sflag:$0x4], $0x2000, $0x38;
	[tilespmem:$0x1F100] =	vst v63  }
0x3c: {  	_ =	swait.ge [sflag:s25], $0x2000  }
0x3d: {  	[sflag:s25] =	ssyncset.done $0x0  }
0x3e: {  	[sflag:s25] =	ssyncadd.s32 $0xFFFFE000  }
0x3f: {  	[bflag:$0x0] =	sbarrier.arrive $0xFFFF  }
0x40: {  	s7 =	simm.s32 @p0 $0x0;
	s13 =	rddreg [dreg:$0x6]  }
0x41: {  	[tilespmem:s7], [sflag:$0x4] =	stream.linear.gather @p0 [hbm4b:s13+s7], $0x2880, $0x38;
	[tilespmem:$0x1F100] =	vst v63  }
0x42: {  	s13 =	simm.s32 @p0 $0x4  }
0x43: {  	_ =	swait.ge @p0 [sflag:s13], $0x2880  }
0x44: {  	[sflag:s13] =	ssyncset.done @p0 $0x0  }
0x45: {  	s14 =	simm.s32 @p0 $0x2880;
	s15 =	rddreg [dreg:$0x7];
	[sflag:s13] =	ssyncadd.s32 @p0 $0xFFFFD780  }
0x46: {  	[tilespmem:s14], [sflag:$0x4] =	stream.linear.gather @p0 [hbm4b:s15+s7], $0x2880, $0x38;
	[tilespmem:$0x1F100] =	vst v63  }
0x47: {  	_ =	swait.ge @p0 [sflag:s13], $0x2880  }
0x48: {  	[sflag:s13] =	ssyncset.done @p0 $0x0  }
0x49: {  	s7 =	simm.s32 @!p0 $0x0;
	[sflag:s13] =	ssyncadd.s32 @p0 $0xFFFFD780;
	s13 =	simm.s32 @!p0 $0x4  }
0x4a: {  	[tilespmem:s7], [sflag:$0x4] =	stream.linear.gather @!p0 [hbm4b:s20+s7], $0x2700, $0x38;
	[tilespmem:$0x1F100] =	vst v63  }
0x4b: {  	_ =	swait.ge @!p0 [sflag:s13], $0x2700  }
0x4c: {  	[sflag:s13] =	ssyncset.done @!p0 $0x0  }
0x4d: {  	s14 =	simm.s32 @!p0 $0x2880;
	[sflag:s13] =	ssyncadd.s32 @!p0 $0xFFFFD900  }
0x4e: {  	[tilespmem:s14], [sflag:$0x4] =	stream.linear.gather @!p0 [hbm4b:s21+s7], $0x2700, $0x38;
	[tilespmem:$0x1F100] =	vst v63  }
0x4f: {  	_ =	swait.ge @!p0 [sflag:s13], $0x2700  }
0x50: {  	[sflag:s13] =	ssyncset.done @!p0 $0x0  }
0x51: {  	s14 =	simm.s32 $0x0;
	[sflag:s13] =	ssyncadd.s32 @!p0 $0xFFFFD900  }
0x52: {  	[tilespmem:s26], [sflag:$0x1] =	stream.indirect.gather [spmem:s2], $0x40, s14, s28, $0xb8;
	[tilespmem:$0x1F100] =	vst v63  }
0x53: {  	_ = 	snop  }
0x54: {  	[tilespmem:s29], [sflag:$0x2] =	stream.indirect.gather [spmem:s2], $0x40, s28, s28, $0xb8;
	[tilespmem:$0x1F100] =	vst v63  }
0x55: {  	s15 =	simm.s32 $0x100  }
0x56: {  	[tilespmem:s31], [sflag:$0x3] =	stream.indirect.gather [spmem:s2], $0x40, s15, s28, $0xb8;
	[tilespmem:$0x1F100] =	vst v63  }
0x57: {  	_ =	swait.ge [sflag:s0], $0x2000  }
0x58: {  	[sflag:s0] =	ssyncset.done $0x0  }
0x59: {  	s16 =	simm.s32 $0x2880;
	[sflag:s0] =	ssyncadd.s32 $0xFFFFE000  }
0x5a: {  	[spmem:s3] =	stream.indirect.scatter.add.f32 [tilespmem:s26], [sflag:$0x4], $0x40, s16, s28, $0xb8;
	[tilespmem:$0x1F100] =	vst v63  }
0x5b: {  	p1 =	sle.u32 s5, $0x3;
	_ =	swait.ge [sflag:s25], $0x2000  }
0x5c: {  	s7 =	simm.s32 @!p1 $0x5100;
	[sflag:s25] =	ssyncset.done $0x0  }
0x5d: {  	s13 =	simm.s32 @!p1 $0x180;
	s14 =	simm.s32 @!p1 $0x80;
	[sflag:s25] =	ssyncadd.s32 $0xFFFFE000  }
0x5e: {  	[tilespmem:s7], [sflag:$0x1] =	stream.indirect.gather @!p1 [spmem:s2], $0x40, s13, s14, $0xb8;
	[tilespmem:$0x1F100] =	vst v63  }
0x5f: {  	_ =	swait.ge [sflag:s1], $0x2000  }
0x60: {  	[sflag:s1] =	ssyncset.done $0x0  }
0x61: {  	s17 =	simm.s32 $0x2900;
	[sflag:s1] =	ssyncadd.s32 $0xFFFFE000  }
0x62: {  	[spmem:s3] =	stream.indirect.scatter.add.f32 [tilespmem:s29], [sflag:$0x4], $0x40, s17, s28, $0xb8;
	[tilespmem:$0x1F100] =	vst v63  }
0x63: {  	p1 =	sle.u32 s5, $0x4;
	_ =	swait.ge [sflag:s25], $0x2000  }
0x64: {  	s7 =	simm.s32 @!p1 $0x7100;
	[sflag:s25] =	ssyncset.done $0x0  }
0x65: {  	s13 =	simm.s32 @!p1 $0x200;
	s14 =	simm.s32 @!p1 $0x80;
	[sflag:s25] =	ssyncadd.s32 $0xFFFFE000  }
0x66: {  	[tilespmem:s7], [sflag:$0x2] =	stream.indirect.gather @!p1 [spmem:s2], $0x40, s13, s14, $0xb8;
	[tilespmem:$0x1F100] =	vst v63  }
0x67: {  	_ =	swait.ge [sflag:s30], $0x2000  }
0x68: {  	p2 =	sle.u32 s5, $0x5;
	p1 =	sne.s32 s23, $0x600;
	[sflag:s30] =	ssyncset.done $0x0  }
.Ltmp1:
0x69: {  	s18 =	simm.s32 $0x2980;
	[sflag:s30] =	ssyncadd.s32 $0xFFFFE000;
	(pc) =	sbr.rel @!p1 .LBB2_5-.Ltmp1, $4  }
0x6a: {  	[spmem:s3] =	stream.indirect.scatter.add.f32 [tilespmem:s31], [sflag:$0x4], $0x40, s18, s28, $0xb8;
	[tilespmem:$0x1F100] =	vst v63  }
0x6b: {  	s15 =	simm.s32 @!p2 $0x280;
	_ =	swait.ge [sflag:s25], $0x2000  }
0x6c: {  	s16 =	simm.s32 @!p2 $0x80;
	s7 =	simm.s32 $0x600;
	[sflag:s25] =	ssyncset.done $0x0  }
0x6d: {  	s13 =	simm.s32 $0x8;
	s14 =	simm.s32 @!p2 $0x9100;
	[sflag:s25] =	ssyncadd.s32 $0xFFFFE000  }
.LBB2_4:
0x6e: {  	[tilespmem:s14], [sflag:$0x3] =	stream.indirect.gather @!p2 [spmem:s2], $0x40, s15, s16, $0xb8;
	[tilespmem:$0x1F100] =	vst v63  }
0x6f: {  	s14 =	smov.u32 s7;
	s7 =	sadd.s32 $0x600, s7;
	_ =	swait.ge [sflag:s0], $0x2000  }
0x70: {  	s15 =	sshra.s32 s14, $0x2;
	p1 =	sne.s32 s23, s7;
	[sflag:s0] =	ssyncset.done $0x0  }
0x71: {  	s17 =	sadd.s32 $0xFFFFFFFE, s13;
	s16 =	sadd.s32 $0x2880, s15;
	[sflag:s0] =	ssyncadd.s32 $0xFFFFE000  }
0x72: {  	[spmem:s3] =	stream.indirect.scatter.add.f32 [tilespmem:s26], [sflag:$0x4], $0x40, s16, s28, $0xb8;
	[tilespmem:$0x1F100] =	vst v63  }
0x73: {  	p2 =	sge.u32 s17, s5;
	_ =	swait.ge [sflag:s25], $0x2000  }
0x74: {  	s17 =	simm.s32 @!p2 $0x5100;
	s16 =	sshra.s32 @!p2 s14, $0x2;
	[sflag:s25] =	ssyncset.done $0x0  }
0x75: {  	s18 =	simm.s32 @!p2 $0x80;
	s16 =	sadd.s32 @!p2 $0x180, s16;
	[sflag:s25] =	ssyncadd.s32 $0xFFFFE000  }
0x76: {  	[tilespmem:s17], [sflag:$0x1] =	stream.indirect.gather @!p2 [spmem:s2], $0x40, s16, s18, $0xb8;
	[tilespmem:$0x1F100] =	vst v63  }
0x77: {  	_ =	swait.ge [sflag:s1], $0x2000  }
0x78: {  	[sflag:s1] =	ssyncset.done $0x0  }
0x79: {  	s16 =	sadd.s32 $0x2900, s15;
	s17 =	sadd.s32 $0xFFFFFFFF, s13;
	[sflag:s1] =	ssyncadd.s32 $0xFFFFE000  }
0x7a: {  	[spmem:s3] =	stream.indirect.scatter.add.f32 [tilespmem:s29], [sflag:$0x4], $0x40, s16, s28, $0xb8;
	[tilespmem:$0x1F100] =	vst v63  }
0x7b: {  	p2 =	sge.u32 s17, s5;
	_ =	swait.ge [sflag:s25], $0x2000  }
0x7c: {  	s17 =	simm.s32 @!p2 $0x7100;
	s16 =	sshra.s32 @!p2 s14, $0x2;
	[sflag:s25] =	ssyncset.done $0x0  }
0x7d: {  	s18 =	simm.s32 @!p2 $0x80;
	s16 =	sadd.s32 @!p2 $0x200, s16;
	[sflag:s25] =	ssyncadd.s32 $0xFFFFE000  }
0x7e: {  	[tilespmem:s17], [sflag:$0x2] =	stream.indirect.gather @!p2 [spmem:s2], $0x40, s16, s18, $0xb8;
	[tilespmem:$0x1F100] =	vst v63  }
0x7f: {  	_ =	swait.ge [sflag:s30], $0x2000  }
0x80: {  	[sflag:s30] =	ssyncset.done $0x0  }
.Ltmp2:
0x81: {  	s15 =	sadd.s32 $0x2980, s15;
	[sflag:s30] =	ssyncadd.s32 $0xFFFFE000;
	(pc) =	sbr.rel @p1 .LBB2_4-.Ltmp2, $4  }
0x82: {  	[spmem:s3] =	stream.indirect.scatter.add.f32 [tilespmem:s31], [sflag:$0x4], $0x40, s15, s28, $0xb8;
	[tilespmem:$0x1F100] =	vst v63  }
0x83: {  	p2 =	sge.u32 s13, s5;
	s13 =	sadd.s32 $0x3, s13;
	_ =	swait.ge [sflag:s25], $0x2000  }
0x84: {  	s15 =	sshra.s32 @!p2 s14, $0x2;
	s14 =	simm.s32 @!p2 $0x9100;
	[sflag:s25] =	ssyncset.done $0x0  }
0x85: {  	s16 =	simm.s32 @!p2 $0x80;
	s15 =	sadd.s32 @!p2 $0x280, s15;
	[sflag:s25] =	ssyncadd.s32 $0xFFFFE000  }
.LBB2_5:
0x86: {  	[tilespmem:s14], [sflag:$0x3] =	stream.indirect.gather @!p2 [spmem:s2], $0x40, s15, s16, $0xb8;
	[tilespmem:$0x1F100] =	vst v63  }
0x87: {  	[bflag:$0x0] =	sbarrier.arrive $0xFFFF  }
0x88: {  	[tilespmem:s26], [sflag:$0x4] =	stream.linear.gather [spmem:s8], $0x2000, $0x38;
	[tilespmem:$0x1F100] =	vst v63  }
0x89: {  	_ =	swait.ge [sflag:s25], $0x2000  }
0x8a: {  	[sflag:s25] =	ssyncset.done $0x0  }
0x8b: {  	s7 =	rddreg [dreg:$0x8];
	[sflag:s25] =	ssyncadd.s32 $0xFFFFE000  }
0x8c: {  	[hbm4b:s7+s4] =	stream.linear.scatter [tilespmem:s26], [sflag:$0x4], $0x2000, $0x38;
	[tilespmem:$0x1F100] =	vst v63  }
0x8d: {  	_ =	swait.ge [sflag:s25], $0x2000  }
0x8e: {  	[sflag:s25] =	ssyncset.done $0x0  }
0x8f: {  	[sflag:s25] =	ssyncadd.s32 $0xFFFFE000  }
0x90: {  	[tilespmem:s26], [sflag:$0x4] =	stream.linear.gather [spmem:s9], $0x2000, $0x38;
	[tilespmem:$0x1F100] =	vst v63  }
0x91: {  	_ =	swait.ge [sflag:s25], $0x2000  }
0x92: {  	[sflag:s25] =	ssyncset.done $0x0  }
0x93: {  	s16 =	rddreg [dreg:$0x9];
	[sflag:s25] =	ssyncadd.s32 $0xFFFFE000  }
0x94: {  	[hbm4b:s16+s4] =	stream.linear.scatter [tilespmem:s26], [sflag:$0x4], $0x2000, $0x38;
	[tilespmem:$0x1F100] =	vst v63  }
0x95: {  	_ =	swait.ge [sflag:s25], $0x2000  }
0x96: {  	[sflag:s25] =	ssyncset.done $0x0  }
0x97: {  	[sflag:s25] =	ssyncadd.s32 $0xFFFFE000  }
0x98: {  	[tilespmem:s26], [sflag:$0x4] =	stream.linear.gather [spmem:s10], $0x2000, $0x38;
	[tilespmem:$0x1F100] =	vst v63  }
0x99: {  	_ =	swait.ge [sflag:s25], $0x2000  }
0x9a: {  	[sflag:s25] =	ssyncset.done $0x0  }
0x9b: {  	s17 =	rddreg [dreg:$0xa];
	[sflag:s25] =	ssyncadd.s32 $0xFFFFE000  }
0x9c: {  	[hbm4b:s17+s4] =	stream.linear.scatter [tilespmem:s26], [sflag:$0x4], $0x2000, $0x38;
	[tilespmem:$0x1F100] =	vst v63  }
0x9d: {  	_ =	swait.ge [sflag:s25], $0x2000  }
0x9e: {  	[sflag:s25] =	ssyncset.done $0x0  }
0x9f: {  	[sflag:s25] =	ssyncadd.s32 $0xFFFFE000  }
0xa0: {  	[tilespmem:s26], [sflag:$0x4] =	stream.linear.gather [spmem:s11], $0x2000, $0x38;
	[tilespmem:$0x1F100] =	vst v63  }
0xa1: {  	_ =	swait.ge [sflag:s25], $0x2000  }
0xa2: {  	[sflag:s25] =	ssyncset.done $0x0  }
0xa3: {  	s18 =	rddreg [dreg:$0xb];
	[sflag:s25] =	ssyncadd.s32 $0xFFFFE000  }
0xa4: {  	[hbm4b:s18+s4] =	stream.linear.scatter [tilespmem:s26], [sflag:$0x4], $0x2000, $0x38;
	[tilespmem:$0x1F100] =	vst v63  }
0xa5: {  	_ =	swait.ge [sflag:s25], $0x2000  }
0xa6: {  	[sflag:s25] =	ssyncset.done $0x0  }
0xa7: {  	[sflag:s25] =	ssyncadd.s32 $0xFFFFE000  }
0xa8: {  	[tilespmem:s26], [sflag:$0x4] =	stream.linear.gather [spmem:s12], $0x2000, $0x38;
	[tilespmem:$0x1F100] =	vst v63  }
0xa9: {  	s6 =	sadd.s32 $0x1, s6;
	_ =	swait.ge [sflag:s25], $0x2000  }
0xaa: {  	p1 =	sne.s32 s6, s22;
	[sflag:s25] =	ssyncset.done $0x0  }
.Ltmp3:
0xab: {  	[sflag:s25] =	ssyncadd.s32 $0xFFFFE000;
	(pc) =	sbr.rel @p1 .LBB2_1-.Ltmp3, $4  }
0xac: {  	[hbm4b:s19+s4] =	stream.linear.scatter [tilespmem:s26], [sflag:$0x4], $0x2000, $0x38;
	[tilespmem:$0x1F100] =	vst v63  }
0xad: {  	_ =	swait.ge [sflag:s25], $0x2000  }
0xae: {  	[sflag:s25] =	ssyncset.done $0x0  }
0xaf: {  	[sflag:s25] =	ssyncadd.s32 $0xFFFFE000  }
0xb0: {  	_ =	sfence.sel $0x180000  }
0xb1: {  	[bflag:$0x0] =	sbarrier.arrive $0xFFFF  }
0xb2: {  	_ =	strace $0x9000004D  }
0xb3: {  	s0 =	stileid.u32;
	[bflag:$0x2] =	sbarrier.arrive $0xFFFF  }
0xb4: {  	p0 =	sne.s32 s0, $0x0;
	s0 =	rddreg [dreg:$0x3]  }
0xb5: {  	s0 =	sadd.s32 @!p0 $0x100000, s0  }
0xb6: {  	[sflag:s0] =	ssyncadd.tile.s32 @!p0 $0x1;
	_ =	shalt  }
.Lfunc_end2:
_tile_overlayer_lowered:
.L_overlay_start_2:
0xb7: {  	(tag) =	ssettag $0x2  }
0xb8: {  	s0 =	rddreg [dreg:$0x0];
	s2 =	stileid.u32  }
0xb9: {  	s1 =	rddreg [dreg:$0x1];
	p0 =	sne.s32 s2, $0x0  }
0xba: {  	s3 =	rddreg [dreg:$0x2];
	[bflag:$0x3] =	sbarrier.arrive $0xFFFF;
	s2 =	simm.s32 @!p0 $0x1C04  }
0xbb: {  	[timem:s3], [sflag:s2] =	dma.local @!p0 [hbm:s0], s1  }
0xbc: {  	s0 =	simm.s32 @!p0 $0x4  }
0xbd: {  	_ =	swait.ge @!p0 [sflag:s0], s1  }
0xbe: {  	s1 =	ssub.s32 @!p0 $0x0, s1;
	[sflag:s0] =	ssyncset.done @!p0 $0x0  }
0xbf: {  	[sflag:s0] =	ssyncadd.s32 @!p0 s1  }
0xc0: {  	[bflag:$0x3] =	sbarrier.arrive $0xFFFF  }
0xc1: {  	_ =	shalt  }

// kernel: kernel.18.cloned.1.call-start
scs
__scs_entry_jumppad:
0x0: {  	(pc) =	sbr.rel $0x88, $3  }
0x1: {  	(tag) =	ssettag $0x0;
	lr =	simm.s32 $0x1  }
0x2: {  	[smem:$0x3F99] =	sst lr;
	_ =	strace $0xD0000000  }
0x3: {  	_ = 	snop  }
0x4: {  	_ = 	snop  }
0x5: {  	_ = 	snop  }
0x6: {  	_ = 	snop  }
0x7: {  	_ = 	snop  }
__scs_overlays_trampoline_lowered:
0x8: {  	[smem:$0x3FA8] =	sst s0  }
0x9: {  	[smem:$0x3FA9] =	sst s1  }
0xa: {  	[smem:$0x3FAA] =	sst s2  }
0xb: {  	[smem:$0x3FAB] =	sst s3  }
0xc: {  	[smem:$0x3FAC] =	sst s4  }
0xd: {  	[smem:$0x3FAD] =	sst s5  }
0xe: {  	[smem:$0x3FAE] =	sst s6  }
0xf: {  	[smem:$0x3FAF] =	sst s7  }
0x10: {  	[smem:$0x3FB0] =	sst s8  }
0x11: {  	[smem:$0x3FB1] =	sst s9;
	s0 =	simm.s32 @!p0 $0x0  }
0x12: {  	s1 =	sld [smem:$0x3F97];
	s0 =	simm.s32 @p0 $0x1  }
0x13: {  	[smem:$0x3FB2] =	sst s0;
	s0 =	simm.s32 @!p1 $0x0  }
0x14: {  	s2 =	sld [smem:$0x3F96];
	s0 =	simm.s32 @p1 $0x1  }
0x15: {  	[smem:$0x3FB3] =	sst s0;
	s0 =	simm.s32 @!p2 $0x0  }
0x16: {  	s3 =	sld [smem:$0x3FDB];
	s0 =	simm.s32 @p2 $0x1  }
0x17: {  	s4 =	simm.s32 $0x1BF5;
	[smem:$0x3FB5] =	sst s0  }
0x18: {  	s0 =	sld [smem:$0x3F98];
	_ =	swait.ge [sflag:s4], $0x0  }
0x19: {  	s7 =	sld [smem:$0x3F99]  }
0x1a: {  	s8 =	sadd.s32 $0xFFFFE003, lr  }
0x1b: {  	s9 =	sadd.s32 $0xFFFFFEF7, lr;
	s5 =	simm.s32 $0xFFFFFFFF;
	p2 =	slt.u32 s8, $0xFFFFF086  }
0x1c: {  	p1 =	slt.u32 s9, $0xF7A;
	s5 =	simm.s32 @!p2 $0x0  }
0x1d: {  	s5 =	simm.s32 @p1 $0x1;
	p0 =	seq.s32 s7, s2  }
0x1e: {  	s7 =	smul.u32 @!p0 $0xF7A, s2;
	p2 =	seq.s32 @!p0 s5, $0x0  }
0x1f: {  	s9 =	smul.u32 $0xF7A, s1;
	s8 =	simm.s32 @!p0 $0x1BF5;
	p2 =	por !p2, p0  }
0x20: {  	[sflag:s8] =	ssyncset.s32 @!p0 $0xFFFFF086;
	s6 =	sadd.s32 @!p0 s3, s7;
	s7 =	simm.s32 @!p0 $0x108  }
0x21: {  	s3 =	sadd.s32 s3, s9;
	s6 =	sadd.s32 @!p0 $0x88, s6;
	s7 =	simm.s32 @p2 $0x1082  }
0x22: {  	[simem:s7], [sflag:s8] =	dma.local @!p0 [hbm:s6], $0xF7A  }
0x23: {  	s9 =	sor.u32 $0xD0000000, s2;
	s6 =	simm.s32 $0x108;
	_ =	swait.ge @!p0 [sflag:s8], $0x0  }
0x24: {  	s3 =	sadd.s32 $0x88, s3;
	s6 =	simm.s32 @!p1 $0x1082;
	[sflag:s4] =	ssyncset.s32 $0xFFFFF086  }
0x25: {  	[simem:s6], [sflag:s4] =	dma.local [hbm:s3], $0xF7A  }
0x26: {  	[smem:$0x3F99] =	sst s1;
	(tag) =	ssettag s2;
	_ =	strace s9  }
0x27: {  	s1 =	sld [smem:$0x3FA9]  }
0x28: {  	s2 =	sld [smem:$0x3FAA]  }
0x29: {  	s4 =	sld [smem:$0x3FAC]  }
0x2a: {  	p0 =	seq.s32 s5, $0x0;
	s5 =	sld [smem:$0x3FAD]  }
0x2b: {  	s6 =	sld [smem:$0x3FAE]  }
0x2c: {  	s7 =	sld [smem:$0x3FAF]  }
0x2d: {  	s3 =	simm.s32 $0x108;
	s8 =	sld [smem:$0x3FB0]  }
0x2e: {  	s3 =	simm.s32 @!p0 $0x1082;
	s9 =	sld [smem:$0x3FB1]  }
0x2f: {  	lr =	sadd.s32 s0, s3;
	s0 =	sld [smem:$0x3FA8]  }
0x30: {  	s3 =	sld [smem:$0x3FAB]  }
0x31: {  	[smem:$0x3FB4] =	sst s10  }
0x32: {  	s10 =	sld [smem:$0x3FB2];
	_ =	sdelay $0x3  }
0x33: {  	p0 =	seq.s32 s10, $0x1;
	s10 =	sld [smem:$0x3FB4];
	_ =	sdelay $0x3  }
0x34: {  	[smem:$0x3FB4] =	sst s10  }
0x35: {  	s10 =	sld [smem:$0x3FB3];
	_ =	sdelay $0x3  }
0x36: {  	p1 =	seq.s32 s10, $0x1;
	s10 =	sld [smem:$0x3FB4];
	_ =	sdelay $0x3  }
0x37: {  	[smem:$0x3FB4] =	sst s10  }
0x38: {  	s10 =	sld [smem:$0x3FB5]  }
0x39: {  	_ = 	snop;
	(pc) =	sbr.ind lr, $3  }
0x3a: {  	_ = 	snop  }
0x3b: {  	_ = 	snop  }
0x3c: {  	p2 =	seq.s32 s10, $0x1;
	s10 =	sld [smem:$0x3FB4]  }
0x3d: {  	_ =	shalt  }
0x3e: {  	_ =	shalt  }
0x3f: {  	_ =	shalt  }
0x40: {  	_ =	shalt  }
0x41: {  	_ =	shalt  }
0x42: {  	_ =	shalt  }
0x43: {  	_ =	shalt  }
0x44: {  	_ =	shalt  }
0x45: {  	_ =	shalt  }
0x46: {  	_ =	shalt  }
0x47: {  	_ =	shalt  }
0x48: {  	_ =	shalt  }
0x49: {  	_ =	shalt  }
0x4a: {  	_ =	shalt  }
0x4b: {  	_ =	shalt  }
0x4c: {  	_ =	shalt  }
0x4d: {  	_ =	shalt  }
0x4e: {  	_ =	shalt  }
0x4f: {  	_ =	shalt  }
0x50: {  	_ =	shalt  }
0x51: {  	_ =	shalt  }
0x52: {  	_ =	shalt  }
0x53: {  	_ =	shalt  }
0x54: {  	_ =	shalt  }
0x55: {  	_ =	shalt  }
0x56: {  	_ =	shalt  }
0x57: {  	_ =	shalt  }
0x58: {  	_ =	shalt  }
0x59: {  	_ =	shalt  }
0x5a: {  	_ =	shalt  }
0x5b: {  	_ =	shalt  }
0x5c: {  	_ =	shalt  }
0x5d: {  	_ =	shalt  }
0x5e: {  	_ =	shalt  }
0x5f: {  	_ =	shalt  }
0x60: {  	_ =	shalt  }
0x61: {  	_ =	shalt  }
0x62: {  	_ =	shalt  }
0x63: {  	_ =	shalt  }
0x64: {  	_ =	shalt  }
0x65: {  	_ =	shalt  }
0x66: {  	_ =	shalt  }
0x67: {  	_ =	shalt  }
0x68: {  	_ =	shalt  }
0x69: {  	_ =	shalt  }
0x6a: {  	_ =	shalt  }
0x6b: {  	_ =	shalt  }
0x6c: {  	_ =	shalt  }
0x6d: {  	_ =	shalt  }
0x6e: {  	_ =	shalt  }
0x6f: {  	_ =	shalt  }
0x70: {  	_ =	shalt  }
0x71: {  	_ =	shalt  }
0x72: {  	_ =	shalt  }
0x73: {  	_ =	shalt  }
0x74: {  	_ =	shalt  }
0x75: {  	_ =	shalt  }
0x76: {  	_ =	shalt  }
0x77: {  	_ =	shalt  }
0x78: {  	_ =	shalt  }
0x79: {  	_ =	shalt  }
0x7a: {  	_ =	shalt  }
0x7b: {  	_ =	shalt  }
0x7c: {  	_ =	shalt  }
0x7d: {  	_ =	shalt  }
0x7e: {  	_ =	shalt  }
0x7f: {  	_ =	shalt  }
0x80: {  	_ =	shalt  }
0x81: {  	_ =	shalt  }
0x82: {  	_ =	shalt  }
0x83: {  	_ =	shalt  }
0x84: {  	_ =	shalt  }
0x85: {  	_ =	shalt  }
0x86: {  	_ =	shalt  }
0x87: {  	_ =	shalt  }
.Lfunc_end0:
.L_simem_size_0:
called_computation.3_lowered:
.L_overlay_start_0:
0x88: {  	s2 =	sld [smem:$0x3FD9]  }
0x89: {  	s3 =	sld [smem:$0x3FFE];
	_ =	sdelay $0x1  }
0x8a: {  	s1 =	srdreg.scid  }
0x8b: {  	s0 =	sand.u32 $0x1, s1  }
0x8c: {  	s17 =	sshll.u32 s0, $0xA;
	s2 =	sadd.s32 s3, s2  }
0x8d: {  	s2 =	sadd.s32 s2, s17  }
0x8e: {  	[smem:$0x3FC0] =	sst s2  }
0x8f: {  	_ = 	snop  }
0x90: {  	(tm) =	ssettm $0x1  }
0x91: {  	s18 =	sld [smem:$0x3FFB];
	_ =	sdelay $0x3  }
0x92: {  	_ =	strace s18  }
0x93: {  	s2 =	sld [smem:$0x3FFC];
	_ =	sdelay $0x3  }
0x94: {  	_ =	strace s2  }
0x95: {  	s2 =	sld [smem:$0x3FFD];
	_ =	sdelay $0x3  }
0x96: {  	_ =	strace s2  }
0x97: {  	_ =	strace $0x8FFFFFFF  }
0x98: {  	s19 =	sld [smem:$0x3FDB];
	_ =	sdelay $0x1  }
0x99: {  	s20 =	simm.s32 $_scs_section_size  }
0x9a: {  	s4 =	simm.s32 $_size__tile_overlayer_lowered;
	s5 =	simm.s32 $_tile_overlayer_lowered  }
0x9b: {  	s6 =	simm.s32 $0x1BFF;
	s21 =	sshll.u32 s5, $0x1;
	s3 =	sadd.s32 s20, s19  }
0x9c: {  	s22 =	simm.s32 $0x0;
	s4 =	sshll.u32 s4, $0x1;
	s5 =	sadd.s32 s21, s3  }
0x9d: {  	[timem:s22], [sflag:s6] =	dma.local [hbm:s5], s4  }
0x9e: {  	_ =	swait.ge [sflag:s6], s4  }
0x9f: {  	s4 =	ssub.s32 $0x0, s4;
	[sflag:s6] =	ssyncset.done $0x0  }
0xa0: {  	[sflag:s6] =	ssyncadd.s32 s4;
	_ =	sdelay $0x1  }
0xa1: {  	s23 =	simm.s32 $0x1B8B  }
0xa2: {  	_ =	swait.ge [sflag:s23], $0x1  }
0xa3: {  	[sflag:s23] =	ssyncset.done $0x0  }
0xa4: {  	[sflag:s23] =	ssyncadd.s32 $0xFFFFFFFF  }
0xa5: {  	s4 =	sld [smem:$0x0]  }
0xa6: {  	s5 =	sand.u32 $0xFFFFFFFE, s1  }
0xa7: {  	p0 =	sne.s32 s1, s5  }
0xa8: {  	s5 =	sshll.u32 @p0 s5, $0xE  }
0xa9: {  	s5 =	sadd.s32 @p0 $0x11B8D, s5;
	s6 =	sshll.u32 @p0 s4, $0x11  }
0xaa: {  	s5 =	sor.u32 @p0 s6, s5  }
0xab: {  	[sflag:s5] =	ssyncadd.remote.s32 @p0 $0x1;
	_ =	sdelay $0x1  }
0xac: {  	s5 =	simm.s32 @p0 $0x1B8D  }
0xad: {  	_ =	swait.eq @p0 [sflag:s5], $0x1  }
0xae: {  	[sflag:s5] =	ssyncadd.s32 @p0 $0xFFFFFFFF  }
0xaf: {  	s6 =	sshll.u32 @!p0 s1, $0xE  }
0xb0: {  	s6 =	sor.u32 @!p0 $0x4000, s6;
	s5 =	simm.s32 @!p0 $0x1B8D  }
0xb1: {  	s4 =	sshll.u32 @!p0 s4, $0x11;
	s6 =	sadd.s32 @!p0 $0x11B8D, s6;
	_ =	swait.eq @!p0 [sflag:s5], $0x1  }
0xb2: {  	s4 =	sor.u32 @!p0 s4, s6;
	[sflag:s5] =	ssyncadd.s32 @!p0 $0xFFFFFFFF  }
0xb3: {  	s25 =	simm.s32 $0x1B8E;
	s24 =	sld [smem:$0x3FFE];
	[sflag:s4] =	ssyncadd.remote.s32 @!p0 $0x1  }
0xb4: {  	s26 =	simm.s32 $execute0_lowered;
	[smem:$0x3FD2] =	sst s25  }
0xb5: {  	s5 =	sshll.u32 s26, $0x1;
	_ =	strace $0x8000004F;
	[dreg:$0x1] =	wrdreg $0xFFFFFFFF  }
0xb6: {  	s28 =	simm.s32 $_size_execute0_lowered;
	s3 =	sadd.s32 s3, s5;
	[dreg:$0x0] =	wrdreg $0x0  }
0xb7: {  	s5 =	sshll.u32 s28, $0x1;
	[dreg:$0x2] =	wrdreg s3  }
0xb8: {  	[dreg:$0x3] =	wrdreg s5  }
0xb9: {  	[dreg:$0x4] =	wrdreg $0xC0  }
0xba: {  	_ =	task [dreg:s22], $0x5FFFF  }
0xbb: {  	[dreg:$0x1] =	wrdreg $0xFFFFFFFF  }
0xbc: {  	[dreg:$0x0] =	wrdreg $0x60  }
0xbd: {  	[dreg:$0x2] =	wrdreg s24  }
0xbe: {  	[dreg:$0x3] =	wrdreg $0xB1000  }
0xbf: {  	[dreg:$0x4] =	wrdreg $0x151000  }
0xc0: {  	[dreg:$0x5] =	wrdreg $0xA  }
0xc1: {  	_ =	task.clear_ibuf [dreg:s22], $0x6FFFF;
	_ =	strace $0x9000004F  }
0xc2: {  	s29 =	simm.s32 $0xA;
	_ =	strace $0x80000051  }
0xc3: {  	_ =	swait.ge [sflag:s29], $0x1  }
0xc4: {  	[sflag:s29] =	ssyncadd.s32 $0xFFFFFFFF  }
0xc5: {  	_ =	strace $0x90000051  }
0xc6: {  	_ =	sfence  }
0xc7: {  	s30 =	sld [smem:$0x0];
	_ =	sdelay $0x2  }
0xc8: {  	s31 =	sshll.u32 s1, $0xD;
	s1 =	sshrl.u32 s1, $0x2  }
0xc9: {  	s4 =	sand.u32 $0x4000, s31;
	s1 =	sadd.s32 s1, s30  }
0xca: {  	s0 =	sor.u32 s4, s0;
	s1 =	sshll.u32 s1, $0x11  }
0xcb: {  	s0 =	sor.u32 s1, s0  }
0xcc: {  	s0 =	sadd.s32 $0x8F2B, s0  }
0xcd: {  	[sflag:s0] =	ssyncadd.remote.s32 $0x1  }
0xce: {  	_ =	sfence.sel $0xFFFF  }
0xcf: {  	[dreg:$0x0] =	wrdreg $0xFFFFFFFF;
	(pc) =	sbr.abs _section_cstart, $3  }
0xd0: {  	[dreg:$0x1] =	wrdreg $0xFFFFFFFF  }
0xd1: {  	_ =	task.clear_ibuf [dreg:s22], $0x2FFFF;
	_ =	strace $0x9FFFFFFF  }
0xd2: {  	(tm) =	ssettm $0x7FFFFFFF  }
0xd3: {  	_ =	shalt  }
tec
execute0_lowered:
.L_overlay_start_1:
0x0: {  	(tag) =	ssettag $0x1  }
0x1: {  	s0 =	rddreg [dreg:$0x0]  }
0x2: {  	s2 =	rddreg [dreg:$0x1]  }
0x3: {  	s3 =	rddreg [dreg:$0x2];
	s4 =	simm.s32 $0x0  }
0x4: {  	s10 =	stileid.u32;
	s8 =	srdreg.scid;
	s28 =	simm.s32 $0x80  }
0x5: {  	s29 =	simm.s32 $0x7100;
	s31 =	simm.s32 $0x9100;
	s1 =	smul.u32 $0xA000, s10  }
0x6: {  	s30 =	simm.s32 $0x3;
	[smem:$0x7FF] =	sst s4;
	s5 =	smul.u32 $0x4E0, s10  }
0x7: {  	s7 =	smul.u32 $0x510, s10;
	s14 =	sand.u32 $0x1, s8;
	s23 =	sshll.u32 s10, $0x6  }
0x8: {  	_ =	strace $0x80000050;
	s8 =	ssub.s32 $0x2, s14;
	p0 =	seq.s32 s14, $0x0  }
0x9: {  	s19 =	smul.u32 $0xA0000, s14;
	s6 =	sshrl.u32 s1, $0x3;
	s13 =	sadd.s32 s5, s0  }
0xa: {  	s7 =	sadd.s32 s7, s0;
	s9 =	sshrl.u32 s8, $0x1;
	s5 =	simm.s32 $0x4E  }
0xb: {  	s16 =	sadd.s32 s1, s2;
	s17 =	sadd.s32 $0x2000, s1;
	s24 =	sadd.s32 $0x4000, s1  }
0xc: {  	s18 =	sadd.s32 $0x6000, s1;
	s20 =	sadd.s32 $0x8000, s1;
	s6 =	sadd.s32 s6, s0  }
0xd: {  	s0 =	sadd.s32 $0xB6C00, s0;
	s15 =	ssub.s32 s8, s9;
	s5 =	simm.s32 @!p0 $0x51  }
0xe: {  	s8 =	sadd.s32 s1, s3;
	s9 =	sadd.s32 s17, s3;
	s10 =	sadd.s32 s24, s3  }
0xf: {  	s11 =	sadd.s32 s18, s3;
	s12 =	sadd.s32 s20, s3;
	s21 =	sadd.s32 $0xCC00, s7  }
0x10: {  	s1 =	sadd.s32 s1, s19;
	s7 =	sadd.s32 $0x2C00, s7;
	s25 =	sadd.s32 s19, s17  }
0x11: {  	s26 =	sadd.s32 s19, s18;
	p0 =	sne.s32 s14, $0x0;
	[dreg:$0x6] =	wrdreg s21  }
0x12: {  	s6 =	sadd.s32 $0xA2C00, s6;
	[dreg:$0x7] =	wrdreg s7;
	s1 =	sshrl.u32 s1, $0x3  }
0x13: {  	s18 =	smul.u32 $0x56, s5;
	s21 =	sadd.s32 $0x7E00, s13;
	[dreg:$0x4] =	wrdreg s6  }
0x14: {  	s6 =	sor.u32 $0x1C04, s23;
	s1 =	sadd.s32 s0, s1;
	s23 =	sshrl.u32 s26, $0x3  }
0x15: {  	[dreg:$0x5] =	wrdreg s6;
	s6 =	sadd.s32 s19, s24;
	s19 =	sadd.s32 s19, s20  }
0x16: {  	[dreg:$0x8] =	wrdreg s1;
	s20 =	sshrl.u32 s25, $0x3;
	s24 =	sadd.s32 s0, s23  }
0x17: {  	s26 =	sshrl.u32 s18, $0x8;
	s1 =	sadd.s32 s0, s20;
	s22 =	sshrl.u32 s6, $0x3  }
0x18: {  	[dreg:$0xb] =	wrdreg s24;
	s25 =	sshrl.u32 s19, $0x3;
	s20 =	sadd.s32 $0x11E00, s13  }
0x19: {  	s23 =	smul.u32 $0x600, s26;
	s24 =	sshrl.u32 s16, $0x3;
	s26 =	simm.s32 $0x5100  }
0x1a: {  	s6 =	simm.s32 $0x0;
	[dreg:$0x9] =	wrdreg s1;
	s1 =	sadd.s32 s0, s22  }
0x1b: {  	s19 =	sadd.s32 s0, s25;
	s22 =	smax.u32 s15, $0x1;
	s25 =	simm.s32 $0x4  }
0x1c: {  	v0 =	vimm.f32 $0.0e+00;
	s0 =	simm.s32 $0x1;
	[dreg:$0xa] =	wrdreg s1;
	s1 =	simm.s32 $0x2  }
.LBB2_1:
0x1d: {  	s13 =	simm.s32 $0x100;
	s7 =	simm.s32 $0x0  }
.LBB2_2:
0x1e: {  	p1 =	sne.s32 s13, $0x7F00;
	[tilespmem:s7+$0x5130] =	vst v0;
	s14 =	smov.u32 s13;
	s13 =	sadd.s32 $0x100, s13  }
.Ltmp0:
0x1f: {  	[tilespmem:s7+$0x5120] =	vst v0;
	(pc) =	sbr.rel @p1 .LBB2_2-.Ltmp0, $3  }
0x20: {  	[tilespmem:s7+$0x5100] =	vst v0  }
0x21: {  	[tilespmem:s7+$0x5110] =	vst v0;
	_ =	sdelay $0x1  }
0x22: {  	s7 =	sshra.s32 s14, $0x2  }
0x23: {  	[tilespmem:s7+$0x5130] =	vst v0  }
0x24: {  	[tilespmem:s7+$0x5120] =	vst v0  }
0x25: {  	[tilespmem:s7+$0x5100] =	vst v0;
	s18 =	rddreg [dreg:$0x4]  }
0x26: {  	[tilespmem:s7+$0x5110] =	vst v0;
	s13 =	rddreg [dreg:$0x5]  }
0x27: {  	[spmem:s24], [sflag:s13] =	dma.local [hbm:s18], $0x1400  }
0x28: {  	_ =	swait.ge [sflag:s25], $0x1400  }
0x29: {  	[sflag:s25] =	ssyncset.done $0x0  }
0x2a: {  	[sflag:s25] =	ssyncadd.s32 $0xFFFFEC00  }
0x2b: {  	[spmem:s8] =	stream.linear.scatter [tilespmem:s26], [sflag:$0x4], $0x2000, $0x38;
	[tilespmem:$0x1F100] =	vst v63  }
0x2c: {  	_ =	swait.ge [sflag:s25], $0x2000  }
0x2d: {  	[sflag:s25] =	ssyncset.done $0x0  }
0x2e: {  	[sflag:s25] =	ssyncadd.s32 $0xFFFFE000  }
0x2f: {  	[spmem:s9] =	stream.linear.scatter [tilespmem:s26], [sflag:$0x4], $0x2000, $0x38;
	[tilespmem:$0x1F100] =	vst v63  }
0x30: {  	_ =	swait.ge [sflag:s25], $0x2000  }
0x31: {  	[sflag:s25] =	ssyncset.done $0x0  }
0x32: {  	[sflag:s25] =	ssyncadd.s32 $0xFFFFE000  }
0x33: {  	[spmem:s10] =	stream.linear.scatter [tilespmem:s26], [sflag:$0x4], $0x2000, $0x38;
	[tilespmem:$0x1F100] =	vst v63  }
0x34: {  	_ =	swait.ge [sflag:s25], $0x2000  }
0x35: {  	[sflag:s25] =	ssyncset.done $0x0  }
0x36: {  	[sflag:s25] =	ssyncadd.s32 $0xFFFFE000  }
0x37: {  	[spmem:s11] =	stream.linear.scatter [tilespmem:s26], [sflag:$0x4], $0x2000, $0x38;
	[tilespmem:$0x1F100] =	vst v63  }
0x38: {  	_ =	swait.ge [sflag:s25], $0x2000  }
0x39: {  	[sflag:s25] =	ssyncset.done $0x0  }
0x3a: {  	[sflag:s25] =	ssyncadd.s32 $0xFFFFE000  }
0x3b: {  	[spmem:s12] =	stream.linear.scatter [tilespmem:s26], [sflag:$0x4], $0x2000, $0x38;
	[tilespmem:$0x1F100] =	vst v63  }
0x3c: {  	_ =	swait.ge [sflag:s25], $0x2000  }
0x3d: {  	[sflag:s25] =	ssyncset.done $0x0  }
0x3e: {  	[sflag:s25] =	ssyncadd.s32 $0xFFFFE000  }
0x3f: {  	[bflag:$0x0] =	sbarrier.arrive $0xFFFF  }
0x40: {  	s7 =	simm.s32 @p0 $0x0;
	s13 =	rddreg [dreg:$0x6]  }
0x41: {  	[tilespmem:s7], [sflag:$0x4] =	stream.linear.gather @p0 [hbm4b:s13+s7], $0x2880, $0x38;
	[tilespmem:$0x1F100] =	vst v63  }
0x42: {  	s13 =	simm.s32 @p0 $0x4  }
0x43: {  	_ =	swait.ge @p0 [sflag:s13], $0x2880  }
0x44: {  	[sflag:s13] =	ssyncset.done @p0 $0x0  }
0x45: {  	s14 =	simm.s32 @p0 $0x2880;
	s15 =	rddreg [dreg:$0x7];
	[sflag:s13] =	ssyncadd.s32 @p0 $0xFFFFD780  }
0x46: {  	[tilespmem:s14], [sflag:$0x4] =	stream.linear.gather @p0 [hbm4b:s15+s7], $0x2880, $0x38;
	[tilespmem:$0x1F100] =	vst v63  }
0x47: {  	_ =	swait.ge @p0 [sflag:s13], $0x2880  }
0x48: {  	[sflag:s13] =	ssyncset.done @p0 $0x0  }
0x49: {  	s7 =	simm.s32 @!p0 $0x0;
	[sflag:s13] =	ssyncadd.s32 @p0 $0xFFFFD780;
	s13 =	simm.s32 @!p0 $0x4  }
0x4a: {  	[tilespmem:s7], [sflag:$0x4] =	stream.linear.gather @!p0 [hbm4b:s20+s7], $0x2700, $0x38;
	[tilespmem:$0x1F100] =	vst v63  }
0x4b: {  	_ =	swait.ge @!p0 [sflag:s13], $0x2700  }
0x4c: {  	[sflag:s13] =	ssyncset.done @!p0 $0x0  }
0x4d: {  	s14 =	simm.s32 @!p0 $0x2880;
	[sflag:s13] =	ssyncadd.s32 @!p0 $0xFFFFD900  }
0x4e: {  	[tilespmem:s14], [sflag:$0x4] =	stream.linear.gather @!p0 [hbm4b:s21+s7], $0x2700, $0x38;
	[tilespmem:$0x1F100] =	vst v63  }
0x4f: {  	_ =	swait.ge @!p0 [sflag:s13], $0x2700  }
0x50: {  	[sflag:s13] =	ssyncset.done @!p0 $0x0  }
0x51: {  	s14 =	simm.s32 $0x0;
	[sflag:s13] =	ssyncadd.s32 @!p0 $0xFFFFD900  }
0x52: {  	[tilespmem:s26], [sflag:$0x1] =	stream.indirect.gather [spmem:s2], $0x40, s14, s28, $0xb8;
	[tilespmem:$0x1F100] =	vst v63  }
0x53: {  	_ = 	snop  }
0x54: {  	[tilespmem:s29], [sflag:$0x2] =	stream.indirect.gather [spmem:s2], $0x40, s28, s28, $0xb8;
	[tilespmem:$0x1F100] =	vst v63  }
0x55: {  	s15 =	simm.s32 $0x100  }
0x56: {  	[tilespmem:s31], [sflag:$0x3] =	stream.indirect.gather [spmem:s2], $0x40, s15, s28, $0xb8;
	[tilespmem:$0x1F100] =	vst v63  }
0x57: {  	_ =	swait.ge [sflag:s0], $0x2000  }
0x58: {  	[sflag:s0] =	ssyncset.done $0x0  }
0x59: {  	s16 =	simm.s32 $0x2880;
	[sflag:s0] =	ssyncadd.s32 $0xFFFFE000  }
0x5a: {  	[spmem:s3] =	stream.indirect.scatter.add.f32 [tilespmem:s26], [sflag:$0x4], $0x40, s16, s28, $0xb8;
	[tilespmem:$0x1F100] =	vst v63  }
0x5b: {  	p1 =	sle.u32 s5, $0x3;
	_ =	swait.ge [sflag:s25], $0x2000  }
0x5c: {  	s7 =	simm.s32 @!p1 $0x5100;
	[sflag:s25] =	ssyncset.done $0x0  }
0x5d: {  	s13 =	simm.s32 @!p1 $0x180;
	s14 =	simm.s32 @!p1 $0x80;
	[sflag:s25] =	ssyncadd.s32 $0xFFFFE000  }
0x5e: {  	[tilespmem:s7], [sflag:$0x1] =	stream.indirect.gather @!p1 [spmem:s2], $0x40, s13, s14, $0xb8;
	[tilespmem:$0x1F100] =	vst v63  }
0x5f: {  	_ =	swait.ge [sflag:s1], $0x2000  }
0x60: {  	[sflag:s1] =	ssyncset.done $0x0  }
0x61: {  	s17 =	simm.s32 $0x2900;
	[sflag:s1] =	ssyncadd.s32 $0xFFFFE000  }
0x62: {  	[spmem:s3] =	stream.indirect.scatter.add.f32 [tilespmem:s29], [sflag:$0x4], $0x40, s17, s28, $0xb8;
	[tilespmem:$0x1F100] =	vst v63  }
0x63: {  	p1 =	sle.u32 s5, $0x4;
	_ =	swait.ge [sflag:s25], $0x2000  }
0x64: {  	s7 =	simm.s32 @!p1 $0x7100;
	[sflag:s25] =	ssyncset.done $0x0  }
0x65: {  	s13 =	simm.s32 @!p1 $0x200;
	s14 =	simm.s32 @!p1 $0x80;
	[sflag:s25] =	ssyncadd.s32 $0xFFFFE000  }
0x66: {  	[tilespmem:s7], [sflag:$0x2] =	stream.indirect.gather @!p1 [spmem:s2], $0x40, s13, s14, $0xb8;
	[tilespmem:$0x1F100] =	vst v63  }
0x67: {  	_ =	swait.ge [sflag:s30], $0x2000  }
0x68: {  	p2 =	sle.u32 s5, $0x5;
	p1 =	sne.s32 s23, $0x600;
	[sflag:s30] =	ssyncset.done $0x0  }
.Ltmp1:
0x69: {  	s18 =	simm.s32 $0x2980;
	[sflag:s30] =	ssyncadd.s32 $0xFFFFE000;
	(pc) =	sbr.rel @!p1 .LBB2_5-.Ltmp1, $4  }
0x6a: {  	[spmem:s3] =	stream.indirect.scatter.add.f32 [tilespmem:s31], [sflag:$0x4], $0x40, s18, s28, $0xb8;
	[tilespmem:$0x1F100] =	vst v63  }
0x6b: {  	s15 =	simm.s32 @!p2 $0x280;
	_ =	swait.ge [sflag:s25], $0x2000  }
0x6c: {  	s16 =	simm.s32 @!p2 $0x80;
	s7 =	simm.s32 $0x600;
	[sflag:s25] =	ssyncset.done $0x0  }
0x6d: {  	s13 =	simm.s32 $0x8;
	s14 =	simm.s32 @!p2 $0x9100;
	[sflag:s25] =	ssyncadd.s32 $0xFFFFE000  }
.LBB2_4:
0x6e: {  	[tilespmem:s14], [sflag:$0x3] =	stream.indirect.gather @!p2 [spmem:s2], $0x40, s15, s16, $0xb8;
	[tilespmem:$0x1F100] =	vst v63  }
0x6f: {  	s14 =	smov.u32 s7;
	s7 =	sadd.s32 $0x600, s7;
	_ =	swait.ge [sflag:s0], $0x2000  }
0x70: {  	s15 =	sshra.s32 s14, $0x2;
	p1 =	sne.s32 s23, s7;
	[sflag:s0] =	ssyncset.done $0x0  }
0x71: {  	s17 =	sadd.s32 $0xFFFFFFFE, s13;
	s16 =	sadd.s32 $0x2880, s15;
	[sflag:s0] =	ssyncadd.s32 $0xFFFFE000  }
0x72: {  	[spmem:s3] =	stream.indirect.scatter.add.f32 [tilespmem:s26], [sflag:$0x4], $0x40, s16, s28, $0xb8;
	[tilespmem:$0x1F100] =	vst v63  }
0x73: {  	p2 =	sge.u32 s17, s5;
	_ =	swait.ge [sflag:s25], $0x2000  }
0x74: {  	s17 =	simm.s32 @!p2 $0x5100;
	s16 =	sshra.s32 @!p2 s14, $0x2;
	[sflag:s25] =	ssyncset.done $0x0  }
0x75: {  	s18 =	simm.s32 @!p2 $0x80;
	s16 =	sadd.s32 @!p2 $0x180, s16;
	[sflag:s25] =	ssyncadd.s32 $0xFFFFE000  }
0x76: {  	[tilespmem:s17], [sflag:$0x1] =	stream.indirect.gather @!p2 [spmem:s2], $0x40, s16, s18, $0xb8;
	[tilespmem:$0x1F100] =	vst v63  }
0x77: {  	_ =	swait.ge [sflag:s1], $0x2000  }
0x78: {  	[sflag:s1] =	ssyncset.done $0x0  }
0x79: {  	s16 =	sadd.s32 $0x2900, s15;
	s17 =	sadd.s32 $0xFFFFFFFF, s13;
	[sflag:s1] =	ssyncadd.s32 $0xFFFFE000  }
0x7a: {  	[spmem:s3] =	stream.indirect.scatter.add.f32 [tilespmem:s29], [sflag:$0x4], $0x40, s16, s28, $0xb8;
	[tilespmem:$0x1F100] =	vst v63  }
0x7b: {  	p2 =	sge.u32 s17, s5;
	_ =	swait.ge [sflag:s25], $0x2000  }
0x7c: {  	s17 =	simm.s32 @!p2 $0x7100;
	s16 =	sshra.s32 @!p2 s14, $0x2;
	[sflag:s25] =	ssyncset.done $0x0  }
0x7d: {  	s18 =	simm.s32 @!p2 $0x80;
	s16 =	sadd.s32 @!p2 $0x200, s16;
	[sflag:s25] =	ssyncadd.s32 $0xFFFFE000  }
0x7e: {  	[tilespmem:s17], [sflag:$0x2] =	stream.indirect.gather @!p2 [spmem:s2], $0x40, s16, s18, $0xb8;
	[tilespmem:$0x1F100] =	vst v63  }
0x7f: {  	_ =	swait.ge [sflag:s30], $0x2000  }
0x80: {  	[sflag:s30] =	ssyncset.done $0x0  }
.Ltmp2:
0x81: {  	s15 =	sadd.s32 $0x2980, s15;
	[sflag:s30] =	ssyncadd.s32 $0xFFFFE000;
	(pc) =	sbr.rel @p1 .LBB2_4-.Ltmp2, $4  }
0x82: {  	[spmem:s3] =	stream.indirect.scatter.add.f32 [tilespmem:s31], [sflag:$0x4], $0x40, s15, s28, $0xb8;
	[tilespmem:$0x1F100] =	vst v63  }
0x83: {  	p2 =	sge.u32 s13, s5;
	s13 =	sadd.s32 $0x3, s13;
	_ =	swait.ge [sflag:s25], $0x2000  }
0x84: {  	s15 =	sshra.s32 @!p2 s14, $0x2;
	s14 =	simm.s32 @!p2 $0x9100;
	[sflag:s25] =	ssyncset.done $0x0  }
0x85: {  	s16 =	simm.s32 @!p2 $0x80;
	s15 =	sadd.s32 @!p2 $0x280, s15;
	[sflag:s25] =	ssyncadd.s32 $0xFFFFE000  }
.LBB2_5:
0x86: {  	[tilespmem:s14], [sflag:$0x3] =	stream.indirect.gather @!p2 [spmem:s2], $0x40, s15, s16, $0xb8;
	[tilespmem:$0x1F100] =	vst v63  }
0x87: {  	[bflag:$0x0] =	sbarrier.arrive $0xFFFF  }
0x88: {  	[tilespmem:s26], [sflag:$0x4] =	stream.linear.gather [spmem:s8], $0x2000, $0x38;
	[tilespmem:$0x1F100] =	vst v63  }
0x89: {  	_ =	swait.ge [sflag:s25], $0x2000  }
0x8a: {  	[sflag:s25] =	ssyncset.done $0x0  }
0x8b: {  	s7 =	rddreg [dreg:$0x8];
	[sflag:s25] =	ssyncadd.s32 $0xFFFFE000  }
0x8c: {  	[hbm4b:s7+s4] =	stream.linear.scatter [tilespmem:s26], [sflag:$0x4], $0x2000, $0x38;
	[tilespmem:$0x1F100] =	vst v63  }
0x8d: {  	_ =	swait.ge [sflag:s25], $0x2000  }
0x8e: {  	[sflag:s25] =	ssyncset.done $0x0  }
0x8f: {  	[sflag:s25] =	ssyncadd.s32 $0xFFFFE000  }
0x90: {  	[tilespmem:s26], [sflag:$0x4] =	stream.linear.gather [spmem:s9], $0x2000, $0x38;
	[tilespmem:$0x1F100] =	vst v63  }
0x91: {  	_ =	swait.ge [sflag:s25], $0x2000  }
0x92: {  	[sflag:s25] =	ssyncset.done $0x0  }
0x93: {  	s16 =	rddreg [dreg:$0x9];
	[sflag:s25] =	ssyncadd.s32 $0xFFFFE000  }
0x94: {  	[hbm4b:s16+s4] =	stream.linear.scatter [tilespmem:s26], [sflag:$0x4], $0x2000, $0x38;
	[tilespmem:$0x1F100] =	vst v63  }
0x95: {  	_ =	swait.ge [sflag:s25], $0x2000  }
0x96: {  	[sflag:s25] =	ssyncset.done $0x0  }
0x97: {  	[sflag:s25] =	ssyncadd.s32 $0xFFFFE000  }
0x98: {  	[tilespmem:s26], [sflag:$0x4] =	stream.linear.gather [spmem:s10], $0x2000, $0x38;
	[tilespmem:$0x1F100] =	vst v63  }
0x99: {  	_ =	swait.ge [sflag:s25], $0x2000  }
0x9a: {  	[sflag:s25] =	ssyncset.done $0x0  }
0x9b: {  	s17 =	rddreg [dreg:$0xa];
	[sflag:s25] =	ssyncadd.s32 $0xFFFFE000  }
0x9c: {  	[hbm4b:s17+s4] =	stream.linear.scatter [tilespmem:s26], [sflag:$0x4], $0x2000, $0x38;
	[tilespmem:$0x1F100] =	vst v63  }
0x9d: {  	_ =	swait.ge [sflag:s25], $0x2000  }
0x9e: {  	[sflag:s25] =	ssyncset.done $0x0  }
0x9f: {  	[sflag:s25] =	ssyncadd.s32 $0xFFFFE000  }
0xa0: {  	[tilespmem:s26], [sflag:$0x4] =	stream.linear.gather [spmem:s11], $0x2000, $0x38;
	[tilespmem:$0x1F100] =	vst v63  }
0xa1: {  	_ =	swait.ge [sflag:s25], $0x2000  }
0xa2: {  	[sflag:s25] =	ssyncset.done $0x0  }
0xa3: {  	s18 =	rddreg [dreg:$0xb];
	[sflag:s25] =	ssyncadd.s32 $0xFFFFE000  }
0xa4: {  	[hbm4b:s18+s4] =	stream.linear.scatter [tilespmem:s26], [sflag:$0x4], $0x2000, $0x38;
	[tilespmem:$0x1F100] =	vst v63  }
0xa5: {  	_ =	swait.ge [sflag:s25], $0x2000  }
0xa6: {  	[sflag:s25] =	ssyncset.done $0x0  }
0xa7: {  	[sflag:s25] =	ssyncadd.s32 $0xFFFFE000  }
0xa8: {  	[tilespmem:s26], [sflag:$0x4] =	stream.linear.gather [spmem:s12], $0x2000, $0x38;
	[tilespmem:$0x1F100] =	vst v63  }
0xa9: {  	s6 =	sadd.s32 $0x1, s6;
	_ =	swait.ge [sflag:s25], $0x2000  }
0xaa: {  	p1 =	sne.s32 s6, s22;
	[sflag:s25] =	ssyncset.done $0x0  }
.Ltmp3:
0xab: {  	[sflag:s25] =	ssyncadd.s32 $0xFFFFE000;
	(pc) =	sbr.rel @p1 .LBB2_1-.Ltmp3, $4  }
0xac: {  	[hbm4b:s19+s4] =	stream.linear.scatter [tilespmem:s26], [sflag:$0x4], $0x2000, $0x38;
	[tilespmem:$0x1F100] =	vst v63  }
0xad: {  	_ =	swait.ge [sflag:s25], $0x2000  }
0xae: {  	[sflag:s25] =	ssyncset.done $0x0  }
0xaf: {  	[sflag:s25] =	ssyncadd.s32 $0xFFFFE000  }
0xb0: {  	_ =	sfence.sel $0x180000  }
0xb1: {  	[bflag:$0x0] =	sbarrier.arrive $0xFFFF  }
0xb2: {  	_ =	strace $0x90000050  }
0xb3: {  	s0 =	stileid.u32;
	[bflag:$0x2] =	sbarrier.arrive $0xFFFF  }
0xb4: {  	p0 =	sne.s32 s0, $0x0;
	s0 =	rddreg [dreg:$0x3]  }
0xb5: {  	s0 =	sadd.s32 @!p0 $0x100000, s0  }
0xb6: {  	[sflag:s0] =	ssyncadd.tile.s32 @!p0 $0x1;
	_ =	shalt  }
.Lfunc_end2:
_tile_overlayer_lowered:
.L_overlay_start_2:
0xb7: {  	(tag) =	ssettag $0x2  }
0xb8: {  	s0 =	rddreg [dreg:$0x0];
	s2 =	stileid.u32  }
0xb9: {  	s1 =	rddreg [dreg:$0x1];
	p0 =	sne.s32 s2, $0x0  }
0xba: {  	s3 =	rddreg [dreg:$0x2];
	[bflag:$0x3] =	sbarrier.arrive $0xFFFF;
	s2 =	simm.s32 @!p0 $0x1C04  }
0xbb: {  	[timem:s3], [sflag:s2] =	dma.local @!p0 [hbm:s0], s1  }
0xbc: {  	s0 =	simm.s32 @!p0 $0x4  }
0xbd: {  	_ =	swait.ge @!p0 [sflag:s0], s1  }
0xbe: {  	s1 =	ssub.s32 @!p0 $0x0, s1;
	[sflag:s0] =	ssyncset.done @!p0 $0x0  }
0xbf: {  	[sflag:s0] =	ssyncadd.s32 @!p0 s1  }
0xc0: {  	[bflag:$0x3] =	sbarrier.arrive $0xFFFF  }
0xc1: {  	_ =	shalt  }

// kernel: kernel.9.cloned.1.call-start
scs
__scs_entry_jumppad:
0x0: {  	(pc) =	sbr.rel $0x88, $3  }
0x1: {  	(tag) =	ssettag $0x0;
	lr =	simm.s32 $0x1  }
0x2: {  	[smem:$0x3F99] =	sst lr;
	_ =	strace $0xD0000000  }
0x3: {  	_ = 	snop  }
0x4: {  	_ = 	snop  }
0x5: {  	_ = 	snop  }
0x6: {  	_ = 	snop  }
0x7: {  	_ = 	snop  }
__scs_overlays_trampoline_lowered:
0x8: {  	[smem:$0x3FA8] =	sst s0  }
0x9: {  	[smem:$0x3FA9] =	sst s1  }
0xa: {  	[smem:$0x3FAA] =	sst s2  }
0xb: {  	[smem:$0x3FAB] =	sst s3  }
0xc: {  	[smem:$0x3FAC] =	sst s4  }
0xd: {  	[smem:$0x3FAD] =	sst s5  }
0xe: {  	[smem:$0x3FAE] =	sst s6  }
0xf: {  	[smem:$0x3FAF] =	sst s7  }
0x10: {  	[smem:$0x3FB0] =	sst s8  }
0x11: {  	[smem:$0x3FB1] =	sst s9;
	s0 =	simm.s32 @!p0 $0x0  }
0x12: {  	s1 =	sld [smem:$0x3F97];
	s0 =	simm.s32 @p0 $0x1  }
0x13: {  	[smem:$0x3FB2] =	sst s0;
	s0 =	simm.s32 @!p1 $0x0  }
0x14: {  	s2 =	sld [smem:$0x3F96];
	s0 =	simm.s32 @p1 $0x1  }
0x15: {  	[smem:$0x3FB3] =	sst s0;
	s0 =	simm.s32 @!p2 $0x0  }
0x16: {  	s3 =	sld [smem:$0x3FDB];
	s0 =	simm.s32 @p2 $0x1  }
0x17: {  	s4 =	simm.s32 $0x1BF5;
	[smem:$0x3FB5] =	sst s0  }
0x18: {  	s0 =	sld [smem:$0x3F98];
	_ =	swait.ge [sflag:s4], $0x0  }
0x19: {  	s7 =	sld [smem:$0x3F99]  }
0x1a: {  	s8 =	sadd.s32 $0xFFFFE003, lr  }
0x1b: {  	s9 =	sadd.s32 $0xFFFFFEF7, lr;
	s5 =	simm.s32 $0xFFFFFFFF;
	p2 =	slt.u32 s8, $0xFFFFF086  }
0x1c: {  	p1 =	slt.u32 s9, $0xF7A;
	s5 =	simm.s32 @!p2 $0x0  }
0x1d: {  	s5 =	simm.s32 @p1 $0x1;
	p0 =	seq.s32 s7, s2  }
0x1e: {  	s7 =	smul.u32 @!p0 $0xF7A, s2;
	p2 =	seq.s32 @!p0 s5, $0x0  }
0x1f: {  	s9 =	smul.u32 $0xF7A, s1;
	s8 =	simm.s32 @!p0 $0x1BF5;
	p2 =	por !p2, p0  }
0x20: {  	[sflag:s8] =	ssyncset.s32 @!p0 $0xFFFFF086;
	s6 =	sadd.s32 @!p0 s3, s7;
	s7 =	simm.s32 @!p0 $0x108  }
0x21: {  	s3 =	sadd.s32 s3, s9;
	s6 =	sadd.s32 @!p0 $0x88, s6;
	s7 =	simm.s32 @p2 $0x1082  }
0x22: {  	[simem:s7], [sflag:s8] =	dma.local @!p0 [hbm:s6], $0xF7A  }
0x23: {  	s9 =	sor.u32 $0xD0000000, s2;
	s6 =	simm.s32 $0x108;
	_ =	swait.ge @!p0 [sflag:s8], $0x0  }
0x24: {  	s3 =	sadd.s32 $0x88, s3;
	s6 =	simm.s32 @!p1 $0x1082;
	[sflag:s4] =	ssyncset.s32 $0xFFFFF086  }
0x25: {  	[simem:s6], [sflag:s4] =	dma.local [hbm:s3], $0xF7A  }
0x26: {  	[smem:$0x3F99] =	sst s1;
	(tag) =	ssettag s2;
	_ =	strace s9  }
0x27: {  	s1 =	sld [smem:$0x3FA9]  }
0x28: {  	s2 =	sld [smem:$0x3FAA]  }
0x29: {  	s4 =	sld [smem:$0x3FAC]  }
0x2a: {  	p0 =	seq.s32 s5, $0x0;
	s5 =	sld [smem:$0x3FAD]  }
0x2b: {  	s6 =	sld [smem:$0x3FAE]  }
0x2c: {  	s7 =	sld [smem:$0x3FAF]  }
0x2d: {  	s3 =	simm.s32 $0x108;
	s8 =	sld [smem:$0x3FB0]  }
0x2e: {  	s3 =	simm.s32 @!p0 $0x1082;
	s9 =	sld [smem:$0x3FB1]  }
0x2f: {  	lr =	sadd.s32 s0, s3;
	s0 =	sld [smem:$0x3FA8]  }
0x30: {  	s3 =	sld [smem:$0x3FAB]  }
0x31: {  	[smem:$0x3FB4] =	sst s10  }
0x32: {  	s10 =	sld [smem:$0x3FB2];
	_ =	sdelay $0x3  }
0x33: {  	p0 =	seq.s32 s10, $0x1;
	s10 =	sld [smem:$0x3FB4];
	_ =	sdelay $0x3  }
0x34: {  	[smem:$0x3FB4] =	sst s10  }
0x35: {  	s10 =	sld [smem:$0x3FB3];
	_ =	sdelay $0x3  }
0x36: {  	p1 =	seq.s32 s10, $0x1;
	s10 =	sld [smem:$0x3FB4];
	_ =	sdelay $0x3  }
0x37: {  	[smem:$0x3FB4] =	sst s10  }
0x38: {  	s10 =	sld [smem:$0x3FB5]  }
0x39: {  	_ = 	snop;
	(pc) =	sbr.ind lr, $3  }
0x3a: {  	_ = 	snop  }
0x3b: {  	_ = 	snop  }
0x3c: {  	p2 =	seq.s32 s10, $0x1;
	s10 =	sld [smem:$0x3FB4]  }
0x3d: {  	_ =	shalt  }
0x3e: {  	_ =	shalt  }
0x3f: {  	_ =	shalt  }
0x40: {  	_ =	shalt  }
0x41: {  	_ =	shalt  }
0x42: {  	_ =	shalt  }
0x43: {  	_ =	shalt  }
0x44: {  	_ =	shalt  }
0x45: {  	_ =	shalt  }
0x46: {  	_ =	shalt  }
0x47: {  	_ =	shalt  }
0x48: {  	_ =	shalt  }
0x49: {  	_ =	shalt  }
0x4a: {  	_ =	shalt  }
0x4b: {  	_ =	shalt  }
0x4c: {  	_ =	shalt  }
0x4d: {  	_ =	shalt  }
0x4e: {  	_ =	shalt  }
0x4f: {  	_ =	shalt  }
0x50: {  	_ =	shalt  }
0x51: {  	_ =	shalt  }
0x52: {  	_ =	shalt  }
0x53: {  	_ =	shalt  }
0x54: {  	_ =	shalt  }
0x55: {  	_ =	shalt  }
0x56: {  	_ =	shalt  }
0x57: {  	_ =	shalt  }
0x58: {  	_ =	shalt  }
0x59: {  	_ =	shalt  }
0x5a: {  	_ =	shalt  }
0x5b: {  	_ =	shalt  }
0x5c: {  	_ =	shalt  }
0x5d: {  	_ =	shalt  }
0x5e: {  	_ =	shalt  }
0x5f: {  	_ =	shalt  }
0x60: {  	_ =	shalt  }
0x61: {  	_ =	shalt  }
0x62: {  	_ =	shalt  }
0x63: {  	_ =	shalt  }
0x64: {  	_ =	shalt  }
0x65: {  	_ =	shalt  }
0x66: {  	_ =	shalt  }
0x67: {  	_ =	shalt  }
0x68: {  	_ =	shalt  }
0x69: {  	_ =	shalt  }
0x6a: {  	_ =	shalt  }
0x6b: {  	_ =	shalt  }
0x6c: {  	_ =	shalt  }
0x6d: {  	_ =	shalt  }
0x6e: {  	_ =	shalt  }
0x6f: {  	_ =	shalt  }
0x70: {  	_ =	shalt  }
0x71: {  	_ =	shalt  }
0x72: {  	_ =	shalt  }
0x73: {  	_ =	shalt  }
0x74: {  	_ =	shalt  }
0x75: {  	_ =	shalt  }
0x76: {  	_ =	shalt  }
0x77: {  	_ =	shalt  }
0x78: {  	_ =	shalt  }
0x79: {  	_ =	shalt  }
0x7a: {  	_ =	shalt  }
0x7b: {  	_ =	shalt  }
0x7c: {  	_ =	shalt  }
0x7d: {  	_ =	shalt  }
0x7e: {  	_ =	shalt  }
0x7f: {  	_ =	shalt  }
0x80: {  	_ =	shalt  }
0x81: {  	_ =	shalt  }
0x82: {  	_ =	shalt  }
0x83: {  	_ =	shalt  }
0x84: {  	_ =	shalt  }
0x85: {  	_ =	shalt  }
0x86: {  	_ =	shalt  }
0x87: {  	_ =	shalt  }
.Lfunc_end0:
.L_simem_size_0:
called_computation_lowered:
.L_overlay_start_0:
0x88: {  	s2 =	sld [smem:$0x3FD9]  }
0x89: {  	s3 =	sld [smem:$0x3FFE];
	_ =	sdelay $0x1  }
0x8a: {  	s1 =	srdreg.scid  }
0x8b: {  	s0 =	sand.u32 $0x1, s1  }
0x8c: {  	s17 =	sshll.u32 s0, $0xA;
	s2 =	sadd.s32 s3, s2  }
0x8d: {  	s2 =	sadd.s32 s2, s17  }
0x8e: {  	[smem:$0x3FC0] =	sst s2  }
0x8f: {  	_ = 	snop  }
0x90: {  	s2 =	sld [smem:$0x3FD0];
	(tm) =	ssettm $0x1  }
0x91: {  	s18 =	sld [smem:$0x3FFB];
	_ =	sdelay $0x3  }
0x92: {  	_ =	strace s18  }
0x93: {  	s3 =	sld [smem:$0x3FFC];
	_ =	sdelay $0x3  }
0x94: {  	_ =	strace s3  }
0x95: {  	s3 =	sld [smem:$0x3FFD];
	_ =	sdelay $0x3  }
0x96: {  	_ =	strace s3  }
0x97: {  	_ =	strace $0x8FFFFFFF  }
0x98: {  	s19 =	sld [smem:$0x3FDB];
	_ =	sdelay $0x1  }
0x99: {  	s4 =	simm.s32 $_scs_section_size  }
0x9a: {  	s5 =	simm.s32 $_size__tile_overlayer_lowered;
	s6 =	simm.s32 $_tile_overlayer_lowered  }
0x9b: {  	s22 =	simm.s32 $0x1BFF;
	s21 =	sshll.u32 s6, $0x1;
	s3 =	sadd.s32 s4, s19  }
0x9c: {  	s7 =	simm.s32 $0x0;
	s20 =	sshll.u32 s5, $0x1;
	s5 =	sadd.s32 s21, s3  }
0x9d: {  	[timem:s7], [sflag:s22] =	dma.local [hbm:s5], s20  }
0x9e: {  	_ =	swait.ge [sflag:s22], s20  }
0x9f: {  	s4 =	ssub.s32 $0x0, s20;
	[sflag:s22] =	ssyncset.done $0x0  }
0xa0: {  	[sflag:s22] =	ssyncadd.s32 s4;
	_ =	sdelay $0x1  }
0xa1: {  	s23 =	simm.s32 $0x1B8B  }
0xa2: {  	_ =	swait.ge [sflag:s23], $0x1  }
0xa3: {  	[sflag:s23] =	ssyncset.done $0x0  }
0xa4: {  	s25 =	simm.s32 $0x1B8E;
	s24 =	sld [smem:$0x3FFE];
	[sflag:s23] =	ssyncadd.s32 $0xFFFFFFFF  }
0xa5: {  	s26 =	simm.s32 $execute0_lowered;
	[smem:$0x3FD2] =	sst s25  }
0xa6: {  	s5 =	sshll.u32 s26, $0x1;
	_ =	strace $0x80000046;
	[dreg:$0x1] =	wrdreg $0xFFFFFFFF  }
0xa7: {  	s28 =	simm.s32 $_size_execute0_lowered;
	s3 =	sadd.s32 s3, s5;
	[dreg:$0x0] =	wrdreg $0x0  }
0xa8: {  	s5 =	sshll.u32 s28, $0x1;
	[dreg:$0x2] =	wrdreg s3  }
0xa9: {  	[dreg:$0x3] =	wrdreg s5  }
0xaa: {  	[dreg:$0x4] =	wrdreg $0xC0  }
0xab: {  	_ =	task [dreg:s7], $0x5FFFF  }
0xac: {  	[dreg:$0x1] =	wrdreg $0xFFFFFFFF  }
0xad: {  	[dreg:$0x0] =	wrdreg $0x60  }
0xae: {  	[dreg:$0x2] =	wrdreg s24  }
0xaf: {  	[dreg:$0x3] =	wrdreg s2  }
0xb0: {  	[dreg:$0x4] =	wrdreg $0x37000  }
0xb1: {  	[dreg:$0x5] =	wrdreg $0x9  }
0xb2: {  	_ =	task.clear_ibuf [dreg:s7], $0x6FFFF;
	_ =	strace $0x90000046  }
0xb3: {  	s29 =	simm.s32 $0x9;
	_ =	strace $0x80000048  }
0xb4: {  	_ =	swait.ge [sflag:s29], $0x1  }
0xb5: {  	[sflag:s29] =	ssyncadd.s32 $0xFFFFFFFF  }
0xb6: {  	_ =	strace $0x90000048  }
0xb7: {  	_ =	sfence  }
0xb8: {  	s30 =	sld [smem:$0x0];
	_ =	sdelay $0x2  }
0xb9: {  	s31 =	sshll.u32 s1, $0xD;
	s1 =	sshrl.u32 s1, $0x2  }
0xba: {  	s3 =	sand.u32 $0x4000, s31;
	s1 =	sadd.s32 s1, s30  }
0xbb: {  	s0 =	sor.u32 s3, s0;
	s1 =	sshll.u32 s1, $0x11  }
0xbc: {  	s0 =	sor.u32 s1, s0  }
0xbd: {  	s0 =	sadd.s32 $0x8F2B, s0  }
0xbe: {  	[sflag:s0] =	ssyncadd.remote.s32 $0x1  }
0xbf: {  	_ =	sfence.sel $0xFFFF  }
0xc0: {  	[dreg:$0x0] =	wrdreg $0xFFFFFFFF;
	(pc) =	sbr.abs _section_cstart, $3  }
0xc1: {  	[dreg:$0x1] =	wrdreg $0xFFFFFFFF  }
0xc2: {  	_ =	task.clear_ibuf [dreg:s7], $0x2FFFF;
	_ =	strace $0x9FFFFFFF  }
0xc3: {  	(tm) =	ssettm $0x7FFFFFFF  }
tec
execute0_lowered:
.L_overlay_start_1:
0x0: {  	(tag) =	ssettag $0x1  }
0x1: {  	s4 =	rddreg [dreg:$0x0]  }
0x2: {  	s15 =	rddreg [dreg:$0x1]  }
0x3: {  	s2 =	rddreg [dreg:$0x2]  }
0x4: {  	s0 =	rddreg [dreg:$0x3];
	s1 =	stileid.u32  }
0x5: {  	s6 =	srdreg.scid;
	s5 =	smul.u32 $0x4E0, s1  }
0x6: {  	s3 =	simm.s32 $0x0;
	s21 =	simm.s32 $0x0;
	s7 =	smul.u32 $0x510, s1  }
0x7: {  	s17 =	sand.u32 $0x1, s6;
	[smem:$0x7FF] =	sst s3;
	s10 =	smul.u32 $0x2800, s1  }
0x8: {  	s6 =	ssub.s32 $0x2, s17;
	_ =	strace $0x80000047;
	s19 =	smul.u32 $0x28000, s17  }
0x9: {  	p0 =	sne.s32 s17, $0x0;
	s17 =	simm.s32 $0x2700;
	s11 =	sadd.s32 s5, s4  }
0xa: {  	s30 =	sshrl.u32 s6, $0x1;
	s9 =	sadd.s32 s7, s4;
	s12 =	sadd.s32 $0x800, s10  }
0xb: {  	s4 =	sadd.s32 s10, s2;
	s13 =	sadd.s32 $0x1000, s10;
	s14 =	sadd.s32 $0x1800, s10  }
0xc: {  	s18 =	sadd.s32 $0x2000, s10;
	s16 =	ssub.s32 s6, s30;
	s5 =	sadd.s32 s12, s2  }
0xd: {  	s6 =	sadd.s32 s13, s2;
	s7 =	sadd.s32 s14, s2;
	s8 =	sadd.s32 s18, s2  }
0xe: {  	s9 =	sadd.s32 $0x2C00, s9;
	s20 =	sadd.s32 s10, s19;
	s12 =	sadd.s32 s19, s12  }
0xf: {  	s10 =	sadd.s32 $0x7E00, s11;
	s13 =	sadd.s32 s19, s13;
	s14 =	sadd.s32 s19, s14  }
0x10: {  	s18 =	sadd.s32 s19, s18;
	s19 =	simm.s32 $0x80;
	s31 =	sshrl.u32 s20, $0x3  }
0x11: {  	s12 =	sshrl.u32 s12, $0x3;
	s13 =	sshrl.u32 s13, $0x3;
	s14 =	sshrl.u32 s14, $0x3  }
0x12: {  	s18 =	sshrl.u32 s18, $0x3;
	s16 =	smax.u32 s16, $0x1;
	s20 =	simm.s32 $0x2F00  }
0x13: {  	s11 =	sadd.s32 s15, s31;
	s12 =	sadd.s32 s15, s12;
	s13 =	sadd.s32 s15, s13  }
0x14: {  	v0 =	vimm.f32 $0.0e+00;
	v1 =	vimm.f32 $1.000000000e+00;
	s14 =	sadd.s32 s15, s14;
	s15 =	sadd.s32 s15, s18;
	s18 =	simm.s32 $0x1  }
.LBB2_1:
0x15: {  	s22 =	simm.s32 $0x40;
	s23 =	simm.s32 $0x0  }
.LBB2_2:
0x16: {  	p1 =	sne.s32 s22, $0x1FC0;
	[tilespmem:s23+$0x2700] =	vst v0;
	s24 =	smov.u32 s22;
	s22 =	sadd.s32 $0x40, s22  }
.Ltmp0:
0x17: {  	[tilespmem:s23+$0x2F00] =	vst v1;
	(pc) =	sbr.rel @p1 .LBB2_2-.Ltmp0, $2  }
0x18: {  	_ =	sdelay $0x2  }
0x19: {  	s23 =	sshra.s32 s24, $0x2  }
0x1a: {  	[tilespmem:s23+$0x2700] =	vst v0  }
0x1b: {  	[tilespmem:s23+$0x2F00] =	vst v1  }
0x1c: {  	[spmem:s4] =	stream.linear.scatter [tilespmem:s17], [sflag:$0x1], $0x800, $0x38;
	[tilespmem:$0x5F00] =	vst v63  }
0x1d: {  	_ =	swait.ge [sflag:s18], $0x800  }
0x1e: {  	[sflag:s18] =	ssyncset.done $0x0  }
0x1f: {  	[sflag:s18] =	ssyncadd.s32 $0xFFFFF800  }
0x20: {  	[spmem:s5] =	stream.linear.scatter [tilespmem:s17], [sflag:$0x1], $0x800, $0x38;
	[tilespmem:$0x5F00] =	vst v63  }
0x21: {  	_ =	swait.ge [sflag:s18], $0x800  }
0x22: {  	[sflag:s18] =	ssyncset.done $0x0  }
0x23: {  	[sflag:s18] =	ssyncadd.s32 $0xFFFFF800  }
0x24: {  	[spmem:s6] =	stream.linear.scatter [tilespmem:s17], [sflag:$0x1], $0x800, $0x38;
	[tilespmem:$0x5F00] =	vst v63  }
0x25: {  	_ =	swait.ge [sflag:s18], $0x800  }
0x26: {  	[sflag:s18] =	ssyncset.done $0x0  }
0x27: {  	[sflag:s18] =	ssyncadd.s32 $0xFFFFF800  }
0x28: {  	[spmem:s7] =	stream.linear.scatter [tilespmem:s17], [sflag:$0x1], $0x800, $0x38;
	[tilespmem:$0x5F00] =	vst v63  }
0x29: {  	_ =	swait.ge [sflag:s18], $0x800  }
0x2a: {  	[sflag:s18] =	ssyncset.done $0x0  }
0x2b: {  	[sflag:s18] =	ssyncadd.s32 $0xFFFFF800  }
0x2c: {  	[spmem:s8] =	stream.linear.scatter [tilespmem:s17], [sflag:$0x1], $0x800, $0x38;
	[tilespmem:$0x5F00] =	vst v63  }
0x2d: {  	_ =	swait.ge [sflag:s18], $0x800  }
0x2e: {  	[sflag:s18] =	ssyncset.done $0x0  }
0x2f: {  	[sflag:s18] =	ssyncadd.s32 $0xFFFFF800  }
0x30: {  	s22 =	simm.s32 @p0 $0x0;
	[bflag:$0x0] =	sbarrier.arrive $0xFFFF  }
0x31: {  	[tilespmem:s22], [sflag:$0x1] =	stream.linear.gather @p0 [hbm4b:s9+s22], $0x2880, $0x38;
	[tilespmem:$0x5F00] =	vst v63  }
0x32: {  	s22 =	simm.s32 @p0 $0x1  }
0x33: {  	_ =	swait.ge @p0 [sflag:s22], $0x2880  }
0x34: {  	[sflag:s22] =	ssyncset.done @p0 $0x0  }
0x35: {  	s23 =	simm.s32 @!p0 $0x4E;
	[sflag:s22] =	ssyncadd.s32 @p0 $0xFFFFD780;
	s22 =	simm.s32 @!p0 $0x0  }
0x36: {  	[tilespmem:s22], [sflag:$0x1] =	stream.linear.gather @!p0 [hbm4b:s10+s22], $0x2700, $0x38;
	[tilespmem:$0x5F00] =	vst v63  }
0x37: {  	s23 =	simm.s32 @p0 $0x51;
	s22 =	simm.s32 @!p0 $0x1  }
0x38: {  	p1 =	sne.s32 s23, $0x1;
	_ =	swait.ge @!p0 [sflag:s22], $0x2700  }
.Ltmp1:
0x39: {  	[sflag:s22] =	ssyncset.done @!p0 $0x0;
	(pc) =	sbr.rel @!p1 .LBB2_5-.Ltmp1, $4  }
0x3a: {  	[sflag:s22] =	ssyncadd.s32 @!p0 $0xFFFFD900;
	s22 =	simm.s32 $0x0  }
0x3b: {  	[spmem:s2] =	stream.indirect.scatter.add.f32 [tilespmem:s20], [sflag:$0x1], $0x10, s22, s19, $0xb8;
	[tilespmem:$0x5F00] =	vst v63  }
0x3c: {  	_ =	swait.ge [sflag:s18], $0x800  }
0x3d: {  	s23 =	sadd.s32 $0xFFFFFFFF, s23;
	[sflag:s18] =	ssyncset.done $0x0  }
.LBB2_4:
0x3e: {  	p1 =	sne.s32 s23, $0x1;
	[sflag:s18] =	ssyncadd.s32 $0xFFFFF800;
	s22 =	sadd.s32 $0x80, s22  }
.Ltmp2:
0x3f: {  	s23 =	sadd.s32 $0xFFFFFFFF, s23;
	(pc) =	sbr.rel @p1 .LBB2_4-.Ltmp2, $4  }
0x40: {  	_ = 	snop  }
0x41: {  	[spmem:s2] =	stream.indirect.scatter.add.f32 [tilespmem:s20], [sflag:$0x1], $0x10, s22, s19, $0xb8;
	[tilespmem:$0x5F00] =	vst v63  }
0x42: {  	_ =	swait.ge [sflag:s18], $0x800  }
0x43: {  	[sflag:s18] =	ssyncset.done $0x0  }
.LBB2_5:
0x44: {  	[sflag:s18] =	ssyncadd.s32 $0xFFFFF800  }
0x45: {  	[bflag:$0x0] =	sbarrier.arrive $0xFFFF  }
0x46: {  	[tilespmem:s17], [sflag:$0x1] =	stream.linear.gather [spmem:s4], $0x800, $0x38;
	[tilespmem:$0x5F00] =	vst v63  }
0x47: {  	_ =	swait.ge [sflag:s18], $0x800  }
0x48: {  	[sflag:s18] =	ssyncset.done $0x0  }
0x49: {  	[sflag:s18] =	ssyncadd.s32 $0xFFFFF800  }
0x4a: {  	[hbm4b:s11+s3] =	stream.linear.scatter [tilespmem:s17], [sflag:$0x1], $0x800, $0x38;
	[tilespmem:$0x5F00] =	vst v63  }
0x4b: {  	_ =	swait.ge [sflag:s18], $0x800  }
0x4c: {  	[sflag:s18] =	ssyncset.done $0x0  }
0x4d: {  	[sflag:s18] =	ssyncadd.s32 $0xFFFFF800  }
0x4e: {  	[tilespmem:s17], [sflag:$0x1] =	stream.linear.gather [spmem:s5], $0x800, $0x38;
	[tilespmem:$0x5F00] =	vst v63  }
0x4f: {  	_ =	swait.ge [sflag:s18], $0x800  }
0x50: {  	[sflag:s18] =	ssyncset.done $0x0  }
0x51: {  	[sflag:s18] =	ssyncadd.s32 $0xFFFFF800  }
0x52: {  	[hbm4b:s12+s3] =	stream.linear.scatter [tilespmem:s17], [sflag:$0x1], $0x800, $0x38;
	[tilespmem:$0x5F00] =	vst v63  }
0x53: {  	_ =	swait.ge [sflag:s18], $0x800  }
0x54: {  	[sflag:s18] =	ssyncset.done $0x0  }
0x55: {  	[sflag:s18] =	ssyncadd.s32 $0xFFFFF800  }
0x56: {  	[tilespmem:s17], [sflag:$0x1] =	stream.linear.gather [spmem:s6], $0x800, $0x38;
	[tilespmem:$0x5F00] =	vst v63  }
0x57: {  	_ =	swait.ge [sflag:s18], $0x800  }
0x58: {  	[sflag:s18] =	ssyncset.done $0x0  }
0x59: {  	[sflag:s18] =	ssyncadd.s32 $0xFFFFF800  }
0x5a: {  	[hbm4b:s13+s3] =	stream.linear.scatter [tilespmem:s17], [sflag:$0x1], $0x800, $0x38;
	[tilespmem:$0x5F00] =	vst v63  }
0x5b: {  	_ =	swait.ge [sflag:s18], $0x800  }
0x5c: {  	[sflag:s18] =	ssyncset.done $0x0  }
0x5d: {  	[sflag:s18] =	ssyncadd.s32 $0xFFFFF800  }
0x5e: {  	[tilespmem:s17], [sflag:$0x1] =	stream.linear.gather [spmem:s7], $0x800, $0x38;
	[tilespmem:$0x5F00] =	vst v63  }
0x5f: {  	_ =	swait.ge [sflag:s18], $0x800  }
0x60: {  	[sflag:s18] =	ssyncset.done $0x0  }
0x61: {  	[sflag:s18] =	ssyncadd.s32 $0xFFFFF800  }
0x62: {  	[hbm4b:s14+s3] =	stream.linear.scatter [tilespmem:s17], [sflag:$0x1], $0x800, $0x38;
	[tilespmem:$0x5F00] =	vst v63  }
0x63: {  	_ =	swait.ge [sflag:s18], $0x800  }
0x64: {  	[sflag:s18] =	ssyncset.done $0x0  }
0x65: {  	[sflag:s18] =	ssyncadd.s32 $0xFFFFF800  }
0x66: {  	[tilespmem:s17], [sflag:$0x1] =	stream.linear.gather [spmem:s8], $0x800, $0x38;
	[tilespmem:$0x5F00] =	vst v63  }
0x67: {  	s21 =	sadd.s32 $0x1, s21;
	_ =	swait.ge [sflag:s18], $0x800  }
0x68: {  	p1 =	sne.s32 s21, s16;
	[sflag:s18] =	ssyncset.done $0x0  }
.Ltmp3:
0x69: {  	[sflag:s18] =	ssyncadd.s32 $0xFFFFF800;
	(pc) =	sbr.rel @p1 .LBB2_1-.Ltmp3, $4  }
0x6a: {  	[hbm4b:s15+s3] =	stream.linear.scatter [tilespmem:s17], [sflag:$0x1], $0x800, $0x38;
	[tilespmem:$0x5F00] =	vst v63  }
0x6b: {  	_ =	swait.ge [sflag:s18], $0x800  }
0x6c: {  	[sflag:s18] =	ssyncset.done $0x0  }
0x6d: {  	[sflag:s18] =	ssyncadd.s32 $0xFFFFF800  }
0x6e: {  	_ =	sfence.sel $0x180000  }
0x6f: {  	[bflag:$0x0] =	sbarrier.arrive $0xFFFF  }
0x70: {  	p0 =	sne.s32 s1, $0x0;
	_ =	strace $0x90000047  }
0x71: {  	s0 =	sadd.s32 @!p0 $0x100000, s0;
	[bflag:$0x2] =	sbarrier.arrive $0xFFFF  }
0x72: {  	[sflag:s0] =	ssyncadd.tile.s32 @!p0 $0x1;
	_ =	shalt  }
.Lfunc_end2:
_tile_overlayer_lowered:
.L_overlay_start_2:
0x73: {  	(tag) =	ssettag $0x2  }
0x74: {  	s0 =	rddreg [dreg:$0x0];
	s2 =	stileid.u32  }
0x75: {  	s1 =	rddreg [dreg:$0x1];
	p0 =	sne.s32 s2, $0x0  }
0x76: {  	s3 =	rddreg [dreg:$0x2];
	[bflag:$0x3] =	sbarrier.arrive $0xFFFF;
	s2 =	simm.s32 @!p0 $0x1C01  }
0x77: {  	[timem:s3], [sflag:s2] =	dma.local @!p0 [hbm:s0], s1  }
0x78: {  	s0 =	simm.s32 @!p0 $0x1  }
0x79: {  	_ =	swait.ge @!p0 [sflag:s0], s1  }
0x7a: {  	s1 =	ssub.s32 @!p0 $0x0, s1;
	[sflag:s0] =	ssyncset.done @!p0 $0x0  }
0x7b: {  	[sflag:s0] =	ssyncadd.s32 @!p0 s1  }
0x7c: {  	[bflag:$0x3] =	sbarrier.arrive $0xFFFF  }
0x7d: {  	_ =	shalt  }

</sc_bundles>
